<compile_context>
chip_gen: v7x
topology: tpu7x:2x2x1
jax: 0.10.2.dev20260603
libtpu: 0.0.44.dev20260713+nightly
codegen_flags: <defaults>
</compile_context>

<pallas_src>
import functools

import jax
import jax.numpy as jnp
from jax import lax
from jax.experimental import pallas as pl
from jax.experimental.pallas import tpu as pltpu
from jax.experimental.pallas import tpu_sc as plsc

H = 128
BE = 8000
BN = 2000



_NC = 2
_NS = 16
_NW = _NC * _NS
_CK = 128


def _sc_gather_add(Q, R, src, dst):
    e = src.shape[0]
    per_w = e // _NW
    nchunk = per_w // _CK
    tail = per_w - nchunk * _CK
    mesh = plsc.VectorSubcoreMesh(core_axis_name="c", subcore_axis_name="s")

    @functools.partial(
        pl.kernel, mesh=mesh,
        out_type=jax.ShapeDtypeStruct((e, H), jnp.float32),
        scratch_types=[
            pltpu.VMEM((_CK,), jnp.int32),
            pltpu.VMEM((_CK,), jnp.int32),
            pltpu.VMEM((_CK, H), jnp.float32),
            pltpu.VMEM((_CK, H), jnp.float32),
            pltpu.SemaphoreType.DMA,
            pltpu.SemaphoreType.DMA,
        ],
    )
    def k(q_hbm, r_hbm, src_hbm, dst_hbm, out_hbm,
          idx_s, idx_d, rows_q, rows_d, sem1, sem2):
        wid = lax.axis_index("s") * _NC + lax.axis_index("c")
        base = wid * per_w

        def do_chunk(cb, ck):
            isl = idx_s.at[pl.ds(0, ck)]
            idl = idx_d.at[pl.ds(0, ck)]
            rq = rows_q.at[pl.ds(0, ck)]
            rd = rows_d.at[pl.ds(0, ck)]
            pltpu.sync_copy(src_hbm.at[pl.ds(cb, ck)], isl)
            pltpu.sync_copy(dst_hbm.at[pl.ds(cb, ck)], idl)
            cp1 = pltpu.async_copy(q_hbm.at[isl], rq, sem1)
            cp2 = pltpu.async_copy(r_hbm.at[idl], rd, sem2)
            cp1.wait()
            cp2.wait()

            def row_body(rr, c):
                for j in range(H // 16):
                    sl = pl.ds(j * 16, 16)
                    rows_q[rr, sl] = rows_q[rr, sl] + rows_d[rr, sl]
                return c

            lax.fori_loop(0, ck, row_body, 0)
            pltpu.sync_copy(rq, out_hbm.at[pl.ds(cb, ck)])

        def chunk_body(kk, c):
            do_chunk(base + kk * _CK, _CK)
            return c

        lax.fori_loop(0, nchunk, chunk_body, 0)
        if tail:
            do_chunk(base + nchunk * _CK, tail)

    return k(Q, R, src, dst)


def _sc_scatter_add(V, ex, dst, n):
    e = dst.shape[0]
    per_w = e // _NW
    nchunk = per_w // _CK
    tail = per_w - nchunk * _CK
    n_pad = ((n + 255) // 256) * 256
    rows_per_tile = n_pad // _NS
    lanes_per_tile = n_pad // _NS
    mesh = plsc.VectorSubcoreMesh(core_axis_name="c", subcore_axis_name="s")

    @functools.partial(
        pl.kernel, mesh=mesh,
        compiler_params=pltpu.CompilerParams(needs_layout_passes=False),
        out_type=[
            jax.ShapeDtypeStruct((_NC, n_pad, H), jnp.float32),
            jax.ShapeDtypeStruct((_NC, _NS, n_pad), jnp.float32),
        ],
        scratch_types=[
            pltpu.VMEM((_CK,), jnp.int32),
            pltpu.VMEM((16,), jnp.int32),
            pltpu.VMEM((_CK, H), jnp.float32),
            pltpu.VMEM((16, H), jnp.float32),
            pltpu.VMEM((_CK,), jnp.float32),
            pltpu.VMEM((n_pad,), jnp.float32),
            pltpu.VMEM_SHARED((n_pad, H), jnp.float32),
        ],
    )
    def k(v_hbm, ex_hbm, dst_hbm, zeros_hbm, out_hbm, outs_hbm,
          idx_v, idx_t, rows_v, rows_t, exbuf, s_tile, acc):
        cc = lax.axis_index("c")
        ss = lax.axis_index("s")
        wid = ss * _NC + cc
        base = wid * per_w

        zv = jnp.zeros((16,), jnp.float32)
        for p in range(0, rows_per_tile, 128):
            pltpu.sync_copy(zeros_hbm,
                            acc.at[pl.ds(ss * rows_per_tile + p, 128)])

        def zs(gg, c):
            s_tile[pl.ds(gg * 16, 16)] = zv
            return c

        lax.fori_loop(0, n_pad // 16, zs, 0)
        plsc.subcore_barrier()

        def chunk_body(kk, c):
            cb = base + kk * _CK
            pltpu.sync_copy(dst_hbm.at[pl.ds(cb, _CK)], idx_v)
            pltpu.sync_copy(v_hbm.at[pl.ds(cb, _CK)], rows_v)
            pltpu.sync_copy(ex_hbm.at[pl.ds(cb, _CK)], exbuf)
            pltpu.sync_copy(rows_v, acc.at[idx_v], add=True)
            for j in range(_CK // 16):
                sl = pl.ds(j * 16, 16)
                plsc.addupdate_scatter(s_tile, [idx_v[sl]], exbuf[sl])
            return c

        lax.fori_loop(0, nchunk, chunk_body, 0)
        if tail:
            cb = base + nchunk * _CK
            pltpu.sync_copy(dst_hbm.at[pl.ds(cb, tail)], idx_t.at[pl.ds(0, tail)])
            iv = idx_t[pl.ds(0, 16)]
            idx_t[pl.ds(0, 16)] = jnp.where(
                lax.iota(jnp.int32, 16) < tail, iv, jnp.int32(n))
            pltpu.sync_copy(v_hbm.at[pl.ds(cb, tail)], rows_t.at[pl.ds(0, tail)])
            pltpu.sync_copy(ex_hbm.at[pl.ds(cb, tail)], exbuf.at[pl.ds(0, tail)])
            pltpu.sync_copy(rows_t, acc.at[idx_t], add=True)
            plsc.addupdate_scatter(s_tile, [idx_t[pl.ds(0, 16)]],
                                   exbuf[pl.ds(0, 16)])
        pltpu.sync_copy(s_tile, outs_hbm.at[cc, ss])
        plsc.subcore_barrier()

        pltpu.sync_copy(acc.at[pl.ds(ss * rows_per_tile, rows_per_tile)],
                        out_hbm.at[cc, pl.ds(ss * rows_per_tile, rows_per_tile)])

    return k(V, ex, dst, jnp.zeros((128, H), jnp.float32))


def _sc_segment_max(bv, batch, nb):
    n = bv.shape[0]
    cr = 80
    nchunks = n // cr
    ctile = (nchunks + _NW - 1) // _NW
    rows_out = nb // _NS
    mesh = plsc.VectorSubcoreMesh(core_axis_name="c", subcore_axis_name="s")

    @functools.partial(
        pl.kernel, mesh=mesh,
        compiler_params=pltpu.CompilerParams(use_tc_tiling_on_sc=False),
        out_type=jax.ShapeDtypeStruct((_NC, nb, H), jnp.float32),
        scratch_types=[
            pltpu.VMEM((cr + 16,), jnp.int32),
            pltpu.VMEM((cr, H), jnp.float32),
            pltpu.VMEM((nb, H), jnp.float32),
            pltpu.VMEM((_NS, rows_out, H), jnp.float32),
            pltpu.VMEM_SHARED((_NS, nb, H), jnp.float32),
        ],
    )
    def k(bv_hbm, batch_hbm, out_hbm, idx_v, rows_v, gt, red, shared):
        cc = lax.axis_index("c")
        ss = lax.axis_index("s")
        wid = ss * _NC + cc
        ninf = jnp.full((16,), -jnp.inf, jnp.float32)

        def init_row(rr, c):
            for j in range(H // 16):
                gt[rr, pl.ds(j * 16, 16)] = ninf
            return c

        lax.fori_loop(0, nb, init_row, 0)

        def do_chunk(kk, c):
            cidx = kk * _NW + wid

            @pl.when(cidx < nchunks)
            def _():
                cb = cidx * cr
                pltpu.sync_copy(batch_hbm.at[pl.ds(cb, cr)],
                                idx_v.at[pl.ds(0, cr)])
                pltpu.sync_copy(bv_hbm.at[pl.ds(cb, cr)], rows_v)

                def row_body(rr, c2):
                    b = idx_v[pl.ds(rr, 16)][0]
                    for j in range(H // 16):
                        sl = pl.ds(j * 16, 16)
                        gt[b, sl] = jnp.maximum(gt[b, sl], rows_v[rr, sl])
                    return c2

                lax.fori_loop(0, cr, row_body, 0)

            return c

        lax.fori_loop(0, ctile, do_chunk, 0)
        pltpu.sync_copy(gt, shared.at[ss])
        plsc.subcore_barrier()
        pltpu.sync_copy(shared.at[:, pl.ds(ss * rows_out, rows_out)], red)

        def red_row(rr, c):
            for j in range(H // 16):
                sl = pl.ds(j * 16, 16)
                m = red[0, rr, sl]
                for t in range(1, _NS):
                    m = jnp.maximum(m, red[t, rr, sl])
                gt[rr, sl] = m
            return c

        lax.fori_loop(0, rows_out, red_row, 0)
        pltpu.sync_copy(gt.at[pl.ds(0, rows_out)],
                        out_hbm.at[cc, pl.ds(ss * rows_out, rows_out)])

    return k(bv, batch)



def _attn_body(be_ref, Wa1_ref, ba1_ref, Wa2_ref, ba2_ref, V_ref, ex_ref):
    x = be_ref[...]
    h = jnp.maximum(jnp.dot(x, Wa1_ref[...]) + ba1_ref[...], 0.0)
    a = jax.nn.sigmoid(jnp.dot(h, Wa2_ref[...]) + ba2_ref[...])
    ex = jnp.exp(a)
    V_ref[...] = x * ex
    ex_ref[...] = jnp.broadcast_to(ex, ex_ref.shape)


def _attn(b_e, Wa1, ba1, Wa2, ba2):
    e = b_e.shape[0]
    grid = e // BE
    return pl.pallas_call(
        _attn_body,
        grid=(grid,),
        in_specs=[
            pl.BlockSpec((BE, H), lambda i: (i, 0)),
            pl.BlockSpec((H, H), lambda i: (0, 0)),
            pl.BlockSpec((1, H), lambda i: (0, 0)),
            pl.BlockSpec((H, 1), lambda i: (0, 0)),
            pl.BlockSpec((1, 1), lambda i: (0, 0)),
        ],
        out_specs=[
            pl.BlockSpec((BE, H), lambda i: (i, 0)),
            pl.BlockSpec((BE, 8), lambda i: (i, 0)),
        ],
        out_shape=[
            jax.ShapeDtypeStruct((e, H), jnp.float32),
            jax.ShapeDtypeStruct((e, 8), jnp.float32),
        ],
    )(b_e, Wa1, ba1.reshape(1, H), Wa2, ba2.reshape(1, 1))


def _init_be_body(ef_ref, g_ref, out_ref):
    ef = ef_ref[...]
    out_ref[...] = jnp.concatenate(
        [ef, jnp.broadcast_to(g_ref[...], (ef.shape[0], g_ref.shape[1]))],
        axis=1)


def _init_be(ef, g):
    e, fe = ef.shape
    gg = g.shape[1]
    grid = e // BE
    return pl.pallas_call(
        _init_be_body,
        grid=(grid,),
        in_specs=[
            pl.BlockSpec((BE, fe), lambda i: (i, 0)),
            pl.BlockSpec((1, gg), lambda i: (0, 0)),
        ],
        out_specs=pl.BlockSpec((BE, H), lambda i: (i, 0)),
        out_shape=jax.ShapeDtypeStruct((e, H), jnp.float32),
    )(ef, g)


def _node_body(P0_ref, P1_ref, s_ref, deg_ref, heads_ref, tails_ref,
               Wsrc_ref, whsrc_ref, wtsrc_ref, Wdst_ref, whdst_ref, wtdst_ref,
               Q_ref, R_ref, bv_ref):
    i = pl.program_id(0)
    S = P0_ref[...] + P1_ref[...]
    s1 = s_ref[...]
    deg = deg_ref[...]
    bv = jnp.where(s1 > 0.0, S / jnp.where(s1 > 0.0, s1, 1.0), 0.0)
    bv = bv / (1.0 + deg)
    ids = i * BN + jax.lax.broadcasted_iota(jnp.int32, (BN, 1), 0)
    ih = jnp.minimum(jnp.sum((ids == heads_ref[...]).astype(jnp.float32),
                             axis=1, keepdims=True), 1.0)
    it = jnp.minimum(jnp.sum((ids == tails_ref[...]).astype(jnp.float32),
                             axis=1, keepdims=True), 1.0)
    Q_ref[...] = jnp.dot(bv, Wsrc_ref[...]) + ih * whsrc_ref[...] + it * wtsrc_ref[...]
    R_ref[...] = jnp.dot(bv, Wdst_ref[...]) + ih * whdst_ref[...] + it * wtdst_ref[...]
    bv_ref[...] = bv


def _node_tables(P0, P1, s2d, deg, heads, tails, Wsrc, whsrc, wtsrc, Wdst, whdst, wtdst):
    n = deg.shape[0]
    nb = heads.shape[0]
    grid = n // BN
    return pl.pallas_call(
        _node_body,
        grid=(grid,),
        in_specs=[
            pl.BlockSpec((BN, H), lambda i: (i, 0)),
            pl.BlockSpec((BN, H), lambda i: (i, 0)),
            pl.BlockSpec((BN, 1), lambda i: (i, 0)),
            pl.BlockSpec((BN, 1), lambda i: (i, 0)),
            pl.BlockSpec((1, nb), lambda i: (0, 0)),
            pl.BlockSpec((1, nb), lambda i: (0, 0)),
            pl.BlockSpec((H, H), lambda i: (0, 0)),
            pl.BlockSpec((1, H), lambda i: (0, 0)),
            pl.BlockSpec((1, H), lambda i: (0, 0)),
            pl.BlockSpec((H, H), lambda i: (0, 0)),
            pl.BlockSpec((1, H), lambda i: (0, 0)),
            pl.BlockSpec((1, H), lambda i: (0, 0)),
        ],
        out_specs=[
            pl.BlockSpec((BN, H), lambda i: (i, 0)),
            pl.BlockSpec((BN, H), lambda i: (i, 0)),
            pl.BlockSpec((BN, H), lambda i: (i, 0)),
        ],
        out_shape=[
            jax.ShapeDtypeStruct((n, H), jnp.float32),
            jax.ShapeDtypeStruct((n, H), jnp.float32),
            jax.ShapeDtypeStruct((n, H), jnp.float32),
        ],
    )(P0, P1, s2d, deg.reshape(n, 1), heads.reshape(1, nb),
      tails.reshape(1, nb), Wsrc, whsrc, wtsrc, Wdst, whdst, wtdst)


def _update_body(g_ref, be_ref, Wue_ref, bu1_ref, Wu2_ref, bu2_ref, out_ref):
    z = g_ref[...] + jnp.dot(be_ref[...], Wue_ref[...]) + bu1_ref[...]
    out_ref[...] = jnp.dot(jnp.maximum(z, 0.0), Wu2_ref[...]) + bu2_ref[...]


def _update(g, b_e, Wue, bu1, Wu2, bu2):
    e = g.shape[0]
    grid = e // BE
    return pl.pallas_call(
        _update_body,
        grid=(grid,),
        in_specs=[
            pl.BlockSpec((BE, H), lambda i: (i, 0)),
            pl.BlockSpec((BE, H), lambda i: (i, 0)),
            pl.BlockSpec((H, H), lambda i: (0, 0)),
            pl.BlockSpec((1, H), lambda i: (0, 0)),
            pl.BlockSpec((H, H), lambda i: (0, 0)),
            pl.BlockSpec((1, H), lambda i: (0, 0)),
        ],
        out_specs=pl.BlockSpec((BE, H), lambda i: (i, 0)),
        out_shape=jax.ShapeDtypeStruct((e, H), jnp.float32),
    )(g, b_e, Wue, bu1.reshape(1, H), Wu2, bu2.reshape(1, H))


def _update_we_body(g_ref, be_ref, Wue_ref, bu1_ref, Wu2_ref, bu2_ref,
                    We_ref, be2_ref, we_ref):
    z = g_ref[...] + jnp.dot(be_ref[...], Wue_ref[...]) + bu1_ref[...]
    bnew = jnp.dot(jnp.maximum(z, 0.0), Wu2_ref[...]) + bu2_ref[...]
    we_ref[...] = jax.nn.sigmoid(jnp.dot(bnew, We_ref[...]) + be2_ref[...])


def _update_we(g, b_e, Wue, bu1, Wu2, bu2, We, be):
    e = g.shape[0]
    grid = e // BE
    return pl.pallas_call(
        _update_we_body,
        grid=(grid,),
        in_specs=[
            pl.BlockSpec((BE, H), lambda i: (i, 0)),
            pl.BlockSpec((BE, H), lambda i: (i, 0)),
            pl.BlockSpec((H, H), lambda i: (0, 0)),
            pl.BlockSpec((1, H), lambda i: (0, 0)),
            pl.BlockSpec((H, H), lambda i: (0, 0)),
            pl.BlockSpec((1, H), lambda i: (0, 0)),
            pl.BlockSpec((H, 1), lambda i: (0, 0)),
            pl.BlockSpec((1, 1), lambda i: (0, 0)),
        ],
        out_specs=pl.BlockSpec((BE, 1), lambda i: (i, 0)),
        out_shape=jax.ShapeDtypeStruct((e, 1), jnp.float32),
    )(g, b_e, Wue, bu1.reshape(1, H), Wu2, bu2.reshape(1, H),
      We, be.reshape(1, 1))


def _final_body(gp_ref, bv_ref, heads_ref, tails_ref,
                Wg1_ref, bg1_ref, Wg2_ref, bg2_ref, gall_ref):
    bv = bv_ref[...]
    n = bv.shape[0]
    nb = heads_ref.shape[0]
    gp = gp_ref[...]
    gmax = jnp.maximum(gp[:nb, :], gp[nb:, :])
    gmax = jnp.where(jnp.isfinite(gmax), gmax, 0.0)

    ids = jax.lax.broadcasted_iota(jnp.int32, (nb, n), 1)
    oh_h = (ids == heads_ref[...]).astype(jnp.float32)
    oh_t = (ids == tails_ref[...]).astype(jnp.float32)
    bh = jnp.dot(oh_h, bv)
    bt = jnp.dot(oh_t, bv)
    g_G = jnp.concatenate([gmax, bh, bt], axis=1)
    hmid = jnp.maximum(jnp.dot(g_G, Wg1_ref[...]) + bg1_ref[...], 0.0)
    logits = jnp.dot(hmid, Wg2_ref[...]) + bg2_ref[...]
    w = jax.nn.softmax(logits, axis=0)
    gall_ref[...] = jnp.sum(w * g_G, axis=0, keepdims=True)


def _final(gpart, bv, heads, tails, Wg1, bg1, Wg2, bg2):
    n = bv.shape[0]
    nb = heads.shape[0]
    return pl.pallas_call(
        _final_body,
        in_specs=[
            pl.BlockSpec((2 * nb, H), lambda: (0, 0)),
            pl.BlockSpec((n, H), lambda: (0, 0)),
            pl.BlockSpec((nb, 1), lambda: (0, 0)),
            pl.BlockSpec((nb, 1), lambda: (0, 0)),
            pl.BlockSpec((3 * H, H), lambda: (0, 0)),
            pl.BlockSpec((1, H), lambda: (0, 0)),
            pl.BlockSpec((H, 1), lambda: (0, 0)),
            pl.BlockSpec((1, 1), lambda: (0, 0)),
        ],
        out_specs=pl.BlockSpec((1, 3 * H), lambda: (0, 0)),
        out_shape=jax.ShapeDtypeStruct((1, 3 * H), jnp.float32),
    )(gpart.reshape(2 * nb, H), bv, heads.reshape(nb, 1), tails.reshape(nb, 1),
      Wg1, bg1.reshape(1, H), Wg2, bg2.reshape(1, 1))



def kernel(edge_features, edge_index, node_degrees, batch, heads, tails,
           g_all_init, Wa1, ba1, Wa2, ba2, Wu1, bu1, Wu2, bu2,
           Wg1, bg1, Wg2, bg2, We, be):
    e = edge_features.shape[0]
    n = node_degrees.shape[0]
    f32 = jnp.float32
    with jax.enable_x64(False):
        (edge_features, node_degrees, g_all_init, Wa1, ba1, Wa2, ba2, Wu1,
         bu1, Wu2, bu2, Wg1, bg1, Wg2, bg2, We, be) = jax.tree.map(
            lambda x: x.astype(f32),
            (edge_features, node_degrees, g_all_init, Wa1, ba1, Wa2, ba2, Wu1,
             bu1, Wu2, bu2, Wg1, bg1, Wg2, bg2, We, be))
        src = edge_index[0].astype(jnp.int32)
        dst = edge_index[1].astype(jnp.int32)
        heads32 = heads.astype(jnp.int32)
        tails32 = tails.astype(jnp.int32)
        batch32 = batch.astype(jnp.int32)

        Wsrc, whsrc, wtsrc = Wu1[0:H], Wu1[H:H + 1], Wu1[H + 1:H + 2]
        Wdst, whdst, wtdst = (Wu1[H + 2:2 * H + 2], Wu1[2 * H + 2:2 * H + 3],
                              Wu1[2 * H + 3:2 * H + 4])
        Wue = Wu1[2 * H + 4:]

        b_e = _init_be(edge_features, g_all_init)

        bv = None
        for it in range(2):
            V, exv = _attn(b_e, Wa1, ba1, Wa2, ba2)
            P, Ps = _sc_scatter_add(V, exv[:, 0], dst, n)
            s2d = Ps.sum(axis=(0, 1)).reshape(-1, 1)
            Q, R, bv = _node_tables(P[0], P[1], s2d, node_degrees,
                                    heads32, tails32,
                                    Wsrc, whsrc, wtsrc, Wdst, whdst, wtdst)
            g = _sc_gather_add(Q, R, src, dst)
            if it == 0:
                b_e = _update(g, b_e, Wue, bu1, Wu2, bu2)
            else:
                w_e = _update_we(g, b_e, Wue, bu1, Wu2, bu2, We, be)

        gpart = _sc_segment_max(bv, batch32, heads32.shape[0])
        g_all = _final(gpart, bv, heads32, tails32, Wg1, bg1, Wg2, bg2)
    return (w_e.astype(jnp.float64), g_all.astype(jnp.float64))

# --- scband reference (transcript-rebuilt; emitter-appended) ---
"""Pipeline reference for scband-compassweight-model-47373489275338 (READ-ONLY COPY).

The authoritative reference and input builder live on the scoring server;
editing this copy changes nothing except your own understanding.
"""

import jax, jax.numpy as jnp
import numpy as np
jax.config.update("jax_enable_x64", True)

N = 10000
E = 160000
B = 128
F_E = 16
G = 112
H = 128
P = 3 * H
NITERS = 2


def _lin(key, fi, fo):
    W = jax.random.normal(key, (fi, fo), dtype=jnp.float32) / np.sqrt(fi)
    b = jnp.zeros((fo,), dtype=jnp.float32)
    return W, b


def setup_inputs(seed: int = 0):
    key = jax.random.key(seed)
    ks = jax.random.split(key, 16)
    inp = {}
    inp["edge_features"] = jax.random.normal(ks[0], (E, F_E), dtype=jnp.float32)
    inp["edge_index"] = jax.random.randint(ks[1], (2, E), 0, N, dtype=jnp.int64)
    inp["node_degrees"] = jax.random.uniform(ks[2], (N,), dtype=jnp.float32) * 32.0
    inp["batch"] = jnp.sort(jax.random.randint(ks[3], (N,), 0, B, dtype=jnp.int64))
    inp["heads"] = jax.random.randint(ks[4], (B,), 0, N, dtype=jnp.int64)
    inp["tails"] = jax.random.randint(ks[5], (B,), 0, N, dtype=jnp.int64)
    inp["g_all_init"] = jax.random.normal(ks[6], (1, G), dtype=jnp.float32)
    inp["Wa1"], inp["ba1"] = _lin(ks[7], H, H)
    inp["Wa2"], inp["ba2"] = _lin(ks[8], H, 1)
    inp["Wu1"], inp["bu1"] = _lin(ks[9], 2 * (H + 2) + H, H)
    inp["Wu2"], inp["bu2"] = _lin(ks[10], H, H)
    inp["Wg1"], inp["bg1"] = _lin(ks[11], P, H)
    inp["Wg2"], inp["bg2"] = _lin(ks[12], H, 1)
    inp["We"], inp["be"] = _lin(ks[13], H, 1)
    return inp


def _mlp2(x, W1, b1, W2, b2):
    return jnp.maximum(x @ W1 + b1, 0.0) @ W2 + b2


def reference(edge_features, edge_index, node_degrees, batch, heads, tails, g_all_init,
              Wa1, ba1, Wa2, ba2, Wu1, bu1, Wu2, bu2, Wg1, bg1, Wg2, bg2, We, be):
    src = edge_index[0]
    dst = edge_index[1]
    n = node_degrees.shape[0]
    e = edge_features.shape[0]
    nb = heads.shape[0]
    b_e = jnp.concatenate([edge_features, jnp.broadcast_to(g_all_init, (e, g_all_init.shape[-1]))], axis=1)
    is_head = jnp.zeros((n,), jnp.float32).at[heads].set(1.0)
    is_tail = jnp.zeros((n,), jnp.float32).at[tails].set(1.0)
    b_v = jnp.zeros((n, b_e.shape[1]), jnp.float32)
    for _ in range(NITERS):
        a = jax.nn.sigmoid(_mlp2(b_e, Wa1, ba1, Wa2, ba2))[:, 0]
        m = jax.ops.segment_max(a, dst, num_segments=n)
        m = jnp.where(jnp.isfinite(m), m, 0.0)
        ex = jnp.exp(a - m[dst])
        s = jax.ops.segment_sum(ex, dst, num_segments=n)
        alpha_e = (ex / s[dst])[:, None]
        b_v = jax.ops.segment_sum(alpha_e * b_e, dst, num_segments=n)
        b_v = b_v / (1.0 + node_degrees[:, None])
        r_v = jnp.concatenate([b_v, is_head[:, None], is_tail[:, None]], axis=1)
        b_e = _mlp2(jnp.concatenate([r_v[src], r_v[dst], b_e], axis=1), Wu1, bu1, Wu2, bu2)
    gmax = jax.ops.segment_max(b_v, batch, num_segments=nb)
    gmax = jnp.where(jnp.isfinite(gmax), gmax, 0.0)
    g_G = jnp.concatenate([gmax, b_v[heads], b_v[tails]], axis=1)
    w_k = jax.nn.softmax(_mlp2(g_G, Wg1, bg1, Wg2, bg2), axis=0)
    g_all = jnp.sum(w_k * g_G, axis=0, keepdims=True)
    w_e = jax.nn.sigmoid(b_e @ We + be)
    return (w_e, g_all)

if __name__ == "__main__":
    import jax
    _d = setup_inputs()
    print(jax.jit(kernel)(*tuple(_d.values())))

</pallas_src>

<mosaic_0001>
#map = affine_map<(d0, d1) -> (0, 0)>
#map1 = affine_map<(d0, d1) -> (0)>
module attributes {stable_mosaic.version = 14 : i64} {
  func.func @k(%arg0: i32, %arg1: i32, %arg2: memref<10000x128xf32, #tpu.memory_space<hbm>>, %arg3: memref<10000x128xf32, #tpu.memory_space<hbm>>, %arg4: memref<160000xi32, #tpu.memory_space<hbm>>, %arg5: memref<160000xi32, #tpu.memory_space<hbm>>, %arg6: memref<160000x128xf32, #tpu.memory_space<hbm>>, %arg7: memref<128xi32, #tpu.memory_space<vmem>>, %arg8: memref<128xi32, #tpu.memory_space<vmem>>, %arg9: memref<128x128xf32, #tpu.memory_space<vmem>>, %arg10: memref<128x128xf32, #tpu.memory_space<vmem>>, %arg11: memref<!tpu.dma_semaphore, #tpu.memory_space<semaphore_mem>>, %arg12: memref<!tpu.dma_semaphore, #tpu.memory_space<semaphore_mem>>) attributes {dimension_semantics = [#tpu.dimension_semantics<core_parallel>, #tpu.dimension_semantics<subcore_parallel>], iteration_bounds = array<i64: 2, 16>, scalar_prefetch = 0 : i64, scratch_operands = 6 : i64, tpu.core_type = #tpu.core_type<sc_vector_subcore>, window_params = [{transform_indices = #map}, {transform_indices = #map}, {transform_indices = #map1}, {transform_indices = #map1}, {transform_indices = #map}]} {
    %mul3A = arith.constant 2 : i32
    %mul3A_0 = arith.muli %arg1, %mul3A : i32
    %add3A = arith.addi %mul3A_0, %arg0 : i32
    %mul3A_1 = arith.constant 5000 : i32
    %mul3A_2 = arith.muli %add3A, %mul3A_1 : i32
    %scan3A = arith.constant 0 : i32
    %scan3A_3 = arith.constant 0 : i32
    %scan3A_4 = arith.constant 39 : i32
    %scan3A_5 = arith.addi %scan3A_3, %scan3A_4 : i32
    %scan3A_6 = arith.constant 1 : i32
    scf.for %scan3A_46 = %scan3A_3 to %scan3A_5 step %scan3A_6  : i32 {
      %mul3A_47 = arith.constant 128 : i32
      %mul3A_48 = arith.muli %scan3A_46, %mul3A_47 : i32
      %add3A_49 = arith.addi %mul3A_2, %mul3A_48 : i32
      "tpu.region"() ({
        %run_scoped3A = tpu.sem_alloc : memref<!tpu.dma_semaphore, #tpu.memory_space<semaphore_mem>>
        %dma_start3A_88 = arith.constant 0 : i32
        %dma_start3A_89 = tpu.memref_slice %arg7[%dma_start3A_88] : memref<128xi32, #tpu.memory_space<vmem>> -> memref<128xi32, #tpu.memory_space<vmem>>
        %dma_start3A_90 = tpu.memref_slice %arg4[%add3A_49] : memref<160000xi32, #tpu.memory_space<hbm>> -> memref<128xi32, #tpu.memory_space<hbm>>
        %dma_start3A_91 = arith.constant 0 : i32
        %dma_start3A_92 = tpu.memref_slice %arg7[%dma_start3A_91] : memref<128xi32, #tpu.memory_space<vmem>> -> memref<128xi32, #tpu.memory_space<vmem>>
        %dma_start3A_93 = tpu.memref_slice %arg4[%add3A_49] : memref<160000xi32, #tpu.memory_space<hbm>> -> memref<128xi32, #tpu.memory_space<hbm>>
        tpu.enqueue_dma source(%dma_start3A_93 : memref<128xi32, #tpu.memory_space<hbm>>) target(%dma_start3A_92 : memref<128xi32, #tpu.memory_space<vmem>>) target_semaphore(%run_scoped3A : memref<!tpu.dma_semaphore, #tpu.memory_space<semaphore_mem>>)
        %dma_wait3A_94 = arith.constant 0 : i32
        %dma_wait3A_95 = tpu.memref_slice %arg7[%dma_wait3A_94] : memref<128xi32, #tpu.memory_space<vmem>> -> memref<128xi32, #tpu.memory_space<vmem>>
        %dma_wait3A_96 = tpu.memref_slice %arg4[%add3A_49] : memref<160000xi32, #tpu.memory_space<hbm>> -> memref<128xi32, #tpu.memory_space<hbm>>
        %dma_wait3A_97 = arith.constant 0 : i32
        %dma_wait3A_98 = tpu.memref_slice %arg7[%dma_wait3A_97] : memref<128xi32, #tpu.memory_space<vmem>> -> memref<128xi32, #tpu.memory_space<vmem>>
        %dma_wait3A_99 = tpu.memref_slice %arg4[%add3A_49] : memref<160000xi32, #tpu.memory_space<hbm>> -> memref<128xi32, #tpu.memory_space<hbm>>
        tpu.wait_dma2 semaphore(%run_scoped3A : memref<!tpu.dma_semaphore, #tpu.memory_space<semaphore_mem>>) src(%dma_wait3A_99 : memref<128xi32, #tpu.memory_space<hbm>>) dst(%dma_wait3A_98 : memref<128xi32, #tpu.memory_space<vmem>>)
        tpu.yield
      }) : () -> ()
      "tpu.region"() ({
        %run_scoped3A = tpu.sem_alloc : memref<!tpu.dma_semaphore, #tpu.memory_space<semaphore_mem>>
        %dma_start3A_88 = arith.constant 0 : i32
        %dma_start3A_89 = tpu.memref_slice %arg8[%dma_start3A_88] : memref<128xi32, #tpu.memory_space<vmem>> -> memref<128xi32, #tpu.memory_space<vmem>>
        %dma_start3A_90 = tpu.memref_slice %arg5[%add3A_49] : memref<160000xi32, #tpu.memory_space<hbm>> -> memref<128xi32, #tpu.memory_space<hbm>>
        %dma_start3A_91 = arith.constant 0 : i32
        %dma_start3A_92 = tpu.memref_slice %arg8[%dma_start3A_91] : memref<128xi32, #tpu.memory_space<vmem>> -> memref<128xi32, #tpu.memory_space<vmem>>
        %dma_start3A_93 = tpu.memref_slice %arg5[%add3A_49] : memref<160000xi32, #tpu.memory_space<hbm>> -> memref<128xi32, #tpu.memory_space<hbm>>
        tpu.enqueue_dma source(%dma_start3A_93 : memref<128xi32, #tpu.memory_space<hbm>>) target(%dma_start3A_92 : memref<128xi32, #tpu.memory_space<vmem>>) target_semaphore(%run_scoped3A : memref<!tpu.dma_semaphore, #tpu.memory_space<semaphore_mem>>)
        %dma_wait3A_94 = arith.constant 0 : i32
        %dma_wait3A_95 = tpu.memref_slice %arg8[%dma_wait3A_94] : memref<128xi32, #tpu.memory_space<vmem>> -> memref<128xi32, #tpu.memory_space<vmem>>
        %dma_wait3A_96 = tpu.memref_slice %arg5[%add3A_49] : memref<160000xi32, #tpu.memory_space<hbm>> -> memref<128xi32, #tpu.memory_space<hbm>>
        %dma_wait3A_97 = arith.constant 0 : i32
        %dma_wait3A_98 = tpu.memref_slice %arg8[%dma_wait3A_97] : memref<128xi32, #tpu.memory_space<vmem>> -> memref<128xi32, #tpu.memory_space<vmem>>
        %dma_wait3A_99 = tpu.memref_slice %arg5[%add3A_49] : memref<160000xi32, #tpu.memory_space<hbm>> -> memref<128xi32, #tpu.memory_space<hbm>>
        tpu.wait_dma2 semaphore(%run_scoped3A : memref<!tpu.dma_semaphore, #tpu.memory_space<semaphore_mem>>) src(%dma_wait3A_99 : memref<128xi32, #tpu.memory_space<hbm>>) dst(%dma_wait3A_98 : memref<128xi32, #tpu.memory_space<vmem>>)
        tpu.yield
      }) : () -> ()
      %dma_start3A_50 = arith.constant 0 : i32
      %dma_start3A_51 = arith.constant 0 : i32
      %dma_start3A_52 = tpu.memref_slice %arg9[%dma_start3A_50, %dma_start3A_51] : memref<128x128xf32, #tpu.memory_space<vmem>> -> memref<128x128xf32, #tpu.memory_space<vmem>>
      %dma_start3A_53 = arith.constant 0 : i32
      %dma_start3A_54 = tpu.memref_slice %arg7[%dma_start3A_53] : memref<128xi32, #tpu.memory_space<vmem>> -> memref<128xi32, #tpu.memory_space<vmem>>
      %dma_start3A_55 = arith.constant 0 : i32
      %dma_start3A_56 = arith.constant 0 : i32
      %dma_start3A_57 = tpu.memref_slice %arg2[%dma_start3A_55, %dma_start3A_56] : memref<10000x128xf32, #tpu.memory_space<hbm>> -> memref<10000x128xf32, #tpu.memory_space<hbm>>
      tpu.enqueue_indirect_dma source(%dma_start3A_57 : memref<10000x128xf32, #tpu.memory_space<hbm>>) target(%dma_start3A_52 : memref<128x128xf32, #tpu.memory_space<vmem>>) offsets(%dma_start3A_54 : memref<128xi32, #tpu.memory_space<vmem>>) semaphore(%arg11 : memref<!tpu.dma_semaphore, #tpu.memory_space<semaphore_mem>>)
      %dma_start3A_58 = arith.constant 0 : i32
      %dma_start3A_59 = arith.constant 0 : i32
      %dma_start3A_60 = tpu.memref_slice %arg10[%dma_start3A_58, %dma_start3A_59] : memref<128x128xf32, #tpu.memory_space<vmem>> -> memref<128x128xf32, #tpu.memory_space<vmem>>
      %dma_start3A_61 = arith.constant 0 : i32
      %dma_start3A_62 = tpu.memref_slice %arg8[%dma_start3A_61] : memref<128xi32, #tpu.memory_space<vmem>> -> memref<128xi32, #tpu.memory_space<vmem>>
      %dma_start3A_63 = arith.constant 0 : i32
      %dma_start3A_64 = arith.constant 0 : i32
      %dma_start3A_65 = tpu.memref_slice %arg3[%dma_start3A_63, %dma_start3A_64] : memref<10000x128xf32, #tpu.memory_space<hbm>> -> memref<10000x128xf32, #tpu.memory_space<hbm>>
      tpu.enqueue_indirect_dma source(%dma_start3A_65 : memref<10000x128xf32, #tpu.memory_space<hbm>>) target(%dma_start3A_60 : memref<128x128xf32, #tpu.memory_space<vmem>>) offsets(%dma_start3A_62 : memref<128xi32, #tpu.memory_space<vmem>>) semaphore(%arg12 : memref<!tpu.dma_semaphore, #tpu.memory_space<semaphore_mem>>)
      %dma_wait3A_66 = arith.constant 0 : i32
      %dma_wait3A_67 = arith.constant 0 : i32
      %dma_wait3A_68 = tpu.memref_slice %arg9[%dma_wait3A_66, %dma_wait3A_67] : memref<128x128xf32, #tpu.memory_space<vmem>> -> memref<128x128xf32, #tpu.memory_space<vmem>>
      %dma_wait3A_69 = arith.constant 0 : i32
      %dma_wait3A_70 = tpu.memref_slice %arg7[%dma_wait3A_69] : memref<128xi32, #tpu.memory_space<vmem>> -> memref<128xi32, #tpu.memory_space<vmem>>
      %dma_wait3A_71 = arith.constant 0 : i32
      %dma_wait3A_72 = arith.constant 0 : i32
      %dma_wait3A_73 = tpu.memref_slice %arg2[%dma_wait3A_71, %dma_wait3A_72] : memref<10000x128xf32, #tpu.memory_space<hbm>> -> memref<10000x128xf32, #tpu.memory_space<hbm>>
      tpu.wait_indirect_dma semaphore(%arg11 : memref<!tpu.dma_semaphore, #tpu.memory_space<semaphore_mem>>) src(%dma_wait3A_73 : memref<10000x128xf32, #tpu.memory_space<hbm>>) dst(%dma_wait3A_68 : memref<128x128xf32, #tpu.memory_space<vmem>>)
      %dma_wait3A_74 = arith.constant 0 : i32
      %dma_wait3A_75 = arith.constant 0 : i32
      %dma_wait3A_76 = tpu.memref_slice %arg10[%dma_wait3A_74, %dma_wait3A_75] : memref<128x128xf32, #tpu.memory_space<vmem>> -> memref<128x128xf32, #tpu.memory_space<vmem>>
      %dma_wait3A_77 = arith.constant 0 : i32
      %dma_wait3A_78 = tpu.memref_slice %arg8[%dma_wait3A_77] : memref<128xi32, #tpu.memory_space<vmem>> -> memref<128xi32, #tpu.memory_space<vmem>>
      %dma_wait3A_79 = arith.constant 0 : i32
      %dma_wait3A_80 = arith.constant 0 : i32
      %dma_wait3A_81 = tpu.memref_slice %arg3[%dma_wait3A_79, %dma_wait3A_80] : memref<10000x128xf32, #tpu.memory_space<hbm>> -> memref<10000x128xf32, #tpu.memory_space<hbm>>
      tpu.wait_indirect_dma semaphore(%arg12 : memref<!tpu.dma_semaphore, #tpu.memory_space<semaphore_mem>>) src(%dma_wait3A_81 : memref<10000x128xf32, #tpu.memory_space<hbm>>) dst(%dma_wait3A_76 : memref<128x128xf32, #tpu.memory_space<vmem>>)
      %scan3A_82 = arith.constant 0 : i32
      %scan3A_83 = arith.constant 0 : i32
      %scan3A_84 = arith.constant 128 : i32
      %scan3A_85 = arith.addi %scan3A_83, %scan3A_84 : i32
      %scan3A_86 = arith.constant 1 : i32
      scf.for %scan3A_88 = %scan3A_83 to %scan3A_85 step %scan3A_86  : i32 {
        %get3A = arith.index_cast %scan3A_88 : i32 to index
        %get3A_89 = arith.constant 0 : index
        %get3A_90 = tpu.vector_load %arg9[%get3A, %get3A_89] {strides = array<i32>} : memref<128x128xf32, #tpu.memory_space<vmem>>, vector<1x16xf32>,
        %get3A_91 = vector.shape_cast %get3A_90 : vector<1x16xf32> to vector<16xf32>
        %get3A_92 = arith.index_cast %scan3A_88 : i32 to index
        %get3A_93 = arith.constant 0 : index
        %get3A_94 = tpu.vector_load %arg10[%get3A_92, %get3A_93] {strides = array<i32>} : memref<128x128xf32, #tpu.memory_space<vmem>>, vector<1x16xf32>,
        %get3A_95 = vector.shape_cast %get3A_94 : vector<1x16xf32> to vector<16xf32>
        %add3A_96 = arith.addf %get3A_91, %get3A_95 : vector<16xf32>
        %swap3A = arith.index_cast %scan3A_88 : i32 to index
        %swap3A_97 = arith.constant 0 : index
        %swap3A_98 = tpu.vector_load %arg9[%swap3A, %swap3A_97] {strides = array<i32>} : memref<128x128xf32, #tpu.memory_space<vmem>>, vector<1x16xf32>,
        %swap3A_99 = vector.shape_cast %swap3A_98 : vector<1x16xf32> to vector<16xf32>
        %swap3A_100 = vector.shape_cast %add3A_96 : vector<16xf32> to vector<1x16xf32>
        tpu.vector_store %arg9[%swap3A, %swap3A_97], %swap3A_100 {strides = array<i32>} : memref<128x128xf32, #tpu.memory_space<vmem>>, vector<1x16xf32>,
        %get3A_101 = arith.index_cast %scan3A_88 : i32 to index
        %get3A_102 = arith.constant 16 : index
        %get3A_103 = tpu.vector_load %arg9[%get3A_101, %get3A_102] {strides = array<i32>} : memref<128x128xf32, #tpu.memory_space<vmem>>, vector<1x16xf32>,
        %get3A_104 = vector.shape_cast %get3A_103 : vector<1x16xf32> to vector<16xf32>
        %get3A_105 = arith.index_cast %scan3A_88 : i32 to index
        %get3A_106 = arith.constant 16 : index
        %get3A_107 = tpu.vector_load %arg10[%get3A_105, %get3A_106] {strides = array<i32>} : memref<128x128xf32, #tpu.memory_space<vmem>>, vector<1x16xf32>,
        %get3A_108 = vector.shape_cast %get3A_107 : vector<1x16xf32> to vector<16xf32>
        %add3A_109 = arith.addf %get3A_104, %get3A_108 : vector<16xf32>
        %swap3A_110 = arith.index_cast %scan3A_88 : i32 to index
        %swap3A_111 = arith.constant 16 : index
        %swap3A_112 = tpu.vector_load %arg9[%swap3A_110, %swap3A_111] {strides = array<i32>} : memref<128x128xf32, #tpu.memory_space<vmem>>, vector<1x16xf32>,
        %swap3A_113 = vector.shape_cast %swap3A_112 : vector<1x16xf32> to vector<16xf32>
        %swap3A_114 = vector.shape_cast %add3A_109 : vector<16xf32> to vector<1x16xf32>
        tpu.vector_store %arg9[%swap3A_110, %swap3A_111], %swap3A_114 {strides = array<i32>} : memref<128x128xf32, #tpu.memory_space<vmem>>, vector<1x16xf32>,
        %get3A_115 = arith.index_cast %scan3A_88 : i32 to index
        %get3A_116 = arith.constant 32 : index
        %get3A_117 = tpu.vector_load %arg9[%get3A_115, %get3A_116] {strides = array<i32>} : memref<128x128xf32, #tpu.memory_space<vmem>>, vector<1x16xf32>,
        %get3A_118 = vector.shape_cast %get3A_117 : vector<1x16xf32> to vector<16xf32>
        %get3A_119 = arith.index_cast %scan3A_88 : i32 to index
        %get3A_120 = arith.constant 32 : index
        %get3A_121 = tpu.vector_load %arg10[%get3A_119, %get3A_120] {strides = array<i32>} : memref<128x128xf32, #tpu.memory_space<vmem>>, vector<1x16xf32>,
        %get3A_122 = vector.shape_cast %get3A_121 : vector<1x16xf32> to vector<16xf32>
        %add3A_123 = arith.addf %get3A_118, %get3A_122 : vector<16xf32>
        %swap3A_124 = arith.index_cast %scan3A_88 : i32 to index
        %swap3A_125 = arith.constant 32 : index
        %swap3A_126 = tpu.vector_load %arg9[%swap3A_124, %swap3A_125] {strides = array<i32>} : memref<128x128xf32, #tpu.memory_space<vmem>>, vector<1x16xf32>,
        %swap3A_127 = vector.shape_cast %swap3A_126 : vector<1x16xf32> to vector<16xf32>
        %swap3A_128 = vector.shape_cast %add3A_123 : vector<16xf32> to vector<1x16xf32>
        tpu.vector_store %arg9[%swap3A_124, %swap3A_125], %swap3A_128 {strides = array<i32>} : memref<128x128xf32, #tpu.memory_space<vmem>>, vector<1x16xf32>,
        %get3A_129 = arith.index_cast %scan3A_88 : i32 to index
        %get3A_130 = arith.constant 48 : index
        %get3A_131 = tpu.vector_load %arg9[%get3A_129, %get3A_130] {strides = array<i32>} : memref<128x128xf32, #tpu.memory_space<vmem>>, vector<1x16xf32>,
        %get3A_132 = vector.shape_cast %get3A_131 : vector<1x16xf32> to vector<16xf32>
        %get3A_133 = arith.index_cast %scan3A_88 : i32 to index
        %get3A_134 = arith.constant 48 : index
        %get3A_135 = tpu.vector_load %arg10[%get3A_133, %get3A_134] {strides = array<i32>} : memref<128x128xf32, #tpu.memory_space<vmem>>, vector<1x16xf32>,
        %get3A_136 = vector.shape_cast %get3A_135 : vector<1x16xf32> to vector<16xf32>
        %add3A_137 = arith.addf %get3A_132, %get3A_136 : vector<16xf32>
        %swap3A_138 = arith.index_cast %scan3A_88 : i32 to index
        %swap3A_139 = arith.constant 48 : index
        %swap3A_140 = tpu.vector_load %arg9[%swap3A_138, %swap3A_139] {strides = array<i32>} : memref<128x128xf32, #tpu.memory_space<vmem>>, vector<1x16xf32>,
        %swap3A_141 = vector.shape_cast %swap3A_140 : vector<1x16xf32> to vector<16xf32>
        %swap3A_142 = vector.shape_cast %add3A_137 : vector<16xf32> to vector<1x16xf32>
        tpu.vector_store %arg9[%swap3A_138, %swap3A_139], %swap3A_142 {strides = array<i32>} : memref<128x128xf32, #tpu.memory_space<vmem>>, vector<1x16xf32>,
        %get3A_143 = arith.index_cast %scan3A_88 : i32 to index
        %get3A_144 = arith.constant 64 : index
        %get3A_145 = tpu.vector_load %arg9[%get3A_143, %get3A_144] {strides = array<i32>} : memref<128x128xf32, #tpu.memory_space<vmem>>, vector<1x16xf32>,
        %get3A_146 = vector.shape_cast %get3A_145 : vector<1x16xf32> to vector<16xf32>
        %get3A_147 = arith.index_cast %scan3A_88 : i32 to index
        %get3A_148 = arith.constant 64 : index
        %get3A_149 = tpu.vector_load %arg10[%get3A_147, %get3A_148] {strides = array<i32>} : memref<128x128xf32, #tpu.memory_space<vmem>>, vector<1x16xf32>,
        %get3A_150 = vector.shape_cast %get3A_149 : vector<1x16xf32> to vector<16xf32>
        %add3A_151 = arith.addf %get3A_146, %get3A_150 : vector<16xf32>
        %swap3A_152 = arith.index_cast %scan3A_88 : i32 to index
        %swap3A_153 = arith.constant 64 : index
        %swap3A_154 = tpu.vector_load %arg9[%swap3A_152, %swap3A_153] {strides = array<i32>} : memref<128x128xf32, #tpu.memory_space<vmem>>, vector<1x16xf32>,
        %swap3A_155 = vector.shape_cast %swap3A_154 : vector<1x16xf32> to vector<16xf32>
        %swap3A_156 = vector.shape_cast %add3A_151 : vector<16xf32> to vector<1x16xf32>
        tpu.vector_store %arg9[%swap3A_152, %swap3A_153], %swap3A_156 {strides = array<i32>} : memref<128x128xf32, #tpu.memory_space<vmem>>, vector<1x16xf32>,
        %get3A_157 = arith.index_cast %scan3A_88 : i32 to index
        %get3A_158 = arith.constant 80 : index
        %get3A_159 = tpu.vector_load %arg9[%get3A_157, %get3A_158] {strides = array<i32>} : memref<128x128xf32, #tpu.memory_space<vmem>>, vector<1x16xf32>,
        %get3A_160 = vector.shape_cast %get3A_159 : vector<1x16xf32> to vector<16xf32>
        %get3A_161 = arith.index_cast %scan3A_88 : i32 to index
        %get3A_162 = arith.constant 80 : index
        %get3A_163 = tpu.vector_load %arg10[%get3A_161, %get3A_162] {strides = array<i32>} : memref<128x128xf32, #tpu.memory_space<vmem>>, vector<1x16xf32>,
        %get3A_164 = vector.shape_cast %get3A_163 : vector<1x16xf32> to vector<16xf32>
        %add3A_165 = arith.addf %get3A_160, %get3A_164 : vector<16xf32>
        %swap3A_166 = arith.index_cast %scan3A_88 : i32 to index
        %swap3A_167 = arith.constant 80 : index
        %swap3A_168 = tpu.vector_load %arg9[%swap3A_166, %swap3A_167] {strides = array<i32>} : memref<128x128xf32, #tpu.memory_space<vmem>>, vector<1x16xf32>,
        %swap3A_169 = vector.shape_cast %swap3A_168 : vector<1x16xf32> to vector<16xf32>
        %swap3A_170 = vector.shape_cast %add3A_165 : vector<16xf32> to vector<1x16xf32>
        tpu.vector_store %arg9[%swap3A_166, %swap3A_167], %swap3A_170 {strides = array<i32>} : memref<128x128xf32, #tpu.memory_space<vmem>>, vector<1x16xf32>,
        %get3A_171 = arith.index_cast %scan3A_88 : i32 to index
        %get3A_172 = arith.constant 96 : index
        %get3A_173 = tpu.vector_load %arg9[%get3A_171, %get3A_172] {strides = array<i32>} : memref<128x128xf32, #tpu.memory_space<vmem>>, vector<1x16xf32>,
        %get3A_174 = vector.shape_cast %get3A_173 : vector<1x16xf32> to vector<16xf32>
        %get3A_175 = arith.index_cast %scan3A_88 : i32 to index
        %get3A_176 = arith.constant 96 : index
        %get3A_177 = tpu.vector_load %arg10[%get3A_175, %get3A_176] {strides = array<i32>} : memref<128x128xf32, #tpu.memory_space<vmem>>, vector<1x16xf32>,
        %get3A_178 = vector.shape_cast %get3A_177 : vector<1x16xf32> to vector<16xf32>
        %add3A_179 = arith.addf %get3A_174, %get3A_178 : vector<16xf32>
        %swap3A_180 = arith.index_cast %scan3A_88 : i32 to index
        %swap3A_181 = arith.constant 96 : index
        %swap3A_182 = tpu.vector_load %arg9[%swap3A_180, %swap3A_181] {strides = array<i32>} : memref<128x128xf32, #tpu.memory_space<vmem>>, vector<1x16xf32>,
        %swap3A_183 = vector.shape_cast %swap3A_182 : vector<1x16xf32> to vector<16xf32>
        %swap3A_184 = vector.shape_cast %add3A_179 : vector<16xf32> to vector<1x16xf32>
        tpu.vector_store %arg9[%swap3A_180, %swap3A_181], %swap3A_184 {strides = array<i32>} : memref<128x128xf32, #tpu.memory_space<vmem>>, vector<1x16xf32>,
        %get3A_185 = arith.index_cast %scan3A_88 : i32 to index
        %get3A_186 = arith.constant 112 : index
        %get3A_187 = tpu.vector_load %arg9[%get3A_185, %get3A_186] {strides = array<i32>} : memref<128x128xf32, #tpu.memory_space<vmem>>, vector<1x16xf32>,
        %get3A_188 = vector.shape_cast %get3A_187 : vector<1x16xf32> to vector<16xf32>
        %get3A_189 = arith.index_cast %scan3A_88 : i32 to index
        %get3A_190 = arith.constant 112 : index
        %get3A_191 = tpu.vector_load %arg10[%get3A_189, %get3A_190] {strides = array<i32>} : memref<128x128xf32, #tpu.memory_space<vmem>>, vector<1x16xf32>,
        %get3A_192 = vector.shape_cast %get3A_191 : vector<1x16xf32> to vector<16xf32>
        %add3A_193 = arith.addf %get3A_188, %get3A_192 : vector<16xf32>
        %swap3A_194 = arith.index_cast %scan3A_88 : i32 to index
        %swap3A_195 = arith.constant 112 : index
        %swap3A_196 = tpu.vector_load %arg9[%swap3A_194, %swap3A_195] {strides = array<i32>} : memref<128x128xf32, #tpu.memory_space<vmem>>, vector<1x16xf32>,
        %swap3A_197 = vector.shape_cast %swap3A_196 : vector<1x16xf32> to vector<16xf32>
        %swap3A_198 = vector.shape_cast %add3A_193 : vector<16xf32> to vector<1x16xf32>
        tpu.vector_store %arg9[%swap3A_194, %swap3A_195], %swap3A_198 {strides = array<i32>} : memref<128x128xf32, #tpu.memory_space<vmem>>, vector<1x16xf32>,
      }
      %scan3A_87 = arith.constant 128 : i32
      "tpu.region"() ({
        %run_scoped3A = tpu.sem_alloc : memref<!tpu.dma_semaphore, #tpu.memory_space<semaphore_mem>>
        %dma_start3A_88 = arith.constant 0 : i32
        %dma_start3A_89 = arith.constant 0 : i32
        %dma_start3A_90 = tpu.memref_slice %arg9[%dma_start3A_88, %dma_start3A_89] : memref<128x128xf32, #tpu.memory_space<vmem>> -> memref<128x128xf32, #tpu.memory_space<vmem>>
        %dma_start3A_91 = arith.constant 0 : i32
        %dma_start3A_92 = tpu.memref_slice %arg6[%add3A_49, %dma_start3A_91] : memref<160000x128xf32, #tpu.memory_space<hbm>> -> memref<128x128xf32, #tpu.memory_space<hbm>>
        %dma_start3A_93 = arith.constant 0 : i32
        %dma_start3A_94 = tpu.memref_slice %arg6[%add3A_49, %dma_start3A_93] : memref<160000x128xf32, #tpu.memory_space<hbm>> -> memref<128x128xf32, #tpu.memory_space<hbm>>
        %dma_start3A_95 = arith.constant 0 : i32
        %dma_start3A_96 = arith.constant 0 : i32
        %dma_start3A_97 = tpu.memref_slice %arg9[%dma_start3A_95, %dma_start3A_96] : memref<128x128xf32, #tpu.memory_space<vmem>> -> memref<128x128xf32, #tpu.memory_space<vmem>>
        tpu.enqueue_dma source(%dma_start3A_97 : memref<128x128xf32, #tpu.memory_space<vmem>>) target(%dma_start3A_94 : memref<128x128xf32, #tpu.memory_space<hbm>>) target_semaphore(%run_scoped3A : memref<!tpu.dma_semaphore, #tpu.memory_space<semaphore_mem>>)
        %dma_wait3A_98 = arith.constant 0 : i32
        %dma_wait3A_99 = arith.constant 0 : i32
        %dma_wait3A_100 = tpu.memref_slice %arg9[%dma_wait3A_98, %dma_wait3A_99] : memref<128x128xf32, #tpu.memory_space<vmem>> -> memref<128x128xf32, #tpu.memory_space<vmem>>
        %dma_wait3A_101 = arith.constant 0 : i32
        %dma_wait3A_102 = tpu.memref_slice %arg6[%add3A_49, %dma_wait3A_101] : memref<160000x128xf32, #tpu.memory_space<hbm>> -> memref<128x128xf32, #tpu.memory_space<hbm>>
        %dma_wait3A_103 = arith.constant 0 : i32
        %dma_wait3A_104 = tpu.memref_slice %arg6[%add3A_49, %dma_wait3A_103] : memref<160000x128xf32, #tpu.memory_space<hbm>> -> memref<128x128xf32, #tpu.memory_space<hbm>>
        %dma_wait3A_105 = arith.constant 0 : i32
        %dma_wait3A_106 = arith.constant 0 : i32
        %dma_wait3A_107 = tpu.memref_slice %arg9[%dma_wait3A_105, %dma_wait3A_106] : memref<128x128xf32, #tpu.memory_space<vmem>> -> memref<128x128xf32, #tpu.memory_space<vmem>>
        tpu.wait_dma2 semaphore(%run_scoped3A : memref<!tpu.dma_semaphore, #tpu.memory_space<semaphore_mem>>) src(%dma_wait3A_107 : memref<128x128xf32, #tpu.memory_space<vmem>>) dst(%dma_wait3A_104 : memref<128x128xf32, #tpu.memory_space<hbm>>)
        tpu.yield
      }) : () -> ()
    }
    %scan3A_7 = arith.constant 39 : i32
    %add3A_8 = arith.constant 4992 : i32
    %add3A_9 = arith.addi %mul3A_2, %add3A_8 : i32
    "tpu.region"() ({
      %run_scoped3A = tpu.sem_alloc : memref<!tpu.dma_semaphore, #tpu.memory_space<semaphore_mem>>
      %dma_start3A_46 = arith.constant 0 : i32
      %dma_start3A_47 = tpu.memref_slice %arg7[%dma_start3A_46] : memref<128xi32, #tpu.memory_space<vmem>> -> memref<8xi32, #tpu.memory_space<vmem>>
      %dma_start3A_48 = tpu.memref_slice %arg4[%add3A_9] : memref<160000xi32, #tpu.memory_space<hbm>> -> memref<8xi32, #tpu.memory_space<hbm>>
      %dma_start3A_49 = arith.constant 0 : i32
      %dma_start3A_50 = tpu.memref_slice %arg7[%dma_start3A_49] : memref<128xi32, #tpu.memory_space<vmem>> -> memref<8xi32, #tpu.memory_space<vmem>>
      %dma_start3A_51 = tpu.memref_slice %arg4[%add3A_9] : memref<160000xi32, #tpu.memory_space<hbm>> -> memref<8xi32, #tpu.memory_space<hbm>>
      tpu.enqueue_dma source(%dma_start3A_51 : memref<8xi32, #tpu.memory_space<hbm>>) target(%dma_start3A_50 : memref<8xi32, #tpu.memory_space<vmem>>) target_semaphore(%run_scoped3A : memref<!tpu.dma_semaphore, #tpu.memory_space<semaphore_mem>>)
      %dma_wait3A_52 = arith.constant 0 : i32
      %dma_wait3A_53 = tpu.memref_slice %arg7[%dma_wait3A_52] : memref<128xi32, #tpu.memory_space<vmem>> -> memref<8xi32, #tpu.memory_space<vmem>>
      %dma_wait3A_54 = tpu.memref_slice %arg4[%add3A_9] : memref<160000xi32, #tpu.memory_space<hbm>> -> memref<8xi32, #tpu.memory_space<hbm>>
      %dma_wait3A_55 = arith.constant 0 : i32
      %dma_wait3A_56 = tpu.memref_slice %arg7[%dma_wait3A_55] : memref<128xi32, #tpu.memory_space<vmem>> -> memref<8xi32, #tpu.memory_space<vmem>>
      %dma_wait3A_57 = tpu.memref_slice %arg4[%add3A_9] : memref<160000xi32, #tpu.memory_space<hbm>> -> memref<8xi32, #tpu.memory_space<hbm>>
      tpu.wait_dma2 semaphore(%run_scoped3A : memref<!tpu.dma_semaphore, #tpu.memory_space<semaphore_mem>>) src(%dma_wait3A_57 : memref<8xi32, #tpu.memory_space<hbm>>) dst(%dma_wait3A_56 : memref<8xi32, #tpu.memory_space<vmem>>)
      tpu.yield
    }) : () -> ()
    "tpu.region"() ({
      %run_scoped3A = tpu.sem_alloc : memref<!tpu.dma_semaphore, #tpu.memory_space<semaphore_mem>>
      %dma_start3A_46 = arith.constant 0 : i32
      %dma_start3A_47 = tpu.memref_slice %arg8[%dma_start3A_46] : memref<128xi32, #tpu.memory_space<vmem>> -> memref<8xi32, #tpu.memory_space<vmem>>
      %dma_start3A_48 = tpu.memref_slice %arg5[%add3A_9] : memref<160000xi32, #tpu.memory_space<hbm>> -> memref<8xi32, #tpu.memory_space<hbm>>
      %dma_start3A_49 = arith.constant 0 : i32
      %dma_start3A_50 = tpu.memref_slice %arg8[%dma_start3A_49] : memref<128xi32, #tpu.memory_space<vmem>> -> memref<8xi32, #tpu.memory_space<vmem>>
      %dma_start3A_51 = tpu.memref_slice %arg5[%add3A_9] : memref<160000xi32, #tpu.memory_space<hbm>> -> memref<8xi32, #tpu.memory_space<hbm>>
      tpu.enqueue_dma source(%dma_start3A_51 : memref<8xi32, #tpu.memory_space<hbm>>) target(%dma_start3A_50 : memref<8xi32, #tpu.memory_space<vmem>>) target_semaphore(%run_scoped3A : memref<!tpu.dma_semaphore, #tpu.memory_space<semaphore_mem>>)
      %dma_wait3A_52 = arith.constant 0 : i32
      %dma_wait3A_53 = tpu.memref_slice %arg8[%dma_wait3A_52] : memref<128xi32, #tpu.memory_space<vmem>> -> memref<8xi32, #tpu.memory_space<vmem>>
      %dma_wait3A_54 = tpu.memref_slice %arg5[%add3A_9] : memref<160000xi32, #tpu.memory_space<hbm>> -> memref<8xi32, #tpu.memory_space<hbm>>
      %dma_wait3A_55 = arith.constant 0 : i32
      %dma_wait3A_56 = tpu.memref_slice %arg8[%dma_wait3A_55] : memref<128xi32, #tpu.memory_space<vmem>> -> memref<8xi32, #tpu.memory_space<vmem>>
      %dma_wait3A_57 = tpu.memref_slice %arg5[%add3A_9] : memref<160000xi32, #tpu.memory_space<hbm>> -> memref<8xi32, #tpu.memory_space<hbm>>
      tpu.wait_dma2 semaphore(%run_scoped3A : memref<!tpu.dma_semaphore, #tpu.memory_space<semaphore_mem>>) src(%dma_wait3A_57 : memref<8xi32, #tpu.memory_space<hbm>>) dst(%dma_wait3A_56 : memref<8xi32, #tpu.memory_space<vmem>>)
      tpu.yield
    }) : () -> ()
    %dma_start3A = arith.constant 0 : i32
    %dma_start3A_10 = arith.constant 0 : i32
    %dma_start3A_11 = tpu.memref_slice %arg9[%dma_start3A, %dma_start3A_10] : memref<128x128xf32, #tpu.memory_space<vmem>> -> memref<8x128xf32, #tpu.memory_space<vmem>>
    %dma_start3A_12 = arith.constant 0 : i32
    %dma_start3A_13 = tpu.memref_slice %arg7[%dma_start3A_12] : memref<128xi32, #tpu.memory_space<vmem>> -> memref<8xi32, #tpu.memory_space<vmem>>
    %dma_start3A_14 = arith.constant 0 : i32
    %dma_start3A_15 = arith.constant 0 : i32
    %dma_start3A_16 = tpu.memref_slice %arg2[%dma_start3A_14, %dma_start3A_15] : memref<10000x128xf32, #tpu.memory_space<hbm>> -> memref<10000x128xf32, #tpu.memory_space<hbm>>
    tpu.enqueue_indirect_dma source(%dma_start3A_16 : memref<10000x128xf32, #tpu.memory_space<hbm>>) target(%dma_start3A_11 : memref<8x128xf32, #tpu.memory_space<vmem>>) offsets(%dma_start3A_13 : memref<8xi32, #tpu.memory_space<vmem>>) semaphore(%arg11 : memref<!tpu.dma_semaphore, #tpu.memory_space<semaphore_mem>>)
    %dma_start3A_17 = arith.constant 0 : i32
    %dma_start3A_18 = arith.constant 0 : i32
    %dma_start3A_19 = tpu.memref_slice %arg10[%dma_start3A_17, %dma_start3A_18] : memref<128x128xf32, #tpu.memory_space<vmem>> -> memref<8x128xf32, #tpu.memory_space<vmem>>
    %dma_start3A_20 = arith.constant 0 : i32
    %dma_start3A_21 = tpu.memref_slice %arg8[%dma_start3A_20] : memref<128xi32, #tpu.memory_space<vmem>> -> memref<8xi32, #tpu.memory_space<vmem>>
    %dma_start3A_22 = arith.constant 0 : i32
    %dma_start3A_23 = arith.constant 0 : i32
    %dma_start3A_24 = tpu.memref_slice %arg3[%dma_start3A_22, %dma_start3A_23] : memref<10000x128xf32, #tpu.memory_space<hbm>> -> memref<10000x128xf32, #tpu.memory_space<hbm>>
    tpu.enqueue_indirect_dma source(%dma_start3A_24 : memref<10000x128xf32, #tpu.memory_space<hbm>>) target(%dma_start3A_19 : memref<8x128xf32, #tpu.memory_space<vmem>>) offsets(%dma_start3A_21 : memref<8xi32, #tpu.memory_space<vmem>>) semaphore(%arg12 : memref<!tpu.dma_semaphore, #tpu.memory_space<semaphore_mem>>)
    %dma_wait3A = arith.constant 0 : i32
    %dma_wait3A_25 = arith.constant 0 : i32
    %dma_wait3A_26 = tpu.memref_slice %arg9[%dma_wait3A, %dma_wait3A_25] : memref<128x128xf32, #tpu.memory_space<vmem>> -> memref<8x128xf32, #tpu.memory_space<vmem>>
    %dma_wait3A_27 = arith.constant 0 : i32
    %dma_wait3A_28 = tpu.memref_slice %arg7[%dma_wait3A_27] : memref<128xi32, #tpu.memory_space<vmem>> -> memref<8xi32, #tpu.memory_space<vmem>>
    %dma_wait3A_29 = arith.constant 0 : i32
    %dma_wait3A_30 = arith.constant 0 : i32
    %dma_wait3A_31 = tpu.memref_slice %arg2[%dma_wait3A_29, %dma_wait3A_30] : memref<10000x128xf32, #tpu.memory_space<hbm>> -> memref<10000x128xf32, #tpu.memory_space<hbm>>
    tpu.wait_indirect_dma semaphore(%arg11 : memref<!tpu.dma_semaphore, #tpu.memory_space<semaphore_mem>>) src(%dma_wait3A_31 : memref<10000x128xf32, #tpu.memory_space<hbm>>) dst(%dma_wait3A_26 : memref<8x128xf32, #tpu.memory_space<vmem>>)
    %dma_wait3A_32 = arith.constant 0 : i32
    %dma_wait3A_33 = arith.constant 0 : i32
    %dma_wait3A_34 = tpu.memref_slice %arg10[%dma_wait3A_32, %dma_wait3A_33] : memref<128x128xf32, #tpu.memory_space<vmem>> -> memref<8x128xf32, #tpu.memory_space<vmem>>
    %dma_wait3A_35 = arith.constant 0 : i32
    %dma_wait3A_36 = tpu.memref_slice %arg8[%dma_wait3A_35] : memref<128xi32, #tpu.memory_space<vmem>> -> memref<8xi32, #tpu.memory_space<vmem>>
    %dma_wait3A_37 = arith.constant 0 : i32
    %dma_wait3A_38 = arith.constant 0 : i32
    %dma_wait3A_39 = tpu.memref_slice %arg3[%dma_wait3A_37, %dma_wait3A_38] : memref<10000x128xf32, #tpu.memory_space<hbm>> -> memref<10000x128xf32, #tpu.memory_space<hbm>>
    tpu.wait_indirect_dma semaphore(%arg12 : memref<!tpu.dma_semaphore, #tpu.memory_space<semaphore_mem>>) src(%dma_wait3A_39 : memref<10000x128xf32, #tpu.memory_space<hbm>>) dst(%dma_wait3A_34 : memref<8x128xf32, #tpu.memory_space<vmem>>)
    %scan3A_40 = arith.constant 0 : i32
    %scan3A_41 = arith.constant 0 : i32
    %scan3A_42 = arith.constant 8 : i32
    %scan3A_43 = arith.addi %scan3A_41, %scan3A_42 : i32
    %scan3A_44 = arith.constant 1 : i32
    scf.for %scan3A_46 = %scan3A_41 to %scan3A_43 step %scan3A_44  : i32 {
      %get3A = arith.index_cast %scan3A_46 : i32 to index
      %get3A_47 = arith.constant 0 : index
      %get3A_48 = tpu.vector_load %arg9[%get3A, %get3A_47] {strides = array<i32>} : memref<128x128xf32, #tpu.memory_space<vmem>>, vector<1x16xf32>,
      %get3A_49 = vector.shape_cast %get3A_48 : vector<1x16xf32> to vector<16xf32>
      %get3A_50 = arith.index_cast %scan3A_46 : i32 to index
      %get3A_51 = arith.constant 0 : index
      %get3A_52 = tpu.vector_load %arg10[%get3A_50, %get3A_51] {strides = array<i32>} : memref<128x128xf32, #tpu.memory_space<vmem>>, vector<1x16xf32>,
      %get3A_53 = vector.shape_cast %get3A_52 : vector<1x16xf32> to vector<16xf32>
      %add3A_54 = arith.addf %get3A_49, %get3A_53 : vector<16xf32>
      %swap3A = arith.index_cast %scan3A_46 : i32 to index
      %swap3A_55 = arith.constant 0 : index
      %swap3A_56 = tpu.vector_load %arg9[%swap3A, %swap3A_55] {strides = array<i32>} : memref<128x128xf32, #tpu.memory_space<vmem>>, vector<1x16xf32>,
      %swap3A_57 = vector.shape_cast %swap3A_56 : vector<1x16xf32> to vector<16xf32>
      %swap3A_58 = vector.shape_cast %add3A_54 : vector<16xf32> to vector<1x16xf32>
      tpu.vector_store %arg9[%swap3A, %swap3A_55], %swap3A_58 {strides = array<i32>} : memref<128x128xf32, #tpu.memory_space<vmem>>, vector<1x16xf32>,
      %get3A_59 = arith.index_cast %scan3A_46 : i32 to index
      %get3A_60 = arith.constant 16 : index
      %get3A_61 = tpu.vector_load %arg9[%get3A_59, %get3A_60] {strides = array<i32>} : memref<128x128xf32, #tpu.memory_space<vmem>>, vector<1x16xf32>,
      %get3A_62 = vector.shape_cast %get3A_61 : vector<1x16xf32> to vector<16xf32>
      %get3A_63 = arith.index_cast %scan3A_46 : i32 to index
      %get3A_64 = arith.constant 16 : index
      %get3A_65 = tpu.vector_load %arg10[%get3A_63, %get3A_64] {strides = array<i32>} : memref<128x128xf32, #tpu.memory_space<vmem>>, vector<1x16xf32>,
      %get3A_66 = vector.shape_cast %get3A_65 : vector<1x16xf32> to vector<16xf32>
      %add3A_67 = arith.addf %get3A_62, %get3A_66 : vector<16xf32>
      %swap3A_68 = arith.index_cast %scan3A_46 : i32 to index
      %swap3A_69 = arith.constant 16 : index
      %swap3A_70 = tpu.vector_load %arg9[%swap3A_68, %swap3A_69] {strides = array<i32>} : memref<128x128xf32, #tpu.memory_space<vmem>>, vector<1x16xf32>,
      %swap3A_71 = vector.shape_cast %swap3A_70 : vector<1x16xf32> to vector<16xf32>
      %swap3A_72 = vector.shape_cast %add3A_67 : vector<16xf32> to vector<1x16xf32>
      tpu.vector_store %arg9[%swap3A_68, %swap3A_69], %swap3A_72 {strides = array<i32>} : memref<128x128xf32, #tpu.memory_space<vmem>>, vector<1x16xf32>,
      %get3A_73 = arith.index_cast %scan3A_46 : i32 to index
      %get3A_74 = arith.constant 32 : index
      %get3A_75 = tpu.vector_load %arg9[%get3A_73, %get3A_74] {strides = array<i32>} : memref<128x128xf32, #tpu.memory_space<vmem>>, vector<1x16xf32>,
      %get3A_76 = vector.shape_cast %get3A_75 : vector<1x16xf32> to vector<16xf32>
      %get3A_77 = arith.index_cast %scan3A_46 : i32 to index
      %get3A_78 = arith.constant 32 : index
      %get3A_79 = tpu.vector_load %arg10[%get3A_77, %get3A_78] {strides = array<i32>} : memref<128x128xf32, #tpu.memory_space<vmem>>, vector<1x16xf32>,
      %get3A_80 = vector.shape_cast %get3A_79 : vector<1x16xf32> to vector<16xf32>
      %add3A_81 = arith.addf %get3A_76, %get3A_80 : vector<16xf32>
      %swap3A_82 = arith.index_cast %scan3A_46 : i32 to index
      %swap3A_83 = arith.constant 32 : index
      %swap3A_84 = tpu.vector_load %arg9[%swap3A_82, %swap3A_83] {strides = array<i32>} : memref<128x128xf32, #tpu.memory_space<vmem>>, vector<1x16xf32>,
      %swap3A_85 = vector.shape_cast %swap3A_84 : vector<1x16xf32> to vector<16xf32>
      %swap3A_86 = vector.shape_cast %add3A_81 : vector<16xf32> to vector<1x16xf32>
      tpu.vector_store %arg9[%swap3A_82, %swap3A_83], %swap3A_86 {strides = array<i32>} : memref<128x128xf32, #tpu.memory_space<vmem>>, vector<1x16xf32>,
      %get3A_87 = arith.index_cast %scan3A_46 : i32 to index
      %get3A_88 = arith.constant 48 : index
      %get3A_89 = tpu.vector_load %arg9[%get3A_87, %get3A_88] {strides = array<i32>} : memref<128x128xf32, #tpu.memory_space<vmem>>, vector<1x16xf32>,
      %get3A_90 = vector.shape_cast %get3A_89 : vector<1x16xf32> to vector<16xf32>
      %get3A_91 = arith.index_cast %scan3A_46 : i32 to index
      %get3A_92 = arith.constant 48 : index
      %get3A_93 = tpu.vector_load %arg10[%get3A_91, %get3A_92] {strides = array<i32>} : memref<128x128xf32, #tpu.memory_space<vmem>>, vector<1x16xf32>,
      %get3A_94 = vector.shape_cast %get3A_93 : vector<1x16xf32> to vector<16xf32>
      %add3A_95 = arith.addf %get3A_90, %get3A_94 : vector<16xf32>
      %swap3A_96 = arith.index_cast %scan3A_46 : i32 to index
      %swap3A_97 = arith.constant 48 : index
      %swap3A_98 = tpu.vector_load %arg9[%swap3A_96, %swap3A_97] {strides = array<i32>} : memref<128x128xf32, #tpu.memory_space<vmem>>, vector<1x16xf32>,
      %swap3A_99 = vector.shape_cast %swap3A_98 : vector<1x16xf32> to vector<16xf32>
      %swap3A_100 = vector.shape_cast %add3A_95 : vector<16xf32> to vector<1x16xf32>
      tpu.vector_store %arg9[%swap3A_96, %swap3A_97], %swap3A_100 {strides = array<i32>} : memref<128x128xf32, #tpu.memory_space<vmem>>, vector<1x16xf32>,
      %get3A_101 = arith.index_cast %scan3A_46 : i32 to index
      %get3A_102 = arith.constant 64 : index
      %get3A_103 = tpu.vector_load %arg9[%get3A_101, %get3A_102] {strides = array<i32>} : memref<128x128xf32, #tpu.memory_space<vmem>>, vector<1x16xf32>,
      %get3A_104 = vector.shape_cast %get3A_103 : vector<1x16xf32> to vector<16xf32>
      %get3A_105 = arith.index_cast %scan3A_46 : i32 to index
      %get3A_106 = arith.constant 64 : index
      %get3A_107 = tpu.vector_load %arg10[%get3A_105, %get3A_106] {strides = array<i32>} : memref<128x128xf32, #tpu.memory_space<vmem>>, vector<1x16xf32>,
      %get3A_108 = vector.shape_cast %get3A_107 : vector<1x16xf32> to vector<16xf32>
      %add3A_109 = arith.addf %get3A_104, %get3A_108 : vector<16xf32>
      %swap3A_110 = arith.index_cast %scan3A_46 : i32 to index
      %swap3A_111 = arith.constant 64 : index
      %swap3A_112 = tpu.vector_load %arg9[%swap3A_110, %swap3A_111] {strides = array<i32>} : memref<128x128xf32, #tpu.memory_space<vmem>>, vector<1x16xf32>,
      %swap3A_113 = vector.shape_cast %swap3A_112 : vector<1x16xf32> to vector<16xf32>
      %swap3A_114 = vector.shape_cast %add3A_109 : vector<16xf32> to vector<1x16xf32>
      tpu.vector_store %arg9[%swap3A_110, %swap3A_111], %swap3A_114 {strides = array<i32>} : memref<128x128xf32, #tpu.memory_space<vmem>>, vector<1x16xf32>,
      %get3A_115 = arith.index_cast %scan3A_46 : i32 to index
      %get3A_116 = arith.constant 80 : index
      %get3A_117 = tpu.vector_load %arg9[%get3A_115, %get3A_116] {strides = array<i32>} : memref<128x128xf32, #tpu.memory_space<vmem>>, vector<1x16xf32>,
      %get3A_118 = vector.shape_cast %get3A_117 : vector<1x16xf32> to vector<16xf32>
      %get3A_119 = arith.index_cast %scan3A_46 : i32 to index
      %get3A_120 = arith.constant 80 : index
      %get3A_121 = tpu.vector_load %arg10[%get3A_119, %get3A_120] {strides = array<i32>} : memref<128x128xf32, #tpu.memory_space<vmem>>, vector<1x16xf32>,
      %get3A_122 = vector.shape_cast %get3A_121 : vector<1x16xf32> to vector<16xf32>
      %add3A_123 = arith.addf %get3A_118, %get3A_122 : vector<16xf32>
      %swap3A_124 = arith.index_cast %scan3A_46 : i32 to index
      %swap3A_125 = arith.constant 80 : index
      %swap3A_126 = tpu.vector_load %arg9[%swap3A_124, %swap3A_125] {strides = array<i32>} : memref<128x128xf32, #tpu.memory_space<vmem>>, vector<1x16xf32>,
      %swap3A_127 = vector.shape_cast %swap3A_126 : vector<1x16xf32> to vector<16xf32>
      %swap3A_128 = vector.shape_cast %add3A_123 : vector<16xf32> to vector<1x16xf32>
      tpu.vector_store %arg9[%swap3A_124, %swap3A_125], %swap3A_128 {strides = array<i32>} : memref<128x128xf32, #tpu.memory_space<vmem>>, vector<1x16xf32>,
      %get3A_129 = arith.index_cast %scan3A_46 : i32 to index
      %get3A_130 = arith.constant 96 : index
      %get3A_131 = tpu.vector_load %arg9[%get3A_129, %get3A_130] {strides = array<i32>} : memref<128x128xf32, #tpu.memory_space<vmem>>, vector<1x16xf32>,
      %get3A_132 = vector.shape_cast %get3A_131 : vector<1x16xf32> to vector<16xf32>
      %get3A_133 = arith.index_cast %scan3A_46 : i32 to index
      %get3A_134 = arith.constant 96 : index
      %get3A_135 = tpu.vector_load %arg10[%get3A_133, %get3A_134] {strides = array<i32>} : memref<128x128xf32, #tpu.memory_space<vmem>>, vector<1x16xf32>,
      %get3A_136 = vector.shape_cast %get3A_135 : vector<1x16xf32> to vector<16xf32>
      %add3A_137 = arith.addf %get3A_132, %get3A_136 : vector<16xf32>
      %swap3A_138 = arith.index_cast %scan3A_46 : i32 to index
      %swap3A_139 = arith.constant 96 : index
      %swap3A_140 = tpu.vector_load %arg9[%swap3A_138, %swap3A_139] {strides = array<i32>} : memref<128x128xf32, #tpu.memory_space<vmem>>, vector<1x16xf32>,
      %swap3A_141 = vector.shape_cast %swap3A_140 : vector<1x16xf32> to vector<16xf32>
      %swap3A_142 = vector.shape_cast %add3A_137 : vector<16xf32> to vector<1x16xf32>
      tpu.vector_store %arg9[%swap3A_138, %swap3A_139], %swap3A_142 {strides = array<i32>} : memref<128x128xf32, #tpu.memory_space<vmem>>, vector<1x16xf32>,
      %get3A_143 = arith.index_cast %scan3A_46 : i32 to index
      %get3A_144 = arith.constant 112 : index
      %get3A_145 = tpu.vector_load %arg9[%get3A_143, %get3A_144] {strides = array<i32>} : memref<128x128xf32, #tpu.memory_space<vmem>>, vector<1x16xf32>,
      %get3A_146 = vector.shape_cast %get3A_145 : vector<1x16xf32> to vector<16xf32>
      %get3A_147 = arith.index_cast %scan3A_46 : i32 to index
      %get3A_148 = arith.constant 112 : index
      %get3A_149 = tpu.vector_load %arg10[%get3A_147, %get3A_148] {strides = array<i32>} : memref<128x128xf32, #tpu.memory_space<vmem>>, vector<1x16xf32>,
      %get3A_150 = vector.shape_cast %get3A_149 : vector<1x16xf32> to vector<16xf32>
      %add3A_151 = arith.addf %get3A_146, %get3A_150 : vector<16xf32>
      %swap3A_152 = arith.index_cast %scan3A_46 : i32 to index
      %swap3A_153 = arith.constant 112 : index
      %swap3A_154 = tpu.vector_load %arg9[%swap3A_152, %swap3A_153] {strides = array<i32>} : memref<128x128xf32, #tpu.memory_space<vmem>>, vector<1x16xf32>,
      %swap3A_155 = vector.shape_cast %swap3A_154 : vector<1x16xf32> to vector<16xf32>
      %swap3A_156 = vector.shape_cast %add3A_151 : vector<16xf32> to vector<1x16xf32>
      tpu.vector_store %arg9[%swap3A_152, %swap3A_153], %swap3A_156 {strides = array<i32>} : memref<128x128xf32, #tpu.memory_space<vmem>>, vector<1x16xf32>,
    }
    %scan3A_45 = arith.constant 8 : i32
    "tpu.region"() ({
      %run_scoped3A = tpu.sem_alloc : memref<!tpu.dma_semaphore, #tpu.memory_space<semaphore_mem>>
      %dma_start3A_46 = arith.constant 0 : i32
      %dma_start3A_47 = arith.constant 0 : i32
      %dma_start3A_48 = tpu.memref_slice %arg9[%dma_start3A_46, %dma_start3A_47] : memref<128x128xf32, #tpu.memory_space<vmem>> -> memref<8x128xf32, #tpu.memory_space<vmem>>
      %dma_start3A_49 = arith.constant 0 : i32
      %dma_start3A_50 = tpu.memref_slice %arg6[%add3A_9, %dma_start3A_49] : memref<160000x128xf32, #tpu.memory_space<hbm>> -> memref<8x128xf32, #tpu.memory_space<hbm>>
      %dma_start3A_51 = arith.constant 0 : i32
      %dma_start3A_52 = tpu.memref_slice %arg6[%add3A_9, %dma_start3A_51] : memref<160000x128xf32, #tpu.memory_space<hbm>> -> memref<8x128xf32, #tpu.memory_space<hbm>>
      %dma_start3A_53 = arith.constant 0 : i32
      %dma_start3A_54 = arith.constant 0 : i32
      %dma_start3A_55 = tpu.memref_slice %arg9[%dma_start3A_53, %dma_start3A_54] : memref<128x128xf32, #tpu.memory_space<vmem>> -> memref<8x128xf32, #tpu.memory_space<vmem>>
      tpu.enqueue_dma source(%dma_start3A_55 : memref<8x128xf32, #tpu.memory_space<vmem>>) target(%dma_start3A_52 : memref<8x128xf32, #tpu.memory_space<hbm>>) target_semaphore(%run_scoped3A : memref<!tpu.dma_semaphore, #tpu.memory_space<semaphore_mem>>)
      %dma_wait3A_56 = arith.constant 0 : i32
      %dma_wait3A_57 = arith.constant 0 : i32
      %dma_wait3A_58 = tpu.memref_slice %arg9[%dma_wait3A_56, %dma_wait3A_57] : memref<128x128xf32, #tpu.memory_space<vmem>> -> memref<8x128xf32, #tpu.memory_space<vmem>>
      %dma_wait3A_59 = arith.constant 0 : i32
      %dma_wait3A_60 = tpu.memref_slice %arg6[%add3A_9, %dma_wait3A_59] : memref<160000x128xf32, #tpu.memory_space<hbm>> -> memref<8x128xf32, #tpu.memory_space<hbm>>
      %dma_wait3A_61 = arith.constant 0 : i32
      %dma_wait3A_62 = tpu.memref_slice %arg6[%add3A_9, %dma_wait3A_61] : memref<160000x128xf32, #tpu.memory_space<hbm>> -> memref<8x128xf32, #tpu.memory_space<hbm>>
      %dma_wait3A_63 = arith.constant 0 : i32
      %dma_wait3A_64 = arith.constant 0 : i32
      %dma_wait3A_65 = tpu.memref_slice %arg9[%dma_wait3A_63, %dma_wait3A_64] : memref<128x128xf32, #tpu.memory_space<vmem>> -> memref<8x128xf32, #tpu.memory_space<vmem>>
      tpu.wait_dma2 semaphore(%run_scoped3A : memref<!tpu.dma_semaphore, #tpu.memory_space<semaphore_mem>>) src(%dma_wait3A_65 : memref<8x128xf32, #tpu.memory_space<vmem>>) dst(%dma_wait3A_62 : memref<8x128xf32, #tpu.memory_space<hbm>>)
      tpu.yield
    }) : () -> ()
    return
  }
}

#map = affine_map<(d0, d1) -> (0, 0)>
#map1 = affine_map<(d0, d1) -> (0)>
#map2 = affine_map<(d0, d1) -> (0, 0, 0)>
module attributes {stable_mosaic.version = 14 : i64} {
  func.func @k(%arg0: i32, %arg1: i32, %arg2: memref<160000x128xf32, #tpu.memory_space<hbm>>, %arg3: memref<160000xf32, #tpu.memory_space<hbm>>, %arg4: memref<160000xi32, #tpu.memory_space<hbm>>, %arg5: memref<128x128xf32, #tpu.memory_space<hbm>>, %arg6: memref<2x10240x128xf32, #tpu.memory_space<hbm>>, %arg7: memref<2x16x10240xf32, #tpu.memory_space<hbm>>, %arg8: memref<128xi32, #tpu.memory_space<vmem>>, %arg9: memref<16xi32, #tpu.memory_space<vmem>>, %arg10: memref<128x128xf32, #tpu.memory_space<vmem>>, %arg11: memref<16x128xf32, #tpu.memory_space<vmem>>, %arg12: memref<128xf32, #tpu.memory_space<vmem>>, %arg13: memref<10240xf32, #tpu.memory_space<vmem>>, %arg14: memref<10240x128xf32, #tpu.memory_space<vmem_shared>>) attributes {dimension_semantics = [#tpu.dimension_semantics<core_parallel>, #tpu.dimension_semantics<subcore_parallel>], iteration_bounds = array<i64: 2, 16>, scalar_prefetch = 0 : i64, scratch_operands = 7 : i64, tpu.core_type = #tpu.core_type<sc_vector_subcore>, window_params = [{transform_indices = #map}, {transform_indices = #map1}, {transform_indices = #map1}, {transform_indices = #map}, {transform_indices = #map2}, {transform_indices = #map2}]} {
    %mul3A = arith.constant 2 : i32
    %mul3A_0 = arith.muli %arg1, %mul3A : i32
    %add3A = arith.addi %mul3A_0, %arg0 : i32
    %mul3A_1 = arith.constant 5000 : i32
    %mul3A_2 = arith.muli %add3A, %mul3A_1 : i32
    %broadcast_in_dim3A = arith.constant 0.000000e+00 : f32
    %broadcast_in_dim3A_3 = vector.broadcast %broadcast_in_dim3A : f32 to vector<16xf32>
    %mul3A_4 = arith.constant 640 : i32
    %mul3A_5 = arith.muli %arg1, %mul3A_4 : i32
    %add3A_6 = arith.constant 0 : i32
    %add3A_7 = arith.addi %mul3A_5, %add3A_6 : i32
    "tpu.region"() ({
      %run_scoped3A = tpu.sem_alloc : memref<!tpu.dma_semaphore, #tpu.memory_space<semaphore_mem>>
      %dma_start3A = arith.constant 0 : i32
      %dma_start3A_51 = tpu.memref_slice %arg14[%add3A_7, %dma_start3A] : memref<10240x128xf32, #tpu.memory_space<vmem_shared>> -> memref<128x128xf32, #tpu.memory_space<vmem_shared>>
      tpu.enqueue_dma source(%arg5 : memref<128x128xf32, #tpu.memory_space<hbm>>) target(%dma_start3A_51 : memref<128x128xf32, #tpu.memory_space<vmem_shared>>) target_semaphore(%run_scoped3A : memref<!tpu.dma_semaphore, #tpu.memory_space<semaphore_mem>>)
      %dma_wait3A = arith.constant 0 : i32
      %dma_wait3A_52 = tpu.memref_slice %arg14[%add3A_7, %dma_wait3A] : memref<10240x128xf32, #tpu.memory_space<vmem_shared>> -> memref<128x128xf32, #tpu.memory_space<vmem_shared>>
      tpu.wait_dma2 semaphore(%run_scoped3A : memref<!tpu.dma_semaphore, #tpu.memory_space<semaphore_mem>>) src(%arg5 : memref<128x128xf32, #tpu.memory_space<hbm>>) dst(%dma_wait3A_52 : memref<128x128xf32, #tpu.memory_space<vmem_shared>>)
      tpu.yield
    }) : () -> ()
    %mul3A_8 = arith.constant 640 : i32
    %mul3A_9 = arith.muli %arg1, %mul3A_8 : i32
    %add3A_10 = arith.constant 128 : i32
    %add3A_11 = arith.addi %mul3A_9, %add3A_10 : i32
    "tpu.region"() ({
      %run_scoped3A = tpu.sem_alloc : memref<!tpu.dma_semaphore, #tpu.memory_space<semaphore_mem>>
      %dma_start3A = arith.constant 0 : i32
      %dma_start3A_51 = tpu.memref_slice %arg14[%add3A_11, %dma_start3A] : memref<10240x128xf32, #tpu.memory_space<vmem_shared>> -> memref<128x128xf32, #tpu.memory_space<vmem_shared>>
      tpu.enqueue_dma source(%arg5 : memref<128x128xf32, #tpu.memory_space<hbm>>) target(%dma_start3A_51 : memref<128x128xf32, #tpu.memory_space<vmem_shared>>) target_semaphore(%run_scoped3A : memref<!tpu.dma_semaphore, #tpu.memory_space<semaphore_mem>>)
      %dma_wait3A = arith.constant 0 : i32
      %dma_wait3A_52 = tpu.memref_slice %arg14[%add3A_11, %dma_wait3A] : memref<10240x128xf32, #tpu.memory_space<vmem_shared>> -> memref<128x128xf32, #tpu.memory_space<vmem_shared>>
      tpu.wait_dma2 semaphore(%run_scoped3A : memref<!tpu.dma_semaphore, #tpu.memory_space<semaphore_mem>>) src(%arg5 : memref<128x128xf32, #tpu.memory_space<hbm>>) dst(%dma_wait3A_52 : memref<128x128xf32, #tpu.memory_space<vmem_shared>>)
      tpu.yield
    }) : () -> ()
    %mul3A_12 = arith.constant 640 : i32
    %mul3A_13 = arith.muli %arg1, %mul3A_12 : i32
    %add3A_14 = arith.constant 256 : i32
    %add3A_15 = arith.addi %mul3A_13, %add3A_14 : i32
    "tpu.region"() ({
      %run_scoped3A = tpu.sem_alloc : memref<!tpu.dma_semaphore, #tpu.memory_space<semaphore_mem>>
      %dma_start3A = arith.constant 0 : i32
      %dma_start3A_51 = tpu.memref_slice %arg14[%add3A_15, %dma_start3A] : memref<10240x128xf32, #tpu.memory_space<vmem_shared>> -> memref<128x128xf32, #tpu.memory_space<vmem_shared>>
      tpu.enqueue_dma source(%arg5 : memref<128x128xf32, #tpu.memory_space<hbm>>) target(%dma_start3A_51 : memref<128x128xf32, #tpu.memory_space<vmem_shared>>) target_semaphore(%run_scoped3A : memref<!tpu.dma_semaphore, #tpu.memory_space<semaphore_mem>>)
      %dma_wait3A = arith.constant 0 : i32
      %dma_wait3A_52 = tpu.memref_slice %arg14[%add3A_15, %dma_wait3A] : memref<10240x128xf32, #tpu.memory_space<vmem_shared>> -> memref<128x128xf32, #tpu.memory_space<vmem_shared>>
      tpu.wait_dma2 semaphore(%run_scoped3A : memref<!tpu.dma_semaphore, #tpu.memory_space<semaphore_mem>>) src(%arg5 : memref<128x128xf32, #tpu.memory_space<hbm>>) dst(%dma_wait3A_52 : memref<128x128xf32, #tpu.memory_space<vmem_shared>>)
      tpu.yield
    }) : () -> ()
    %mul3A_16 = arith.constant 640 : i32
    %mul3A_17 = arith.muli %arg1, %mul3A_16 : i32
    %add3A_18 = arith.constant 384 : i32
    %add3A_19 = arith.addi %mul3A_17, %add3A_18 : i32
    "tpu.region"() ({
      %run_scoped3A = tpu.sem_alloc : memref<!tpu.dma_semaphore, #tpu.memory_space<semaphore_mem>>
      %dma_start3A = arith.constant 0 : i32
      %dma_start3A_51 = tpu.memref_slice %arg14[%add3A_19, %dma_start3A] : memref<10240x128xf32, #tpu.memory_space<vmem_shared>> -> memref<128x128xf32, #tpu.memory_space<vmem_shared>>
      tpu.enqueue_dma source(%arg5 : memref<128x128xf32, #tpu.memory_space<hbm>>) target(%dma_start3A_51 : memref<128x128xf32, #tpu.memory_space<vmem_shared>>) target_semaphore(%run_scoped3A : memref<!tpu.dma_semaphore, #tpu.memory_space<semaphore_mem>>)
      %dma_wait3A = arith.constant 0 : i32
      %dma_wait3A_52 = tpu.memref_slice %arg14[%add3A_19, %dma_wait3A] : memref<10240x128xf32, #tpu.memory_space<vmem_shared>> -> memref<128x128xf32, #tpu.memory_space<vmem_shared>>
      tpu.wait_dma2 semaphore(%run_scoped3A : memref<!tpu.dma_semaphore, #tpu.memory_space<semaphore_mem>>) src(%arg5 : memref<128x128xf32, #tpu.memory_space<hbm>>) dst(%dma_wait3A_52 : memref<128x128xf32, #tpu.memory_space<vmem_shared>>)
      tpu.yield
    }) : () -> ()
    %mul3A_20 = arith.constant 640 : i32
    %mul3A_21 = arith.muli %arg1, %mul3A_20 : i32
    %add3A_22 = arith.constant 512 : i32
    %add3A_23 = arith.addi %mul3A_21, %add3A_22 : i32
    "tpu.region"() ({
      %run_scoped3A = tpu.sem_alloc : memref<!tpu.dma_semaphore, #tpu.memory_space<semaphore_mem>>
      %dma_start3A = arith.constant 0 : i32
      %dma_start3A_51 = tpu.memref_slice %arg14[%add3A_23, %dma_start3A] : memref<10240x128xf32, #tpu.memory_space<vmem_shared>> -> memref<128x128xf32, #tpu.memory_space<vmem_shared>>
      tpu.enqueue_dma source(%arg5 : memref<128x128xf32, #tpu.memory_space<hbm>>) target(%dma_start3A_51 : memref<128x128xf32, #tpu.memory_space<vmem_shared>>) target_semaphore(%run_scoped3A : memref<!tpu.dma_semaphore, #tpu.memory_space<semaphore_mem>>)
      %dma_wait3A = arith.constant 0 : i32
      %dma_wait3A_52 = tpu.memref_slice %arg14[%add3A_23, %dma_wait3A] : memref<10240x128xf32, #tpu.memory_space<vmem_shared>> -> memref<128x128xf32, #tpu.memory_space<vmem_shared>>
      tpu.wait_dma2 semaphore(%run_scoped3A : memref<!tpu.dma_semaphore, #tpu.memory_space<semaphore_mem>>) src(%arg5 : memref<128x128xf32, #tpu.memory_space<hbm>>) dst(%dma_wait3A_52 : memref<128x128xf32, #tpu.memory_space<vmem_shared>>)
      tpu.yield
    }) : () -> ()
    %scan3A = arith.constant 0 : i32
    %scan3A_24 = arith.constant 0 : i32
    %scan3A_25 = arith.constant 640 : i32
    %scan3A_26 = arith.addi %scan3A_24, %scan3A_25 : i32
    %scan3A_27 = arith.constant 1 : i32
    scf.for %scan3A_51 = %scan3A_24 to %scan3A_26 step %scan3A_27  : i32 {
      %mul3A_52 = arith.constant 16 : i32
      %mul3A_53 = arith.muli %scan3A_51, %mul3A_52 : i32
      %swap3A_54 = arith.index_cast %mul3A_53 : i32 to index
      %swap3A_55 = tpu.vector_load %arg13[%swap3A_54] {strides = array<i32>} : memref<10240xf32, #tpu.memory_space<vmem>>, vector<16xf32>,
      tpu.vector_store %arg13[%swap3A_54], %broadcast_in_dim3A_3 {strides = array<i32>} : memref<10240xf32, #tpu.memory_space<vmem>>, vector<16xf32>,
    }
    %scan3A_28 = arith.constant 640 : i32
    %barrier3A = arith.constant 0 : index
    tpu.barrier barrier_id(%barrier3A)
    %scan3A_29 = arith.constant 0 : i32
    %scan3A_30 = arith.constant 0 : i32
    %scan3A_31 = arith.constant 39 : i32
    %scan3A_32 = arith.addi %scan3A_30, %scan3A_31 : i32
    %scan3A_33 = arith.constant 1 : i32
    scf.for %scan3A_51 = %scan3A_30 to %scan3A_32 step %scan3A_33  : i32 {
      %mul3A_52 = arith.constant 128 : i32
      %mul3A_53 = arith.muli %scan3A_51, %mul3A_52 : i32
      %add3A_54 = arith.addi %mul3A_2, %mul3A_53 : i32
      "tpu.region"() ({
        %run_scoped3A = tpu.sem_alloc : memref<!tpu.dma_semaphore, #tpu.memory_space<semaphore_mem>>
        %dma_start3A = tpu.memref_slice %arg4[%add3A_54] : memref<160000xi32, #tpu.memory_space<hbm>> -> memref<128xi32, #tpu.memory_space<hbm>>
        %dma_start3A_87 = tpu.memref_slice %arg4[%add3A_54] : memref<160000xi32, #tpu.memory_space<hbm>> -> memref<128xi32, #tpu.memory_space<hbm>>
        tpu.enqueue_dma source(%dma_start3A_87 : memref<128xi32, #tpu.memory_space<hbm>>) target(%arg8 : memref<128xi32, #tpu.memory_space<vmem>>) target_semaphore(%run_scoped3A : memref<!tpu.dma_semaphore, #tpu.memory_space<semaphore_mem>>)
        %dma_wait3A = tpu.memref_slice %arg4[%add3A_54] : memref<160000xi32, #tpu.memory_space<hbm>> -> memref<128xi32, #tpu.memory_space<hbm>>
        %dma_wait3A_88 = tpu.memref_slice %arg4[%add3A_54] : memref<160000xi32, #tpu.memory_space<hbm>> -> memref<128xi32, #tpu.memory_space<hbm>>
        tpu.wait_dma2 semaphore(%run_scoped3A : memref<!tpu.dma_semaphore, #tpu.memory_space<semaphore_mem>>) src(%dma_wait3A_88 : memref<128xi32, #tpu.memory_space<hbm>>) dst(%arg8 : memref<128xi32, #tpu.memory_space<vmem>>)
        tpu.yield
      }) : () -> ()
      "tpu.region"() ({
        %run_scoped3A = tpu.sem_alloc : memref<!tpu.dma_semaphore, #tpu.memory_space<semaphore_mem>>
        %dma_start3A = arith.constant 0 : i32
        %dma_start3A_87 = tpu.memref_slice %arg2[%add3A_54, %dma_start3A] : memref<160000x128xf32, #tpu.memory_space<hbm>> -> memref<128x128xf32, #tpu.memory_space<hbm>>
        %dma_start3A_88 = arith.constant 0 : i32
        %dma_start3A_89 = tpu.memref_slice %arg2[%add3A_54, %dma_start3A_88] : memref<160000x128xf32, #tpu.memory_space<hbm>> -> memref<128x128xf32, #tpu.memory_space<hbm>>
        tpu.enqueue_dma source(%dma_start3A_89 : memref<128x128xf32, #tpu.memory_space<hbm>>) target(%arg10 : memref<128x128xf32, #tpu.memory_space<vmem>>) target_semaphore(%run_scoped3A : memref<!tpu.dma_semaphore, #tpu.memory_space<semaphore_mem>>)
        %dma_wait3A = arith.constant 0 : i32
        %dma_wait3A_90 = tpu.memref_slice %arg2[%add3A_54, %dma_wait3A] : memref<160000x128xf32, #tpu.memory_space<hbm>> -> memref<128x128xf32, #tpu.memory_space<hbm>>
        %dma_wait3A_91 = arith.constant 0 : i32
        %dma_wait3A_92 = tpu.memref_slice %arg2[%add3A_54, %dma_wait3A_91] : memref<160000x128xf32, #tpu.memory_space<hbm>> -> memref<128x128xf32, #tpu.memory_space<hbm>>
        tpu.wait_dma2 semaphore(%run_scoped3A : memref<!tpu.dma_semaphore, #tpu.memory_space<semaphore_mem>>) src(%dma_wait3A_92 : memref<128x128xf32, #tpu.memory_space<hbm>>) dst(%arg10 : memref<128x128xf32, #tpu.memory_space<vmem>>)
        tpu.yield
      }) : () -> ()
      "tpu.region"() ({
        %run_scoped3A = tpu.sem_alloc : memref<!tpu.dma_semaphore, #tpu.memory_space<semaphore_mem>>
        %dma_start3A = tpu.memref_slice %arg3[%add3A_54] : memref<160000xf32, #tpu.memory_space<hbm>> -> memref<128xf32, #tpu.memory_space<hbm>>
        %dma_start3A_87 = tpu.memref_slice %arg3[%add3A_54] : memref<160000xf32, #tpu.memory_space<hbm>> -> memref<128xf32, #tpu.memory_space<hbm>>
        tpu.enqueue_dma source(%dma_start3A_87 : memref<128xf32, #tpu.memory_space<hbm>>) target(%arg12 : memref<128xf32, #tpu.memory_space<vmem>>) target_semaphore(%run_scoped3A : memref<!tpu.dma_semaphore, #tpu.memory_space<semaphore_mem>>)
        %dma_wait3A = tpu.memref_slice %arg3[%add3A_54] : memref<160000xf32, #tpu.memory_space<hbm>> -> memref<128xf32, #tpu.memory_space<hbm>>
        %dma_wait3A_88 = tpu.memref_slice %arg3[%add3A_54] : memref<160000xf32, #tpu.memory_space<hbm>> -> memref<128xf32, #tpu.memory_space<hbm>>
        tpu.wait_dma2 semaphore(%run_scoped3A : memref<!tpu.dma_semaphore, #tpu.memory_space<semaphore_mem>>) src(%dma_wait3A_88 : memref<128xf32, #tpu.memory_space<hbm>>) dst(%arg12 : memref<128xf32, #tpu.memory_space<vmem>>)
        tpu.yield
      }) : () -> ()
      "tpu.region"() ({
        %run_scoped3A = tpu.sem_alloc : memref<!tpu.dma_semaphore, #tpu.memory_space<semaphore_mem>>
        %dma_start3A = arith.constant 0 : i32
        %dma_start3A_87 = arith.constant 0 : i32
        %dma_start3A_88 = tpu.memref_slice %arg14[%dma_start3A, %dma_start3A_87] : memref<10240x128xf32, #tpu.memory_space<vmem_shared>> -> memref<10240x128xf32, #tpu.memory_space<vmem_shared>>
        tpu.enqueue_indirect_dma source(%arg10 : memref<128x128xf32, #tpu.memory_space<vmem>>) target(%dma_start3A_88 : memref<10240x128xf32, #tpu.memory_space<vmem_shared>>) offsets(%arg8 : memref<128xi32, #tpu.memory_space<vmem>>) semaphore(%run_scoped3A : memref<!tpu.dma_semaphore, #tpu.memory_space<semaphore_mem>>) {add = true}
        %dma_wait3A = arith.constant 0 : i32
        %dma_wait3A_89 = arith.constant 0 : i32
        %dma_wait3A_90 = tpu.memref_slice %arg14[%dma_wait3A, %dma_wait3A_89] : memref<10240x128xf32, #tpu.memory_space<vmem_shared>> -> memref<10240x128xf32, #tpu.memory_space<vmem_shared>>
        tpu.wait_indirect_dma semaphore(%run_scoped3A : memref<!tpu.dma_semaphore, #tpu.memory_space<semaphore_mem>>) src(%arg10 : memref<128x128xf32, #tpu.memory_space<vmem>>) dst(%dma_wait3A_90 : memref<10240x128xf32, #tpu.memory_space<vmem_shared>>)
        tpu.yield
      }) : () -> ()
      %get3A_55 = arith.constant 0 : index
      %get3A_56 = tpu.vector_load %arg8[%get3A_55] {strides = array<i32>} : memref<128xi32, #tpu.memory_space<vmem>>, vector<16xi32>,
      %get3A_57 = arith.constant 0 : index
      %get3A_58 = tpu.vector_load %arg12[%get3A_57] {strides = array<i32>} : memref<128xf32, #tpu.memory_space<vmem>>, vector<16xf32>,
      tpu.vector_store_idx %arg13[%get3A_56], %get3A_58 {add = true} : memref<10240xf32, #tpu.memory_space<vmem>>[vector<16xi32>], vector<16xf32>,
      %get3A_59 = arith.constant 16 : index
      %get3A_60 = tpu.vector_load %arg8[%get3A_59] {strides = array<i32>} : memref<128xi32, #tpu.memory_space<vmem>>, vector<16xi32>,
      %get3A_61 = arith.constant 16 : index
      %get3A_62 = tpu.vector_load %arg12[%get3A_61] {strides = array<i32>} : memref<128xf32, #tpu.memory_space<vmem>>, vector<16xf32>,
      tpu.vector_store_idx %arg13[%get3A_60], %get3A_62 {add = true} : memref<10240xf32, #tpu.memory_space<vmem>>[vector<16xi32>], vector<16xf32>,
      %get3A_63 = arith.constant 32 : index
      %get3A_64 = tpu.vector_load %arg8[%get3A_63] {strides = array<i32>} : memref<128xi32, #tpu.memory_space<vmem>>, vector<16xi32>,
      %get3A_65 = arith.constant 32 : index
      %get3A_66 = tpu.vector_load %arg12[%get3A_65] {strides = array<i32>} : memref<128xf32, #tpu.memory_space<vmem>>, vector<16xf32>,
      tpu.vector_store_idx %arg13[%get3A_64], %get3A_66 {add = true} : memref<10240xf32, #tpu.memory_space<vmem>>[vector<16xi32>], vector<16xf32>,
      %get3A_67 = arith.constant 48 : index
      %get3A_68 = tpu.vector_load %arg8[%get3A_67] {strides = array<i32>} : memref<128xi32, #tpu.memory_space<vmem>>, vector<16xi32>,
      %get3A_69 = arith.constant 48 : index
      %get3A_70 = tpu.vector_load %arg12[%get3A_69] {strides = array<i32>} : memref<128xf32, #tpu.memory_space<vmem>>, vector<16xf32>,
      tpu.vector_store_idx %arg13[%get3A_68], %get3A_70 {add = true} : memref<10240xf32, #tpu.memory_space<vmem>>[vector<16xi32>], vector<16xf32>,
      %get3A_71 = arith.constant 64 : index
      %get3A_72 = tpu.vector_load %arg8[%get3A_71] {strides = array<i32>} : memref<128xi32, #tpu.memory_space<vmem>>, vector<16xi32>,
      %get3A_73 = arith.constant 64 : index
      %get3A_74 = tpu.vector_load %arg12[%get3A_73] {strides = array<i32>} : memref<128xf32, #tpu.memory_space<vmem>>, vector<16xf32>,
      tpu.vector_store_idx %arg13[%get3A_72], %get3A_74 {add = true} : memref<10240xf32, #tpu.memory_space<vmem>>[vector<16xi32>], vector<16xf32>,
      %get3A_75 = arith.constant 80 : index
      %get3A_76 = tpu.vector_load %arg8[%get3A_75] {strides = array<i32>} : memref<128xi32, #tpu.memory_space<vmem>>, vector<16xi32>,
      %get3A_77 = arith.constant 80 : index
      %get3A_78 = tpu.vector_load %arg12[%get3A_77] {strides = array<i32>} : memref<128xf32, #tpu.memory_space<vmem>>, vector<16xf32>,
      tpu.vector_store_idx %arg13[%get3A_76], %get3A_78 {add = true} : memref<10240xf32, #tpu.memory_space<vmem>>[vector<16xi32>], vector<16xf32>,
      %get3A_79 = arith.constant 96 : index
      %get3A_80 = tpu.vector_load %arg8[%get3A_79] {strides = array<i32>} : memref<128xi32, #tpu.memory_space<vmem>>, vector<16xi32>,
      %get3A_81 = arith.constant 96 : index
      %get3A_82 = tpu.vector_load %arg12[%get3A_81] {strides = array<i32>} : memref<128xf32, #tpu.memory_space<vmem>>, vector<16xf32>,
      tpu.vector_store_idx %arg13[%get3A_80], %get3A_82 {add = true} : memref<10240xf32, #tpu.memory_space<vmem>>[vector<16xi32>], vector<16xf32>,
      %get3A_83 = arith.constant 112 : index
      %get3A_84 = tpu.vector_load %arg8[%get3A_83] {strides = array<i32>} : memref<128xi32, #tpu.memory_space<vmem>>, vector<16xi32>,
      %get3A_85 = arith.constant 112 : index
      %get3A_86 = tpu.vector_load %arg12[%get3A_85] {strides = array<i32>} : memref<128xf32, #tpu.memory_space<vmem>>, vector<16xf32>,
      tpu.vector_store_idx %arg13[%get3A_84], %get3A_86 {add = true} : memref<10240xf32, #tpu.memory_space<vmem>>[vector<16xi32>], vector<16xf32>,
    }
    %scan3A_34 = arith.constant 39 : i32
    %add3A_35 = arith.constant 4992 : i32
    %add3A_36 = arith.addi %mul3A_2, %add3A_35 : i32
    "tpu.region"() ({
      %run_scoped3A = tpu.sem_alloc : memref<!tpu.dma_semaphore, #tpu.memory_space<semaphore_mem>>
      %dma_start3A = arith.constant 0 : i32
      %dma_start3A_51 = tpu.memref_slice %arg9[%dma_start3A] : memref<16xi32, #tpu.memory_space<vmem>> -> memref<8xi32, #tpu.memory_space<vmem>>
      %dma_start3A_52 = tpu.memref_slice %arg4[%add3A_36] : memref<160000xi32, #tpu.memory_space<hbm>> -> memref<8xi32, #tpu.memory_space<hbm>>
      %dma_start3A_53 = arith.constant 0 : i32
      %dma_start3A_54 = tpu.memref_slice %arg9[%dma_start3A_53] : memref<16xi32, #tpu.memory_space<vmem>> -> memref<8xi32, #tpu.memory_space<vmem>>
      %dma_start3A_55 = tpu.memref_slice %arg4[%add3A_36] : memref<160000xi32, #tpu.memory_space<hbm>> -> memref<8xi32, #tpu.memory_space<hbm>>
      tpu.enqueue_dma source(%dma_start3A_55 : memref<8xi32, #tpu.memory_space<hbm>>) target(%dma_start3A_54 : memref<8xi32, #tpu.memory_space<vmem>>) target_semaphore(%run_scoped3A : memref<!tpu.dma_semaphore, #tpu.memory_space<semaphore_mem>>)
      %dma_wait3A = arith.constant 0 : i32
      %dma_wait3A_56 = tpu.memref_slice %arg9[%dma_wait3A] : memref<16xi32, #tpu.memory_space<vmem>> -> memref<8xi32, #tpu.memory_space<vmem>>
      %dma_wait3A_57 = tpu.memref_slice %arg4[%add3A_36] : memref<160000xi32, #tpu.memory_space<hbm>> -> memref<8xi32, #tpu.memory_space<hbm>>
      %dma_wait3A_58 = arith.constant 0 : i32
      %dma_wait3A_59 = tpu.memref_slice %arg9[%dma_wait3A_58] : memref<16xi32, #tpu.memory_space<vmem>> -> memref<8xi32, #tpu.memory_space<vmem>>
      %dma_wait3A_60 = tpu.memref_slice %arg4[%add3A_36] : memref<160000xi32, #tpu.memory_space<hbm>> -> memref<8xi32, #tpu.memory_space<hbm>>
      tpu.wait_dma2 semaphore(%run_scoped3A : memref<!tpu.dma_semaphore, #tpu.memory_space<semaphore_mem>>) src(%dma_wait3A_60 : memref<8xi32, #tpu.memory_space<hbm>>) dst(%dma_wait3A_59 : memref<8xi32, #tpu.memory_space<vmem>>)
      tpu.yield
    }) : () -> ()
    %get3A = arith.constant 0 : index
    %get3A_37 = tpu.vector_load %arg9[%get3A] {strides = array<i32>} : memref<16xi32, #tpu.memory_space<vmem>>, vector<16xi32>,
    %iota3A = tpu.iota {dimensions = array<i32: 0>} : vector<16xi32>
    %lt3A = arith.constant 8 : i32
    %lt3A_38 = vector.broadcast %lt3A : i32 to vector<16xi32>
    %lt3A_39 = arith.cmpi slt, %iota3A, %lt3A_38 : vector<16xi32>
    %jit3A = arith.constant 10000 : i32
    %broadcast_in_dim3A_40 = vector.broadcast %jit3A : i32 to vector<16xi32>
    %select_n3A = arith.select %lt3A_39, %get3A_37, %broadcast_in_dim3A_40 : vector<16xi1>, vector<16xi32>
    %swap3A = arith.constant 0 : index
    %swap3A_41 = tpu.vector_load %arg9[%swap3A] {strides = array<i32>} : memref<16xi32, #tpu.memory_space<vmem>>, vector<16xi32>,
    tpu.vector_store %arg9[%swap3A], %select_n3A {strides = array<i32>} : memref<16xi32, #tpu.memory_space<vmem>>, vector<16xi32>,
    "tpu.region"() ({
      %run_scoped3A = tpu.sem_alloc : memref<!tpu.dma_semaphore, #tpu.memory_space<semaphore_mem>>
      %dma_start3A = arith.constant 0 : i32
      %dma_start3A_51 = arith.constant 0 : i32
      %dma_start3A_52 = tpu.memref_slice %arg11[%dma_start3A, %dma_start3A_51] : memref<16x128xf32, #tpu.memory_space<vmem>> -> memref<8x128xf32, #tpu.memory_space<vmem>>
      %dma_start3A_53 = arith.constant 0 : i32
      %dma_start3A_54 = tpu.memref_slice %arg2[%add3A_36, %dma_start3A_53] : memref<160000x128xf32, #tpu.memory_space<hbm>> -> memref<8x128xf32, #tpu.memory_space<hbm>>
      %dma_start3A_55 = arith.constant 0 : i32
      %dma_start3A_56 = arith.constant 0 : i32
      %dma_start3A_57 = tpu.memref_slice %arg11[%dma_start3A_55, %dma_start3A_56] : memref<16x128xf32, #tpu.memory_space<vmem>> -> memref<8x128xf32, #tpu.memory_space<vmem>>
      %dma_start3A_58 = arith.constant 0 : i32
      %dma_start3A_59 = tpu.memref_slice %arg2[%add3A_36, %dma_start3A_58] : memref<160000x128xf32, #tpu.memory_space<hbm>> -> memref<8x128xf32, #tpu.memory_space<hbm>>
      tpu.enqueue_dma source(%dma_start3A_59 : memref<8x128xf32, #tpu.memory_space<hbm>>) target(%dma_start3A_57 : memref<8x128xf32, #tpu.memory_space<vmem>>) target_semaphore(%run_scoped3A : memref<!tpu.dma_semaphore, #tpu.memory_space<semaphore_mem>>)
      %dma_wait3A = arith.constant 0 : i32
      %dma_wait3A_60 = arith.constant 0 : i32
      %dma_wait3A_61 = tpu.memref_slice %arg11[%dma_wait3A, %dma_wait3A_60] : memref<16x128xf32, #tpu.memory_space<vmem>> -> memref<8x128xf32, #tpu.memory_space<vmem>>
      %dma_wait3A_62 = arith.constant 0 : i32
      %dma_wait3A_63 = tpu.memref_slice %arg2[%add3A_36, %dma_wait3A_62] : memref<160000x128xf32, #tpu.memory_space<hbm>> -> memref<8x128xf32, #tpu.memory_space<hbm>>
      %dma_wait3A_64 = arith.constant 0 : i32
      %dma_wait3A_65 = arith.constant 0 : i32
      %dma_wait3A_66 = tpu.memref_slice %arg11[%dma_wait3A_64, %dma_wait3A_65] : memref<16x128xf32, #tpu.memory_space<vmem>> -> memref<8x128xf32, #tpu.memory_space<vmem>>
      %dma_wait3A_67 = arith.constant 0 : i32
      %dma_wait3A_68 = tpu.memref_slice %arg2[%add3A_36, %dma_wait3A_67] : memref<160000x128xf32, #tpu.memory_space<hbm>> -> memref<8x128xf32, #tpu.memory_space<hbm>>
      tpu.wait_dma2 semaphore(%run_scoped3A : memref<!tpu.dma_semaphore, #tpu.memory_space<semaphore_mem>>) src(%dma_wait3A_68 : memref<8x128xf32, #tpu.memory_space<hbm>>) dst(%dma_wait3A_66 : memref<8x128xf32, #tpu.memory_space<vmem>>)
      tpu.yield
    }) : () -> ()
    "tpu.region"() ({
      %run_scoped3A = tpu.sem_alloc : memref<!tpu.dma_semaphore, #tpu.memory_space<semaphore_mem>>
      %dma_start3A = arith.constant 0 : i32
      %dma_start3A_51 = tpu.memref_slice %arg12[%dma_start3A] : memref<128xf32, #tpu.memory_space<vmem>> -> memref<8xf32, #tpu.memory_space<vmem>>
      %dma_start3A_52 = tpu.memref_slice %arg3[%add3A_36] : memref<160000xf32, #tpu.memory_space<hbm>> -> memref<8xf32, #tpu.memory_space<hbm>>
      %dma_start3A_53 = arith.constant 0 : i32
      %dma_start3A_54 = tpu.memref_slice %arg12[%dma_start3A_53] : memref<128xf32, #tpu.memory_space<vmem>> -> memref<8xf32, #tpu.memory_space<vmem>>
      %dma_start3A_55 = tpu.memref_slice %arg3[%add3A_36] : memref<160000xf32, #tpu.memory_space<hbm>> -> memref<8xf32, #tpu.memory_space<hbm>>
      tpu.enqueue_dma source(%dma_start3A_55 : memref<8xf32, #tpu.memory_space<hbm>>) target(%dma_start3A_54 : memref<8xf32, #tpu.memory_space<vmem>>) target_semaphore(%run_scoped3A : memref<!tpu.dma_semaphore, #tpu.memory_space<semaphore_mem>>)
      %dma_wait3A = arith.constant 0 : i32
      %dma_wait3A_56 = tpu.memref_slice %arg12[%dma_wait3A] : memref<128xf32, #tpu.memory_space<vmem>> -> memref<8xf32, #tpu.memory_space<vmem>>
      %dma_wait3A_57 = tpu.memref_slice %arg3[%add3A_36] : memref<160000xf32, #tpu.memory_space<hbm>> -> memref<8xf32, #tpu.memory_space<hbm>>
      %dma_wait3A_58 = arith.constant 0 : i32
      %dma_wait3A_59 = tpu.memref_slice %arg12[%dma_wait3A_58] : memref<128xf32, #tpu.memory_space<vmem>> -> memref<8xf32, #tpu.memory_space<vmem>>
      %dma_wait3A_60 = tpu.memref_slice %arg3[%add3A_36] : memref<160000xf32, #tpu.memory_space<hbm>> -> memref<8xf32, #tpu.memory_space<hbm>>
      tpu.wait_dma2 semaphore(%run_scoped3A : memref<!tpu.dma_semaphore, #tpu.memory_space<semaphore_mem>>) src(%dma_wait3A_60 : memref<8xf32, #tpu.memory_space<hbm>>) dst(%dma_wait3A_59 : memref<8xf32, #tpu.memory_space<vmem>>)
      tpu.yield
    }) : () -> ()
    "tpu.region"() ({
      %run_scoped3A = tpu.sem_alloc : memref<!tpu.dma_semaphore, #tpu.memory_space<semaphore_mem>>
      %dma_start3A = arith.constant 0 : i32
      %dma_start3A_51 = arith.constant 0 : i32
      %dma_start3A_52 = tpu.memref_slice %arg14[%dma_start3A, %dma_start3A_51] : memref<10240x128xf32, #tpu.memory_space<vmem_shared>> -> memref<10240x128xf32, #tpu.memory_space<vmem_shared>>
      tpu.enqueue_indirect_dma source(%arg11 : memref<16x128xf32, #tpu.memory_space<vmem>>) target(%dma_start3A_52 : memref<10240x128xf32, #tpu.memory_space<vmem_shared>>) offsets(%arg9 : memref<16xi32, #tpu.memory_space<vmem>>) semaphore(%run_scoped3A : memref<!tpu.dma_semaphore, #tpu.memory_space<semaphore_mem>>) {add = true}
      %dma_wait3A = arith.constant 0 : i32
      %dma_wait3A_53 = arith.constant 0 : i32
      %dma_wait3A_54 = tpu.memref_slice %arg14[%dma_wait3A, %dma_wait3A_53] : memref<10240x128xf32, #tpu.memory_space<vmem_shared>> -> memref<10240x128xf32, #tpu.memory_space<vmem_shared>>
      tpu.wait_indirect_dma semaphore(%run_scoped3A : memref<!tpu.dma_semaphore, #tpu.memory_space<semaphore_mem>>) src(%arg11 : memref<16x128xf32, #tpu.memory_space<vmem>>) dst(%dma_wait3A_54 : memref<10240x128xf32, #tpu.memory_space<vmem_shared>>)
      tpu.yield
    }) : () -> ()
    %get3A_42 = arith.constant 0 : index
    %get3A_43 = tpu.vector_load %arg9[%get3A_42] {strides = array<i32>} : memref<16xi32, #tpu.memory_space<vmem>>, vector<16xi32>,
    %get3A_44 = arith.constant 0 : index
    %get3A_45 = tpu.vector_load %arg12[%get3A_44] {strides = array<i32>} : memref<128xf32, #tpu.memory_space<vmem>>, vector<16xf32>,
    tpu.vector_store_idx %arg13[%get3A_43], %get3A_45 {add = true} : memref<10240xf32, #tpu.memory_space<vmem>>[vector<16xi32>], vector<16xf32>,
    "tpu.region"() ({
      %run_scoped3A = tpu.sem_alloc : memref<!tpu.dma_semaphore, #tpu.memory_space<semaphore_mem>>
      %dma_start3A = arith.constant 0 : i32
      %dma_start3A_51 = tpu.memref_slice %arg7[%arg0, %arg1, %dma_start3A] : memref<2x16x10240xf32, #tpu.memory_space<hbm>> -> memref<1x1x10240xf32, #tpu.memory_space<hbm>>
      %dma_start3A_52 = tpu.memref_squeeze %dma_start3A_51 : memref<1x1x10240xf32, #tpu.memory_space<hbm>> -> memref<10240xf32, #tpu.memory_space<hbm>>
      %dma_start3A_53 = arith.constant 0 : i32
      %dma_start3A_54 = tpu.memref_slice %arg7[%arg0, %arg1, %dma_start3A_53] : memref<2x16x10240xf32, #tpu.memory_space<hbm>> -> memref<1x1x10240xf32, #tpu.memory_space<hbm>>
      %dma_start3A_55 = tpu.memref_squeeze %dma_start3A_54 : memref<1x1x10240xf32, #tpu.memory_space<hbm>> -> memref<10240xf32, #tpu.memory_space<hbm>>
      tpu.enqueue_dma source(%arg13 : memref<10240xf32, #tpu.memory_space<vmem>>) target(%dma_start3A_55 : memref<10240xf32, #tpu.memory_space<hbm>>) target_semaphore(%run_scoped3A : memref<!tpu.dma_semaphore, #tpu.memory_space<semaphore_mem>>)
      %dma_wait3A = arith.constant 0 : i32
      %dma_wait3A_56 = tpu.memref_slice %arg7[%arg0, %arg1, %dma_wait3A] : memref<2x16x10240xf32, #tpu.memory_space<hbm>> -> memref<1x1x10240xf32, #tpu.memory_space<hbm>>
      %dma_wait3A_57 = tpu.memref_squeeze %dma_wait3A_56 : memref<1x1x10240xf32, #tpu.memory_space<hbm>> -> memref<10240xf32, #tpu.memory_space<hbm>>
      %dma_wait3A_58 = arith.constant 0 : i32
      %dma_wait3A_59 = tpu.memref_slice %arg7[%arg0, %arg1, %dma_wait3A_58] : memref<2x16x10240xf32, #tpu.memory_space<hbm>> -> memref<1x1x10240xf32, #tpu.memory_space<hbm>>
      %dma_wait3A_60 = tpu.memref_squeeze %dma_wait3A_59 : memref<1x1x10240xf32, #tpu.memory_space<hbm>> -> memref<10240xf32, #tpu.memory_space<hbm>>
      tpu.wait_dma2 semaphore(%run_scoped3A : memref<!tpu.dma_semaphore, #tpu.memory_space<semaphore_mem>>) src(%arg13 : memref<10240xf32, #tpu.memory_space<vmem>>) dst(%dma_wait3A_60 : memref<10240xf32, #tpu.memory_space<hbm>>)
      tpu.yield
    }) : () -> ()
    %barrier3A_46 = arith.constant 0 : index
    tpu.barrier barrier_id(%barrier3A_46)
    %mul3A_47 = arith.constant 640 : i32
    %mul3A_48 = arith.muli %arg1, %mul3A_47 : i32
    %mul3A_49 = arith.constant 640 : i32
    %mul3A_50 = arith.muli %arg1, %mul3A_49 : i32
    "tpu.region"() ({
      %run_scoped3A = tpu.sem_alloc : memref<!tpu.dma_semaphore, #tpu.memory_space<semaphore_mem>>
      %dma_start3A = arith.constant 0 : i32
      %dma_start3A_51 = tpu.memref_slice %arg6[%arg0, %mul3A_50, %dma_start3A] : memref<2x10240x128xf32, #tpu.memory_space<hbm>> -> memref<1x640x128xf32, #tpu.memory_space<hbm>>
      %dma_start3A_52 = tpu.memref_squeeze %dma_start3A_51 : memref<1x640x128xf32, #tpu.memory_space<hbm>> -> memref<640x128xf32, #tpu.memory_space<hbm>>
      %dma_start3A_53 = arith.constant 0 : i32
      %dma_start3A_54 = tpu.memref_slice %arg14[%mul3A_48, %dma_start3A_53] : memref<10240x128xf32, #tpu.memory_space<vmem_shared>> -> memref<640x128xf32, #tpu.memory_space<vmem_shared>>
      tpu.enqueue_dma source(%dma_start3A_54 : memref<640x128xf32, #tpu.memory_space<vmem_shared>>) target(%dma_start3A_52 : memref<640x128xf32, #tpu.memory_space<hbm>>) target_semaphore(%run_scoped3A : memref<!tpu.dma_semaphore, #tpu.memory_space<semaphore_mem>>)
      %dma_wait3A = arith.constant 0 : i32
      %dma_wait3A_55 = tpu.memref_slice %arg6[%arg0, %mul3A_50, %dma_wait3A] : memref<2x10240x128xf32, #tpu.memory_space<hbm>> -> memref<1x640x128xf32, #tpu.memory_space<hbm>>
      %dma_wait3A_56 = tpu.memref_squeeze %dma_wait3A_55 : memref<1x640x128xf32, #tpu.memory_space<hbm>> -> memref<640x128xf32, #tpu.memory_space<hbm>>
      %dma_wait3A_57 = arith.constant 0 : i32
      %dma_wait3A_58 = tpu.memref_slice %arg14[%mul3A_48, %dma_wait3A_57] : memref<10240x128xf32, #tpu.memory_space<vmem_shared>> -> memref<640x128xf32, #tpu.memory_space<vmem_shared>>
      tpu.wait_dma2 semaphore(%run_scoped3A : memref<!tpu.dma_semaphore, #tpu.memory_space<semaphore_mem>>) src(%dma_wait3A_58 : memref<640x128xf32, #tpu.memory_space<vmem_shared>>) dst(%dma_wait3A_56 : memref<640x128xf32, #tpu.memory_space<hbm>>)
      tpu.yield
    }) : () -> ()
    return
  }
}

#map = affine_map<(d0, d1) -> (0, 0)>
#map1 = affine_map<(d0, d1) -> (0)>
#map2 = affine_map<(d0, d1) -> (0, 0, 0)>
module attributes {stable_mosaic.version = 14 : i64} {
  func.func @k(%arg0: i32, %arg1: i32, %arg2: memref<160000x128xf32, #tpu.memory_space<hbm>>, %arg3: memref<160000xf32, #tpu.memory_space<hbm>>, %arg4: memref<160000xi32, #tpu.memory_space<hbm>>, %arg5: memref<128x128xf32, #tpu.memory_space<hbm>>, %arg6: memref<2x10240x128xf32, #tpu.memory_space<hbm>>, %arg7: memref<2x16x10240xf32, #tpu.memory_space<hbm>>, %arg8: memref<128xi32, #tpu.memory_space<vmem>>, %arg9: memref<16xi32, #tpu.memory_space<vmem>>, %arg10: memref<128x128xf32, #tpu.memory_space<vmem>>, %arg11: memref<16x128xf32, #tpu.memory_space<vmem>>, %arg12: memref<128xf32, #tpu.memory_space<vmem>>, %arg13: memref<10240xf32, #tpu.memory_space<vmem>>, %arg14: memref<10240x128xf32, #tpu.memory_space<vmem_shared>>) attributes {dimension_semantics = [#tpu.dimension_semantics<core_parallel>, #tpu.dimension_semantics<subcore_parallel>], iteration_bounds = array<i64: 2, 16>, scalar_prefetch = 0 : i64, scratch_operands = 7 : i64, tpu.core_type = #tpu.core_type<sc_vector_subcore>, window_params = [{transform_indices = #map}, {transform_indices = #map1}, {transform_indices = #map1}, {transform_indices = #map}, {transform_indices = #map2}, {transform_indices = #map2}]} {
    %mul3A = arith.constant 2 : i32
    %mul3A_0 = arith.muli %arg1, %mul3A : i32
    %add3A = arith.addi %mul3A_0, %arg0 : i32
    %mul3A_1 = arith.constant 5000 : i32
    %mul3A_2 = arith.muli %add3A, %mul3A_1 : i32
    %broadcast_in_dim3A = arith.constant 0.000000e+00 : f32
    %broadcast_in_dim3A_3 = vector.broadcast %broadcast_in_dim3A : f32 to vector<16xf32>
    %mul3A_4 = arith.constant 640 : i32
    %mul3A_5 = arith.muli %arg1, %mul3A_4 : i32
    %add3A_6 = arith.constant 0 : i32
    %add3A_7 = arith.addi %mul3A_5, %add3A_6 : i32
    "tpu.region"() ({
      %run_scoped3A = tpu.sem_alloc : memref<!tpu.dma_semaphore, #tpu.memory_space<semaphore_mem>>
      %dma_start3A = arith.constant 0 : i32
      %dma_start3A_51 = tpu.memref_slice %arg14[%add3A_7, %dma_start3A] : memref<10240x128xf32, #tpu.memory_space<vmem_shared>> -> memref<128x128xf32, #tpu.memory_space<vmem_shared>>
      tpu.enqueue_dma source(%arg5 : memref<128x128xf32, #tpu.memory_space<hbm>>) target(%dma_start3A_51 : memref<128x128xf32, #tpu.memory_space<vmem_shared>>) target_semaphore(%run_scoped3A : memref<!tpu.dma_semaphore, #tpu.memory_space<semaphore_mem>>)
      %dma_wait3A = arith.constant 0 : i32
      %dma_wait3A_52 = tpu.memref_slice %arg14[%add3A_7, %dma_wait3A] : memref<10240x128xf32, #tpu.memory_space<vmem_shared>> -> memref<128x128xf32, #tpu.memory_space<vmem_shared>>
      tpu.wait_dma2 semaphore(%run_scoped3A : memref<!tpu.dma_semaphore, #tpu.memory_space<semaphore_mem>>) src(%arg5 : memref<128x128xf32, #tpu.memory_space<hbm>>) dst(%dma_wait3A_52 : memref<128x128xf32, #tpu.memory_space<vmem_shared>>)
      tpu.yield
    }) : () -> ()
    %mul3A_8 = arith.constant 640 : i32
    %mul3A_9 = arith.muli %arg1, %mul3A_8 : i32
    %add3A_10 = arith.constant 128 : i32
    %add3A_11 = arith.addi %mul3A_9, %add3A_10 : i32
    "tpu.region"() ({
      %run_scoped3A = tpu.sem_alloc : memref<!tpu.dma_semaphore, #tpu.memory_space<semaphore_mem>>
      %dma_start3A = arith.constant 0 : i32
      %dma_start3A_51 = tpu.memref_slice %arg14[%add3A_11, %dma_start3A] : memref<10240x128xf32, #tpu.memory_space<vmem_shared>> -> memref<128x128xf32, #tpu.memory_space<vmem_shared>>
      tpu.enqueue_dma source(%arg5 : memref<128x128xf32, #tpu.memory_space<hbm>>) target(%dma_start3A_51 : memref<128x128xf32, #tpu.memory_space<vmem_shared>>) target_semaphore(%run_scoped3A : memref<!tpu.dma_semaphore, #tpu.memory_space<semaphore_mem>>)
      %dma_wait3A = arith.constant 0 : i32
      %dma_wait3A_52 = tpu.memref_slice %arg14[%add3A_11, %dma_wait3A] : memref<10240x128xf32, #tpu.memory_space<vmem_shared>> -> memref<128x128xf32, #tpu.memory_space<vmem_shared>>
      tpu.wait_dma2 semaphore(%run_scoped3A : memref<!tpu.dma_semaphore, #tpu.memory_space<semaphore_mem>>) src(%arg5 : memref<128x128xf32, #tpu.memory_space<hbm>>) dst(%dma_wait3A_52 : memref<128x128xf32, #tpu.memory_space<vmem_shared>>)
      tpu.yield
    }) : () -> ()
    %mul3A_12 = arith.constant 640 : i32
    %mul3A_13 = arith.muli %arg1, %mul3A_12 : i32
    %add3A_14 = arith.constant 256 : i32
    %add3A_15 = arith.addi %mul3A_13, %add3A_14 : i32
    "tpu.region"() ({
      %run_scoped3A = tpu.sem_alloc : memref<!tpu.dma_semaphore, #tpu.memory_space<semaphore_mem>>
      %dma_start3A = arith.constant 0 : i32
      %dma_start3A_51 = tpu.memref_slice %arg14[%add3A_15, %dma_start3A] : memref<10240x128xf32, #tpu.memory_space<vmem_shared>> -> memref<128x128xf32, #tpu.memory_space<vmem_shared>>
      tpu.enqueue_dma source(%arg5 : memref<128x128xf32, #tpu.memory_space<hbm>>) target(%dma_start3A_51 : memref<128x128xf32, #tpu.memory_space<vmem_shared>>) target_semaphore(%run_scoped3A : memref<!tpu.dma_semaphore, #tpu.memory_space<semaphore_mem>>)
      %dma_wait3A = arith.constant 0 : i32
      %dma_wait3A_52 = tpu.memref_slice %arg14[%add3A_15, %dma_wait3A] : memref<10240x128xf32, #tpu.memory_space<vmem_shared>> -> memref<128x128xf32, #tpu.memory_space<vmem_shared>>
      tpu.wait_dma2 semaphore(%run_scoped3A : memref<!tpu.dma_semaphore, #tpu.memory_space<semaphore_mem>>) src(%arg5 : memref<128x128xf32, #tpu.memory_space<hbm>>) dst(%dma_wait3A_52 : memref<128x128xf32, #tpu.memory_space<vmem_shared>>)
      tpu.yield
    }) : () -> ()
    %mul3A_16 = arith.constant 640 : i32
    %mul3A_17 = arith.muli %arg1, %mul3A_16 : i32
    %add3A_18 = arith.constant 384 : i32
    %add3A_19 = arith.addi %mul3A_17, %add3A_18 : i32
    "tpu.region"() ({
      %run_scoped3A = tpu.sem_alloc : memref<!tpu.dma_semaphore, #tpu.memory_space<semaphore_mem>>
      %dma_start3A = arith.constant 0 : i32
      %dma_start3A_51 = tpu.memref_slice %arg14[%add3A_19, %dma_start3A] : memref<10240x128xf32, #tpu.memory_space<vmem_shared>> -> memref<128x128xf32, #tpu.memory_space<vmem_shared>>
      tpu.enqueue_dma source(%arg5 : memref<128x128xf32, #tpu.memory_space<hbm>>) target(%dma_start3A_51 : memref<128x128xf32, #tpu.memory_space<vmem_shared>>) target_semaphore(%run_scoped3A : memref<!tpu.dma_semaphore, #tpu.memory_space<semaphore_mem>>)
      %dma_wait3A = arith.constant 0 : i32
      %dma_wait3A_52 = tpu.memref_slice %arg14[%add3A_19, %dma_wait3A] : memref<10240x128xf32, #tpu.memory_space<vmem_shared>> -> memref<128x128xf32, #tpu.memory_space<vmem_shared>>
      tpu.wait_dma2 semaphore(%run_scoped3A : memref<!tpu.dma_semaphore, #tpu.memory_space<semaphore_mem>>) src(%arg5 : memref<128x128xf32, #tpu.memory_space<hbm>>) dst(%dma_wait3A_52 : memref<128x128xf32, #tpu.memory_space<vmem_shared>>)
      tpu.yield
    }) : () -> ()
    %mul3A_20 = arith.constant 640 : i32
    %mul3A_21 = arith.muli %arg1, %mul3A_20 : i32
    %add3A_22 = arith.constant 512 : i32
    %add3A_23 = arith.addi %mul3A_21, %add3A_22 : i32
    "tpu.region"() ({
      %run_scoped3A = tpu.sem_alloc : memref<!tpu.dma_semaphore, #tpu.memory_space<semaphore_mem>>
      %dma_start3A = arith.constant 0 : i32
      %dma_start3A_51 = tpu.memref_slice %arg14[%add3A_23, %dma_start3A] : memref<10240x128xf32, #tpu.memory_space<vmem_shared>> -> memref<128x128xf32, #tpu.memory_space<vmem_shared>>
      tpu.enqueue_dma source(%arg5 : memref<128x128xf32, #tpu.memory_space<hbm>>) target(%dma_start3A_51 : memref<128x128xf32, #tpu.memory_space<vmem_shared>>) target_semaphore(%run_scoped3A : memref<!tpu.dma_semaphore, #tpu.memory_space<semaphore_mem>>)
      %dma_wait3A = arith.constant 0 : i32
      %dma_wait3A_52 = tpu.memref_slice %arg14[%add3A_23, %dma_wait3A] : memref<10240x128xf32, #tpu.memory_space<vmem_shared>> -> memref<128x128xf32, #tpu.memory_space<vmem_shared>>
      tpu.wait_dma2 semaphore(%run_scoped3A : memref<!tpu.dma_semaphore, #tpu.memory_space<semaphore_mem>>) src(%arg5 : memref<128x128xf32, #tpu.memory_space<hbm>>) dst(%dma_wait3A_52 : memref<128x128xf32, #tpu.memory_space<vmem_shared>>)
      tpu.yield
    }) : () -> ()
    %scan3A = arith.constant 0 : i32
    %scan3A_24 = arith.constant 0 : i32
    %scan3A_25 = arith.constant 640 : i32
    %scan3A_26 = arith.addi %scan3A_24, %scan3A_25 : i32
    %scan3A_27 = arith.constant 1 : i32
    scf.for %scan3A_51 = %scan3A_24 to %scan3A_26 step %scan3A_27  : i32 {
      %mul3A_52 = arith.constant 16 : i32
      %mul3A_53 = arith.muli %scan3A_51, %mul3A_52 : i32
      %swap3A_54 = arith.index_cast %mul3A_53 : i32 to index
      %swap3A_55 = tpu.vector_load %arg13[%swap3A_54] {strides = array<i32>} : memref<10240xf32, #tpu.memory_space<vmem>>, vector<16xf32>,
      tpu.vector_store %arg13[%swap3A_54], %broadcast_in_dim3A_3 {strides = array<i32>} : memref<10240xf32, #tpu.memory_space<vmem>>, vector<16xf32>,
    }
    %scan3A_28 = arith.constant 640 : i32
    %barrier3A = arith.constant 0 : index
    tpu.barrier barrier_id(%barrier3A)
    %scan3A_29 = arith.constant 0 : i32
    %scan3A_30 = arith.constant 0 : i32
    %scan3A_31 = arith.constant 39 : i32
    %scan3A_32 = arith.addi %scan3A_30, %scan3A_31 : i32
    %scan3A_33 = arith.constant 1 : i32
    scf.for %scan3A_51 = %scan3A_30 to %scan3A_32 step %scan3A_33  : i32 {
      %mul3A_52 = arith.constant 128 : i32
      %mul3A_53 = arith.muli %scan3A_51, %mul3A_52 : i32
      %add3A_54 = arith.addi %mul3A_2, %mul3A_53 : i32
      "tpu.region"() ({
        %run_scoped3A = tpu.sem_alloc : memref<!tpu.dma_semaphore, #tpu.memory_space<semaphore_mem>>
        %dma_start3A = tpu.memref_slice %arg4[%add3A_54] : memref<160000xi32, #tpu.memory_space<hbm>> -> memref<128xi32, #tpu.memory_space<hbm>>
        %dma_start3A_87 = tpu.memref_slice %arg4[%add3A_54] : memref<160000xi32, #tpu.memory_space<hbm>> -> memref<128xi32, #tpu.memory_space<hbm>>
        tpu.enqueue_dma source(%dma_start3A_87 : memref<128xi32, #tpu.memory_space<hbm>>) target(%arg8 : memref<128xi32, #tpu.memory_space<vmem>>) target_semaphore(%run_scoped3A : memref<!tpu.dma_semaphore, #tpu.memory_space<semaphore_mem>>)
        %dma_wait3A = tpu.memref_slice %arg4[%add3A_54] : memref<160000xi32, #tpu.memory_space<hbm>> -> memref<128xi32, #tpu.memory_space<hbm>>
        %dma_wait3A_88 = tpu.memref_slice %arg4[%add3A_54] : memref<160000xi32, #tpu.memory_space<hbm>> -> memref<128xi32, #tpu.memory_space<hbm>>
        tpu.wait_dma2 semaphore(%run_scoped3A : memref<!tpu.dma_semaphore, #tpu.memory_space<semaphore_mem>>) src(%dma_wait3A_88 : memref<128xi32, #tpu.memory_space<hbm>>) dst(%arg8 : memref<128xi32, #tpu.memory_space<vmem>>)
        tpu.yield
      }) : () -> ()
      "tpu.region"() ({
        %run_scoped3A = tpu.sem_alloc : memref<!tpu.dma_semaphore, #tpu.memory_space<semaphore_mem>>
        %dma_start3A = arith.constant 0 : i32
        %dma_start3A_87 = tpu.memref_slice %arg2[%add3A_54, %dma_start3A] : memref<160000x128xf32, #tpu.memory_space<hbm>> -> memref<128x128xf32, #tpu.memory_space<hbm>>
        %dma_start3A_88 = arith.constant 0 : i32
        %dma_start3A_89 = tpu.memref_slice %arg2[%add3A_54, %dma_start3A_88] : memref<160000x128xf32, #tpu.memory_space<hbm>> -> memref<128x128xf32, #tpu.memory_space<hbm>>
        tpu.enqueue_dma source(%dma_start3A_89 : memref<128x128xf32, #tpu.memory_space<hbm>>) target(%arg10 : memref<128x128xf32, #tpu.memory_space<vmem>>) target_semaphore(%run_scoped3A : memref<!tpu.dma_semaphore, #tpu.memory_space<semaphore_mem>>)
        %dma_wait3A = arith.constant 0 : i32
        %dma_wait3A_90 = tpu.memref_slice %arg2[%add3A_54, %dma_wait3A] : memref<160000x128xf32, #tpu.memory_space<hbm>> -> memref<128x128xf32, #tpu.memory_space<hbm>>
        %dma_wait3A_91 = arith.constant 0 : i32
        %dma_wait3A_92 = tpu.memref_slice %arg2[%add3A_54, %dma_wait3A_91] : memref<160000x128xf32, #tpu.memory_space<hbm>> -> memref<128x128xf32, #tpu.memory_space<hbm>>
        tpu.wait_dma2 semaphore(%run_scoped3A : memref<!tpu.dma_semaphore, #tpu.memory_space<semaphore_mem>>) src(%dma_wait3A_92 : memref<128x128xf32, #tpu.memory_space<hbm>>) dst(%arg10 : memref<128x128xf32, #tpu.memory_space<vmem>>)
        tpu.yield
      }) : () -> ()
      "tpu.region"() ({
        %run_scoped3A = tpu.sem_alloc : memref<!tpu.dma_semaphore, #tpu.memory_space<semaphore_mem>>
        %dma_start3A = tpu.memref_slice %arg3[%add3A_54] : memref<160000xf32, #tpu.memory_space<hbm>> -> memref<128xf32, #tpu.memory_space<hbm>>
        %dma_start3A_87 = tpu.memref_slice %arg3[%add3A_54] : memref<160000xf32, #tpu.memory_space<hbm>> -> memref<128xf32, #tpu.memory_space<hbm>>
        tpu.enqueue_dma source(%dma_start3A_87 : memref<128xf32, #tpu.memory_space<hbm>>) target(%arg12 : memref<128xf32, #tpu.memory_space<vmem>>) target_semaphore(%run_scoped3A : memref<!tpu.dma_semaphore, #tpu.memory_space<semaphore_mem>>)
        %dma_wait3A = tpu.memref_slice %arg3[%add3A_54] : memref<160000xf32, #tpu.memory_space<hbm>> -> memref<128xf32, #tpu.memory_space<hbm>>
        %dma_wait3A_88 = tpu.memref_slice %arg3[%add3A_54] : memref<160000xf32, #tpu.memory_space<hbm>> -> memref<128xf32, #tpu.memory_space<hbm>>
        tpu.wait_dma2 semaphore(%run_scoped3A : memref<!tpu.dma_semaphore, #tpu.memory_space<semaphore_mem>>) src(%dma_wait3A_88 : memref<128xf32, #tpu.memory_space<hbm>>) dst(%arg12 : memref<128xf32, #tpu.memory_space<vmem>>)
        tpu.yield
      }) : () -> ()
      "tpu.region"() ({
        %run_scoped3A = tpu.sem_alloc : memref<!tpu.dma_semaphore, #tpu.memory_space<semaphore_mem>>
        %dma_start3A = arith.constant 0 : i32
        %dma_start3A_87 = arith.constant 0 : i32
        %dma_start3A_88 = tpu.memref_slice %arg14[%dma_start3A, %dma_start3A_87] : memref<10240x128xf32, #tpu.memory_space<vmem_shared>> -> memref<10240x128xf32, #tpu.memory_space<vmem_shared>>
        tpu.enqueue_indirect_dma source(%arg10 : memref<128x128xf32, #tpu.memory_space<vmem>>) target(%dma_start3A_88 : memref<10240x128xf32, #tpu.memory_space<vmem_shared>>) offsets(%arg8 : memref<128xi32, #tpu.memory_space<vmem>>) semaphore(%run_scoped3A : memref<!tpu.dma_semaphore, #tpu.memory_space<semaphore_mem>>) {add = true}
        %dma_wait3A = arith.constant 0 : i32
        %dma_wait3A_89 = arith.constant 0 : i32
        %dma_wait3A_90 = tpu.memref_slice %arg14[%dma_wait3A, %dma_wait3A_89] : memref<10240x128xf32, #tpu.memory_space<vmem_shared>> -> memref<10240x128xf32, #tpu.memory_space<vmem_shared>>
        tpu.wait_indirect_dma semaphore(%run_scoped3A : memref<!tpu.dma_semaphore, #tpu.memory_space<semaphore_mem>>) src(%arg10 : memref<128x128xf32, #tpu.memory_space<vmem>>) dst(%dma_wait3A_90 : memref<10240x128xf32, #tpu.memory_space<vmem_shared>>)
        tpu.yield
      }) : () -> ()
      %get3A_55 = arith.constant 0 : index
      %get3A_56 = tpu.vector_load %arg8[%get3A_55] {strides = array<i32>} : memref<128xi32, #tpu.memory_space<vmem>>, vector<16xi32>,
      %get3A_57 = arith.constant 0 : index
      %get3A_58 = tpu.vector_load %arg12[%get3A_57] {strides = array<i32>} : memref<128xf32, #tpu.memory_space<vmem>>, vector<16xf32>,
      tpu.vector_store_idx %arg13[%get3A_56], %get3A_58 {add = true} : memref<10240xf32, #tpu.memory_space<vmem>>[vector<16xi32>], vector<16xf32>,
      %get3A_59 = arith.constant 16 : index
      %get3A_60 = tpu.vector_load %arg8[%get3A_59] {strides = array<i32>} : memref<128xi32, #tpu.memory_space<vmem>>, vector<16xi32>,
      %get3A_61 = arith.constant 16 : index
      %get3A_62 = tpu.vector_load %arg12[%get3A_61] {strides = array<i32>} : memref<128xf32, #tpu.memory_space<vmem>>, vector<16xf32>,
      tpu.vector_store_idx %arg13[%get3A_60], %get3A_62 {add = true} : memref<10240xf32, #tpu.memory_space<vmem>>[vector<16xi32>], vector<16xf32>,
      %get3A_63 = arith.constant 32 : index
      %get3A_64 = tpu.vector_load %arg8[%get3A_63] {strides = array<i32>} : memref<128xi32, #tpu.memory_space<vmem>>, vector<16xi32>,
      %get3A_65 = arith.constant 32 : index
      %get3A_66 = tpu.vector_load %arg12[%get3A_65] {strides = array<i32>} : memref<128xf32, #tpu.memory_space<vmem>>, vector<16xf32>,
      tpu.vector_store_idx %arg13[%get3A_64], %get3A_66 {add = true} : memref<10240xf32, #tpu.memory_space<vmem>>[vector<16xi32>], vector<16xf32>,
      %get3A_67 = arith.constant 48 : index
      %get3A_68 = tpu.vector_load %arg8[%get3A_67] {strides = array<i32>} : memref<128xi32, #tpu.memory_space<vmem>>, vector<16xi32>,
      %get3A_69 = arith.constant 48 : index
      %get3A_70 = tpu.vector_load %arg12[%get3A_69] {strides = array<i32>} : memref<128xf32, #tpu.memory_space<vmem>>, vector<16xf32>,
      tpu.vector_store_idx %arg13[%get3A_68], %get3A_70 {add = true} : memref<10240xf32, #tpu.memory_space<vmem>>[vector<16xi32>], vector<16xf32>,
      %get3A_71 = arith.constant 64 : index
      %get3A_72 = tpu.vector_load %arg8[%get3A_71] {strides = array<i32>} : memref<128xi32, #tpu.memory_space<vmem>>, vector<16xi32>,
      %get3A_73 = arith.constant 64 : index
      %get3A_74 = tpu.vector_load %arg12[%get3A_73] {strides = array<i32>} : memref<128xf32, #tpu.memory_space<vmem>>, vector<16xf32>,
      tpu.vector_store_idx %arg13[%get3A_72], %get3A_74 {add = true} : memref<10240xf32, #tpu.memory_space<vmem>>[vector<16xi32>], vector<16xf32>,
      %get3A_75 = arith.constant 80 : index
      %get3A_76 = tpu.vector_load %arg8[%get3A_75] {strides = array<i32>} : memref<128xi32, #tpu.memory_space<vmem>>, vector<16xi32>,
      %get3A_77 = arith.constant 80 : index
      %get3A_78 = tpu.vector_load %arg12[%get3A_77] {strides = array<i32>} : memref<128xf32, #tpu.memory_space<vmem>>, vector<16xf32>,
      tpu.vector_store_idx %arg13[%get3A_76], %get3A_78 {add = true} : memref<10240xf32, #tpu.memory_space<vmem>>[vector<16xi32>], vector<16xf32>,
      %get3A_79 = arith.constant 96 : index
      %get3A_80 = tpu.vector_load %arg8[%get3A_79] {strides = array<i32>} : memref<128xi32, #tpu.memory_space<vmem>>, vector<16xi32>,
      %get3A_81 = arith.constant 96 : index
      %get3A_82 = tpu.vector_load %arg12[%get3A_81] {strides = array<i32>} : memref<128xf32, #tpu.memory_space<vmem>>, vector<16xf32>,
      tpu.vector_store_idx %arg13[%get3A_80], %get3A_82 {add = true} : memref<10240xf32, #tpu.memory_space<vmem>>[vector<16xi32>], vector<16xf32>,
      %get3A_83 = arith.constant 112 : index
      %get3A_84 = tpu.vector_load %arg8[%get3A_83] {strides = array<i32>} : memref<128xi32, #tpu.memory_space<vmem>>, vector<16xi32>,
      %get3A_85 = arith.constant 112 : index
      %get3A_86 = tpu.vector_load %arg12[%get3A_85] {strides = array<i32>} : memref<128xf32, #tpu.memory_space<vmem>>, vector<16xf32>,
      tpu.vector_store_idx %arg13[%get3A_84], %get3A_86 {add = true} : memref<10240xf32, #tpu.memory_space<vmem>>[vector<16xi32>], vector<16xf32>,
    }
    %scan3A_34 = arith.constant 39 : i32
    %add3A_35 = arith.constant 4992 : i32
    %add3A_36 = arith.addi %mul3A_2, %add3A_35 : i32
    "tpu.region"() ({
      %run_scoped3A = tpu.sem_alloc : memref<!tpu.dma_semaphore, #tpu.memory_space<semaphore_mem>>
      %dma_start3A = arith.constant 0 : i32
      %dma_start3A_51 = tpu.memref_slice %arg9[%dma_start3A] : memref<16xi32, #tpu.memory_space<vmem>> -> memref<8xi32, #tpu.memory_space<vmem>>
      %dma_start3A_52 = tpu.memref_slice %arg4[%add3A_36] : memref<160000xi32, #tpu.memory_space<hbm>> -> memref<8xi32, #tpu.memory_space<hbm>>
      %dma_start3A_53 = arith.constant 0 : i32
      %dma_start3A_54 = tpu.memref_slice %arg9[%dma_start3A_53] : memref<16xi32, #tpu.memory_space<vmem>> -> memref<8xi32, #tpu.memory_space<vmem>>
      %dma_start3A_55 = tpu.memref_slice %arg4[%add3A_36] : memref<160000xi32, #tpu.memory_space<hbm>> -> memref<8xi32, #tpu.memory_space<hbm>>
      tpu.enqueue_dma source(%dma_start3A_55 : memref<8xi32, #tpu.memory_space<hbm>>) target(%dma_start3A_54 : memref<8xi32, #tpu.memory_space<vmem>>) target_semaphore(%run_scoped3A : memref<!tpu.dma_semaphore, #tpu.memory_space<semaphore_mem>>)
      %dma_wait3A = arith.constant 0 : i32
      %dma_wait3A_56 = tpu.memref_slice %arg9[%dma_wait3A] : memref<16xi32, #tpu.memory_space<vmem>> -> memref<8xi32, #tpu.memory_space<vmem>>
      %dma_wait3A_57 = tpu.memref_slice %arg4[%add3A_36] : memref<160000xi32, #tpu.memory_space<hbm>> -> memref<8xi32, #tpu.memory_space<hbm>>
      %dma_wait3A_58 = arith.constant 0 : i32
      %dma_wait3A_59 = tpu.memref_slice %arg9[%dma_wait3A_58] : memref<16xi32, #tpu.memory_space<vmem>> -> memref<8xi32, #tpu.memory_space<vmem>>
      %dma_wait3A_60 = tpu.memref_slice %arg4[%add3A_36] : memref<160000xi32, #tpu.memory_space<hbm>> -> memref<8xi32, #tpu.memory_space<hbm>>
      tpu.wait_dma2 semaphore(%run_scoped3A : memref<!tpu.dma_semaphore, #tpu.memory_space<semaphore_mem>>) src(%dma_wait3A_60 : memref<8xi32, #tpu.memory_space<hbm>>) dst(%dma_wait3A_59 : memref<8xi32, #tpu.memory_space<vmem>>)
      tpu.yield
    }) : () -> ()
    %get3A = arith.constant 0 : index
    %get3A_37 = tpu.vector_load %arg9[%get3A] {strides = array<i32>} : memref<16xi32, #tpu.memory_space<vmem>>, vector<16xi32>,
    %iota3A = tpu.iota {dimensions = array<i32: 0>} : vector<16xi32>
    %lt3A = arith.constant 8 : i32
    %lt3A_38 = vector.broadcast %lt3A : i32 to vector<16xi32>
    %lt3A_39 = arith.cmpi slt, %iota3A, %lt3A_38 : vector<16xi32>
    %jit3A = arith.constant 10000 : i32
    %broadcast_in_dim3A_40 = vector.broadcast %jit3A : i32 to vector<16xi32>
    %select_n3A = arith.select %lt3A_39, %get3A_37, %broadcast_in_dim3A_40 : vector<16xi1>, vector<16xi32>
    %swap3A = arith.constant 0 : index
    %swap3A_41 = tpu.vector_load %arg9[%swap3A] {strides = array<i32>} : memref<16xi32, #tpu.memory_space<vmem>>, vector<16xi32>,
    tpu.vector_store %arg9[%swap3A], %select_n3A {strides = array<i32>} : memref<16xi32, #tpu.memory_space<vmem>>, vector<16xi32>,
    "tpu.region"() ({
      %run_scoped3A = tpu.sem_alloc : memref<!tpu.dma_semaphore, #tpu.memory_space<semaphore_mem>>
      %dma_start3A = arith.constant 0 : i32
      %dma_start3A_51 = arith.constant 0 : i32
      %dma_start3A_52 = tpu.memref_slice %arg11[%dma_start3A, %dma_start3A_51] : memref<16x128xf32, #tpu.memory_space<vmem>> -> memref<8x128xf32, #tpu.memory_space<vmem>>
      %dma_start3A_53 = arith.constant 0 : i32
      %dma_start3A_54 = tpu.memref_slice %arg2[%add3A_36, %dma_start3A_53] : memref<160000x128xf32, #tpu.memory_space<hbm>> -> memref<8x128xf32, #tpu.memory_space<hbm>>
      %dma_start3A_55 = arith.constant 0 : i32
      %dma_start3A_56 = arith.constant 0 : i32
      %dma_start3A_57 = tpu.memref_slice %arg11[%dma_start3A_55, %dma_start3A_56] : memref<16x128xf32, #tpu.memory_space<vmem>> -> memref<8x128xf32, #tpu.memory_space<vmem>>
      %dma_start3A_58 = arith.constant 0 : i32
      %dma_start3A_59 = tpu.memref_slice %arg2[%add3A_36, %dma_start3A_58] : memref<160000x128xf32, #tpu.memory_space<hbm>> -> memref<8x128xf32, #tpu.memory_space<hbm>>
      tpu.enqueue_dma source(%dma_start3A_59 : memref<8x128xf32, #tpu.memory_space<hbm>>) target(%dma_start3A_57 : memref<8x128xf32, #tpu.memory_space<vmem>>) target_semaphore(%run_scoped3A : memref<!tpu.dma_semaphore, #tpu.memory_space<semaphore_mem>>)
      %dma_wait3A = arith.constant 0 : i32
      %dma_wait3A_60 = arith.constant 0 : i32
      %dma_wait3A_61 = tpu.memref_slice %arg11[%dma_wait3A, %dma_wait3A_60] : memref<16x128xf32, #tpu.memory_space<vmem>> -> memref<8x128xf32, #tpu.memory_space<vmem>>
      %dma_wait3A_62 = arith.constant 0 : i32
      %dma_wait3A_63 = tpu.memref_slice %arg2[%add3A_36, %dma_wait3A_62] : memref<160000x128xf32, #tpu.memory_space<hbm>> -> memref<8x128xf32, #tpu.memory_space<hbm>>
      %dma_wait3A_64 = arith.constant 0 : i32
      %dma_wait3A_65 = arith.constant 0 : i32
      %dma_wait3A_66 = tpu.memref_slice %arg11[%dma_wait3A_64, %dma_wait3A_65] : memref<16x128xf32, #tpu.memory_space<vmem>> -> memref<8x128xf32, #tpu.memory_space<vmem>>
      %dma_wait3A_67 = arith.constant 0 : i32
      %dma_wait3A_68 = tpu.memref_slice %arg2[%add3A_36, %dma_wait3A_67] : memref<160000x128xf32, #tpu.memory_space<hbm>> -> memref<8x128xf32, #tpu.memory_space<hbm>>
      tpu.wait_dma2 semaphore(%run_scoped3A : memref<!tpu.dma_semaphore, #tpu.memory_space<semaphore_mem>>) src(%dma_wait3A_68 : memref<8x128xf32, #tpu.memory_space<hbm>>) dst(%dma_wait3A_66 : memref<8x128xf32, #tpu.memory_space<vmem>>)
      tpu.yield
    }) : () -> ()
    "tpu.region"() ({
      %run_scoped3A = tpu.sem_alloc : memref<!tpu.dma_semaphore, #tpu.memory_space<semaphore_mem>>
      %dma_start3A = arith.constant 0 : i32
      %dma_start3A_51 = tpu.memref_slice %arg12[%dma_start3A] : memref<128xf32, #tpu.memory_space<vmem>> -> memref<8xf32, #tpu.memory_space<vmem>>
      %dma_start3A_52 = tpu.memref_slice %arg3[%add3A_36] : memref<160000xf32, #tpu.memory_space<hbm>> -> memref<8xf32, #tpu.memory_space<hbm>>
      %dma_start3A_53 = arith.constant 0 : i32
      %dma_start3A_54 = tpu.memref_slice %arg12[%dma_start3A_53] : memref<128xf32, #tpu.memory_space<vmem>> -> memref<8xf32, #tpu.memory_space<vmem>>
      %dma_start3A_55 = tpu.memref_slice %arg3[%add3A_36] : memref<160000xf32, #tpu.memory_space<hbm>> -> memref<8xf32, #tpu.memory_space<hbm>>
      tpu.enqueue_dma source(%dma_start3A_55 : memref<8xf32, #tpu.memory_space<hbm>>) target(%dma_start3A_54 : memref<8xf32, #tpu.memory_space<vmem>>) target_semaphore(%run_scoped3A : memref<!tpu.dma_semaphore, #tpu.memory_space<semaphore_mem>>)
      %dma_wait3A = arith.constant 0 : i32
      %dma_wait3A_56 = tpu.memref_slice %arg12[%dma_wait3A] : memref<128xf32, #tpu.memory_space<vmem>> -> memref<8xf32, #tpu.memory_space<vmem>>
      %dma_wait3A_57 = tpu.memref_slice %arg3[%add3A_36] : memref<160000xf32, #tpu.memory_space<hbm>> -> memref<8xf32, #tpu.memory_space<hbm>>
      %dma_wait3A_58 = arith.constant 0 : i32
      %dma_wait3A_59 = tpu.memref_slice %arg12[%dma_wait3A_58] : memref<128xf32, #tpu.memory_space<vmem>> -> memref<8xf32, #tpu.memory_space<vmem>>
      %dma_wait3A_60 = tpu.memref_slice %arg3[%add3A_36] : memref<160000xf32, #tpu.memory_space<hbm>> -> memref<8xf32, #tpu.memory_space<hbm>>
      tpu.wait_dma2 semaphore(%run_scoped3A : memref<!tpu.dma_semaphore, #tpu.memory_space<semaphore_mem>>) src(%dma_wait3A_60 : memref<8xf32, #tpu.memory_space<hbm>>) dst(%dma_wait3A_59 : memref<8xf32, #tpu.memory_space<vmem>>)
      tpu.yield
    }) : () -> ()
    "tpu.region"() ({
      %run_scoped3A = tpu.sem_alloc : memref<!tpu.dma_semaphore, #tpu.memory_space<semaphore_mem>>
      %dma_start3A = arith.constant 0 : i32
      %dma_start3A_51 = arith.constant 0 : i32
      %dma_start3A_52 = tpu.memref_slice %arg14[%dma_start3A, %dma_start3A_51] : memref<10240x128xf32, #tpu.memory_space<vmem_shared>> -> memref<10240x128xf32, #tpu.memory_space<vmem_shared>>
      tpu.enqueue_indirect_dma source(%arg11 : memref<16x128xf32, #tpu.memory_space<vmem>>) target(%dma_start3A_52 : memref<10240x128xf32, #tpu.memory_space<vmem_shared>>) offsets(%arg9 : memref<16xi32, #tpu.memory_space<vmem>>) semaphore(%run_scoped3A : memref<!tpu.dma_semaphore, #tpu.memory_space<semaphore_mem>>) {add = true}
      %dma_wait3A = arith.constant 0 : i32
      %dma_wait3A_53 = arith.constant 0 : i32
      %dma_wait3A_54 = tpu.memref_slice %arg14[%dma_wait3A, %dma_wait3A_53] : memref<10240x128xf32, #tpu.memory_space<vmem_shared>> -> memref<10240x128xf32, #tpu.memory_space<vmem_shared>>
      tpu.wait_indirect_dma semaphore(%run_scoped3A : memref<!tpu.dma_semaphore, #tpu.memory_space<semaphore_mem>>) src(%arg11 : memref<16x128xf32, #tpu.memory_space<vmem>>) dst(%dma_wait3A_54 : memref<10240x128xf32, #tpu.memory_space<vmem_shared>>)
      tpu.yield
    }) : () -> ()
    %get3A_42 = arith.constant 0 : index
    %get3A_43 = tpu.vector_load %arg9[%get3A_42] {strides = array<i32>} : memref<16xi32, #tpu.memory_space<vmem>>, vector<16xi32>,
    %get3A_44 = arith.constant 0 : index
    %get3A_45 = tpu.vector_load %arg12[%get3A_44] {strides = array<i32>} : memref<128xf32, #tpu.memory_space<vmem>>, vector<16xf32>,
    tpu.vector_store_idx %arg13[%get3A_43], %get3A_45 {add = true} : memref<10240xf32, #tpu.memory_space<vmem>>[vector<16xi32>], vector<16xf32>,
    "tpu.region"() ({
      %run_scoped3A = tpu.sem_alloc : memref<!tpu.dma_semaphore, #tpu.memory_space<semaphore_mem>>
      %dma_start3A = arith.constant 0 : i32
      %dma_start3A_51 = tpu.memref_slice %arg7[%arg0, %arg1, %dma_start3A] : memref<2x16x10240xf32, #tpu.memory_space<hbm>> -> memref<1x1x10240xf32, #tpu.memory_space<hbm>>
      %dma_start3A_52 = tpu.memref_squeeze %dma_start3A_51 : memref<1x1x10240xf32, #tpu.memory_space<hbm>> -> memref<10240xf32, #tpu.memory_space<hbm>>
      %dma_start3A_53 = arith.constant 0 : i32
      %dma_start3A_54 = tpu.memref_slice %arg7[%arg0, %arg1, %dma_start3A_53] : memref<2x16x10240xf32, #tpu.memory_space<hbm>> -> memref<1x1x10240xf32, #tpu.memory_space<hbm>>
      %dma_start3A_55 = tpu.memref_squeeze %dma_start3A_54 : memref<1x1x10240xf32, #tpu.memory_space<hbm>> -> memref<10240xf32, #tpu.memory_space<hbm>>
      tpu.enqueue_dma source(%arg13 : memref<10240xf32, #tpu.memory_space<vmem>>) target(%dma_start3A_55 : memref<10240xf32, #tpu.memory_space<hbm>>) target_semaphore(%run_scoped3A : memref<!tpu.dma_semaphore, #tpu.memory_space<semaphore_mem>>)
      %dma_wait3A = arith.constant 0 : i32
      %dma_wait3A_56 = tpu.memref_slice %arg7[%arg0, %arg1, %dma_wait3A] : memref<2x16x10240xf32, #tpu.memory_space<hbm>> -> memref<1x1x10240xf32, #tpu.memory_space<hbm>>
      %dma_wait3A_57 = tpu.memref_squeeze %dma_wait3A_56 : memref<1x1x10240xf32, #tpu.memory_space<hbm>> -> memref<10240xf32, #tpu.memory_space<hbm>>
      %dma_wait3A_58 = arith.constant 0 : i32
      %dma_wait3A_59 = tpu.memref_slice %arg7[%arg0, %arg1, %dma_wait3A_58] : memref<2x16x10240xf32, #tpu.memory_space<hbm>> -> memref<1x1x10240xf32, #tpu.memory_space<hbm>>
      %dma_wait3A_60 = tpu.memref_squeeze %dma_wait3A_59 : memref<1x1x10240xf32, #tpu.memory_space<hbm>> -> memref<10240xf32, #tpu.memory_space<hbm>>
      tpu.wait_dma2 semaphore(%run_scoped3A : memref<!tpu.dma_semaphore, #tpu.memory_space<semaphore_mem>>) src(%arg13 : memref<10240xf32, #tpu.memory_space<vmem>>) dst(%dma_wait3A_60 : memref<10240xf32, #tpu.memory_space<hbm>>)
      tpu.yield
    }) : () -> ()
    %barrier3A_46 = arith.constant 0 : index
    tpu.barrier barrier_id(%barrier3A_46)
    %mul3A_47 = arith.constant 640 : i32
    %mul3A_48 = arith.muli %arg1, %mul3A_47 : i32
    %mul3A_49 = arith.constant 640 : i32
    %mul3A_50 = arith.muli %arg1, %mul3A_49 : i32
    "tpu.region"() ({
      %run_scoped3A = tpu.sem_alloc : memref<!tpu.dma_semaphore, #tpu.memory_space<semaphore_mem>>
      %dma_start3A = arith.constant 0 : i32
      %dma_start3A_51 = tpu.memref_slice %arg6[%arg0, %mul3A_50, %dma_start3A] : memref<2x10240x128xf32, #tpu.memory_space<hbm>> -> memref<1x640x128xf32, #tpu.memory_space<hbm>>
      %dma_start3A_52 = tpu.memref_squeeze %dma_start3A_51 : memref<1x640x128xf32, #tpu.memory_space<hbm>> -> memref<640x128xf32, #tpu.memory_space<hbm>>
      %dma_start3A_53 = arith.constant 0 : i32
      %dma_start3A_54 = tpu.memref_slice %arg14[%mul3A_48, %dma_start3A_53] : memref<10240x128xf32, #tpu.memory_space<vmem_shared>> -> memref<640x128xf32, #tpu.memory_space<vmem_shared>>
      tpu.enqueue_dma source(%dma_start3A_54 : memref<640x128xf32, #tpu.memory_space<vmem_shared>>) target(%dma_start3A_52 : memref<640x128xf32, #tpu.memory_space<hbm>>) target_semaphore(%run_scoped3A : memref<!tpu.dma_semaphore, #tpu.memory_space<semaphore_mem>>)
      %dma_wait3A = arith.constant 0 : i32
      %dma_wait3A_55 = tpu.memref_slice %arg6[%arg0, %mul3A_50, %dma_wait3A] : memref<2x10240x128xf32, #tpu.memory_space<hbm>> -> memref<1x640x128xf32, #tpu.memory_space<hbm>>
      %dma_wait3A_56 = tpu.memref_squeeze %dma_wait3A_55 : memref<1x640x128xf32, #tpu.memory_space<hbm>> -> memref<640x128xf32, #tpu.memory_space<hbm>>
      %dma_wait3A_57 = arith.constant 0 : i32
      %dma_wait3A_58 = tpu.memref_slice %arg14[%mul3A_48, %dma_wait3A_57] : memref<10240x128xf32, #tpu.memory_space<vmem_shared>> -> memref<640x128xf32, #tpu.memory_space<vmem_shared>>
      tpu.wait_dma2 semaphore(%run_scoped3A : memref<!tpu.dma_semaphore, #tpu.memory_space<semaphore_mem>>) src(%dma_wait3A_58 : memref<640x128xf32, #tpu.memory_space<vmem_shared>>) dst(%dma_wait3A_56 : memref<640x128xf32, #tpu.memory_space<hbm>>)
      tpu.yield
    }) : () -> ()
    return
  }
}

#map = affine_map<(d0, d1) -> (0, 0)>
#map1 = affine_map<(d0, d1) -> (0)>
module attributes {stable_mosaic.version = 14 : i64} {
  func.func @k(%arg0: i32, %arg1: i32, %arg2: memref<10000x128xf32, #tpu.memory_space<hbm>>, %arg3: memref<10000x128xf32, #tpu.memory_space<hbm>>, %arg4: memref<160000xi32, #tpu.memory_space<hbm>>, %arg5: memref<160000xi32, #tpu.memory_space<hbm>>, %arg6: memref<160000x128xf32, #tpu.memory_space<hbm>>, %arg7: memref<128xi32, #tpu.memory_space<vmem>>, %arg8: memref<128xi32, #tpu.memory_space<vmem>>, %arg9: memref<128x128xf32, #tpu.memory_space<vmem>>, %arg10: memref<128x128xf32, #tpu.memory_space<vmem>>, %arg11: memref<!tpu.dma_semaphore, #tpu.memory_space<semaphore_mem>>, %arg12: memref<!tpu.dma_semaphore, #tpu.memory_space<semaphore_mem>>) attributes {dimension_semantics = [#tpu.dimension_semantics<core_parallel>, #tpu.dimension_semantics<subcore_parallel>], iteration_bounds = array<i64: 2, 16>, scalar_prefetch = 0 : i64, scratch_operands = 6 : i64, tpu.core_type = #tpu.core_type<sc_vector_subcore>, window_params = [{transform_indices = #map}, {transform_indices = #map}, {transform_indices = #map1}, {transform_indices = #map1}, {transform_indices = #map}]} {
    %mul3A = arith.constant 2 : i32
    %mul3A_0 = arith.muli %arg1, %mul3A : i32
    %add3A = arith.addi %mul3A_0, %arg0 : i32
    %mul3A_1 = arith.constant 5000 : i32
    %mul3A_2 = arith.muli %add3A, %mul3A_1 : i32
    %scan3A = arith.constant 0 : i32
    %scan3A_3 = arith.constant 0 : i32
    %scan3A_4 = arith.constant 39 : i32
    %scan3A_5 = arith.addi %scan3A_3, %scan3A_4 : i32
    %scan3A_6 = arith.constant 1 : i32
    scf.for %scan3A_46 = %scan3A_3 to %scan3A_5 step %scan3A_6  : i32 {
      %mul3A_47 = arith.constant 128 : i32
      %mul3A_48 = arith.muli %scan3A_46, %mul3A_47 : i32
      %add3A_49 = arith.addi %mul3A_2, %mul3A_48 : i32
      "tpu.region"() ({
        %run_scoped3A = tpu.sem_alloc : memref<!tpu.dma_semaphore, #tpu.memory_space<semaphore_mem>>
        %dma_start3A_88 = arith.constant 0 : i32
        %dma_start3A_89 = tpu.memref_slice %arg7[%dma_start3A_88] : memref<128xi32, #tpu.memory_space<vmem>> -> memref<128xi32, #tpu.memory_space<vmem>>
        %dma_start3A_90 = tpu.memref_slice %arg4[%add3A_49] : memref<160000xi32, #tpu.memory_space<hbm>> -> memref<128xi32, #tpu.memory_space<hbm>>
        %dma_start3A_91 = arith.constant 0 : i32
        %dma_start3A_92 = tpu.memref_slice %arg7[%dma_start3A_91] : memref<128xi32, #tpu.memory_space<vmem>> -> memref<128xi32, #tpu.memory_space<vmem>>
        %dma_start3A_93 = tpu.memref_slice %arg4[%add3A_49] : memref<160000xi32, #tpu.memory_space<hbm>> -> memref<128xi32, #tpu.memory_space<hbm>>
        tpu.enqueue_dma source(%dma_start3A_93 : memref<128xi32, #tpu.memory_space<hbm>>) target(%dma_start3A_92 : memref<128xi32, #tpu.memory_space<vmem>>) target_semaphore(%run_scoped3A : memref<!tpu.dma_semaphore, #tpu.memory_space<semaphore_mem>>)
        %dma_wait3A_94 = arith.constant 0 : i32
        %dma_wait3A_95 = tpu.memref_slice %arg7[%dma_wait3A_94] : memref<128xi32, #tpu.memory_space<vmem>> -> memref<128xi32, #tpu.memory_space<vmem>>
        %dma_wait3A_96 = tpu.memref_slice %arg4[%add3A_49] : memref<160000xi32, #tpu.memory_space<hbm>> -> memref<128xi32, #tpu.memory_space<hbm>>
        %dma_wait3A_97 = arith.constant 0 : i32
        %dma_wait3A_98 = tpu.memref_slice %arg7[%dma_wait3A_97] : memref<128xi32, #tpu.memory_space<vmem>> -> memref<128xi32, #tpu.memory_space<vmem>>
        %dma_wait3A_99 = tpu.memref_slice %arg4[%add3A_49] : memref<160000xi32, #tpu.memory_space<hbm>> -> memref<128xi32, #tpu.memory_space<hbm>>
        tpu.wait_dma2 semaphore(%run_scoped3A : memref<!tpu.dma_semaphore, #tpu.memory_space<semaphore_mem>>) src(%dma_wait3A_99 : memref<128xi32, #tpu.memory_space<hbm>>) dst(%dma_wait3A_98 : memref<128xi32, #tpu.memory_space<vmem>>)
        tpu.yield
      }) : () -> ()
      "tpu.region"() ({
        %run_scoped3A = tpu.sem_alloc : memref<!tpu.dma_semaphore, #tpu.memory_space<semaphore_mem>>
        %dma_start3A_88 = arith.constant 0 : i32
        %dma_start3A_89 = tpu.memref_slice %arg8[%dma_start3A_88] : memref<128xi32, #tpu.memory_space<vmem>> -> memref<128xi32, #tpu.memory_space<vmem>>
        %dma_start3A_90 = tpu.memref_slice %arg5[%add3A_49] : memref<160000xi32, #tpu.memory_space<hbm>> -> memref<128xi32, #tpu.memory_space<hbm>>
        %dma_start3A_91 = arith.constant 0 : i32
        %dma_start3A_92 = tpu.memref_slice %arg8[%dma_start3A_91] : memref<128xi32, #tpu.memory_space<vmem>> -> memref<128xi32, #tpu.memory_space<vmem>>
        %dma_start3A_93 = tpu.memref_slice %arg5[%add3A_49] : memref<160000xi32, #tpu.memory_space<hbm>> -> memref<128xi32, #tpu.memory_space<hbm>>
        tpu.enqueue_dma source(%dma_start3A_93 : memref<128xi32, #tpu.memory_space<hbm>>) target(%dma_start3A_92 : memref<128xi32, #tpu.memory_space<vmem>>) target_semaphore(%run_scoped3A : memref<!tpu.dma_semaphore, #tpu.memory_space<semaphore_mem>>)
        %dma_wait3A_94 = arith.constant 0 : i32
        %dma_wait3A_95 = tpu.memref_slice %arg8[%dma_wait3A_94] : memref<128xi32, #tpu.memory_space<vmem>> -> memref<128xi32, #tpu.memory_space<vmem>>
        %dma_wait3A_96 = tpu.memref_slice %arg5[%add3A_49] : memref<160000xi32, #tpu.memory_space<hbm>> -> memref<128xi32, #tpu.memory_space<hbm>>
        %dma_wait3A_97 = arith.constant 0 : i32
        %dma_wait3A_98 = tpu.memref_slice %arg8[%dma_wait3A_97] : memref<128xi32, #tpu.memory_space<vmem>> -> memref<128xi32, #tpu.memory_space<vmem>>
        %dma_wait3A_99 = tpu.memref_slice %arg5[%add3A_49] : memref<160000xi32, #tpu.memory_space<hbm>> -> memref<128xi32, #tpu.memory_space<hbm>>
        tpu.wait_dma2 semaphore(%run_scoped3A : memref<!tpu.dma_semaphore, #tpu.memory_space<semaphore_mem>>) src(%dma_wait3A_99 : memref<128xi32, #tpu.memory_space<hbm>>) dst(%dma_wait3A_98 : memref<128xi32, #tpu.memory_space<vmem>>)
        tpu.yield
      }) : () -> ()
      %dma_start3A_50 = arith.constant 0 : i32
      %dma_start3A_51 = arith.constant 0 : i32
      %dma_start3A_52 = tpu.memref_slice %arg9[%dma_start3A_50, %dma_start3A_51] : memref<128x128xf32, #tpu.memory_space<vmem>> -> memref<128x128xf32, #tpu.memory_space<vmem>>
      %dma_start3A_53 = arith.constant 0 : i32
      %dma_start3A_54 = tpu.memref_slice %arg7[%dma_start3A_53] : memref<128xi32, #tpu.memory_space<vmem>> -> memref<128xi32, #tpu.memory_space<vmem>>
      %dma_start3A_55 = arith.constant 0 : i32
      %dma_start3A_56 = arith.constant 0 : i32
      %dma_start3A_57 = tpu.memref_slice %arg2[%dma_start3A_55, %dma_start3A_56] : memref<10000x128xf32, #tpu.memory_space<hbm>> -> memref<10000x128xf32, #tpu.memory_space<hbm>>
      tpu.enqueue_indirect_dma source(%dma_start3A_57 : memref<10000x128xf32, #tpu.memory_space<hbm>>) target(%dma_start3A_52 : memref<128x128xf32, #tpu.memory_space<vmem>>) offsets(%dma_start3A_54 : memref<128xi32, #tpu.memory_space<vmem>>) semaphore(%arg11 : memref<!tpu.dma_semaphore, #tpu.memory_space<semaphore_mem>>)
      %dma_start3A_58 = arith.constant 0 : i32
      %dma_start3A_59 = arith.constant 0 : i32
      %dma_start3A_60 = tpu.memref_slice %arg10[%dma_start3A_58, %dma_start3A_59] : memref<128x128xf32, #tpu.memory_space<vmem>> -> memref<128x128xf32, #tpu.memory_space<vmem>>
      %dma_start3A_61 = arith.constant 0 : i32
      %dma_start3A_62 = tpu.memref_slice %arg8[%dma_start3A_61] : memref<128xi32, #tpu.memory_space<vmem>> -> memref<128xi32, #tpu.memory_space<vmem>>
      %dma_start3A_63 = arith.constant 0 : i32
      %dma_start3A_64 = arith.constant 0 : i32
      %dma_start3A_65 = tpu.memref_slice %arg3[%dma_start3A_63, %dma_start3A_64] : memref<10000x128xf32, #tpu.memory_space<hbm>> -> memref<10000x128xf32, #tpu.memory_space<hbm>>
      tpu.enqueue_indirect_dma source(%dma_start3A_65 : memref<10000x128xf32, #tpu.memory_space<hbm>>) target(%dma_start3A_60 : memref<128x128xf32, #tpu.memory_space<vmem>>) offsets(%dma_start3A_62 : memref<128xi32, #tpu.memory_space<vmem>>) semaphore(%arg12 : memref<!tpu.dma_semaphore, #tpu.memory_space<semaphore_mem>>)
      %dma_wait3A_66 = arith.constant 0 : i32
      %dma_wait3A_67 = arith.constant 0 : i32
      %dma_wait3A_68 = tpu.memref_slice %arg9[%dma_wait3A_66, %dma_wait3A_67] : memref<128x128xf32, #tpu.memory_space<vmem>> -> memref<128x128xf32, #tpu.memory_space<vmem>>
      %dma_wait3A_69 = arith.constant 0 : i32
      %dma_wait3A_70 = tpu.memref_slice %arg7[%dma_wait3A_69] : memref<128xi32, #tpu.memory_space<vmem>> -> memref<128xi32, #tpu.memory_space<vmem>>
      %dma_wait3A_71 = arith.constant 0 : i32
      %dma_wait3A_72 = arith.constant 0 : i32
      %dma_wait3A_73 = tpu.memref_slice %arg2[%dma_wait3A_71, %dma_wait3A_72] : memref<10000x128xf32, #tpu.memory_space<hbm>> -> memref<10000x128xf32, #tpu.memory_space<hbm>>
      tpu.wait_indirect_dma semaphore(%arg11 : memref<!tpu.dma_semaphore, #tpu.memory_space<semaphore_mem>>) src(%dma_wait3A_73 : memref<10000x128xf32, #tpu.memory_space<hbm>>) dst(%dma_wait3A_68 : memref<128x128xf32, #tpu.memory_space<vmem>>)
      %dma_wait3A_74 = arith.constant 0 : i32
      %dma_wait3A_75 = arith.constant 0 : i32
      %dma_wait3A_76 = tpu.memref_slice %arg10[%dma_wait3A_74, %dma_wait3A_75] : memref<128x128xf32, #tpu.memory_space<vmem>> -> memref<128x128xf32, #tpu.memory_space<vmem>>
      %dma_wait3A_77 = arith.constant 0 : i32
      %dma_wait3A_78 = tpu.memref_slice %arg8[%dma_wait3A_77] : memref<128xi32, #tpu.memory_space<vmem>> -> memref<128xi32, #tpu.memory_space<vmem>>
      %dma_wait3A_79 = arith.constant 0 : i32
      %dma_wait3A_80 = arith.constant 0 : i32
      %dma_wait3A_81 = tpu.memref_slice %arg3[%dma_wait3A_79, %dma_wait3A_80] : memref<10000x128xf32, #tpu.memory_space<hbm>> -> memref<10000x128xf32, #tpu.memory_space<hbm>>
      tpu.wait_indirect_dma semaphore(%arg12 : memref<!tpu.dma_semaphore, #tpu.memory_space<semaphore_mem>>) src(%dma_wait3A_81 : memref<10000x128xf32, #tpu.memory_space<hbm>>) dst(%dma_wait3A_76 : memref<128x128xf32, #tpu.memory_space<vmem>>)
      %scan3A_82 = arith.constant 0 : i32
      %scan3A_83 = arith.constant 0 : i32
      %scan3A_84 = arith.constant 128 : i32
      %scan3A_85 = arith.addi %scan3A_83, %scan3A_84 : i32
      %scan3A_86 = arith.constant 1 : i32
      scf.for %scan3A_88 = %scan3A_83 to %scan3A_85 step %scan3A_86  : i32 {
        %get3A = arith.index_cast %scan3A_88 : i32 to index
        %get3A_89 = arith.constant 0 : index
        %get3A_90 = tpu.vector_load %arg9[%get3A, %get3A_89] {strides = array<i32>} : memref<128x128xf32, #tpu.memory_space<vmem>>, vector<1x16xf32>,
        %get3A_91 = vector.shape_cast %get3A_90 : vector<1x16xf32> to vector<16xf32>
        %get3A_92 = arith.index_cast %scan3A_88 : i32 to index
        %get3A_93 = arith.constant 0 : index
        %get3A_94 = tpu.vector_load %arg10[%get3A_92, %get3A_93] {strides = array<i32>} : memref<128x128xf32, #tpu.memory_space<vmem>>, vector<1x16xf32>,
        %get3A_95 = vector.shape_cast %get3A_94 : vector<1x16xf32> to vector<16xf32>
        %add3A_96 = arith.addf %get3A_91, %get3A_95 : vector<16xf32>
        %swap3A = arith.index_cast %scan3A_88 : i32 to index
        %swap3A_97 = arith.constant 0 : index
        %swap3A_98 = tpu.vector_load %arg9[%swap3A, %swap3A_97] {strides = array<i32>} : memref<128x128xf32, #tpu.memory_space<vmem>>, vector<1x16xf32>,
        %swap3A_99 = vector.shape_cast %swap3A_98 : vector<1x16xf32> to vector<16xf32>
        %swap3A_100 = vector.shape_cast %add3A_96 : vector<16xf32> to vector<1x16xf32>
        tpu.vector_store %arg9[%swap3A, %swap3A_97], %swap3A_100 {strides = array<i32>} : memref<128x128xf32, #tpu.memory_space<vmem>>, vector<1x16xf32>,
        %get3A_101 = arith.index_cast %scan3A_88 : i32 to index
        %get3A_102 = arith.constant 16 : index
        %get3A_103 = tpu.vector_load %arg9[%get3A_101, %get3A_102] {strides = array<i32>} : memref<128x128xf32, #tpu.memory_space<vmem>>, vector<1x16xf32>,
        %get3A_104 = vector.shape_cast %get3A_103 : vector<1x16xf32> to vector<16xf32>
        %get3A_105 = arith.index_cast %scan3A_88 : i32 to index
        %get3A_106 = arith.constant 16 : index
        %get3A_107 = tpu.vector_load %arg10[%get3A_105, %get3A_106] {strides = array<i32>} : memref<128x128xf32, #tpu.memory_space<vmem>>, vector<1x16xf32>,
        %get3A_108 = vector.shape_cast %get3A_107 : vector<1x16xf32> to vector<16xf32>
        %add3A_109 = arith.addf %get3A_104, %get3A_108 : vector<16xf32>
        %swap3A_110 = arith.index_cast %scan3A_88 : i32 to index
        %swap3A_111 = arith.constant 16 : index
        %swap3A_112 = tpu.vector_load %arg9[%swap3A_110, %swap3A_111] {strides = array<i32>} : memref<128x128xf32, #tpu.memory_space<vmem>>, vector<1x16xf32>,
        %swap3A_113 = vector.shape_cast %swap3A_112 : vector<1x16xf32> to vector<16xf32>
        %swap3A_114 = vector.shape_cast %add3A_109 : vector<16xf32> to vector<1x16xf32>
        tpu.vector_store %arg9[%swap3A_110, %swap3A_111], %swap3A_114 {strides = array<i32>} : memref<128x128xf32, #tpu.memory_space<vmem>>, vector<1x16xf32>,
        %get3A_115 = arith.index_cast %scan3A_88 : i32 to index
        %get3A_116 = arith.constant 32 : index
        %get3A_117 = tpu.vector_load %arg9[%get3A_115, %get3A_116] {strides = array<i32>} : memref<128x128xf32, #tpu.memory_space<vmem>>, vector<1x16xf32>,
        %get3A_118 = vector.shape_cast %get3A_117 : vector<1x16xf32> to vector<16xf32>
        %get3A_119 = arith.index_cast %scan3A_88 : i32 to index
        %get3A_120 = arith.constant 32 : index
        %get3A_121 = tpu.vector_load %arg10[%get3A_119, %get3A_120] {strides = array<i32>} : memref<128x128xf32, #tpu.memory_space<vmem>>, vector<1x16xf32>,
        %get3A_122 = vector.shape_cast %get3A_121 : vector<1x16xf32> to vector<16xf32>
        %add3A_123 = arith.addf %get3A_118, %get3A_122 : vector<16xf32>
        %swap3A_124 = arith.index_cast %scan3A_88 : i32 to index
        %swap3A_125 = arith.constant 32 : index
        %swap3A_126 = tpu.vector_load %arg9[%swap3A_124, %swap3A_125] {strides = array<i32>} : memref<128x128xf32, #tpu.memory_space<vmem>>, vector<1x16xf32>,
        %swap3A_127 = vector.shape_cast %swap3A_126 : vector<1x16xf32> to vector<16xf32>
        %swap3A_128 = vector.shape_cast %add3A_123 : vector<16xf32> to vector<1x16xf32>
        tpu.vector_store %arg9[%swap3A_124, %swap3A_125], %swap3A_128 {strides = array<i32>} : memref<128x128xf32, #tpu.memory_space<vmem>>, vector<1x16xf32>,
        %get3A_129 = arith.index_cast %scan3A_88 : i32 to index
        %get3A_130 = arith.constant 48 : index
        %get3A_131 = tpu.vector_load %arg9[%get3A_129, %get3A_130] {strides = array<i32>} : memref<128x128xf32, #tpu.memory_space<vmem>>, vector<1x16xf32>,
        %get3A_132 = vector.shape_cast %get3A_131 : vector<1x16xf32> to vector<16xf32>
        %get3A_133 = arith.index_cast %scan3A_88 : i32 to index
        %get3A_134 = arith.constant 48 : index
        %get3A_135 = tpu.vector_load %arg10[%get3A_133, %get3A_134] {strides = array<i32>} : memref<128x128xf32, #tpu.memory_space<vmem>>, vector<1x16xf32>,
        %get3A_136 = vector.shape_cast %get3A_135 : vector<1x16xf32> to vector<16xf32>
        %add3A_137 = arith.addf %get3A_132, %get3A_136 : vector<16xf32>
        %swap3A_138 = arith.index_cast %scan3A_88 : i32 to index
        %swap3A_139 = arith.constant 48 : index
        %swap3A_140 = tpu.vector_load %arg9[%swap3A_138, %swap3A_139] {strides = array<i32>} : memref<128x128xf32, #tpu.memory_space<vmem>>, vector<1x16xf32>,
        %swap3A_141 = vector.shape_cast %swap3A_140 : vector<1x16xf32> to vector<16xf32>
        %swap3A_142 = vector.shape_cast %add3A_137 : vector<16xf32> to vector<1x16xf32>
        tpu.vector_store %arg9[%swap3A_138, %swap3A_139], %swap3A_142 {strides = array<i32>} : memref<128x128xf32, #tpu.memory_space<vmem>>, vector<1x16xf32>,
        %get3A_143 = arith.index_cast %scan3A_88 : i32 to index
        %get3A_144 = arith.constant 64 : index
        %get3A_145 = tpu.vector_load %arg9[%get3A_143, %get3A_144] {strides = array<i32>} : memref<128x128xf32, #tpu.memory_space<vmem>>, vector<1x16xf32>,
        %get3A_146 = vector.shape_cast %get3A_145 : vector<1x16xf32> to vector<16xf32>
        %get3A_147 = arith.index_cast %scan3A_88 : i32 to index
        %get3A_148 = arith.constant 64 : index
        %get3A_149 = tpu.vector_load %arg10[%get3A_147, %get3A_148] {strides = array<i32>} : memref<128x128xf32, #tpu.memory_space<vmem>>, vector<1x16xf32>,
        %get3A_150 = vector.shape_cast %get3A_149 : vector<1x16xf32> to vector<16xf32>
        %add3A_151 = arith.addf %get3A_146, %get3A_150 : vector<16xf32>
        %swap3A_152 = arith.index_cast %scan3A_88 : i32 to index
        %swap3A_153 = arith.constant 64 : index
        %swap3A_154 = tpu.vector_load %arg9[%swap3A_152, %swap3A_153] {strides = array<i32>} : memref<128x128xf32, #tpu.memory_space<vmem>>, vector<1x16xf32>,
        %swap3A_155 = vector.shape_cast %swap3A_154 : vector<1x16xf32> to vector<16xf32>
        %swap3A_156 = vector.shape_cast %add3A_151 : vector<16xf32> to vector<1x16xf32>
        tpu.vector_store %arg9[%swap3A_152, %swap3A_153], %swap3A_156 {strides = array<i32>} : memref<128x128xf32, #tpu.memory_space<vmem>>, vector<1x16xf32>,
        %get3A_157 = arith.index_cast %scan3A_88 : i32 to index
        %get3A_158 = arith.constant 80 : index
        %get3A_159 = tpu.vector_load %arg9[%get3A_157, %get3A_158] {strides = array<i32>} : memref<128x128xf32, #tpu.memory_space<vmem>>, vector<1x16xf32>,
        %get3A_160 = vector.shape_cast %get3A_159 : vector<1x16xf32> to vector<16xf32>
        %get3A_161 = arith.index_cast %scan3A_88 : i32 to index
        %get3A_162 = arith.constant 80 : index
        %get3A_163 = tpu.vector_load %arg10[%get3A_161, %get3A_162] {strides = array<i32>} : memref<128x128xf32, #tpu.memory_space<vmem>>, vector<1x16xf32>,
        %get3A_164 = vector.shape_cast %get3A_163 : vector<1x16xf32> to vector<16xf32>
        %add3A_165 = arith.addf %get3A_160, %get3A_164 : vector<16xf32>
        %swap3A_166 = arith.index_cast %scan3A_88 : i32 to index
        %swap3A_167 = arith.constant 80 : index
        %swap3A_168 = tpu.vector_load %arg9[%swap3A_166, %swap3A_167] {strides = array<i32>} : memref<128x128xf32, #tpu.memory_space<vmem>>, vector<1x16xf32>,
        %swap3A_169 = vector.shape_cast %swap3A_168 : vector<1x16xf32> to vector<16xf32>
        %swap3A_170 = vector.shape_cast %add3A_165 : vector<16xf32> to vector<1x16xf32>
        tpu.vector_store %arg9[%swap3A_166, %swap3A_167], %swap3A_170 {strides = array<i32>} : memref<128x128xf32, #tpu.memory_space<vmem>>, vector<1x16xf32>,
        %get3A_171 = arith.index_cast %scan3A_88 : i32 to index
        %get3A_172 = arith.constant 96 : index
        %get3A_173 = tpu.vector_load %arg9[%get3A_171, %get3A_172] {strides = array<i32>} : memref<128x128xf32, #tpu.memory_space<vmem>>, vector<1x16xf32>,
        %get3A_174 = vector.shape_cast %get3A_173 : vector<1x16xf32> to vector<16xf32>
        %get3A_175 = arith.index_cast %scan3A_88 : i32 to index
        %get3A_176 = arith.constant 96 : index
        %get3A_177 = tpu.vector_load %arg10[%get3A_175, %get3A_176] {strides = array<i32>} : memref<128x128xf32, #tpu.memory_space<vmem>>, vector<1x16xf32>,
        %get3A_178 = vector.shape_cast %get3A_177 : vector<1x16xf32> to vector<16xf32>
        %add3A_179 = arith.addf %get3A_174, %get3A_178 : vector<16xf32>
        %swap3A_180 = arith.index_cast %scan3A_88 : i32 to index
        %swap3A_181 = arith.constant 96 : index
        %swap3A_182 = tpu.vector_load %arg9[%swap3A_180, %swap3A_181] {strides = array<i32>} : memref<128x128xf32, #tpu.memory_space<vmem>>, vector<1x16xf32>,
        %swap3A_183 = vector.shape_cast %swap3A_182 : vector<1x16xf32> to vector<16xf32>
        %swap3A_184 = vector.shape_cast %add3A_179 : vector<16xf32> to vector<1x16xf32>
        tpu.vector_store %arg9[%swap3A_180, %swap3A_181], %swap3A_184 {strides = array<i32>} : memref<128x128xf32, #tpu.memory_space<vmem>>, vector<1x16xf32>,
        %get3A_185 = arith.index_cast %scan3A_88 : i32 to index
        %get3A_186 = arith.constant 112 : index
        %get3A_187 = tpu.vector_load %arg9[%get3A_185, %get3A_186] {strides = array<i32>} : memref<128x128xf32, #tpu.memory_space<vmem>>, vector<1x16xf32>,
        %get3A_188 = vector.shape_cast %get3A_187 : vector<1x16xf32> to vector<16xf32>
        %get3A_189 = arith.index_cast %scan3A_88 : i32 to index
        %get3A_190 = arith.constant 112 : index
        %get3A_191 = tpu.vector_load %arg10[%get3A_189, %get3A_190] {strides = array<i32>} : memref<128x128xf32, #tpu.memory_space<vmem>>, vector<1x16xf32>,
        %get3A_192 = vector.shape_cast %get3A_191 : vector<1x16xf32> to vector<16xf32>
        %add3A_193 = arith.addf %get3A_188, %get3A_192 : vector<16xf32>
        %swap3A_194 = arith.index_cast %scan3A_88 : i32 to index
        %swap3A_195 = arith.constant 112 : index
        %swap3A_196 = tpu.vector_load %arg9[%swap3A_194, %swap3A_195] {strides = array<i32>} : memref<128x128xf32, #tpu.memory_space<vmem>>, vector<1x16xf32>,
        %swap3A_197 = vector.shape_cast %swap3A_196 : vector<1x16xf32> to vector<16xf32>
        %swap3A_198 = vector.shape_cast %add3A_193 : vector<16xf32> to vector<1x16xf32>
        tpu.vector_store %arg9[%swap3A_194, %swap3A_195], %swap3A_198 {strides = array<i32>} : memref<128x128xf32, #tpu.memory_space<vmem>>, vector<1x16xf32>,
      }
      %scan3A_87 = arith.constant 128 : i32
      "tpu.region"() ({
        %run_scoped3A = tpu.sem_alloc : memref<!tpu.dma_semaphore, #tpu.memory_space<semaphore_mem>>
        %dma_start3A_88 = arith.constant 0 : i32
        %dma_start3A_89 = arith.constant 0 : i32
        %dma_start3A_90 = tpu.memref_slice %arg9[%dma_start3A_88, %dma_start3A_89] : memref<128x128xf32, #tpu.memory_space<vmem>> -> memref<128x128xf32, #tpu.memory_space<vmem>>
        %dma_start3A_91 = arith.constant 0 : i32
        %dma_start3A_92 = tpu.memref_slice %arg6[%add3A_49, %dma_start3A_91] : memref<160000x128xf32, #tpu.memory_space<hbm>> -> memref<128x128xf32, #tpu.memory_space<hbm>>
        %dma_start3A_93 = arith.constant 0 : i32
        %dma_start3A_94 = tpu.memref_slice %arg6[%add3A_49, %dma_start3A_93] : memref<160000x128xf32, #tpu.memory_space<hbm>> -> memref<128x128xf32, #tpu.memory_space<hbm>>
        %dma_start3A_95 = arith.constant 0 : i32
        %dma_start3A_96 = arith.constant 0 : i32
        %dma_start3A_97 = tpu.memref_slice %arg9[%dma_start3A_95, %dma_start3A_96] : memref<128x128xf32, #tpu.memory_space<vmem>> -> memref<128x128xf32, #tpu.memory_space<vmem>>
        tpu.enqueue_dma source(%dma_start3A_97 : memref<128x128xf32, #tpu.memory_space<vmem>>) target(%dma_start3A_94 : memref<128x128xf32, #tpu.memory_space<hbm>>) target_semaphore(%run_scoped3A : memref<!tpu.dma_semaphore, #tpu.memory_space<semaphore_mem>>)
        %dma_wait3A_98 = arith.constant 0 : i32
        %dma_wait3A_99 = arith.constant 0 : i32
        %dma_wait3A_100 = tpu.memref_slice %arg9[%dma_wait3A_98, %dma_wait3A_99] : memref<128x128xf32, #tpu.memory_space<vmem>> -> memref<128x128xf32, #tpu.memory_space<vmem>>
        %dma_wait3A_101 = arith.constant 0 : i32
        %dma_wait3A_102 = tpu.memref_slice %arg6[%add3A_49, %dma_wait3A_101] : memref<160000x128xf32, #tpu.memory_space<hbm>> -> memref<128x128xf32, #tpu.memory_space<hbm>>
        %dma_wait3A_103 = arith.constant 0 : i32
        %dma_wait3A_104 = tpu.memref_slice %arg6[%add3A_49, %dma_wait3A_103] : memref<160000x128xf32, #tpu.memory_space<hbm>> -> memref<128x128xf32, #tpu.memory_space<hbm>>
        %dma_wait3A_105 = arith.constant 0 : i32
        %dma_wait3A_106 = arith.constant 0 : i32
        %dma_wait3A_107 = tpu.memref_slice %arg9[%dma_wait3A_105, %dma_wait3A_106] : memref<128x128xf32, #tpu.memory_space<vmem>> -> memref<128x128xf32, #tpu.memory_space<vmem>>
        tpu.wait_dma2 semaphore(%run_scoped3A : memref<!tpu.dma_semaphore, #tpu.memory_space<semaphore_mem>>) src(%dma_wait3A_107 : memref<128x128xf32, #tpu.memory_space<vmem>>) dst(%dma_wait3A_104 : memref<128x128xf32, #tpu.memory_space<hbm>>)
        tpu.yield
      }) : () -> ()
    }
    %scan3A_7 = arith.constant 39 : i32
    %add3A_8 = arith.constant 4992 : i32
    %add3A_9 = arith.addi %mul3A_2, %add3A_8 : i32
    "tpu.region"() ({
      %run_scoped3A = tpu.sem_alloc : memref<!tpu.dma_semaphore, #tpu.memory_space<semaphore_mem>>
      %dma_start3A_46 = arith.constant 0 : i32
      %dma_start3A_47 = tpu.memref_slice %arg7[%dma_start3A_46] : memref<128xi32, #tpu.memory_space<vmem>> -> memref<8xi32, #tpu.memory_space<vmem>>
      %dma_start3A_48 = tpu.memref_slice %arg4[%add3A_9] : memref<160000xi32, #tpu.memory_space<hbm>> -> memref<8xi32, #tpu.memory_space<hbm>>
      %dma_start3A_49 = arith.constant 0 : i32
      %dma_start3A_50 = tpu.memref_slice %arg7[%dma_start3A_49] : memref<128xi32, #tpu.memory_space<vmem>> -> memref<8xi32, #tpu.memory_space<vmem>>
      %dma_start3A_51 = tpu.memref_slice %arg4[%add3A_9] : memref<160000xi32, #tpu.memory_space<hbm>> -> memref<8xi32, #tpu.memory_space<hbm>>
      tpu.enqueue_dma source(%dma_start3A_51 : memref<8xi32, #tpu.memory_space<hbm>>) target(%dma_start3A_50 : memref<8xi32, #tpu.memory_space<vmem>>) target_semaphore(%run_scoped3A : memref<!tpu.dma_semaphore, #tpu.memory_space<semaphore_mem>>)
      %dma_wait3A_52 = arith.constant 0 : i32
      %dma_wait3A_53 = tpu.memref_slice %arg7[%dma_wait3A_52] : memref<128xi32, #tpu.memory_space<vmem>> -> memref<8xi32, #tpu.memory_space<vmem>>
      %dma_wait3A_54 = tpu.memref_slice %arg4[%add3A_9] : memref<160000xi32, #tpu.memory_space<hbm>> -> memref<8xi32, #tpu.memory_space<hbm>>
      %dma_wait3A_55 = arith.constant 0 : i32
      %dma_wait3A_56 = tpu.memref_slice %arg7[%dma_wait3A_55] : memref<128xi32, #tpu.memory_space<vmem>> -> memref<8xi32, #tpu.memory_space<vmem>>
      %dma_wait3A_57 = tpu.memref_slice %arg4[%add3A_9] : memref<160000xi32, #tpu.memory_space<hbm>> -> memref<8xi32, #tpu.memory_space<hbm>>
      tpu.wait_dma2 semaphore(%run_scoped3A : memref<!tpu.dma_semaphore, #tpu.memory_space<semaphore_mem>>) src(%dma_wait3A_57 : memref<8xi32, #tpu.memory_space<hbm>>) dst(%dma_wait3A_56 : memref<8xi32, #tpu.memory_space<vmem>>)
      tpu.yield
    }) : () -> ()
    "tpu.region"() ({
      %run_scoped3A = tpu.sem_alloc : memref<!tpu.dma_semaphore, #tpu.memory_space<semaphore_mem>>
      %dma_start3A_46 = arith.constant 0 : i32
      %dma_start3A_47 = tpu.memref_slice %arg8[%dma_start3A_46] : memref<128xi32, #tpu.memory_space<vmem>> -> memref<8xi32, #tpu.memory_space<vmem>>
      %dma_start3A_48 = tpu.memref_slice %arg5[%add3A_9] : memref<160000xi32, #tpu.memory_space<hbm>> -> memref<8xi32, #tpu.memory_space<hbm>>
      %dma_start3A_49 = arith.constant 0 : i32
      %dma_start3A_50 = tpu.memref_slice %arg8[%dma_start3A_49] : memref<128xi32, #tpu.memory_space<vmem>> -> memref<8xi32, #tpu.memory_space<vmem>>
      %dma_start3A_51 = tpu.memref_slice %arg5[%add3A_9] : memref<160000xi32, #tpu.memory_space<hbm>> -> memref<8xi32, #tpu.memory_space<hbm>>
      tpu.enqueue_dma source(%dma_start3A_51 : memref<8xi32, #tpu.memory_space<hbm>>) target(%dma_start3A_50 : memref<8xi32, #tpu.memory_space<vmem>>) target_semaphore(%run_scoped3A : memref<!tpu.dma_semaphore, #tpu.memory_space<semaphore_mem>>)
      %dma_wait3A_52 = arith.constant 0 : i32
      %dma_wait3A_53 = tpu.memref_slice %arg8[%dma_wait3A_52] : memref<128xi32, #tpu.memory_space<vmem>> -> memref<8xi32, #tpu.memory_space<vmem>>
      %dma_wait3A_54 = tpu.memref_slice %arg5[%add3A_9] : memref<160000xi32, #tpu.memory_space<hbm>> -> memref<8xi32, #tpu.memory_space<hbm>>
      %dma_wait3A_55 = arith.constant 0 : i32
      %dma_wait3A_56 = tpu.memref_slice %arg8[%dma_wait3A_55] : memref<128xi32, #tpu.memory_space<vmem>> -> memref<8xi32, #tpu.memory_space<vmem>>
      %dma_wait3A_57 = tpu.memref_slice %arg5[%add3A_9] : memref<160000xi32, #tpu.memory_space<hbm>> -> memref<8xi32, #tpu.memory_space<hbm>>
      tpu.wait_dma2 semaphore(%run_scoped3A : memref<!tpu.dma_semaphore, #tpu.memory_space<semaphore_mem>>) src(%dma_wait3A_57 : memref<8xi32, #tpu.memory_space<hbm>>) dst(%dma_wait3A_56 : memref<8xi32, #tpu.memory_space<vmem>>)
      tpu.yield
    }) : () -> ()
    %dma_start3A = arith.constant 0 : i32
    %dma_start3A_10 = arith.constant 0 : i32
    %dma_start3A_11 = tpu.memref_slice %arg9[%dma_start3A, %dma_start3A_10] : memref<128x128xf32, #tpu.memory_space<vmem>> -> memref<8x128xf32, #tpu.memory_space<vmem>>
    %dma_start3A_12 = arith.constant 0 : i32
    %dma_start3A_13 = tpu.memref_slice %arg7[%dma_start3A_12] : memref<128xi32, #tpu.memory_space<vmem>> -> memref<8xi32, #tpu.memory_space<vmem>>
    %dma_start3A_14 = arith.constant 0 : i32
    %dma_start3A_15 = arith.constant 0 : i32
    %dma_start3A_16 = tpu.memref_slice %arg2[%dma_start3A_14, %dma_start3A_15] : memref<10000x128xf32, #tpu.memory_space<hbm>> -> memref<10000x128xf32, #tpu.memory_space<hbm>>
    tpu.enqueue_indirect_dma source(%dma_start3A_16 : memref<10000x128xf32, #tpu.memory_space<hbm>>) target(%dma_start3A_11 : memref<8x128xf32, #tpu.memory_space<vmem>>) offsets(%dma_start3A_13 : memref<8xi32, #tpu.memory_space<vmem>>) semaphore(%arg11 : memref<!tpu.dma_semaphore, #tpu.memory_space<semaphore_mem>>)
    %dma_start3A_17 = arith.constant 0 : i32
    %dma_start3A_18 = arith.constant 0 : i32
    %dma_start3A_19 = tpu.memref_slice %arg10[%dma_start3A_17, %dma_start3A_18] : memref<128x128xf32, #tpu.memory_space<vmem>> -> memref<8x128xf32, #tpu.memory_space<vmem>>
    %dma_start3A_20 = arith.constant 0 : i32
    %dma_start3A_21 = tpu.memref_slice %arg8[%dma_start3A_20] : memref<128xi32, #tpu.memory_space<vmem>> -> memref<8xi32, #tpu.memory_space<vmem>>
    %dma_start3A_22 = arith.constant 0 : i32
    %dma_start3A_23 = arith.constant 0 : i32
    %dma_start3A_24 = tpu.memref_slice %arg3[%dma_start3A_22, %dma_start3A_23] : memref<10000x128xf32, #tpu.memory_space<hbm>> -> memref<10000x128xf32, #tpu.memory_space<hbm>>
    tpu.enqueue_indirect_dma source(%dma_start3A_24 : memref<10000x128xf32, #tpu.memory_space<hbm>>) target(%dma_start3A_19 : memref<8x128xf32, #tpu.memory_space<vmem>>) offsets(%dma_start3A_21 : memref<8xi32, #tpu.memory_space<vmem>>) semaphore(%arg12 : memref<!tpu.dma_semaphore, #tpu.memory_space<semaphore_mem>>)
    %dma_wait3A = arith.constant 0 : i32
    %dma_wait3A_25 = arith.constant 0 : i32
    %dma_wait3A_26 = tpu.memref_slice %arg9[%dma_wait3A, %dma_wait3A_25] : memref<128x128xf32, #tpu.memory_space<vmem>> -> memref<8x128xf32, #tpu.memory_space<vmem>>
    %dma_wait3A_27 = arith.constant 0 : i32
    %dma_wait3A_28 = tpu.memref_slice %arg7[%dma_wait3A_27] : memref<128xi32, #tpu.memory_space<vmem>> -> memref<8xi32, #tpu.memory_space<vmem>>
    %dma_wait3A_29 = arith.constant 0 : i32
    %dma_wait3A_30 = arith.constant 0 : i32
    %dma_wait3A_31 = tpu.memref_slice %arg2[%dma_wait3A_29, %dma_wait3A_30] : memref<10000x128xf32, #tpu.memory_space<hbm>> -> memref<10000x128xf32, #tpu.memory_space<hbm>>
    tpu.wait_indirect_dma semaphore(%arg11 : memref<!tpu.dma_semaphore, #tpu.memory_space<semaphore_mem>>) src(%dma_wait3A_31 : memref<10000x128xf32, #tpu.memory_space<hbm>>) dst(%dma_wait3A_26 : memref<8x128xf32, #tpu.memory_space<vmem>>)
    %dma_wait3A_32 = arith.constant 0 : i32
    %dma_wait3A_33 = arith.constant 0 : i32
    %dma_wait3A_34 = tpu.memref_slice %arg10[%dma_wait3A_32, %dma_wait3A_33] : memref<128x128xf32, #tpu.memory_space<vmem>> -> memref<8x128xf32, #tpu.memory_space<vmem>>
    %dma_wait3A_35 = arith.constant 0 : i32
    %dma_wait3A_36 = tpu.memref_slice %arg8[%dma_wait3A_35] : memref<128xi32, #tpu.memory_space<vmem>> -> memref<8xi32, #tpu.memory_space<vmem>>
    %dma_wait3A_37 = arith.constant 0 : i32
    %dma_wait3A_38 = arith.constant 0 : i32
    %dma_wait3A_39 = tpu.memref_slice %arg3[%dma_wait3A_37, %dma_wait3A_38] : memref<10000x128xf32, #tpu.memory_space<hbm>> -> memref<10000x128xf32, #tpu.memory_space<hbm>>
    tpu.wait_indirect_dma semaphore(%arg12 : memref<!tpu.dma_semaphore, #tpu.memory_space<semaphore_mem>>) src(%dma_wait3A_39 : memref<10000x128xf32, #tpu.memory_space<hbm>>) dst(%dma_wait3A_34 : memref<8x128xf32, #tpu.memory_space<vmem>>)
    %scan3A_40 = arith.constant 0 : i32
    %scan3A_41 = arith.constant 0 : i32
    %scan3A_42 = arith.constant 8 : i32
    %scan3A_43 = arith.addi %scan3A_41, %scan3A_42 : i32
    %scan3A_44 = arith.constant 1 : i32
    scf.for %scan3A_46 = %scan3A_41 to %scan3A_43 step %scan3A_44  : i32 {
      %get3A = arith.index_cast %scan3A_46 : i32 to index
      %get3A_47 = arith.constant 0 : index
      %get3A_48 = tpu.vector_load %arg9[%get3A, %get3A_47] {strides = array<i32>} : memref<128x128xf32, #tpu.memory_space<vmem>>, vector<1x16xf32>,
      %get3A_49 = vector.shape_cast %get3A_48 : vector<1x16xf32> to vector<16xf32>
      %get3A_50 = arith.index_cast %scan3A_46 : i32 to index
      %get3A_51 = arith.constant 0 : index
      %get3A_52 = tpu.vector_load %arg10[%get3A_50, %get3A_51] {strides = array<i32>} : memref<128x128xf32, #tpu.memory_space<vmem>>, vector<1x16xf32>,
      %get3A_53 = vector.shape_cast %get3A_52 : vector<1x16xf32> to vector<16xf32>
      %add3A_54 = arith.addf %get3A_49, %get3A_53 : vector<16xf32>
      %swap3A = arith.index_cast %scan3A_46 : i32 to index
      %swap3A_55 = arith.constant 0 : index
      %swap3A_56 = tpu.vector_load %arg9[%swap3A, %swap3A_55] {strides = array<i32>} : memref<128x128xf32, #tpu.memory_space<vmem>>, vector<1x16xf32>,
      %swap3A_57 = vector.shape_cast %swap3A_56 : vector<1x16xf32> to vector<16xf32>
      %swap3A_58 = vector.shape_cast %add3A_54 : vector<16xf32> to vector<1x16xf32>
      tpu.vector_store %arg9[%swap3A, %swap3A_55], %swap3A_58 {strides = array<i32>} : memref<128x128xf32, #tpu.memory_space<vmem>>, vector<1x16xf32>,
      %get3A_59 = arith.index_cast %scan3A_46 : i32 to index
      %get3A_60 = arith.constant 16 : index
      %get3A_61 = tpu.vector_load %arg9[%get3A_59, %get3A_60] {strides = array<i32>} : memref<128x128xf32, #tpu.memory_space<vmem>>, vector<1x16xf32>,
      %get3A_62 = vector.shape_cast %get3A_61 : vector<1x16xf32> to vector<16xf32>
      %get3A_63 = arith.index_cast %scan3A_46 : i32 to index
      %get3A_64 = arith.constant 16 : index
      %get3A_65 = tpu.vector_load %arg10[%get3A_63, %get3A_64] {strides = array<i32>} : memref<128x128xf32, #tpu.memory_space<vmem>>, vector<1x16xf32>,
      %get3A_66 = vector.shape_cast %get3A_65 : vector<1x16xf32> to vector<16xf32>
      %add3A_67 = arith.addf %get3A_62, %get3A_66 : vector<16xf32>
      %swap3A_68 = arith.index_cast %scan3A_46 : i32 to index
      %swap3A_69 = arith.constant 16 : index
      %swap3A_70 = tpu.vector_load %arg9[%swap3A_68, %swap3A_69] {strides = array<i32>} : memref<128x128xf32, #tpu.memory_space<vmem>>, vector<1x16xf32>,
      %swap3A_71 = vector.shape_cast %swap3A_70 : vector<1x16xf32> to vector<16xf32>
      %swap3A_72 = vector.shape_cast %add3A_67 : vector<16xf32> to vector<1x16xf32>
      tpu.vector_store %arg9[%swap3A_68, %swap3A_69], %swap3A_72 {strides = array<i32>} : memref<128x128xf32, #tpu.memory_space<vmem>>, vector<1x16xf32>,
      %get3A_73 = arith.index_cast %scan3A_46 : i32 to index
      %get3A_74 = arith.constant 32 : index
      %get3A_75 = tpu.vector_load %arg9[%get3A_73, %get3A_74] {strides = array<i32>} : memref<128x128xf32, #tpu.memory_space<vmem>>, vector<1x16xf32>,
      %get3A_76 = vector.shape_cast %get3A_75 : vector<1x16xf32> to vector<16xf32>
      %get3A_77 = arith.index_cast %scan3A_46 : i32 to index
      %get3A_78 = arith.constant 32 : index
      %get3A_79 = tpu.vector_load %arg10[%get3A_77, %get3A_78] {strides = array<i32>} : memref<128x128xf32, #tpu.memory_space<vmem>>, vector<1x16xf32>,
      %get3A_80 = vector.shape_cast %get3A_79 : vector<1x16xf32> to vector<16xf32>
      %add3A_81 = arith.addf %get3A_76, %get3A_80 : vector<16xf32>
      %swap3A_82 = arith.index_cast %scan3A_46 : i32 to index
      %swap3A_83 = arith.constant 32 : index
      %swap3A_84 = tpu.vector_load %arg9[%swap3A_82, %swap3A_83] {strides = array<i32>} : memref<128x128xf32, #tpu.memory_space<vmem>>, vector<1x16xf32>,
      %swap3A_85 = vector.shape_cast %swap3A_84 : vector<1x16xf32> to vector<16xf32>
      %swap3A_86 = vector.shape_cast %add3A_81 : vector<16xf32> to vector<1x16xf32>
      tpu.vector_store %arg9[%swap3A_82, %swap3A_83], %swap3A_86 {strides = array<i32>} : memref<128x128xf32, #tpu.memory_space<vmem>>, vector<1x16xf32>,
      %get3A_87 = arith.index_cast %scan3A_46 : i32 to index
      %get3A_88 = arith.constant 48 : index
      %get3A_89 = tpu.vector_load %arg9[%get3A_87, %get3A_88] {strides = array<i32>} : memref<128x128xf32, #tpu.memory_space<vmem>>, vector<1x16xf32>,
      %get3A_90 = vector.shape_cast %get3A_89 : vector<1x16xf32> to vector<16xf32>
      %get3A_91 = arith.index_cast %scan3A_46 : i32 to index
      %get3A_92 = arith.constant 48 : index
      %get3A_93 = tpu.vector_load %arg10[%get3A_91, %get3A_92] {strides = array<i32>} : memref<128x128xf32, #tpu.memory_space<vmem>>, vector<1x16xf32>,
      %get3A_94 = vector.shape_cast %get3A_93 : vector<1x16xf32> to vector<16xf32>
      %add3A_95 = arith.addf %get3A_90, %get3A_94 : vector<16xf32>
      %swap3A_96 = arith.index_cast %scan3A_46 : i32 to index
      %swap3A_97 = arith.constant 48 : index
      %swap3A_98 = tpu.vector_load %arg9[%swap3A_96, %swap3A_97] {strides = array<i32>} : memref<128x128xf32, #tpu.memory_space<vmem>>, vector<1x16xf32>,
      %swap3A_99 = vector.shape_cast %swap3A_98 : vector<1x16xf32> to vector<16xf32>
      %swap3A_100 = vector.shape_cast %add3A_95 : vector<16xf32> to vector<1x16xf32>
      tpu.vector_store %arg9[%swap3A_96, %swap3A_97], %swap3A_100 {strides = array<i32>} : memref<128x128xf32, #tpu.memory_space<vmem>>, vector<1x16xf32>,
      %get3A_101 = arith.index_cast %scan3A_46 : i32 to index
      %get3A_102 = arith.constant 64 : index
      %get3A_103 = tpu.vector_load %arg9[%get3A_101, %get3A_102] {strides = array<i32>} : memref<128x128xf32, #tpu.memory_space<vmem>>, vector<1x16xf32>,
      %get3A_104 = vector.shape_cast %get3A_103 : vector<1x16xf32> to vector<16xf32>
      %get3A_105 = arith.index_cast %scan3A_46 : i32 to index
      %get3A_106 = arith.constant 64 : index
      %get3A_107 = tpu.vector_load %arg10[%get3A_105, %get3A_106] {strides = array<i32>} : memref<128x128xf32, #tpu.memory_space<vmem>>, vector<1x16xf32>,
      %get3A_108 = vector.shape_cast %get3A_107 : vector<1x16xf32> to vector<16xf32>
      %add3A_109 = arith.addf %get3A_104, %get3A_108 : vector<16xf32>
      %swap3A_110 = arith.index_cast %scan3A_46 : i32 to index
      %swap3A_111 = arith.constant 64 : index
      %swap3A_112 = tpu.vector_load %arg9[%swap3A_110, %swap3A_111] {strides = array<i32>} : memref<128x128xf32, #tpu.memory_space<vmem>>, vector<1x16xf32>,
      %swap3A_113 = vector.shape_cast %swap3A_112 : vector<1x16xf32> to vector<16xf32>
      %swap3A_114 = vector.shape_cast %add3A_109 : vector<16xf32> to vector<1x16xf32>
      tpu.vector_store %arg9[%swap3A_110, %swap3A_111], %swap3A_114 {strides = array<i32>} : memref<128x128xf32, #tpu.memory_space<vmem>>, vector<1x16xf32>,
      %get3A_115 = arith.index_cast %scan3A_46 : i32 to index
      %get3A_116 = arith.constant 80 : index
      %get3A_117 = tpu.vector_load %arg9[%get3A_115, %get3A_116] {strides = array<i32>} : memref<128x128xf32, #tpu.memory_space<vmem>>, vector<1x16xf32>,
      %get3A_118 = vector.shape_cast %get3A_117 : vector<1x16xf32> to vector<16xf32>
      %get3A_119 = arith.index_cast %scan3A_46 : i32 to index
      %get3A_120 = arith.constant 80 : index
      %get3A_121 = tpu.vector_load %arg10[%get3A_119, %get3A_120] {strides = array<i32>} : memref<128x128xf32, #tpu.memory_space<vmem>>, vector<1x16xf32>,
      %get3A_122 = vector.shape_cast %get3A_121 : vector<1x16xf32> to vector<16xf32>
      %add3A_123 = arith.addf %get3A_118, %get3A_122 : vector<16xf32>
      %swap3A_124 = arith.index_cast %scan3A_46 : i32 to index
      %swap3A_125 = arith.constant 80 : index
      %swap3A_126 = tpu.vector_load %arg9[%swap3A_124, %swap3A_125] {strides = array<i32>} : memref<128x128xf32, #tpu.memory_space<vmem>>, vector<1x16xf32>,
      %swap3A_127 = vector.shape_cast %swap3A_126 : vector<1x16xf32> to vector<16xf32>
      %swap3A_128 = vector.shape_cast %add3A_123 : vector<16xf32> to vector<1x16xf32>
      tpu.vector_store %arg9[%swap3A_124, %swap3A_125], %swap3A_128 {strides = array<i32>} : memref<128x128xf32, #tpu.memory_space<vmem>>, vector<1x16xf32>,
      %get3A_129 = arith.index_cast %scan3A_46 : i32 to index
      %get3A_130 = arith.constant 96 : index
      %get3A_131 = tpu.vector_load %arg9[%get3A_129, %get3A_130] {strides = array<i32>} : memref<128x128xf32, #tpu.memory_space<vmem>>, vector<1x16xf32>,
      %get3A_132 = vector.shape_cast %get3A_131 : vector<1x16xf32> to vector<16xf32>
      %get3A_133 = arith.index_cast %scan3A_46 : i32 to index
      %get3A_134 = arith.constant 96 : index
      %get3A_135 = tpu.vector_load %arg10[%get3A_133, %get3A_134] {strides = array<i32>} : memref<128x128xf32, #tpu.memory_space<vmem>>, vector<1x16xf32>,
      %get3A_136 = vector.shape_cast %get3A_135 : vector<1x16xf32> to vector<16xf32>
      %add3A_137 = arith.addf %get3A_132, %get3A_136 : vector<16xf32>
      %swap3A_138 = arith.index_cast %scan3A_46 : i32 to index
      %swap3A_139 = arith.constant 96 : index
      %swap3A_140 = tpu.vector_load %arg9[%swap3A_138, %swap3A_139] {strides = array<i32>} : memref<128x128xf32, #tpu.memory_space<vmem>>, vector<1x16xf32>,
      %swap3A_141 = vector.shape_cast %swap3A_140 : vector<1x16xf32> to vector<16xf32>
      %swap3A_142 = vector.shape_cast %add3A_137 : vector<16xf32> to vector<1x16xf32>
      tpu.vector_store %arg9[%swap3A_138, %swap3A_139], %swap3A_142 {strides = array<i32>} : memref<128x128xf32, #tpu.memory_space<vmem>>, vector<1x16xf32>,
      %get3A_143 = arith.index_cast %scan3A_46 : i32 to index
      %get3A_144 = arith.constant 112 : index
      %get3A_145 = tpu.vector_load %arg9[%get3A_143, %get3A_144] {strides = array<i32>} : memref<128x128xf32, #tpu.memory_space<vmem>>, vector<1x16xf32>,
      %get3A_146 = vector.shape_cast %get3A_145 : vector<1x16xf32> to vector<16xf32>
      %get3A_147 = arith.index_cast %scan3A_46 : i32 to index
      %get3A_148 = arith.constant 112 : index
      %get3A_149 = tpu.vector_load %arg10[%get3A_147, %get3A_148] {strides = array<i32>} : memref<128x128xf32, #tpu.memory_space<vmem>>, vector<1x16xf32>,
      %get3A_150 = vector.shape_cast %get3A_149 : vector<1x16xf32> to vector<16xf32>
      %add3A_151 = arith.addf %get3A_146, %get3A_150 : vector<16xf32>
      %swap3A_152 = arith.index_cast %scan3A_46 : i32 to index
      %swap3A_153 = arith.constant 112 : index
      %swap3A_154 = tpu.vector_load %arg9[%swap3A_152, %swap3A_153] {strides = array<i32>} : memref<128x128xf32, #tpu.memory_space<vmem>>, vector<1x16xf32>,
      %swap3A_155 = vector.shape_cast %swap3A_154 : vector<1x16xf32> to vector<16xf32>
      %swap3A_156 = vector.shape_cast %add3A_151 : vector<16xf32> to vector<1x16xf32>
      tpu.vector_store %arg9[%swap3A_152, %swap3A_153], %swap3A_156 {strides = array<i32>} : memref<128x128xf32, #tpu.memory_space<vmem>>, vector<1x16xf32>,
    }
    %scan3A_45 = arith.constant 8 : i32
    "tpu.region"() ({
      %run_scoped3A = tpu.sem_alloc : memref<!tpu.dma_semaphore, #tpu.memory_space<semaphore_mem>>
      %dma_start3A_46 = arith.constant 0 : i32
      %dma_start3A_47 = arith.constant 0 : i32
      %dma_start3A_48 = tpu.memref_slice %arg9[%dma_start3A_46, %dma_start3A_47] : memref<128x128xf32, #tpu.memory_space<vmem>> -> memref<8x128xf32, #tpu.memory_space<vmem>>
      %dma_start3A_49 = arith.constant 0 : i32
      %dma_start3A_50 = tpu.memref_slice %arg6[%add3A_9, %dma_start3A_49] : memref<160000x128xf32, #tpu.memory_space<hbm>> -> memref<8x128xf32, #tpu.memory_space<hbm>>
      %dma_start3A_51 = arith.constant 0 : i32
      %dma_start3A_52 = tpu.memref_slice %arg6[%add3A_9, %dma_start3A_51] : memref<160000x128xf32, #tpu.memory_space<hbm>> -> memref<8x128xf32, #tpu.memory_space<hbm>>
      %dma_start3A_53 = arith.constant 0 : i32
      %dma_start3A_54 = arith.constant 0 : i32
      %dma_start3A_55 = tpu.memref_slice %arg9[%dma_start3A_53, %dma_start3A_54] : memref<128x128xf32, #tpu.memory_space<vmem>> -> memref<8x128xf32, #tpu.memory_space<vmem>>
      tpu.enqueue_dma source(%dma_start3A_55 : memref<8x128xf32, #tpu.memory_space<vmem>>) target(%dma_start3A_52 : memref<8x128xf32, #tpu.memory_space<hbm>>) target_semaphore(%run_scoped3A : memref<!tpu.dma_semaphore, #tpu.memory_space<semaphore_mem>>)
      %dma_wait3A_56 = arith.constant 0 : i32
      %dma_wait3A_57 = arith.constant 0 : i32
      %dma_wait3A_58 = tpu.memref_slice %arg9[%dma_wait3A_56, %dma_wait3A_57] : memref<128x128xf32, #tpu.memory_space<vmem>> -> memref<8x128xf32, #tpu.memory_space<vmem>>
      %dma_wait3A_59 = arith.constant 0 : i32
      %dma_wait3A_60 = tpu.memref_slice %arg6[%add3A_9, %dma_wait3A_59] : memref<160000x128xf32, #tpu.memory_space<hbm>> -> memref<8x128xf32, #tpu.memory_space<hbm>>
      %dma_wait3A_61 = arith.constant 0 : i32
      %dma_wait3A_62 = tpu.memref_slice %arg6[%add3A_9, %dma_wait3A_61] : memref<160000x128xf32, #tpu.memory_space<hbm>> -> memref<8x128xf32, #tpu.memory_space<hbm>>
      %dma_wait3A_63 = arith.constant 0 : i32
      %dma_wait3A_64 = arith.constant 0 : i32
      %dma_wait3A_65 = tpu.memref_slice %arg9[%dma_wait3A_63, %dma_wait3A_64] : memref<128x128xf32, #tpu.memory_space<vmem>> -> memref<8x128xf32, #tpu.memory_space<vmem>>
      tpu.wait_dma2 semaphore(%run_scoped3A : memref<!tpu.dma_semaphore, #tpu.memory_space<semaphore_mem>>) src(%dma_wait3A_65 : memref<8x128xf32, #tpu.memory_space<vmem>>) dst(%dma_wait3A_62 : memref<8x128xf32, #tpu.memory_space<hbm>>)
      tpu.yield
    }) : () -> ()
    return
  }
}

#map = affine_map<(d0, d1) -> (0, 0)>
#map1 = affine_map<(d0, d1) -> (0)>
#map2 = affine_map<(d0, d1) -> (0, 0, 0)>
module attributes {stable_mosaic.version = 14 : i64} {
  func.func @k(%arg0: i32, %arg1: i32, %arg2: memref<10000x128xf32, #tpu.memory_space<hbm>>, %arg3: memref<10000xi32, #tpu.memory_space<hbm>>, %arg4: memref<2x128x128xf32, #tpu.memory_space<hbm>>, %arg5: memref<96xi32, #tpu.memory_space<vmem>>, %arg6: memref<80x128xf32, #tpu.memory_space<vmem>>, %arg7: memref<128x128xf32, #tpu.memory_space<vmem>>, %arg8: memref<16x8x128xf32, #tpu.memory_space<vmem>>, %arg9: memref<16x128x128xf32, #tpu.memory_space<vmem_shared>>) attributes {dimension_semantics = [#tpu.dimension_semantics<core_parallel>, #tpu.dimension_semantics<subcore_parallel>], iteration_bounds = array<i64: 2, 16>, scalar_prefetch = 0 : i64, scratch_operands = 5 : i64, tpu.core_type = #tpu.core_type<sc_vector_subcore>, window_params = [{transform_indices = #map}, {transform_indices = #map1}, {transform_indices = #map2}]} {
    %mul3A = arith.constant 2 : i32
    %mul3A_0 = arith.muli %arg1, %mul3A : i32
    %add3A = arith.addi %mul3A_0, %arg0 : i32
    %broadcast_in_dim3A = arith.constant 0xFF800000 : f32
    %broadcast_in_dim3A_1 = vector.broadcast %broadcast_in_dim3A : f32 to vector<16xf32>
    %scan3A = arith.constant 0 : i32
    %scan3A_2 = arith.constant 0 : i32
    %scan3A_3 = arith.constant 128 : i32
    %scan3A_4 = arith.addi %scan3A_2, %scan3A_3 : i32
    %scan3A_5 = arith.constant 1 : i32
    scf.for %scan3A_23 = %scan3A_2 to %scan3A_4 step %scan3A_5  : i32 {
      %swap3A = arith.index_cast %scan3A_23 : i32 to index
      %swap3A_24 = arith.constant 0 : index
      %swap3A_25 = tpu.vector_load %arg7[%swap3A, %swap3A_24] {strides = array<i32>} : memref<128x128xf32, #tpu.memory_space<vmem>>, vector<1x16xf32>,
      %swap3A_26 = vector.shape_cast %swap3A_25 : vector<1x16xf32> to vector<16xf32>
      %swap3A_27 = vector.shape_cast %broadcast_in_dim3A_1 : vector<16xf32> to vector<1x16xf32>
      tpu.vector_store %arg7[%swap3A, %swap3A_24], %swap3A_27 {strides = array<i32>} : memref<128x128xf32, #tpu.memory_space<vmem>>, vector<1x16xf32>,
      %swap3A_28 = arith.index_cast %scan3A_23 : i32 to index
      %swap3A_29 = arith.constant 16 : index
      %swap3A_30 = tpu.vector_load %arg7[%swap3A_28, %swap3A_29] {strides = array<i32>} : memref<128x128xf32, #tpu.memory_space<vmem>>, vector<1x16xf32>,
      %swap3A_31 = vector.shape_cast %swap3A_30 : vector<1x16xf32> to vector<16xf32>
      %swap3A_32 = vector.shape_cast %broadcast_in_dim3A_1 : vector<16xf32> to vector<1x16xf32>
      tpu.vector_store %arg7[%swap3A_28, %swap3A_29], %swap3A_32 {strides = array<i32>} : memref<128x128xf32, #tpu.memory_space<vmem>>, vector<1x16xf32>,
      %swap3A_33 = arith.index_cast %scan3A_23 : i32 to index
      %swap3A_34 = arith.constant 32 : index
      %swap3A_35 = tpu.vector_load %arg7[%swap3A_33, %swap3A_34] {strides = array<i32>} : memref<128x128xf32, #tpu.memory_space<vmem>>, vector<1x16xf32>,
      %swap3A_36 = vector.shape_cast %swap3A_35 : vector<1x16xf32> to vector<16xf32>
      %swap3A_37 = vector.shape_cast %broadcast_in_dim3A_1 : vector<16xf32> to vector<1x16xf32>
      tpu.vector_store %arg7[%swap3A_33, %swap3A_34], %swap3A_37 {strides = array<i32>} : memref<128x128xf32, #tpu.memory_space<vmem>>, vector<1x16xf32>,
      %swap3A_38 = arith.index_cast %scan3A_23 : i32 to index
      %swap3A_39 = arith.constant 48 : index
      %swap3A_40 = tpu.vector_load %arg7[%swap3A_38, %swap3A_39] {strides = array<i32>} : memref<128x128xf32, #tpu.memory_space<vmem>>, vector<1x16xf32>,
      %swap3A_41 = vector.shape_cast %swap3A_40 : vector<1x16xf32> to vector<16xf32>
      %swap3A_42 = vector.shape_cast %broadcast_in_dim3A_1 : vector<16xf32> to vector<1x16xf32>
      tpu.vector_store %arg7[%swap3A_38, %swap3A_39], %swap3A_42 {strides = array<i32>} : memref<128x128xf32, #tpu.memory_space<vmem>>, vector<1x16xf32>,
      %swap3A_43 = arith.index_cast %scan3A_23 : i32 to index
      %swap3A_44 = arith.constant 64 : index
      %swap3A_45 = tpu.vector_load %arg7[%swap3A_43, %swap3A_44] {strides = array<i32>} : memref<128x128xf32, #tpu.memory_space<vmem>>, vector<1x16xf32>,
      %swap3A_46 = vector.shape_cast %swap3A_45 : vector<1x16xf32> to vector<16xf32>
      %swap3A_47 = vector.shape_cast %broadcast_in_dim3A_1 : vector<16xf32> to vector<1x16xf32>
      tpu.vector_store %arg7[%swap3A_43, %swap3A_44], %swap3A_47 {strides = array<i32>} : memref<128x128xf32, #tpu.memory_space<vmem>>, vector<1x16xf32>,
      %swap3A_48 = arith.index_cast %scan3A_23 : i32 to index
      %swap3A_49 = arith.constant 80 : index
      %swap3A_50 = tpu.vector_load %arg7[%swap3A_48, %swap3A_49] {strides = array<i32>} : memref<128x128xf32, #tpu.memory_space<vmem>>, vector<1x16xf32>,
      %swap3A_51 = vector.shape_cast %swap3A_50 : vector<1x16xf32> to vector<16xf32>
      %swap3A_52 = vector.shape_cast %broadcast_in_dim3A_1 : vector<16xf32> to vector<1x16xf32>
      tpu.vector_store %arg7[%swap3A_48, %swap3A_49], %swap3A_52 {strides = array<i32>} : memref<128x128xf32, #tpu.memory_space<vmem>>, vector<1x16xf32>,
      %swap3A_53 = arith.index_cast %scan3A_23 : i32 to index
      %swap3A_54 = arith.constant 96 : index
      %swap3A_55 = tpu.vector_load %arg7[%swap3A_53, %swap3A_54] {strides = array<i32>} : memref<128x128xf32, #tpu.memory_space<vmem>>, vector<1x16xf32>,
      %swap3A_56 = vector.shape_cast %swap3A_55 : vector<1x16xf32> to vector<16xf32>
      %swap3A_57 = vector.shape_cast %broadcast_in_dim3A_1 : vector<16xf32> to vector<1x16xf32>
      tpu.vector_store %arg7[%swap3A_53, %swap3A_54], %swap3A_57 {strides = array<i32>} : memref<128x128xf32, #tpu.memory_space<vmem>>, vector<1x16xf32>,
      %swap3A_58 = arith.index_cast %scan3A_23 : i32 to index
      %swap3A_59 = arith.constant 112 : index
      %swap3A_60 = tpu.vector_load %arg7[%swap3A_58, %swap3A_59] {strides = array<i32>} : memref<128x128xf32, #tpu.memory_space<vmem>>, vector<1x16xf32>,
      %swap3A_61 = vector.shape_cast %swap3A_60 : vector<1x16xf32> to vector<16xf32>
      %swap3A_62 = vector.shape_cast %broadcast_in_dim3A_1 : vector<16xf32> to vector<1x16xf32>
      tpu.vector_store %arg7[%swap3A_58, %swap3A_59], %swap3A_62 {strides = array<i32>} : memref<128x128xf32, #tpu.memory_space<vmem>>, vector<1x16xf32>,
    }
    %scan3A_6 = arith.constant 128 : i32
    %scan3A_7 = arith.constant 0 : i32
    %scan3A_8 = arith.constant 0 : i32
    %scan3A_9 = arith.constant 4 : i32
    %scan3A_10 = arith.addi %scan3A_8, %scan3A_9 : i32
    %scan3A_11 = arith.constant 1 : i32
    scf.for %scan3A_23 = %scan3A_8 to %scan3A_10 step %scan3A_11  : i32 {
      %mul3A_24 = arith.constant 32 : i32
      %mul3A_25 = arith.muli %scan3A_23, %mul3A_24 : i32
      %add3A_26 = arith.addi %mul3A_25, %add3A : i32
      %lt3A = arith.constant 125 : i32
      %lt3A_27 = arith.cmpi slt, %add3A_26, %lt3A : i32
      %convert_element_type3A = arith.extui %lt3A_27 : i1 to i32
      %cond3A = arith.constant 0 : i32
      %cond3A_28 = arith.cmpi ne, %convert_element_type3A, %cond3A : i32
      scf.if %cond3A_28 {
        %mul3A_29 = arith.constant 80 : i32
        %mul3A_30 = arith.muli %add3A_26, %mul3A_29 : i32
        "tpu.region"() ({
          %run_scoped3A = tpu.sem_alloc : memref<!tpu.dma_semaphore, #tpu.memory_space<semaphore_mem>>
          %dma_start3A = arith.constant 0 : i32
          %dma_start3A_37 = tpu.memref_slice %arg5[%dma_start3A] : memref<96xi32, #tpu.memory_space<vmem>> -> memref<80xi32, #tpu.memory_space<vmem>>
          %dma_start3A_38 = tpu.memref_slice %arg3[%mul3A_30] : memref<10000xi32, #tpu.memory_space<hbm>> -> memref<80xi32, #tpu.memory_space<hbm>>
          %dma_start3A_39 = arith.constant 0 : i32
          %dma_start3A_40 = tpu.memref_slice %arg5[%dma_start3A_39] : memref<96xi32, #tpu.memory_space<vmem>> -> memref<80xi32, #tpu.memory_space<vmem>>
          %dma_start3A_41 = tpu.memref_slice %arg3[%mul3A_30] : memref<10000xi32, #tpu.memory_space<hbm>> -> memref<80xi32, #tpu.memory_space<hbm>>
          tpu.enqueue_dma source(%dma_start3A_41 : memref<80xi32, #tpu.memory_space<hbm>>) target(%dma_start3A_40 : memref<80xi32, #tpu.memory_space<vmem>>) target_semaphore(%run_scoped3A : memref<!tpu.dma_semaphore, #tpu.memory_space<semaphore_mem>>)
          %dma_wait3A = arith.constant 0 : i32
          %dma_wait3A_42 = tpu.memref_slice %arg5[%dma_wait3A] : memref<96xi32, #tpu.memory_space<vmem>> -> memref<80xi32, #tpu.memory_space<vmem>>
          %dma_wait3A_43 = tpu.memref_slice %arg3[%mul3A_30] : memref<10000xi32, #tpu.memory_space<hbm>> -> memref<80xi32, #tpu.memory_space<hbm>>
          %dma_wait3A_44 = arith.constant 0 : i32
          %dma_wait3A_45 = tpu.memref_slice %arg5[%dma_wait3A_44] : memref<96xi32, #tpu.memory_space<vmem>> -> memref<80xi32, #tpu.memory_space<vmem>>
          %dma_wait3A_46 = tpu.memref_slice %arg3[%mul3A_30] : memref<10000xi32, #tpu.memory_space<hbm>> -> memref<80xi32, #tpu.memory_space<hbm>>
          tpu.wait_dma2 semaphore(%run_scoped3A : memref<!tpu.dma_semaphore, #tpu.memory_space<semaphore_mem>>) src(%dma_wait3A_46 : memref<80xi32, #tpu.memory_space<hbm>>) dst(%dma_wait3A_45 : memref<80xi32, #tpu.memory_space<vmem>>)
          tpu.yield
        }) : () -> ()
        "tpu.region"() ({
          %run_scoped3A = tpu.sem_alloc : memref<!tpu.dma_semaphore, #tpu.memory_space<semaphore_mem>>
          %dma_start3A = arith.constant 0 : i32
          %dma_start3A_37 = tpu.memref_slice %arg2[%mul3A_30, %dma_start3A] : memref<10000x128xf32, #tpu.memory_space<hbm>> -> memref<80x128xf32, #tpu.memory_space<hbm>>
          %dma_start3A_38 = arith.constant 0 : i32
          %dma_start3A_39 = tpu.memref_slice %arg2[%mul3A_30, %dma_start3A_38] : memref<10000x128xf32, #tpu.memory_space<hbm>> -> memref<80x128xf32, #tpu.memory_space<hbm>>
          tpu.enqueue_dma source(%dma_start3A_39 : memref<80x128xf32, #tpu.memory_space<hbm>>) target(%arg6 : memref<80x128xf32, #tpu.memory_space<vmem>>) target_semaphore(%run_scoped3A : memref<!tpu.dma_semaphore, #tpu.memory_space<semaphore_mem>>)
          %dma_wait3A = arith.constant 0 : i32
          %dma_wait3A_40 = tpu.memref_slice %arg2[%mul3A_30, %dma_wait3A] : memref<10000x128xf32, #tpu.memory_space<hbm>> -> memref<80x128xf32, #tpu.memory_space<hbm>>
          %dma_wait3A_41 = arith.constant 0 : i32
          %dma_wait3A_42 = tpu.memref_slice %arg2[%mul3A_30, %dma_wait3A_41] : memref<10000x128xf32, #tpu.memory_space<hbm>> -> memref<80x128xf32, #tpu.memory_space<hbm>>
          tpu.wait_dma2 semaphore(%run_scoped3A : memref<!tpu.dma_semaphore, #tpu.memory_space<semaphore_mem>>) src(%dma_wait3A_42 : memref<80x128xf32, #tpu.memory_space<hbm>>) dst(%arg6 : memref<80x128xf32, #tpu.memory_space<vmem>>)
          tpu.yield
        }) : () -> ()
        %scan3A_31 = arith.constant 0 : i32
        %scan3A_32 = arith.constant 0 : i32
        %scan3A_33 = arith.constant 80 : i32
        %scan3A_34 = arith.addi %scan3A_32, %scan3A_33 : i32
        %scan3A_35 = arith.constant 1 : i32
        scf.for %scan3A_37 = %scan3A_32 to %scan3A_34 step %scan3A_35  : i32 {
          %get3A = arith.index_cast %scan3A_37 : i32 to index
          %get3A_38 = tpu.vector_load %arg5[%get3A] {strides = array<i32>} : memref<96xi32, #tpu.memory_space<vmem>>, vector<16xi32>,
          %get3A_39 = vector.shape_cast %get3A_38 : vector<16xi32> to vector<16xi32>
          %slice3A = vector.extract_strided_slice %get3A_39 {offsets = [0], sizes = [1], strides = [1]} : vector<16xi32> to vector<1xi32>
          %squeeze3A = vector.extract %slice3A[0] : i32 from vector<1xi32>
          %get3A_40 = arith.index_cast %squeeze3A : i32 to index
          %get3A_41 = arith.constant 0 : index
          %get3A_42 = tpu.vector_load %arg7[%get3A_40, %get3A_41] {strides = array<i32>} : memref<128x128xf32, #tpu.memory_space<vmem>>, vector<1x16xf32>,
          %get3A_43 = vector.shape_cast %get3A_42 : vector<1x16xf32> to vector<16xf32>
          %get3A_44 = arith.index_cast %scan3A_37 : i32 to index
          %get3A_45 = arith.constant 0 : index
          %get3A_46 = tpu.vector_load %arg6[%get3A_44, %get3A_45] {strides = array<i32>} : memref<80x128xf32, #tpu.memory_space<vmem>>, vector<1x16xf32>,
          %get3A_47 = vector.shape_cast %get3A_46 : vector<1x16xf32> to vector<16xf32>
          %max3A = arith.maximumf %get3A_43, %get3A_47 : vector<16xf32>
          %swap3A = arith.index_cast %squeeze3A : i32 to index
          %swap3A_48 = arith.constant 0 : index
          %swap3A_49 = tpu.vector_load %arg7[%swap3A, %swap3A_48] {strides = array<i32>} : memref<128x128xf32, #tpu.memory_space<vmem>>, vector<1x16xf32>,
          %swap3A_50 = vector.shape_cast %swap3A_49 : vector<1x16xf32> to vector<16xf32>
          %swap3A_51 = vector.shape_cast %max3A : vector<16xf32> to vector<1x16xf32>
          tpu.vector_store %arg7[%swap3A, %swap3A_48], %swap3A_51 {strides = array<i32>} : memref<128x128xf32, #tpu.memory_space<vmem>>, vector<1x16xf32>,
          %get3A_52 = arith.index_cast %squeeze3A : i32 to index
          %get3A_53 = arith.constant 16 : index
          %get3A_54 = tpu.vector_load %arg7[%get3A_52, %get3A_53] {strides = array<i32>} : memref<128x128xf32, #tpu.memory_space<vmem>>, vector<1x16xf32>,
          %get3A_55 = vector.shape_cast %get3A_54 : vector<1x16xf32> to vector<16xf32>
          %get3A_56 = arith.index_cast %scan3A_37 : i32 to index
          %get3A_57 = arith.constant 16 : index
          %get3A_58 = tpu.vector_load %arg6[%get3A_56, %get3A_57] {strides = array<i32>} : memref<80x128xf32, #tpu.memory_space<vmem>>, vector<1x16xf32>,
          %get3A_59 = vector.shape_cast %get3A_58 : vector<1x16xf32> to vector<16xf32>
          %max3A_60 = arith.maximumf %get3A_55, %get3A_59 : vector<16xf32>
          %swap3A_61 = arith.index_cast %squeeze3A : i32 to index
          %swap3A_62 = arith.constant 16 : index
          %swap3A_63 = tpu.vector_load %arg7[%swap3A_61, %swap3A_62] {strides = array<i32>} : memref<128x128xf32, #tpu.memory_space<vmem>>, vector<1x16xf32>,
          %swap3A_64 = vector.shape_cast %swap3A_63 : vector<1x16xf32> to vector<16xf32>
          %swap3A_65 = vector.shape_cast %max3A_60 : vector<16xf32> to vector<1x16xf32>
          tpu.vector_store %arg7[%swap3A_61, %swap3A_62], %swap3A_65 {strides = array<i32>} : memref<128x128xf32, #tpu.memory_space<vmem>>, vector<1x16xf32>,
          %get3A_66 = arith.index_cast %squeeze3A : i32 to index
          %get3A_67 = arith.constant 32 : index
          %get3A_68 = tpu.vector_load %arg7[%get3A_66, %get3A_67] {strides = array<i32>} : memref<128x128xf32, #tpu.memory_space<vmem>>, vector<1x16xf32>,
          %get3A_69 = vector.shape_cast %get3A_68 : vector<1x16xf32> to vector<16xf32>
          %get3A_70 = arith.index_cast %scan3A_37 : i32 to index
          %get3A_71 = arith.constant 32 : index
          %get3A_72 = tpu.vector_load %arg6[%get3A_70, %get3A_71] {strides = array<i32>} : memref<80x128xf32, #tpu.memory_space<vmem>>, vector<1x16xf32>,
          %get3A_73 = vector.shape_cast %get3A_72 : vector<1x16xf32> to vector<16xf32>
          %max3A_74 = arith.maximumf %get3A_69, %get3A_73 : vector<16xf32>
          %swap3A_75 = arith.index_cast %squeeze3A : i32 to index
          %swap3A_76 = arith.constant 32 : index
          %swap3A_77 = tpu.vector_load %arg7[%swap3A_75, %swap3A_76] {strides = array<i32>} : memref<128x128xf32, #tpu.memory_space<vmem>>, vector<1x16xf32>,
          %swap3A_78 = vector.shape_cast %swap3A_77 : vector<1x16xf32> to vector<16xf32>
          %swap3A_79 = vector.shape_cast %max3A_74 : vector<16xf32> to vector<1x16xf32>
          tpu.vector_store %arg7[%swap3A_75, %swap3A_76], %swap3A_79 {strides = array<i32>} : memref<128x128xf32, #tpu.memory_space<vmem>>, vector<1x16xf32>,
          %get3A_80 = arith.index_cast %squeeze3A : i32 to index
          %get3A_81 = arith.constant 48 : index
          %get3A_82 = tpu.vector_load %arg7[%get3A_80, %get3A_81] {strides = array<i32>} : memref<128x128xf32, #tpu.memory_space<vmem>>, vector<1x16xf32>,
          %get3A_83 = vector.shape_cast %get3A_82 : vector<1x16xf32> to vector<16xf32>
          %get3A_84 = arith.index_cast %scan3A_37 : i32 to index
          %get3A_85 = arith.constant 48 : index
          %get3A_86 = tpu.vector_load %arg6[%get3A_84, %get3A_85] {strides = array<i32>} : memref<80x128xf32, #tpu.memory_space<vmem>>, vector<1x16xf32>,
          %get3A_87 = vector.shape_cast %get3A_86 : vector<1x16xf32> to vector<16xf32>
          %max3A_88 = arith.maximumf %get3A_83, %get3A_87 : vector<16xf32>
          %swap3A_89 = arith.index_cast %squeeze3A : i32 to index
          %swap3A_90 = arith.constant 48 : index
          %swap3A_91 = tpu.vector_load %arg7[%swap3A_89, %swap3A_90] {strides = array<i32>} : memref<128x128xf32, #tpu.memory_space<vmem>>, vector<1x16xf32>,
          %swap3A_92 = vector.shape_cast %swap3A_91 : vector<1x16xf32> to vector<16xf32>
          %swap3A_93 = vector.shape_cast %max3A_88 : vector<16xf32> to vector<1x16xf32>
          tpu.vector_store %arg7[%swap3A_89, %swap3A_90], %swap3A_93 {strides = array<i32>} : memref<128x128xf32, #tpu.memory_space<vmem>>, vector<1x16xf32>,
          %get3A_94 = arith.index_cast %squeeze3A : i32 to index
          %get3A_95 = arith.constant 64 : index
          %get3A_96 = tpu.vector_load %arg7[%get3A_94, %get3A_95] {strides = array<i32>} : memref<128x128xf32, #tpu.memory_space<vmem>>, vector<1x16xf32>,
          %get3A_97 = vector.shape_cast %get3A_96 : vector<1x16xf32> to vector<16xf32>
          %get3A_98 = arith.index_cast %scan3A_37 : i32 to index
          %get3A_99 = arith.constant 64 : index
          %get3A_100 = tpu.vector_load %arg6[%get3A_98, %get3A_99] {strides = array<i32>} : memref<80x128xf32, #tpu.memory_space<vmem>>, vector<1x16xf32>,
          %get3A_101 = vector.shape_cast %get3A_100 : vector<1x16xf32> to vector<16xf32>
          %max3A_102 = arith.maximumf %get3A_97, %get3A_101 : vector<16xf32>
          %swap3A_103 = arith.index_cast %squeeze3A : i32 to index
          %swap3A_104 = arith.constant 64 : index
          %swap3A_105 = tpu.vector_load %arg7[%swap3A_103, %swap3A_104] {strides = array<i32>} : memref<128x128xf32, #tpu.memory_space<vmem>>, vector<1x16xf32>,
          %swap3A_106 = vector.shape_cast %swap3A_105 : vector<1x16xf32> to vector<16xf32>
          %swap3A_107 = vector.shape_cast %max3A_102 : vector<16xf32> to vector<1x16xf32>
          tpu.vector_store %arg7[%swap3A_103, %swap3A_104], %swap3A_107 {strides = array<i32>} : memref<128x128xf32, #tpu.memory_space<vmem>>, vector<1x16xf32>,
          %get3A_108 = arith.index_cast %squeeze3A : i32 to index
          %get3A_109 = arith.constant 80 : index
          %get3A_110 = tpu.vector_load %arg7[%get3A_108, %get3A_109] {strides = array<i32>} : memref<128x128xf32, #tpu.memory_space<vmem>>, vector<1x16xf32>,
          %get3A_111 = vector.shape_cast %get3A_110 : vector<1x16xf32> to vector<16xf32>
          %get3A_112 = arith.index_cast %scan3A_37 : i32 to index
          %get3A_113 = arith.constant 80 : index
          %get3A_114 = tpu.vector_load %arg6[%get3A_112, %get3A_113] {strides = array<i32>} : memref<80x128xf32, #tpu.memory_space<vmem>>, vector<1x16xf32>,
          %get3A_115 = vector.shape_cast %get3A_114 : vector<1x16xf32> to vector<16xf32>
          %max3A_116 = arith.maximumf %get3A_111, %get3A_115 : vector<16xf32>
          %swap3A_117 = arith.index_cast %squeeze3A : i32 to index
          %swap3A_118 = arith.constant 80 : index
          %swap3A_119 = tpu.vector_load %arg7[%swap3A_117, %swap3A_118] {strides = array<i32>} : memref<128x128xf32, #tpu.memory_space<vmem>>, vector<1x16xf32>,
          %swap3A_120 = vector.shape_cast %swap3A_119 : vector<1x16xf32> to vector<16xf32>
          %swap3A_121 = vector.shape_cast %max3A_116 : vector<16xf32> to vector<1x16xf32>
          tpu.vector_store %arg7[%swap3A_117, %swap3A_118], %swap3A_121 {strides = array<i32>} : memref<128x128xf32, #tpu.memory_space<vmem>>, vector<1x16xf32>,
          %get3A_122 = arith.index_cast %squeeze3A : i32 to index
          %get3A_123 = arith.constant 96 : index
          %get3A_124 = tpu.vector_load %arg7[%get3A_122, %get3A_123] {strides = array<i32>} : memref<128x128xf32, #tpu.memory_space<vmem>>, vector<1x16xf32>,
          %get3A_125 = vector.shape_cast %get3A_124 : vector<1x16xf32> to vector<16xf32>
          %get3A_126 = arith.index_cast %scan3A_37 : i32 to index
          %get3A_127 = arith.constant 96 : index
          %get3A_128 = tpu.vector_load %arg6[%get3A_126, %get3A_127] {strides = array<i32>} : memref<80x128xf32, #tpu.memory_space<vmem>>, vector<1x16xf32>,
          %get3A_129 = vector.shape_cast %get3A_128 : vector<1x16xf32> to vector<16xf32>
          %max3A_130 = arith.maximumf %get3A_125, %get3A_129 : vector<16xf32>
          %swap3A_131 = arith.index_cast %squeeze3A : i32 to index
          %swap3A_132 = arith.constant 96 : index
          %swap3A_133 = tpu.vector_load %arg7[%swap3A_131, %swap3A_132] {strides = array<i32>} : memref<128x128xf32, #tpu.memory_space<vmem>>, vector<1x16xf32>,
          %swap3A_134 = vector.shape_cast %swap3A_133 : vector<1x16xf32> to vector<16xf32>
          %swap3A_135 = vector.shape_cast %max3A_130 : vector<16xf32> to vector<1x16xf32>
          tpu.vector_store %arg7[%swap3A_131, %swap3A_132], %swap3A_135 {strides = array<i32>} : memref<128x128xf32, #tpu.memory_space<vmem>>, vector<1x16xf32>,
          %get3A_136 = arith.index_cast %squeeze3A : i32 to index
          %get3A_137 = arith.constant 112 : index
          %get3A_138 = tpu.vector_load %arg7[%get3A_136, %get3A_137] {strides = array<i32>} : memref<128x128xf32, #tpu.memory_space<vmem>>, vector<1x16xf32>,
          %get3A_139 = vector.shape_cast %get3A_138 : vector<1x16xf32> to vector<16xf32>
          %get3A_140 = arith.index_cast %scan3A_37 : i32 to index
          %get3A_141 = arith.constant 112 : index
          %get3A_142 = tpu.vector_load %arg6[%get3A_140, %get3A_141] {strides = array<i32>} : memref<80x128xf32, #tpu.memory_space<vmem>>, vector<1x16xf32>,
          %get3A_143 = vector.shape_cast %get3A_142 : vector<1x16xf32> to vector<16xf32>
          %max3A_144 = arith.maximumf %get3A_139, %get3A_143 : vector<16xf32>
          %swap3A_145 = arith.index_cast %squeeze3A : i32 to index
          %swap3A_146 = arith.constant 112 : index
          %swap3A_147 = tpu.vector_load %arg7[%swap3A_145, %swap3A_146] {strides = array<i32>} : memref<128x128xf32, #tpu.memory_space<vmem>>, vector<1x16xf32>,
          %swap3A_148 = vector.shape_cast %swap3A_147 : vector<1x16xf32> to vector<16xf32>
          %swap3A_149 = vector.shape_cast %max3A_144 : vector<16xf32> to vector<1x16xf32>
          tpu.vector_store %arg7[%swap3A_145, %swap3A_146], %swap3A_149 {strides = array<i32>} : memref<128x128xf32, #tpu.memory_space<vmem>>, vector<1x16xf32>,
        }
        %scan3A_36 = arith.constant 80 : i32
      } else {
      }
    }
    %scan3A_12 = arith.constant 4 : i32
    "tpu.region"() ({
      %run_scoped3A = tpu.sem_alloc : memref<!tpu.dma_semaphore, #tpu.memory_space<semaphore_mem>>
      %dma_start3A = arith.constant 0 : i32
      %dma_start3A_23 = arith.constant 0 : i32
      %dma_start3A_24 = tpu.memref_slice %arg9[%arg1, %dma_start3A, %dma_start3A_23] : memref<16x128x128xf32, #tpu.memory_space<vmem_shared>> -> memref<1x128x128xf32, #tpu.memory_space<vmem_shared>>
      %dma_start3A_25 = tpu.memref_squeeze %dma_start3A_24 : memref<1x128x128xf32, #tpu.memory_space<vmem_shared>> -> memref<128x128xf32, #tpu.memory_space<vmem_shared>>
      %dma_start3A_26 = arith.constant 0 : i32
      %dma_start3A_27 = arith.constant 0 : i32
      %dma_start3A_28 = tpu.memref_slice %arg9[%arg1, %dma_start3A_26, %dma_start3A_27] : memref<16x128x128xf32, #tpu.memory_space<vmem_shared>> -> memref<1x128x128xf32, #tpu.memory_space<vmem_shared>>
      %dma_start3A_29 = tpu.memref_squeeze %dma_start3A_28 : memref<1x128x128xf32, #tpu.memory_space<vmem_shared>> -> memref<128x128xf32, #tpu.memory_space<vmem_shared>>
      tpu.enqueue_dma source(%arg7 : memref<128x128xf32, #tpu.memory_space<vmem>>) target(%dma_start3A_29 : memref<128x128xf32, #tpu.memory_space<vmem_shared>>) target_semaphore(%run_scoped3A : memref<!tpu.dma_semaphore, #tpu.memory_space<semaphore_mem>>)
      %dma_wait3A = arith.constant 0 : i32
      %dma_wait3A_30 = arith.constant 0 : i32
      %dma_wait3A_31 = tpu.memref_slice %arg9[%arg1, %dma_wait3A, %dma_wait3A_30] : memref<16x128x128xf32, #tpu.memory_space<vmem_shared>> -> memref<1x128x128xf32, #tpu.memory_space<vmem_shared>>
      %dma_wait3A_32 = tpu.memref_squeeze %dma_wait3A_31 : memref<1x128x128xf32, #tpu.memory_space<vmem_shared>> -> memref<128x128xf32, #tpu.memory_space<vmem_shared>>
      %dma_wait3A_33 = arith.constant 0 : i32
      %dma_wait3A_34 = arith.constant 0 : i32
      %dma_wait3A_35 = tpu.memref_slice %arg9[%arg1, %dma_wait3A_33, %dma_wait3A_34] : memref<16x128x128xf32, #tpu.memory_space<vmem_shared>> -> memref<1x128x128xf32, #tpu.memory_space<vmem_shared>>
      %dma_wait3A_36 = tpu.memref_squeeze %dma_wait3A_35 : memref<1x128x128xf32, #tpu.memory_space<vmem_shared>> -> memref<128x128xf32, #tpu.memory_space<vmem_shared>>
      tpu.wait_dma2 semaphore(%run_scoped3A : memref<!tpu.dma_semaphore, #tpu.memory_space<semaphore_mem>>) src(%arg7 : memref<128x128xf32, #tpu.memory_space<vmem>>) dst(%dma_wait3A_36 : memref<128x128xf32, #tpu.memory_space<vmem_shared>>)
      tpu.yield
    }) : () -> ()
    %barrier3A = arith.constant 0 : index
    tpu.barrier barrier_id(%barrier3A)
    %mul3A_13 = arith.constant 8 : i32
    %mul3A_14 = arith.muli %arg1, %mul3A_13 : i32
    "tpu.region"() ({
      %run_scoped3A = tpu.sem_alloc : memref<!tpu.dma_semaphore, #tpu.memory_space<semaphore_mem>>
      %dma_start3A = arith.constant 0 : i32
      %dma_start3A_23 = arith.constant 0 : i32
      %dma_start3A_24 = tpu.memref_slice %arg9[%dma_start3A, %mul3A_14, %dma_start3A_23] : memref<16x128x128xf32, #tpu.memory_space<vmem_shared>> -> memref<16x8x128xf32, #tpu.memory_space<vmem_shared>>
      %dma_start3A_25 = arith.constant 0 : i32
      %dma_start3A_26 = arith.constant 0 : i32
      %dma_start3A_27 = tpu.memref_slice %arg9[%dma_start3A_25, %mul3A_14, %dma_start3A_26] : memref<16x128x128xf32, #tpu.memory_space<vmem_shared>> -> memref<16x8x128xf32, #tpu.memory_space<vmem_shared>>
      tpu.enqueue_dma source(%dma_start3A_27 : memref<16x8x128xf32, #tpu.memory_space<vmem_shared>>) target(%arg8 : memref<16x8x128xf32, #tpu.memory_space<vmem>>) target_semaphore(%run_scoped3A : memref<!tpu.dma_semaphore, #tpu.memory_space<semaphore_mem>>)
      %dma_wait3A = arith.constant 0 : i32
      %dma_wait3A_28 = arith.constant 0 : i32
      %dma_wait3A_29 = tpu.memref_slice %arg9[%dma_wait3A, %mul3A_14, %dma_wait3A_28] : memref<16x128x128xf32, #tpu.memory_space<vmem_shared>> -> memref<16x8x128xf32, #tpu.memory_space<vmem_shared>>
      %dma_wait3A_30 = arith.constant 0 : i32
      %dma_wait3A_31 = arith.constant 0 : i32
      %dma_wait3A_32 = tpu.memref_slice %arg9[%dma_wait3A_30, %mul3A_14, %dma_wait3A_31] : memref<16x128x128xf32, #tpu.memory_space<vmem_shared>> -> memref<16x8x128xf32, #tpu.memory_space<vmem_shared>>
      tpu.wait_dma2 semaphore(%run_scoped3A : memref<!tpu.dma_semaphore, #tpu.memory_space<semaphore_mem>>) src(%dma_wait3A_32 : memref<16x8x128xf32, #tpu.memory_space<vmem_shared>>) dst(%arg8 : memref<16x8x128xf32, #tpu.memory_space<vmem>>)
      tpu.yield
    }) : () -> ()
    %scan3A_15 = arith.constant 0 : i32
    %scan3A_16 = arith.constant 0 : i32
    %scan3A_17 = arith.constant 8 : i32
    %scan3A_18 = arith.addi %scan3A_16, %scan3A_17 : i32
    %scan3A_19 = arith.constant 1 : i32
    scf.for %scan3A_23 = %scan3A_16 to %scan3A_18 step %scan3A_19  : i32 {
      %get3A = arith.constant 0 : i32
      %get3A_24 = arith.index_cast %get3A : i32 to index
      %get3A_25 = arith.index_cast %scan3A_23 : i32 to index
      %get3A_26 = arith.constant 0 : index
      %get3A_27 = tpu.vector_load %arg8[%get3A_24, %get3A_25, %get3A_26] {strides = array<i32>} : memref<16x8x128xf32, #tpu.memory_space<vmem>>, vector<1x1x16xf32>,
      %get3A_28 = vector.shape_cast %get3A_27 : vector<1x1x16xf32> to vector<16xf32>
      %get3A_29 = arith.constant 1 : i32
      %get3A_30 = arith.index_cast %get3A_29 : i32 to index
      %get3A_31 = arith.index_cast %scan3A_23 : i32 to index
      %get3A_32 = arith.constant 0 : index
      %get3A_33 = tpu.vector_load %arg8[%get3A_30, %get3A_31, %get3A_32] {strides = array<i32>} : memref<16x8x128xf32, #tpu.memory_space<vmem>>, vector<1x1x16xf32>,
      %get3A_34 = vector.shape_cast %get3A_33 : vector<1x1x16xf32> to vector<16xf32>
      %max3A = arith.maximumf %get3A_28, %get3A_34 : vector<16xf32>
      %get3A_35 = arith.constant 2 : i32
      %get3A_36 = arith.index_cast %get3A_35 : i32 to index
      %get3A_37 = arith.index_cast %scan3A_23 : i32 to index
      %get3A_38 = arith.constant 0 : index
      %get3A_39 = tpu.vector_load %arg8[%get3A_36, %get3A_37, %get3A_38] {strides = array<i32>} : memref<16x8x128xf32, #tpu.memory_space<vmem>>, vector<1x1x16xf32>,
      %get3A_40 = vector.shape_cast %get3A_39 : vector<1x1x16xf32> to vector<16xf32>
      %max3A_41 = arith.maximumf %max3A, %get3A_40 : vector<16xf32>
      %get3A_42 = arith.constant 3 : i32
      %get3A_43 = arith.index_cast %get3A_42 : i32 to index
      %get3A_44 = arith.index_cast %scan3A_23 : i32 to index
      %get3A_45 = arith.constant 0 : index
      %get3A_46 = tpu.vector_load %arg8[%get3A_43, %get3A_44, %get3A_45] {strides = array<i32>} : memref<16x8x128xf32, #tpu.memory_space<vmem>>, vector<1x1x16xf32>,
      %get3A_47 = vector.shape_cast %get3A_46 : vector<1x1x16xf32> to vector<16xf32>
      %max3A_48 = arith.maximumf %max3A_41, %get3A_47 : vector<16xf32>
      %get3A_49 = arith.constant 4 : i32
      %get3A_50 = arith.index_cast %get3A_49 : i32 to index
      %get3A_51 = arith.index_cast %scan3A_23 : i32 to index
      %get3A_52 = arith.constant 0 : index
      %get3A_53 = tpu.vector_load %arg8[%get3A_50, %get3A_51, %get3A_52] {strides = array<i32>} : memref<16x8x128xf32, #tpu.memory_space<vmem>>, vector<1x1x16xf32>,
      %get3A_54 = vector.shape_cast %get3A_53 : vector<1x1x16xf32> to vector<16xf32>
      %max3A_55 = arith.maximumf %max3A_48, %get3A_54 : vector<16xf32>
      %get3A_56 = arith.constant 5 : i32
      %get3A_57 = arith.index_cast %get3A_56 : i32 to index
      %get3A_58 = arith.index_cast %scan3A_23 : i32 to index
      %get3A_59 = arith.constant 0 : index
      %get3A_60 = tpu.vector_load %arg8[%get3A_57, %get3A_58, %get3A_59] {strides = array<i32>} : memref<16x8x128xf32, #tpu.memory_space<vmem>>, vector<1x1x16xf32>,
      %get3A_61 = vector.shape_cast %get3A_60 : vector<1x1x16xf32> to vector<16xf32>
      %max3A_62 = arith.maximumf %max3A_55, %get3A_61 : vector<16xf32>
      %get3A_63 = arith.constant 6 : i32
      %get3A_64 = arith.index_cast %get3A_63 : i32 to index
      %get3A_65 = arith.index_cast %scan3A_23 : i32 to index
      %get3A_66 = arith.constant 0 : index
      %get3A_67 = tpu.vector_load %arg8[%get3A_64, %get3A_65, %get3A_66] {strides = array<i32>} : memref<16x8x128xf32, #tpu.memory_space<vmem>>, vector<1x1x16xf32>,
      %get3A_68 = vector.shape_cast %get3A_67 : vector<1x1x16xf32> to vector<16xf32>
      %max3A_69 = arith.maximumf %max3A_62, %get3A_68 : vector<16xf32>
      %get3A_70 = arith.constant 7 : i32
      %get3A_71 = arith.index_cast %get3A_70 : i32 to index
      %get3A_72 = arith.index_cast %scan3A_23 : i32 to index
      %get3A_73 = arith.constant 0 : index
      %get3A_74 = tpu.vector_load %arg8[%get3A_71, %get3A_72, %get3A_73] {strides = array<i32>} : memref<16x8x128xf32, #tpu.memory_space<vmem>>, vector<1x1x16xf32>,
      %get3A_75 = vector.shape_cast %get3A_74 : vector<1x1x16xf32> to vector<16xf32>
      %max3A_76 = arith.maximumf %max3A_69, %get3A_75 : vector<16xf32>
      %get3A_77 = arith.constant 8 : i32
      %get3A_78 = arith.index_cast %get3A_77 : i32 to index
      %get3A_79 = arith.index_cast %scan3A_23 : i32 to index
      %get3A_80 = arith.constant 0 : index
      %get3A_81 = tpu.vector_load %arg8[%get3A_78, %get3A_79, %get3A_80] {strides = array<i32>} : memref<16x8x128xf32, #tpu.memory_space<vmem>>, vector<1x1x16xf32>,
      %get3A_82 = vector.shape_cast %get3A_81 : vector<1x1x16xf32> to vector<16xf32>
      %max3A_83 = arith.maximumf %max3A_76, %get3A_82 : vector<16xf32>
      %get3A_84 = arith.constant 9 : i32
      %get3A_85 = arith.index_cast %get3A_84 : i32 to index
      %get3A_86 = arith.index_cast %scan3A_23 : i32 to index
      %get3A_87 = arith.constant 0 : index
      %get3A_88 = tpu.vector_load %arg8[%get3A_85, %get3A_86, %get3A_87] {strides = array<i32>} : memref<16x8x128xf32, #tpu.memory_space<vmem>>, vector<1x1x16xf32>,
      %get3A_89 = vector.shape_cast %get3A_88 : vector<1x1x16xf32> to vector<16xf32>
      %max3A_90 = arith.maximumf %max3A_83, %get3A_89 : vector<16xf32>
      %get3A_91 = arith.constant 10 : i32
      %get3A_92 = arith.index_cast %get3A_91 : i32 to index
      %get3A_93 = arith.index_cast %scan3A_23 : i32 to index
      %get3A_94 = arith.constant 0 : index
      %get3A_95 = tpu.vector_load %arg8[%get3A_92, %get3A_93, %get3A_94] {strides = array<i32>} : memref<16x8x128xf32, #tpu.memory_space<vmem>>, vector<1x1x16xf32>,
      %get3A_96 = vector.shape_cast %get3A_95 : vector<1x1x16xf32> to vector<16xf32>
      %max3A_97 = arith.maximumf %max3A_90, %get3A_96 : vector<16xf32>
      %get3A_98 = arith.constant 11 : i32
      %get3A_99 = arith.index_cast %get3A_98 : i32 to index
      %get3A_100 = arith.index_cast %scan3A_23 : i32 to index
      %get3A_101 = arith.constant 0 : index
      %get3A_102 = tpu.vector_load %arg8[%get3A_99, %get3A_100, %get3A_101] {strides = array<i32>} : memref<16x8x128xf32, #tpu.memory_space<vmem>>, vector<1x1x16xf32>,
      %get3A_103 = vector.shape_cast %get3A_102 : vector<1x1x16xf32> to vector<16xf32>
      %max3A_104 = arith.maximumf %max3A_97, %get3A_103 : vector<16xf32>
      %get3A_105 = arith.constant 12 : i32
      %get3A_106 = arith.index_cast %get3A_105 : i32 to index
      %get3A_107 = arith.index_cast %scan3A_23 : i32 to index
      %get3A_108 = arith.constant 0 : index
      %get3A_109 = tpu.vector_load %arg8[%get3A_106, %get3A_107, %get3A_108] {strides = array<i32>} : memref<16x8x128xf32, #tpu.memory_space<vmem>>, vector<1x1x16xf32>,
      %get3A_110 = vector.shape_cast %get3A_109 : vector<1x1x16xf32> to vector<16xf32>
      %max3A_111 = arith.maximumf %max3A_104, %get3A_110 : vector<16xf32>
      %get3A_112 = arith.constant 13 : i32
      %get3A_113 = arith.index_cast %get3A_112 : i32 to index
      %get3A_114 = arith.index_cast %scan3A_23 : i32 to index
      %get3A_115 = arith.constant 0 : index
      %get3A_116 = tpu.vector_load %arg8[%get3A_113, %get3A_114, %get3A_115] {strides = array<i32>} : memref<16x8x128xf32, #tpu.memory_space<vmem>>, vector<1x1x16xf32>,
      %get3A_117 = vector.shape_cast %get3A_116 : vector<1x1x16xf32> to vector<16xf32>
      %max3A_118 = arith.maximumf %max3A_111, %get3A_117 : vector<16xf32>
      %get3A_119 = arith.constant 14 : i32
      %get3A_120 = arith.index_cast %get3A_119 : i32 to index
      %get3A_121 = arith.index_cast %scan3A_23 : i32 to index
      %get3A_122 = arith.constant 0 : index
      %get3A_123 = tpu.vector_load %arg8[%get3A_120, %get3A_121, %get3A_122] {strides = array<i32>} : memref<16x8x128xf32, #tpu.memory_space<vmem>>, vector<1x1x16xf32>,
      %get3A_124 = vector.shape_cast %get3A_123 : vector<1x1x16xf32> to vector<16xf32>
      %max3A_125 = arith.maximumf %max3A_118, %get3A_124 : vector<16xf32>
      %get3A_126 = arith.constant 15 : i32
      %get3A_127 = arith.index_cast %get3A_126 : i32 to index
      %get3A_128 = arith.index_cast %scan3A_23 : i32 to index
      %get3A_129 = arith.constant 0 : index
      %get3A_130 = tpu.vector_load %arg8[%get3A_127, %get3A_128, %get3A_129] {strides = array<i32>} : memref<16x8x128xf32, #tpu.memory_space<vmem>>, vector<1x1x16xf32>,
      %get3A_131 = vector.shape_cast %get3A_130 : vector<1x1x16xf32> to vector<16xf32>
      %max3A_132 = arith.maximumf %max3A_125, %get3A_131 : vector<16xf32>
      %swap3A = arith.index_cast %scan3A_23 : i32 to index
      %swap3A_133 = arith.constant 0 : index
      %swap3A_134 = tpu.vector_load %arg7[%swap3A, %swap3A_133] {strides = array<i32>} : memref<128x128xf32, #tpu.memory_space<vmem>>, vector<1x16xf32>,
      %swap3A_135 = vector.shape_cast %swap3A_134 : vector<1x16xf32> to vector<16xf32>
      %swap3A_136 = vector.shape_cast %max3A_132 : vector<16xf32> to vector<1x16xf32>
      tpu.vector_store %arg7[%swap3A, %swap3A_133], %swap3A_136 {strides = array<i32>} : memref<128x128xf32, #tpu.memory_space<vmem>>, vector<1x16xf32>,
      %get3A_137 = arith.constant 0 : i32
      %get3A_138 = arith.index_cast %get3A_137 : i32 to index
      %get3A_139 = arith.index_cast %scan3A_23 : i32 to index
      %get3A_140 = arith.constant 16 : index
      %get3A_141 = tpu.vector_load %arg8[%get3A_138, %get3A_139, %get3A_140] {strides = array<i32>} : memref<16x8x128xf32, #tpu.memory_space<vmem>>, vector<1x1x16xf32>,
      %get3A_142 = vector.shape_cast %get3A_141 : vector<1x1x16xf32> to vector<16xf32>
      %get3A_143 = arith.constant 1 : i32
      %get3A_144 = arith.index_cast %get3A_143 : i32 to index
      %get3A_145 = arith.index_cast %scan3A_23 : i32 to index
      %get3A_146 = arith.constant 16 : index
      %get3A_147 = tpu.vector_load %arg8[%get3A_144, %get3A_145, %get3A_146] {strides = array<i32>} : memref<16x8x128xf32, #tpu.memory_space<vmem>>, vector<1x1x16xf32>,
      %get3A_148 = vector.shape_cast %get3A_147 : vector<1x1x16xf32> to vector<16xf32>
      %max3A_149 = arith.maximumf %get3A_142, %get3A_148 : vector<16xf32>
      %get3A_150 = arith.constant 2 : i32
      %get3A_151 = arith.index_cast %get3A_150 : i32 to index
      %get3A_152 = arith.index_cast %scan3A_23 : i32 to index
      %get3A_153 = arith.constant 16 : index
      %get3A_154 = tpu.vector_load %arg8[%get3A_151, %get3A_152, %get3A_153] {strides = array<i32>} : memref<16x8x128xf32, #tpu.memory_space<vmem>>, vector<1x1x16xf32>,
      %get3A_155 = vector.shape_cast %get3A_154 : vector<1x1x16xf32> to vector<16xf32>
      %max3A_156 = arith.maximumf %max3A_149, %get3A_155 : vector<16xf32>
      %get3A_157 = arith.constant 3 : i32
      %get3A_158 = arith.index_cast %get3A_157 : i32 to index
      %get3A_159 = arith.index_cast %scan3A_23 : i32 to index
      %get3A_160 = arith.constant 16 : index
      %get3A_161 = tpu.vector_load %arg8[%get3A_158, %get3A_159, %get3A_160] {strides = array<i32>} : memref<16x8x128xf32, #tpu.memory_space<vmem>>, vector<1x1x16xf32>,
      %get3A_162 = vector.shape_cast %get3A_161 : vector<1x1x16xf32> to vector<16xf32>
      %max3A_163 = arith.maximumf %max3A_156, %get3A_162 : vector<16xf32>
      %get3A_164 = arith.constant 4 : i32
      %get3A_165 = arith.index_cast %get3A_164 : i32 to index
      %get3A_166 = arith.index_cast %scan3A_23 : i32 to index
      %get3A_167 = arith.constant 16 : index
      %get3A_168 = tpu.vector_load %arg8[%get3A_165, %get3A_166, %get3A_167] {strides = array<i32>} : memref<16x8x128xf32, #tpu.memory_space<vmem>>, vector<1x1x16xf32>,
      %get3A_169 = vector.shape_cast %get3A_168 : vector<1x1x16xf32> to vector<16xf32>
      %max3A_170 = arith.maximumf %max3A_163, %get3A_169 : vector<16xf32>
      %get3A_171 = arith.constant 5 : i32
      %get3A_172 = arith.index_cast %get3A_171 : i32 to index
      %get3A_173 = arith.index_cast %scan3A_23 : i32 to index
      %get3A_174 = arith.constant 16 : index
      %get3A_175 = tpu.vector_load %arg8[%get3A_172, %get3A_173, %get3A_174] {strides = array<i32>} : memref<16x8x128xf32, #tpu.memory_space<vmem>>, vector<1x1x16xf32>,
      %get3A_176 = vector.shape_cast %get3A_175 : vector<1x1x16xf32> to vector<16xf32>
      %max3A_177 = arith.maximumf %max3A_170, %get3A_176 : vector<16xf32>
      %get3A_178 = arith.constant 6 : i32
      %get3A_179 = arith.index_cast %get3A_178 : i32 to index
      %get3A_180 = arith.index_cast %scan3A_23 : i32 to index
      %get3A_181 = arith.constant 16 : index
      %get3A_182 = tpu.vector_load %arg8[%get3A_179, %get3A_180, %get3A_181] {strides = array<i32>} : memref<16x8x128xf32, #tpu.memory_space<vmem>>, vector<1x1x16xf32>,
      %get3A_183 = vector.shape_cast %get3A_182 : vector<1x1x16xf32> to vector<16xf32>
      %max3A_184 = arith.maximumf %max3A_177, %get3A_183 : vector<16xf32>
      %get3A_185 = arith.constant 7 : i32
      %get3A_186 = arith.index_cast %get3A_185 : i32 to index
      %get3A_187 = arith.index_cast %scan3A_23 : i32 to index
      %get3A_188 = arith.constant 16 : index
      %get3A_189 = tpu.vector_load %arg8[%get3A_186, %get3A_187, %get3A_188] {strides = array<i32>} : memref<16x8x128xf32, #tpu.memory_space<vmem>>, vector<1x1x16xf32>,
      %get3A_190 = vector.shape_cast %get3A_189 : vector<1x1x16xf32> to vector<16xf32>
      %max3A_191 = arith.maximumf %max3A_184, %get3A_190 : vector<16xf32>
      %get3A_192 = arith.constant 8 : i32
      %get3A_193 = arith.index_cast %get3A_192 : i32 to index
      %get3A_194 = arith.index_cast %scan3A_23 : i32 to index
      %get3A_195 = arith.constant 16 : index
      %get3A_196 = tpu.vector_load %arg8[%get3A_193, %get3A_194, %get3A_195] {strides = array<i32>} : memref<16x8x128xf32, #tpu.memory_space<vmem>>, vector<1x1x16xf32>,
      %get3A_197 = vector.shape_cast %get3A_196 : vector<1x1x16xf32> to vector<16xf32>
      %max3A_198 = arith.maximumf %max3A_191, %get3A_197 : vector<16xf32>
      %get3A_199 = arith.constant 9 : i32
      %get3A_200 = arith.index_cast %get3A_199 : i32 to index
      %get3A_201 = arith.index_cast %scan3A_23 : i32 to index
      %get3A_202 = arith.constant 16 : index
      %get3A_203 = tpu.vector_load %arg8[%get3A_200, %get3A_201, %get3A_202] {strides = array<i32>} : memref<16x8x128xf32, #tpu.memory_space<vmem>>, vector<1x1x16xf32>,
      %get3A_204 = vector.shape_cast %get3A_203 : vector<1x1x16xf32> to vector<16xf32>
      %max3A_205 = arith.maximumf %max3A_198, %get3A_204 : vector<16xf32>
      %get3A_206 = arith.constant 10 : i32
      %get3A_207 = arith.index_cast %get3A_206 : i32 to index
      %get3A_208 = arith.index_cast %scan3A_23 : i32 to index
      %get3A_209 = arith.constant 16 : index
      %get3A_210 = tpu.vector_load %arg8[%get3A_207, %get3A_208, %get3A_209] {strides = array<i32>} : memref<16x8x128xf32, #tpu.memory_space<vmem>>, vector<1x1x16xf32>,
      %get3A_211 = vector.shape_cast %get3A_210 : vector<1x1x16xf32> to vector<16xf32>
      %max3A_212 = arith.maximumf %max3A_205, %get3A_211 : vector<16xf32>
      %get3A_213 = arith.constant 11 : i32
      %get3A_214 = arith.index_cast %get3A_213 : i32 to index
      %get3A_215 = arith.index_cast %scan3A_23 : i32 to index
      %get3A_216 = arith.constant 16 : index
      %get3A_217 = tpu.vector_load %arg8[%get3A_214, %get3A_215, %get3A_216] {strides = array<i32>} : memref<16x8x128xf32, #tpu.memory_space<vmem>>, vector<1x1x16xf32>,
      %get3A_218 = vector.shape_cast %get3A_217 : vector<1x1x16xf32> to vector<16xf32>
      %max3A_219 = arith.maximumf %max3A_212, %get3A_218 : vector<16xf32>
      %get3A_220 = arith.constant 12 : i32
      %get3A_221 = arith.index_cast %get3A_220 : i32 to index
      %get3A_222 = arith.index_cast %scan3A_23 : i32 to index
      %get3A_223 = arith.constant 16 : index
      %get3A_224 = tpu.vector_load %arg8[%get3A_221, %get3A_222, %get3A_223] {strides = array<i32>} : memref<16x8x128xf32, #tpu.memory_space<vmem>>, vector<1x1x16xf32>,
      %get3A_225 = vector.shape_cast %get3A_224 : vector<1x1x16xf32> to vector<16xf32>
      %max3A_226 = arith.maximumf %max3A_219, %get3A_225 : vector<16xf32>
      %get3A_227 = arith.constant 13 : i32
      %get3A_228 = arith.index_cast %get3A_227 : i32 to index
      %get3A_229 = arith.index_cast %scan3A_23 : i32 to index
      %get3A_230 = arith.constant 16 : index
      %get3A_231 = tpu.vector_load %arg8[%get3A_228, %get3A_229, %get3A_230] {strides = array<i32>} : memref<16x8x128xf32, #tpu.memory_space<vmem>>, vector<1x1x16xf32>,
      %get3A_232 = vector.shape_cast %get3A_231 : vector<1x1x16xf32> to vector<16xf32>
      %max3A_233 = arith.maximumf %max3A_226, %get3A_232 : vector<16xf32>
      %get3A_234 = arith.constant 14 : i32
      %get3A_235 = arith.index_cast %get3A_234 : i32 to index
      %get3A_236 = arith.index_cast %scan3A_23 : i32 to index
      %get3A_237 = arith.constant 16 : index
      %get3A_238 = tpu.vector_load %arg8[%get3A_235, %get3A_236, %get3A_237] {strides = array<i32>} : memref<16x8x128xf32, #tpu.memory_space<vmem>>, vector<1x1x16xf32>,
      %get3A_239 = vector.shape_cast %get3A_238 : vector<1x1x16xf32> to vector<16xf32>
      %max3A_240 = arith.maximumf %max3A_233, %get3A_239 : vector<16xf32>
      %get3A_241 = arith.constant 15 : i32
      %get3A_242 = arith.index_cast %get3A_241 : i32 to index
      %get3A_243 = arith.index_cast %scan3A_23 : i32 to index
      %get3A_244 = arith.constant 16 : index
      %get3A_245 = tpu.vector_load %arg8[%get3A_242, %get3A_243, %get3A_244] {strides = array<i32>} : memref<16x8x128xf32, #tpu.memory_space<vmem>>, vector<1x1x16xf32>,
      %get3A_246 = vector.shape_cast %get3A_245 : vector<1x1x16xf32> to vector<16xf32>
      %max3A_247 = arith.maximumf %max3A_240, %get3A_246 : vector<16xf32>
      %swap3A_248 = arith.index_cast %scan3A_23 : i32 to index
      %swap3A_249 = arith.constant 16 : index
      %swap3A_250 = tpu.vector_load %arg7[%swap3A_248, %swap3A_249] {strides = array<i32>} : memref<128x128xf32, #tpu.memory_space<vmem>>, vector<1x16xf32>,
      %swap3A_251 = vector.shape_cast %swap3A_250 : vector<1x16xf32> to vector<16xf32>
      %swap3A_252 = vector.shape_cast %max3A_247 : vector<16xf32> to vector<1x16xf32>
      tpu.vector_store %arg7[%swap3A_248, %swap3A_249], %swap3A_252 {strides = array<i32>} : memref<128x128xf32, #tpu.memory_space<vmem>>, vector<1x16xf32>,
      %get3A_253 = arith.constant 0 : i32
      %get3A_254 = arith.index_cast %get3A_253 : i32 to index
      %get3A_255 = arith.index_cast %scan3A_23 : i32 to index
      %get3A_256 = arith.constant 32 : index
      %get3A_257 = tpu.vector_load %arg8[%get3A_254, %get3A_255, %get3A_256] {strides = array<i32>} : memref<16x8x128xf32, #tpu.memory_space<vmem>>, vector<1x1x16xf32>,
      %get3A_258 = vector.shape_cast %get3A_257 : vector<1x1x16xf32> to vector<16xf32>
      %get3A_259 = arith.constant 1 : i32
      %get3A_260 = arith.index_cast %get3A_259 : i32 to index
      %get3A_261 = arith.index_cast %scan3A_23 : i32 to index
      %get3A_262 = arith.constant 32 : index
      %get3A_263 = tpu.vector_load %arg8[%get3A_260, %get3A_261, %get3A_262] {strides = array<i32>} : memref<16x8x128xf32, #tpu.memory_space<vmem>>, vector<1x1x16xf32>,
      %get3A_264 = vector.shape_cast %get3A_263 : vector<1x1x16xf32> to vector<16xf32>
      %max3A_265 = arith.maximumf %get3A_258, %get3A_264 : vector<16xf32>
      %get3A_266 = arith.constant 2 : i32
      %get3A_267 = arith.index_cast %get3A_266 : i32 to index
      %get3A_268 = arith.index_cast %scan3A_23 : i32 to index
      %get3A_269 = arith.constant 32 : index
      %get3A_270 = tpu.vector_load %arg8[%get3A_267, %get3A_268, %get3A_269] {strides = array<i32>} : memref<16x8x128xf32, #tpu.memory_space<vmem>>, vector<1x1x16xf32>,
      %get3A_271 = vector.shape_cast %get3A_270 : vector<1x1x16xf32> to vector<16xf32>
      %max3A_272 = arith.maximumf %max3A_265, %get3A_271 : vector<16xf32>
      %get3A_273 = arith.constant 3 : i32
      %get3A_274 = arith.index_cast %get3A_273 : i32 to index
      %get3A_275 = arith.index_cast %scan3A_23 : i32 to index
      %get3A_276 = arith.constant 32 : index
      %get3A_277 = tpu.vector_load %arg8[%get3A_274, %get3A_275, %get3A_276] {strides = array<i32>} : memref<16x8x128xf32, #tpu.memory_space<vmem>>, vector<1x1x16xf32>,
      %get3A_278 = vector.shape_cast %get3A_277 : vector<1x1x16xf32> to vector<16xf32>
      %max3A_279 = arith.maximumf %max3A_272, %get3A_278 : vector<16xf32>
      %get3A_280 = arith.constant 4 : i32
      %get3A_281 = arith.index_cast %get3A_280 : i32 to index
      %get3A_282 = arith.index_cast %scan3A_23 : i32 to index
      %get3A_283 = arith.constant 32 : index
      %get3A_284 = tpu.vector_load %arg8[%get3A_281, %get3A_282, %get3A_283] {strides = array<i32>} : memref<16x8x128xf32, #tpu.memory_space<vmem>>, vector<1x1x16xf32>,
      %get3A_285 = vector.shape_cast %get3A_284 : vector<1x1x16xf32> to vector<16xf32>
      %max3A_286 = arith.maximumf %max3A_279, %get3A_285 : vector<16xf32>
      %get3A_287 = arith.constant 5 : i32
      %get3A_288 = arith.index_cast %get3A_287 : i32 to index
      %get3A_289 = arith.index_cast %scan3A_23 : i32 to index
      %get3A_290 = arith.constant 32 : index
      %get3A_291 = tpu.vector_load %arg8[%get3A_288, %get3A_289, %get3A_290] {strides = array<i32>} : memref<16x8x128xf32, #tpu.memory_space<vmem>>, vector<1x1x16xf32>,
      %get3A_292 = vector.shape_cast %get3A_291 : vector<1x1x16xf32> to vector<16xf32>
      %max3A_293 = arith.maximumf %max3A_286, %get3A_292 : vector<16xf32>
      %get3A_294 = arith.constant 6 : i32
      %get3A_295 = arith.index_cast %get3A_294 : i32 to index
      %get3A_296 = arith.index_cast %scan3A_23 : i32 to index
      %get3A_297 = arith.constant 32 : index
      %get3A_298 = tpu.vector_load %arg8[%get3A_295, %get3A_296, %get3A_297] {strides = array<i32>} : memref<16x8x128xf32, #tpu.memory_space<vmem>>, vector<1x1x16xf32>,
      %get3A_299 = vector.shape_cast %get3A_298 : vector<1x1x16xf32> to vector<16xf32>
      %max3A_300 = arith.maximumf %max3A_293, %get3A_299 : vector<16xf32>
      %get3A_301 = arith.constant 7 : i32
      %get3A_302 = arith.index_cast %get3A_301 : i32 to index
      %get3A_303 = arith.index_cast %scan3A_23 : i32 to index
      %get3A_304 = arith.constant 32 : index
      %get3A_305 = tpu.vector_load %arg8[%get3A_302, %get3A_303, %get3A_304] {strides = array<i32>} : memref<16x8x128xf32, #tpu.memory_space<vmem>>, vector<1x1x16xf32>,
      %get3A_306 = vector.shape_cast %get3A_305 : vector<1x1x16xf32> to vector<16xf32>
      %max3A_307 = arith.maximumf %max3A_300, %get3A_306 : vector<16xf32>
      %get3A_308 = arith.constant 8 : i32
      %get3A_309 = arith.index_cast %get3A_308 : i32 to index
      %get3A_310 = arith.index_cast %scan3A_23 : i32 to index
      %get3A_311 = arith.constant 32 : index
      %get3A_312 = tpu.vector_load %arg8[%get3A_309, %get3A_310, %get3A_311] {strides = array<i32>} : memref<16x8x128xf32, #tpu.memory_space<vmem>>, vector<1x1x16xf32>,
      %get3A_313 = vector.shape_cast %get3A_312 : vector<1x1x16xf32> to vector<16xf32>
      %max3A_314 = arith.maximumf %max3A_307, %get3A_313 : vector<16xf32>
      %get3A_315 = arith.constant 9 : i32
      %get3A_316 = arith.index_cast %get3A_315 : i32 to index
      %get3A_317 = arith.index_cast %scan3A_23 : i32 to index
      %get3A_318 = arith.constant 32 : index
      %get3A_319 = tpu.vector_load %arg8[%get3A_316, %get3A_317, %get3A_318] {strides = array<i32>} : memref<16x8x128xf32, #tpu.memory_space<vmem>>, vector<1x1x16xf32>,
      %get3A_320 = vector.shape_cast %get3A_319 : vector<1x1x16xf32> to vector<16xf32>
      %max3A_321 = arith.maximumf %max3A_314, %get3A_320 : vector<16xf32>
      %get3A_322 = arith.constant 10 : i32
      %get3A_323 = arith.index_cast %get3A_322 : i32 to index
      %get3A_324 = arith.index_cast %scan3A_23 : i32 to index
      %get3A_325 = arith.constant 32 : index
      %get3A_326 = tpu.vector_load %arg8[%get3A_323, %get3A_324, %get3A_325] {strides = array<i32>} : memref<16x8x128xf32, #tpu.memory_space<vmem>>, vector<1x1x16xf32>,
      %get3A_327 = vector.shape_cast %get3A_326 : vector<1x1x16xf32> to vector<16xf32>
      %max3A_328 = arith.maximumf %max3A_321, %get3A_327 : vector<16xf32>
      %get3A_329 = arith.constant 11 : i32
      %get3A_330 = arith.index_cast %get3A_329 : i32 to index
      %get3A_331 = arith.index_cast %scan3A_23 : i32 to index
      %get3A_332 = arith.constant 32 : index
      %get3A_333 = tpu.vector_load %arg8[%get3A_330, %get3A_331, %get3A_332] {strides = array<i32>} : memref<16x8x128xf32, #tpu.memory_space<vmem>>, vector<1x1x16xf32>,
      %get3A_334 = vector.shape_cast %get3A_333 : vector<1x1x16xf32> to vector<16xf32>
      %max3A_335 = arith.maximumf %max3A_328, %get3A_334 : vector<16xf32>
      %get3A_336 = arith.constant 12 : i32
      %get3A_337 = arith.index_cast %get3A_336 : i32 to index
      %get3A_338 = arith.index_cast %scan3A_23 : i32 to index
      %get3A_339 = arith.constant 32 : index
      %get3A_340 = tpu.vector_load %arg8[%get3A_337, %get3A_338, %get3A_339] {strides = array<i32>} : memref<16x8x128xf32, #tpu.memory_space<vmem>>, vector<1x1x16xf32>,
      %get3A_341 = vector.shape_cast %get3A_340 : vector<1x1x16xf32> to vector<16xf32>
      %max3A_342 = arith.maximumf %max3A_335, %get3A_341 : vector<16xf32>
      %get3A_343 = arith.constant 13 : i32
      %get3A_344 = arith.index_cast %get3A_343 : i32 to index
      %get3A_345 = arith.index_cast %scan3A_23 : i32 to index
      %get3A_346 = arith.constant 32 : index
      %get3A_347 = tpu.vector_load %arg8[%get3A_344, %get3A_345, %get3A_346] {strides = array<i32>} : memref<16x8x128xf32, #tpu.memory_space<vmem>>, vector<1x1x16xf32>,
      %get3A_348 = vector.shape_cast %get3A_347 : vector<1x1x16xf32> to vector<16xf32>
      %max3A_349 = arith.maximumf %max3A_342, %get3A_348 : vector<16xf32>
      %get3A_350 = arith.constant 14 : i32
      %get3A_351 = arith.index_cast %get3A_350 : i32 to index
      %get3A_352 = arith.index_cast %scan3A_23 : i32 to index
      %get3A_353 = arith.constant 32 : index
      %get3A_354 = tpu.vector_load %arg8[%get3A_351, %get3A_352, %get3A_353] {strides = array<i32>} : memref<16x8x128xf32, #tpu.memory_space<vmem>>, vector<1x1x16xf32>,
      %get3A_355 = vector.shape_cast %get3A_354 : vector<1x1x16xf32> to vector<16xf32>
      %max3A_356 = arith.maximumf %max3A_349, %get3A_355 : vector<16xf32>
      %get3A_357 = arith.constant 15 : i32
      %get3A_358 = arith.index_cast %get3A_357 : i32 to index
      %get3A_359 = arith.index_cast %scan3A_23 : i32 to index
      %get3A_360 = arith.constant 32 : index
      %get3A_361 = tpu.vector_load %arg8[%get3A_358, %get3A_359, %get3A_360] {strides = array<i32>} : memref<16x8x128xf32, #tpu.memory_space<vmem>>, vector<1x1x16xf32>,
      %get3A_362 = vector.shape_cast %get3A_361 : vector<1x1x16xf32> to vector<16xf32>
      %max3A_363 = arith.maximumf %max3A_356, %get3A_362 : vector<16xf32>
      %swap3A_364 = arith.index_cast %scan3A_23 : i32 to index
      %swap3A_365 = arith.constant 32 : index
      %swap3A_366 = tpu.vector_load %arg7[%swap3A_364, %swap3A_365] {strides = array<i32>} : memref<128x128xf32, #tpu.memory_space<vmem>>, vector<1x16xf32>,
      %swap3A_367 = vector.shape_cast %swap3A_366 : vector<1x16xf32> to vector<16xf32>
      %swap3A_368 = vector.shape_cast %max3A_363 : vector<16xf32> to vector<1x16xf32>
      tpu.vector_store %arg7[%swap3A_364, %swap3A_365], %swap3A_368 {strides = array<i32>} : memref<128x128xf32, #tpu.memory_space<vmem>>, vector<1x16xf32>,
      %get3A_369 = arith.constant 0 : i32
      %get3A_370 = arith.index_cast %get3A_369 : i32 to index
      %get3A_371 = arith.index_cast %scan3A_23 : i32 to index
      %get3A_372 = arith.constant 48 : index
      %get3A_373 = tpu.vector_load %arg8[%get3A_370, %get3A_371, %get3A_372] {strides = array<i32>} : memref<16x8x128xf32, #tpu.memory_space<vmem>>, vector<1x1x16xf32>,
      %get3A_374 = vector.shape_cast %get3A_373 : vector<1x1x16xf32> to vector<16xf32>
      %get3A_375 = arith.constant 1 : i32
      %get3A_376 = arith.index_cast %get3A_375 : i32 to index
      %get3A_377 = arith.index_cast %scan3A_23 : i32 to index
      %get3A_378 = arith.constant 48 : index
      %get3A_379 = tpu.vector_load %arg8[%get3A_376, %get3A_377, %get3A_378] {strides = array<i32>} : memref<16x8x128xf32, #tpu.memory_space<vmem>>, vector<1x1x16xf32>,
      %get3A_380 = vector.shape_cast %get3A_379 : vector<1x1x16xf32> to vector<16xf32>
      %max3A_381 = arith.maximumf %get3A_374, %get3A_380 : vector<16xf32>
      %get3A_382 = arith.constant 2 : i32
      %get3A_383 = arith.index_cast %get3A_382 : i32 to index
      %get3A_384 = arith.index_cast %scan3A_23 : i32 to index
      %get3A_385 = arith.constant 48 : index
      %get3A_386 = tpu.vector_load %arg8[%get3A_383, %get3A_384, %get3A_385] {strides = array<i32>} : memref<16x8x128xf32, #tpu.memory_space<vmem>>, vector<1x1x16xf32>,
      %get3A_387 = vector.shape_cast %get3A_386 : vector<1x1x16xf32> to vector<16xf32>
      %max3A_388 = arith.maximumf %max3A_381, %get3A_387 : vector<16xf32>
      %get3A_389 = arith.constant 3 : i32
      %get3A_390 = arith.index_cast %get3A_389 : i32 to index
      %get3A_391 = arith.index_cast %scan3A_23 : i32 to index
      %get3A_392 = arith.constant 48 : index
      %get3A_393 = tpu.vector_load %arg8[%get3A_390, %get3A_391, %get3A_392] {strides = array<i32>} : memref<16x8x128xf32, #tpu.memory_space<vmem>>, vector<1x1x16xf32>,
      %get3A_394 = vector.shape_cast %get3A_393 : vector<1x1x16xf32> to vector<16xf32>
      %max3A_395 = arith.maximumf %max3A_388, %get3A_394 : vector<16xf32>
      %get3A_396 = arith.constant 4 : i32
      %get3A_397 = arith.index_cast %get3A_396 : i32 to index
      %get3A_398 = arith.index_cast %scan3A_23 : i32 to index
      %get3A_399 = arith.constant 48 : index
      %get3A_400 = tpu.vector_load %arg8[%get3A_397, %get3A_398, %get3A_399] {strides = array<i32>} : memref<16x8x128xf32, #tpu.memory_space<vmem>>, vector<1x1x16xf32>,
      %get3A_401 = vector.shape_cast %get3A_400 : vector<1x1x16xf32> to vector<16xf32>
      %max3A_402 = arith.maximumf %max3A_395, %get3A_401 : vector<16xf32>
      %get3A_403 = arith.constant 5 : i32
      %get3A_404 = arith.index_cast %get3A_403 : i32 to index
      %get3A_405 = arith.index_cast %scan3A_23 : i32 to index
      %get3A_406 = arith.constant 48 : index
      %get3A_407 = tpu.vector_load %arg8[%get3A_404, %get3A_405, %get3A_406] {strides = array<i32>} : memref<16x8x128xf32, #tpu.memory_space<vmem>>, vector<1x1x16xf32>,
      %get3A_408 = vector.shape_cast %get3A_407 : vector<1x1x16xf32> to vector<16xf32>
      %max3A_409 = arith.maximumf %max3A_402, %get3A_408 : vector<16xf32>
      %get3A_410 = arith.constant 6 : i32
      %get3A_411 = arith.index_cast %get3A_410 : i32 to index
      %get3A_412 = arith.index_cast %scan3A_23 : i32 to index
      %get3A_413 = arith.constant 48 : index
      %get3A_414 = tpu.vector_load %arg8[%get3A_411, %get3A_412, %get3A_413] {strides = array<i32>} : memref<16x8x128xf32, #tpu.memory_space<vmem>>, vector<1x1x16xf32>,
      %get3A_415 = vector.shape_cast %get3A_414 : vector<1x1x16xf32> to vector<16xf32>
      %max3A_416 = arith.maximumf %max3A_409, %get3A_415 : vector<16xf32>
      %get3A_417 = arith.constant 7 : i32
      %get3A_418 = arith.index_cast %get3A_417 : i32 to index
      %get3A_419 = arith.index_cast %scan3A_23 : i32 to index
      %get3A_420 = arith.constant 48 : index
      %get3A_421 = tpu.vector_load %arg8[%get3A_418, %get3A_419, %get3A_420] {strides = array<i32>} : memref<16x8x128xf32, #tpu.memory_space<vmem>>, vector<1x1x16xf32>,
      %get3A_422 = vector.shape_cast %get3A_421 : vector<1x1x16xf32> to vector<16xf32>
      %max3A_423 = arith.maximumf %max3A_416, %get3A_422 : vector<16xf32>
      %get3A_424 = arith.constant 8 : i32
      %get3A_425 = arith.index_cast %get3A_424 : i32 to index
      %get3A_426 = arith.index_cast %scan3A_23 : i32 to index
      %get3A_427 = arith.constant 48 : index
      %get3A_428 = tpu.vector_load %arg8[%get3A_425, %get3A_426, %get3A_427] {strides = array<i32>} : memref<16x8x128xf32, #tpu.memory_space<vmem>>, vector<1x1x16xf32>,
      %get3A_429 = vector.shape_cast %get3A_428 : vector<1x1x16xf32> to vector<16xf32>
      %max3A_430 = arith.maximumf %max3A_423, %get3A_429 : vector<16xf32>
      %get3A_431 = arith.constant 9 : i32
      %get3A_432 = arith.index_cast %get3A_431 : i32 to index
      %get3A_433 = arith.index_cast %scan3A_23 : i32 to index
      %get3A_434 = arith.constant 48 : index
      %get3A_435 = tpu.vector_load %arg8[%get3A_432, %get3A_433, %get3A_434] {strides = array<i32>} : memref<16x8x128xf32, #tpu.memory_space<vmem>>, vector<1x1x16xf32>,
      %get3A_436 = vector.shape_cast %get3A_435 : vector<1x1x16xf32> to vector<16xf32>
      %max3A_437 = arith.maximumf %max3A_430, %get3A_436 : vector<16xf32>
      %get3A_438 = arith.constant 10 : i32
      %get3A_439 = arith.index_cast %get3A_438 : i32 to index
      %get3A_440 = arith.index_cast %scan3A_23 : i32 to index
      %get3A_441 = arith.constant 48 : index
      %get3A_442 = tpu.vector_load %arg8[%get3A_439, %get3A_440, %get3A_441] {strides = array<i32>} : memref<16x8x128xf32, #tpu.memory_space<vmem>>, vector<1x1x16xf32>,
      %get3A_443 = vector.shape_cast %get3A_442 : vector<1x1x16xf32> to vector<16xf32>
      %max3A_444 = arith.maximumf %max3A_437, %get3A_443 : vector<16xf32>
      %get3A_445 = arith.constant 11 : i32
      %get3A_446 = arith.index_cast %get3A_445 : i32 to index
      %get3A_447 = arith.index_cast %scan3A_23 : i32 to index
      %get3A_448 = arith.constant 48 : index
      %get3A_449 = tpu.vector_load %arg8[%get3A_446, %get3A_447, %get3A_448] {strides = array<i32>} : memref<16x8x128xf32, #tpu.memory_space<vmem>>, vector<1x1x16xf32>,
      %get3A_450 = vector.shape_cast %get3A_449 : vector<1x1x16xf32> to vector<16xf32>
      %max3A_451 = arith.maximumf %max3A_444, %get3A_450 : vector<16xf32>
      %get3A_452 = arith.constant 12 : i32
      %get3A_453 = arith.index_cast %get3A_452 : i32 to index
      %get3A_454 = arith.index_cast %scan3A_23 : i32 to index
      %get3A_455 = arith.constant 48 : index
      %get3A_456 = tpu.vector_load %arg8[%get3A_453, %get3A_454, %get3A_455] {strides = array<i32>} : memref<16x8x128xf32, #tpu.memory_space<vmem>>, vector<1x1x16xf32>,
      %get3A_457 = vector.shape_cast %get3A_456 : vector<1x1x16xf32> to vector<16xf32>
      %max3A_458 = arith.maximumf %max3A_451, %get3A_457 : vector<16xf32>
      %get3A_459 = arith.constant 13 : i32
      %get3A_460 = arith.index_cast %get3A_459 : i32 to index
      %get3A_461 = arith.index_cast %scan3A_23 : i32 to index
      %get3A_462 = arith.constant 48 : index
      %get3A_463 = tpu.vector_load %arg8[%get3A_460, %get3A_461, %get3A_462] {strides = array<i32>} : memref<16x8x128xf32, #tpu.memory_space<vmem>>, vector<1x1x16xf32>,
      %get3A_464 = vector.shape_cast %get3A_463 : vector<1x1x16xf32> to vector<16xf32>
      %max3A_465 = arith.maximumf %max3A_458, %get3A_464 : vector<16xf32>
      %get3A_466 = arith.constant 14 : i32
      %get3A_467 = arith.index_cast %get3A_466 : i32 to index
      %get3A_468 = arith.index_cast %scan3A_23 : i32 to index
      %get3A_469 = arith.constant 48 : index
      %get3A_470 = tpu.vector_load %arg8[%get3A_467, %get3A_468, %get3A_469] {strides = array<i32>} : memref<16x8x128xf32, #tpu.memory_space<vmem>>, vector<1x1x16xf32>,
      %get3A_471 = vector.shape_cast %get3A_470 : vector<1x1x16xf32> to vector<16xf32>
      %max3A_472 = arith.maximumf %max3A_465, %get3A_471 : vector<16xf32>
      %get3A_473 = arith.constant 15 : i32
      %get3A_474 = arith.index_cast %get3A_473 : i32 to index
      %get3A_475 = arith.index_cast %scan3A_23 : i32 to index
      %get3A_476 = arith.constant 48 : index
      %get3A_477 = tpu.vector_load %arg8[%get3A_474, %get3A_475, %get3A_476] {strides = array<i32>} : memref<16x8x128xf32, #tpu.memory_space<vmem>>, vector<1x1x16xf32>,
      %get3A_478 = vector.shape_cast %get3A_477 : vector<1x1x16xf32> to vector<16xf32>
      %max3A_479 = arith.maximumf %max3A_472, %get3A_478 : vector<16xf32>
      %swap3A_480 = arith.index_cast %scan3A_23 : i32 to index
      %swap3A_481 = arith.constant 48 : index
      %swap3A_482 = tpu.vector_load %arg7[%swap3A_480, %swap3A_481] {strides = array<i32>} : memref<128x128xf32, #tpu.memory_space<vmem>>, vector<1x16xf32>,
      %swap3A_483 = vector.shape_cast %swap3A_482 : vector<1x16xf32> to vector<16xf32>
      %swap3A_484 = vector.shape_cast %max3A_479 : vector<16xf32> to vector<1x16xf32>
      tpu.vector_store %arg7[%swap3A_480, %swap3A_481], %swap3A_484 {strides = array<i32>} : memref<128x128xf32, #tpu.memory_space<vmem>>, vector<1x16xf32>,
      %get3A_485 = arith.constant 0 : i32
      %get3A_486 = arith.index_cast %get3A_485 : i32 to index
      %get3A_487 = arith.index_cast %scan3A_23 : i32 to index
      %get3A_488 = arith.constant 64 : index
      %get3A_489 = tpu.vector_load %arg8[%get3A_486, %get3A_487, %get3A_488] {strides = array<i32>} : memref<16x8x128xf32, #tpu.memory_space<vmem>>, vector<1x1x16xf32>,
      %get3A_490 = vector.shape_cast %get3A_489 : vector<1x1x16xf32> to vector<16xf32>
      %get3A_491 = arith.constant 1 : i32
      %get3A_492 = arith.index_cast %get3A_491 : i32 to index
      %get3A_493 = arith.index_cast %scan3A_23 : i32 to index
      %get3A_494 = arith.constant 64 : index
      %get3A_495 = tpu.vector_load %arg8[%get3A_492, %get3A_493, %get3A_494] {strides = array<i32>} : memref<16x8x128xf32, #tpu.memory_space<vmem>>, vector<1x1x16xf32>,
      %get3A_496 = vector.shape_cast %get3A_495 : vector<1x1x16xf32> to vector<16xf32>
      %max3A_497 = arith.maximumf %get3A_490, %get3A_496 : vector<16xf32>
      %get3A_498 = arith.constant 2 : i32
      %get3A_499 = arith.index_cast %get3A_498 : i32 to index
      %get3A_500 = arith.index_cast %scan3A_23 : i32 to index
      %get3A_501 = arith.constant 64 : index
      %get3A_502 = tpu.vector_load %arg8[%get3A_499, %get3A_500, %get3A_501] {strides = array<i32>} : memref<16x8x128xf32, #tpu.memory_space<vmem>>, vector<1x1x16xf32>,
      %get3A_503 = vector.shape_cast %get3A_502 : vector<1x1x16xf32> to vector<16xf32>
      %max3A_504 = arith.maximumf %max3A_497, %get3A_503 : vector<16xf32>
      %get3A_505 = arith.constant 3 : i32
      %get3A_506 = arith.index_cast %get3A_505 : i32 to index
      %get3A_507 = arith.index_cast %scan3A_23 : i32 to index
      %get3A_508 = arith.constant 64 : index
      %get3A_509 = tpu.vector_load %arg8[%get3A_506, %get3A_507, %get3A_508] {strides = array<i32>} : memref<16x8x128xf32, #tpu.memory_space<vmem>>, vector<1x1x16xf32>,
      %get3A_510 = vector.shape_cast %get3A_509 : vector<1x1x16xf32> to vector<16xf32>
      %max3A_511 = arith.maximumf %max3A_504, %get3A_510 : vector<16xf32>
      %get3A_512 = arith.constant 4 : i32
      %get3A_513 = arith.index_cast %get3A_512 : i32 to index
      %get3A_514 = arith.index_cast %scan3A_23 : i32 to index
      %get3A_515 = arith.constant 64 : index
      %get3A_516 = tpu.vector_load %arg8[%get3A_513, %get3A_514, %get3A_515] {strides = array<i32>} : memref<16x8x128xf32, #tpu.memory_space<vmem>>, vector<1x1x16xf32>,
      %get3A_517 = vector.shape_cast %get3A_516 : vector<1x1x16xf32> to vector<16xf32>
      %max3A_518 = arith.maximumf %max3A_511, %get3A_517 : vector<16xf32>
      %get3A_519 = arith.constant 5 : i32
      %get3A_520 = arith.index_cast %get3A_519 : i32 to index
      %get3A_521 = arith.index_cast %scan3A_23 : i32 to index
      %get3A_522 = arith.constant 64 : index
      %get3A_523 = tpu.vector_load %arg8[%get3A_520, %get3A_521, %get3A_522] {strides = array<i32>} : memref<16x8x128xf32, #tpu.memory_space<vmem>>, vector<1x1x16xf32>,
      %get3A_524 = vector.shape_cast %get3A_523 : vector<1x1x16xf32> to vector<16xf32>
      %max3A_525 = arith.maximumf %max3A_518, %get3A_524 : vector<16xf32>
      %get3A_526 = arith.constant 6 : i32
      %get3A_527 = arith.index_cast %get3A_526 : i32 to index
      %get3A_528 = arith.index_cast %scan3A_23 : i32 to index
      %get3A_529 = arith.constant 64 : index
      %get3A_530 = tpu.vector_load %arg8[%get3A_527, %get3A_528, %get3A_529] {strides = array<i32>} : memref<16x8x128xf32, #tpu.memory_space<vmem>>, vector<1x1x16xf32>,
      %get3A_531 = vector.shape_cast %get3A_530 : vector<1x1x16xf32> to vector<16xf32>
      %max3A_532 = arith.maximumf %max3A_525, %get3A_531 : vector<16xf32>
      %get3A_533 = arith.constant 7 : i32
      %get3A_534 = arith.index_cast %get3A_533 : i32 to index
      %get3A_535 = arith.index_cast %scan3A_23 : i32 to index
      %get3A_536 = arith.constant 64 : index
      %get3A_537 = tpu.vector_load %arg8[%get3A_534, %get3A_535, %get3A_536] {strides = array<i32>} : memref<16x8x128xf32, #tpu.memory_space<vmem>>, vector<1x1x16xf32>,
      %get3A_538 = vector.shape_cast %get3A_537 : vector<1x1x16xf32> to vector<16xf32>
      %max3A_539 = arith.maximumf %max3A_532, %get3A_538 : vector<16xf32>
      %get3A_540 = arith.constant 8 : i32
      %get3A_541 = arith.index_cast %get3A_540 : i32 to index
      %get3A_542 = arith.index_cast %scan3A_23 : i32 to index
      %get3A_543 = arith.constant 64 : index
      %get3A_544 = tpu.vector_load %arg8[%get3A_541, %get3A_542, %get3A_543] {strides = array<i32>} : memref<16x8x128xf32, #tpu.memory_space<vmem>>, vector<1x1x16xf32>,
      %get3A_545 = vector.shape_cast %get3A_544 : vector<1x1x16xf32> to vector<16xf32>
      %max3A_546 = arith.maximumf %max3A_539, %get3A_545 : vector<16xf32>
      %get3A_547 = arith.constant 9 : i32
      %get3A_548 = arith.index_cast %get3A_547 : i32 to index
      %get3A_549 = arith.index_cast %scan3A_23 : i32 to index
      %get3A_550 = arith.constant 64 : index
      %get3A_551 = tpu.vector_load %arg8[%get3A_548, %get3A_549, %get3A_550] {strides = array<i32>} : memref<16x8x128xf32, #tpu.memory_space<vmem>>, vector<1x1x16xf32>,
      %get3A_552 = vector.shape_cast %get3A_551 : vector<1x1x16xf32> to vector<16xf32>
      %max3A_553 = arith.maximumf %max3A_546, %get3A_552 : vector<16xf32>
      %get3A_554 = arith.constant 10 : i32
      %get3A_555 = arith.index_cast %get3A_554 : i32 to index
      %get3A_556 = arith.index_cast %scan3A_23 : i32 to index
      %get3A_557 = arith.constant 64 : index
      %get3A_558 = tpu.vector_load %arg8[%get3A_555, %get3A_556, %get3A_557] {strides = array<i32>} : memref<16x8x128xf32, #tpu.memory_space<vmem>>, vector<1x1x16xf32>,
      %get3A_559 = vector.shape_cast %get3A_558 : vector<1x1x16xf32> to vector<16xf32>
      %max3A_560 = arith.maximumf %max3A_553, %get3A_559 : vector<16xf32>
      %get3A_561 = arith.constant 11 : i32
      %get3A_562 = arith.index_cast %get3A_561 : i32 to index
      %get3A_563 = arith.index_cast %scan3A_23 : i32 to index
      %get3A_564 = arith.constant 64 : index
      %get3A_565 = tpu.vector_load %arg8[%get3A_562, %get3A_563, %get3A_564] {strides = array<i32>} : memref<16x8x128xf32, #tpu.memory_space<vmem>>, vector<1x1x16xf32>,
      %get3A_566 = vector.shape_cast %get3A_565 : vector<1x1x16xf32> to vector<16xf32>
      %max3A_567 = arith.maximumf %max3A_560, %get3A_566 : vector<16xf32>
      %get3A_568 = arith.constant 12 : i32
      %get3A_569 = arith.index_cast %get3A_568 : i32 to index
      %get3A_570 = arith.index_cast %scan3A_23 : i32 to index
      %get3A_571 = arith.constant 64 : index
      %get3A_572 = tpu.vector_load %arg8[%get3A_569, %get3A_570, %get3A_571] {strides = array<i32>} : memref<16x8x128xf32, #tpu.memory_space<vmem>>, vector<1x1x16xf32>,
      %get3A_573 = vector.shape_cast %get3A_572 : vector<1x1x16xf32> to vector<16xf32>
      %max3A_574 = arith.maximumf %max3A_567, %get3A_573 : vector<16xf32>
      %get3A_575 = arith.constant 13 : i32
      %get3A_576 = arith.index_cast %get3A_575 : i32 to index
      %get3A_577 = arith.index_cast %scan3A_23 : i32 to index
      %get3A_578 = arith.constant 64 : index
      %get3A_579 = tpu.vector_load %arg8[%get3A_576, %get3A_577, %get3A_578] {strides = array<i32>} : memref<16x8x128xf32, #tpu.memory_space<vmem>>, vector<1x1x16xf32>,
      %get3A_580 = vector.shape_cast %get3A_579 : vector<1x1x16xf32> to vector<16xf32>
      %max3A_581 = arith.maximumf %max3A_574, %get3A_580 : vector<16xf32>
      %get3A_582 = arith.constant 14 : i32
      %get3A_583 = arith.index_cast %get3A_582 : i32 to index
      %get3A_584 = arith.index_cast %scan3A_23 : i32 to index
      %get3A_585 = arith.constant 64 : index
      %get3A_586 = tpu.vector_load %arg8[%get3A_583, %get3A_584, %get3A_585] {strides = array<i32>} : memref<16x8x128xf32, #tpu.memory_space<vmem>>, vector<1x1x16xf32>,
      %get3A_587 = vector.shape_cast %get3A_586 : vector<1x1x16xf32> to vector<16xf32>
      %max3A_588 = arith.maximumf %max3A_581, %get3A_587 : vector<16xf32>
      %get3A_589 = arith.constant 15 : i32
      %get3A_590 = arith.index_cast %get3A_589 : i32 to index
      %get3A_591 = arith.index_cast %scan3A_23 : i32 to index
      %get3A_592 = arith.constant 64 : index
      %get3A_593 = tpu.vector_load %arg8[%get3A_590, %get3A_591, %get3A_592] {strides = array<i32>} : memref<16x8x128xf32, #tpu.memory_space<vmem>>, vector<1x1x16xf32>,
      %get3A_594 = vector.shape_cast %get3A_593 : vector<1x1x16xf32> to vector<16xf32>
      %max3A_595 = arith.maximumf %max3A_588, %get3A_594 : vector<16xf32>
      %swap3A_596 = arith.index_cast %scan3A_23 : i32 to index
      %swap3A_597 = arith.constant 64 : index
      %swap3A_598 = tpu.vector_load %arg7[%swap3A_596, %swap3A_597] {strides = array<i32>} : memref<128x128xf32, #tpu.memory_space<vmem>>, vector<1x16xf32>,
      %swap3A_599 = vector.shape_cast %swap3A_598 : vector<1x16xf32> to vector<16xf32>
      %swap3A_600 = vector.shape_cast %max3A_595 : vector<16xf32> to vector<1x16xf32>
      tpu.vector_store %arg7[%swap3A_596, %swap3A_597], %swap3A_600 {strides = array<i32>} : memref<128x128xf32, #tpu.memory_space<vmem>>, vector<1x16xf32>,
      %get3A_601 = arith.constant 0 : i32
      %get3A_602 = arith.index_cast %get3A_601 : i32 to index
      %get3A_603 = arith.index_cast %scan3A_23 : i32 to index
      %get3A_604 = arith.constant 80 : index
      %get3A_605 = tpu.vector_load %arg8[%get3A_602, %get3A_603, %get3A_604] {strides = array<i32>} : memref<16x8x128xf32, #tpu.memory_space<vmem>>, vector<1x1x16xf32>,
      %get3A_606 = vector.shape_cast %get3A_605 : vector<1x1x16xf32> to vector<16xf32>
      %get3A_607 = arith.constant 1 : i32
      %get3A_608 = arith.index_cast %get3A_607 : i32 to index
      %get3A_609 = arith.index_cast %scan3A_23 : i32 to index
      %get3A_610 = arith.constant 80 : index
      %get3A_611 = tpu.vector_load %arg8[%get3A_608, %get3A_609, %get3A_610] {strides = array<i32>} : memref<16x8x128xf32, #tpu.memory_space<vmem>>, vector<1x1x16xf32>,
      %get3A_612 = vector.shape_cast %get3A_611 : vector<1x1x16xf32> to vector<16xf32>
      %max3A_613 = arith.maximumf %get3A_606, %get3A_612 : vector<16xf32>
      %get3A_614 = arith.constant 2 : i32
      %get3A_615 = arith.index_cast %get3A_614 : i32 to index
      %get3A_616 = arith.index_cast %scan3A_23 : i32 to index
      %get3A_617 = arith.constant 80 : index
      %get3A_618 = tpu.vector_load %arg8[%get3A_615, %get3A_616, %get3A_617] {strides = array<i32>} : memref<16x8x128xf32, #tpu.memory_space<vmem>>, vector<1x1x16xf32>,
      %get3A_619 = vector.shape_cast %get3A_618 : vector<1x1x16xf32> to vector<16xf32>
      %max3A_620 = arith.maximumf %max3A_613, %get3A_619 : vector<16xf32>
      %get3A_621 = arith.constant 3 : i32
      %get3A_622 = arith.index_cast %get3A_621 : i32 to index
      %get3A_623 = arith.index_cast %scan3A_23 : i32 to index
      %get3A_624 = arith.constant 80 : index
      %get3A_625 = tpu.vector_load %arg8[%get3A_622, %get3A_623, %get3A_624] {strides = array<i32>} : memref<16x8x128xf32, #tpu.memory_space<vmem>>, vector<1x1x16xf32>,
      %get3A_626 = vector.shape_cast %get3A_625 : vector<1x1x16xf32> to vector<16xf32>
      %max3A_627 = arith.maximumf %max3A_620, %get3A_626 : vector<16xf32>
      %get3A_628 = arith.constant 4 : i32
      %get3A_629 = arith.index_cast %get3A_628 : i32 to index
      %get3A_630 = arith.index_cast %scan3A_23 : i32 to index
      %get3A_631 = arith.constant 80 : index
      %get3A_632 = tpu.vector_load %arg8[%get3A_629, %get3A_630, %get3A_631] {strides = array<i32>} : memref<16x8x128xf32, #tpu.memory_space<vmem>>, vector<1x1x16xf32>,
      %get3A_633 = vector.shape_cast %get3A_632 : vector<1x1x16xf32> to vector<16xf32>
      %max3A_634 = arith.maximumf %max3A_627, %get3A_633 : vector<16xf32>
      %get3A_635 = arith.constant 5 : i32
      %get3A_636 = arith.index_cast %get3A_635 : i32 to index
      %get3A_637 = arith.index_cast %scan3A_23 : i32 to index
      %get3A_638 = arith.constant 80 : index
      %get3A_639 = tpu.vector_load %arg8[%get3A_636, %get3A_637, %get3A_638] {strides = array<i32>} : memref<16x8x128xf32, #tpu.memory_space<vmem>>, vector<1x1x16xf32>,
      %get3A_640 = vector.shape_cast %get3A_639 : vector<1x1x16xf32> to vector<16xf32>
      %max3A_641 = arith.maximumf %max3A_634, %get3A_640 : vector<16xf32>
      %get3A_642 = arith.constant 6 : i32
      %get3A_643 = arith.index_cast %get3A_642 : i32 to index
      %get3A_644 = arith.index_cast %scan3A_23 : i32 to index
      %get3A_645 = arith.constant 80 : index
      %get3A_646 = tpu.vector_load %arg8[%get3A_643, %get3A_644, %get3A_645] {strides = array<i32>} : memref<16x8x128xf32, #tpu.memory_space<vmem>>, vector<1x1x16xf32>,
      %get3A_647 = vector.shape_cast %get3A_646 : vector<1x1x16xf32> to vector<16xf32>
      %max3A_648 = arith.maximumf %max3A_641, %get3A_647 : vector<16xf32>
      %get3A_649 = arith.constant 7 : i32
      %get3A_650 = arith.index_cast %get3A_649 : i32 to index
      %get3A_651 = arith.index_cast %scan3A_23 : i32 to index
      %get3A_652 = arith.constant 80 : index
      %get3A_653 = tpu.vector_load %arg8[%get3A_650, %get3A_651, %get3A_652] {strides = array<i32>} : memref<16x8x128xf32, #tpu.memory_space<vmem>>, vector<1x1x16xf32>,
      %get3A_654 = vector.shape_cast %get3A_653 : vector<1x1x16xf32> to vector<16xf32>
      %max3A_655 = arith.maximumf %max3A_648, %get3A_654 : vector<16xf32>
      %get3A_656 = arith.constant 8 : i32
      %get3A_657 = arith.index_cast %get3A_656 : i32 to index
      %get3A_658 = arith.index_cast %scan3A_23 : i32 to index
      %get3A_659 = arith.constant 80 : index
      %get3A_660 = tpu.vector_load %arg8[%get3A_657, %get3A_658, %get3A_659] {strides = array<i32>} : memref<16x8x128xf32, #tpu.memory_space<vmem>>, vector<1x1x16xf32>,
      %get3A_661 = vector.shape_cast %get3A_660 : vector<1x1x16xf32> to vector<16xf32>
      %max3A_662 = arith.maximumf %max3A_655, %get3A_661 : vector<16xf32>
      %get3A_663 = arith.constant 9 : i32
      %get3A_664 = arith.index_cast %get3A_663 : i32 to index
      %get3A_665 = arith.index_cast %scan3A_23 : i32 to index
      %get3A_666 = arith.constant 80 : index
      %get3A_667 = tpu.vector_load %arg8[%get3A_664, %get3A_665, %get3A_666] {strides = array<i32>} : memref<16x8x128xf32, #tpu.memory_space<vmem>>, vector<1x1x16xf32>,
      %get3A_668 = vector.shape_cast %get3A_667 : vector<1x1x16xf32> to vector<16xf32>
      %max3A_669 = arith.maximumf %max3A_662, %get3A_668 : vector<16xf32>
      %get3A_670 = arith.constant 10 : i32
      %get3A_671 = arith.index_cast %get3A_670 : i32 to index
      %get3A_672 = arith.index_cast %scan3A_23 : i32 to index
      %get3A_673 = arith.constant 80 : index
      %get3A_674 = tpu.vector_load %arg8[%get3A_671, %get3A_672, %get3A_673] {strides = array<i32>} : memref<16x8x128xf32, #tpu.memory_space<vmem>>, vector<1x1x16xf32>,
      %get3A_675 = vector.shape_cast %get3A_674 : vector<1x1x16xf32> to vector<16xf32>
      %max3A_676 = arith.maximumf %max3A_669, %get3A_675 : vector<16xf32>
      %get3A_677 = arith.constant 11 : i32
      %get3A_678 = arith.index_cast %get3A_677 : i32 to index
      %get3A_679 = arith.index_cast %scan3A_23 : i32 to index
      %get3A_680 = arith.constant 80 : index
      %get3A_681 = tpu.vector_load %arg8[%get3A_678, %get3A_679, %get3A_680] {strides = array<i32>} : memref<16x8x128xf32, #tpu.memory_space<vmem>>, vector<1x1x16xf32>,
      %get3A_682 = vector.shape_cast %get3A_681 : vector<1x1x16xf32> to vector<16xf32>
      %max3A_683 = arith.maximumf %max3A_676, %get3A_682 : vector<16xf32>
      %get3A_684 = arith.constant 12 : i32
      %get3A_685 = arith.index_cast %get3A_684 : i32 to index
      %get3A_686 = arith.index_cast %scan3A_23 : i32 to index
      %get3A_687 = arith.constant 80 : index
      %get3A_688 = tpu.vector_load %arg8[%get3A_685, %get3A_686, %get3A_687] {strides = array<i32>} : memref<16x8x128xf32, #tpu.memory_space<vmem>>, vector<1x1x16xf32>,
      %get3A_689 = vector.shape_cast %get3A_688 : vector<1x1x16xf32> to vector<16xf32>
      %max3A_690 = arith.maximumf %max3A_683, %get3A_689 : vector<16xf32>
      %get3A_691 = arith.constant 13 : i32
      %get3A_692 = arith.index_cast %get3A_691 : i32 to index
      %get3A_693 = arith.index_cast %scan3A_23 : i32 to index
      %get3A_694 = arith.constant 80 : index
      %get3A_695 = tpu.vector_load %arg8[%get3A_692, %get3A_693, %get3A_694] {strides = array<i32>} : memref<16x8x128xf32, #tpu.memory_space<vmem>>, vector<1x1x16xf32>,
      %get3A_696 = vector.shape_cast %get3A_695 : vector<1x1x16xf32> to vector<16xf32>
      %max3A_697 = arith.maximumf %max3A_690, %get3A_696 : vector<16xf32>
      %get3A_698 = arith.constant 14 : i32
      %get3A_699 = arith.index_cast %get3A_698 : i32 to index
      %get3A_700 = arith.index_cast %scan3A_23 : i32 to index
      %get3A_701 = arith.constant 80 : index
      %get3A_702 = tpu.vector_load %arg8[%get3A_699, %get3A_700, %get3A_701] {strides = array<i32>} : memref<16x8x128xf32, #tpu.memory_space<vmem>>, vector<1x1x16xf32>,
      %get3A_703 = vector.shape_cast %get3A_702 : vector<1x1x16xf32> to vector<16xf32>
      %max3A_704 = arith.maximumf %max3A_697, %get3A_703 : vector<16xf32>
      %get3A_705 = arith.constant 15 : i32
      %get3A_706 = arith.index_cast %get3A_705 : i32 to index
      %get3A_707 = arith.index_cast %scan3A_23 : i32 to index
      %get3A_708 = arith.constant 80 : index
      %get3A_709 = tpu.vector_load %arg8[%get3A_706, %get3A_707, %get3A_708] {strides = array<i32>} : memref<16x8x128xf32, #tpu.memory_space<vmem>>, vector<1x1x16xf32>,
      %get3A_710 = vector.shape_cast %get3A_709 : vector<1x1x16xf32> to vector<16xf32>
      %max3A_711 = arith.maximumf %max3A_704, %get3A_710 : vector<16xf32>
      %swap3A_712 = arith.index_cast %scan3A_23 : i32 to index
      %swap3A_713 = arith.constant 80 : index
      %swap3A_714 = tpu.vector_load %arg7[%swap3A_712, %swap3A_713] {strides = array<i32>} : memref<128x128xf32, #tpu.memory_space<vmem>>, vector<1x16xf32>,
      %swap3A_715 = vector.shape_cast %swap3A_714 : vector<1x16xf32> to vector<16xf32>
      %swap3A_716 = vector.shape_cast %max3A_711 : vector<16xf32> to vector<1x16xf32>
      tpu.vector_store %arg7[%swap3A_712, %swap3A_713], %swap3A_716 {strides = array<i32>} : memref<128x128xf32, #tpu.memory_space<vmem>>, vector<1x16xf32>,
      %get3A_717 = arith.constant 0 : i32
      %get3A_718 = arith.index_cast %get3A_717 : i32 to index
      %get3A_719 = arith.index_cast %scan3A_23 : i32 to index
      %get3A_720 = arith.constant 96 : index
      %get3A_721 = tpu.vector_load %arg8[%get3A_718, %get3A_719, %get3A_720] {strides = array<i32>} : memref<16x8x128xf32, #tpu.memory_space<vmem>>, vector<1x1x16xf32>,
      %get3A_722 = vector.shape_cast %get3A_721 : vector<1x1x16xf32> to vector<16xf32>
      %get3A_723 = arith.constant 1 : i32
      %get3A_724 = arith.index_cast %get3A_723 : i32 to index
      %get3A_725 = arith.index_cast %scan3A_23 : i32 to index
      %get3A_726 = arith.constant 96 : index
      %get3A_727 = tpu.vector_load %arg8[%get3A_724, %get3A_725, %get3A_726] {strides = array<i32>} : memref<16x8x128xf32, #tpu.memory_space<vmem>>, vector<1x1x16xf32>,
      %get3A_728 = vector.shape_cast %get3A_727 : vector<1x1x16xf32> to vector<16xf32>
      %max3A_729 = arith.maximumf %get3A_722, %get3A_728 : vector<16xf32>
      %get3A_730 = arith.constant 2 : i32
      %get3A_731 = arith.index_cast %get3A_730 : i32 to index
      %get3A_732 = arith.index_cast %scan3A_23 : i32 to index
      %get3A_733 = arith.constant 96 : index
      %get3A_734 = tpu.vector_load %arg8[%get3A_731, %get3A_732, %get3A_733] {strides = array<i32>} : memref<16x8x128xf32, #tpu.memory_space<vmem>>, vector<1x1x16xf32>,
      %get3A_735 = vector.shape_cast %get3A_734 : vector<1x1x16xf32> to vector<16xf32>
      %max3A_736 = arith.maximumf %max3A_729, %get3A_735 : vector<16xf32>
      %get3A_737 = arith.constant 3 : i32
      %get3A_738 = arith.index_cast %get3A_737 : i32 to index
      %get3A_739 = arith.index_cast %scan3A_23 : i32 to index
      %get3A_740 = arith.constant 96 : index
      %get3A_741 = tpu.vector_load %arg8[%get3A_738, %get3A_739, %get3A_740] {strides = array<i32>} : memref<16x8x128xf32, #tpu.memory_space<vmem>>, vector<1x1x16xf32>,
      %get3A_742 = vector.shape_cast %get3A_741 : vector<1x1x16xf32> to vector<16xf32>
      %max3A_743 = arith.maximumf %max3A_736, %get3A_742 : vector<16xf32>
      %get3A_744 = arith.constant 4 : i32
      %get3A_745 = arith.index_cast %get3A_744 : i32 to index
      %get3A_746 = arith.index_cast %scan3A_23 : i32 to index
      %get3A_747 = arith.constant 96 : index
      %get3A_748 = tpu.vector_load %arg8[%get3A_745, %get3A_746, %get3A_747] {strides = array<i32>} : memref<16x8x128xf32, #tpu.memory_space<vmem>>, vector<1x1x16xf32>,
      %get3A_749 = vector.shape_cast %get3A_748 : vector<1x1x16xf32> to vector<16xf32>
      %max3A_750 = arith.maximumf %max3A_743, %get3A_749 : vector<16xf32>
      %get3A_751 = arith.constant 5 : i32
      %get3A_752 = arith.index_cast %get3A_751 : i32 to index
      %get3A_753 = arith.index_cast %scan3A_23 : i32 to index
      %get3A_754 = arith.constant 96 : index
      %get3A_755 = tpu.vector_load %arg8[%get3A_752, %get3A_753, %get3A_754] {strides = array<i32>} : memref<16x8x128xf32, #tpu.memory_space<vmem>>, vector<1x1x16xf32>,
      %get3A_756 = vector.shape_cast %get3A_755 : vector<1x1x16xf32> to vector<16xf32>
      %max3A_757 = arith.maximumf %max3A_750, %get3A_756 : vector<16xf32>
      %get3A_758 = arith.constant 6 : i32
      %get3A_759 = arith.index_cast %get3A_758 : i32 to index
      %get3A_760 = arith.index_cast %scan3A_23 : i32 to index
      %get3A_761 = arith.constant 96 : index
      %get3A_762 = tpu.vector_load %arg8[%get3A_759, %get3A_760, %get3A_761] {strides = array<i32>} : memref<16x8x128xf32, #tpu.memory_space<vmem>>, vector<1x1x16xf32>,
      %get3A_763 = vector.shape_cast %get3A_762 : vector<1x1x16xf32> to vector<16xf32>
      %max3A_764 = arith.maximumf %max3A_757, %get3A_763 : vector<16xf32>
      %get3A_765 = arith.constant 7 : i32
      %get3A_766 = arith.index_cast %get3A_765 : i32 to index
      %get3A_767 = arith.index_cast %scan3A_23 : i32 to index
      %get3A_768 = arith.constant 96 : index
      %get3A_769 = tpu.vector_load %arg8[%get3A_766, %get3A_767, %get3A_768] {strides = array<i32>} : memref<16x8x128xf32, #tpu.memory_space<vmem>>, vector<1x1x16xf32>,
      %get3A_770 = vector.shape_cast %get3A_769 : vector<1x1x16xf32> to vector<16xf32>
      %max3A_771 = arith.maximumf %max3A_764, %get3A_770 : vector<16xf32>
      %get3A_772 = arith.constant 8 : i32
      %get3A_773 = arith.index_cast %get3A_772 : i32 to index
      %get3A_774 = arith.index_cast %scan3A_23 : i32 to index
      %get3A_775 = arith.constant 96 : index
      %get3A_776 = tpu.vector_load %arg8[%get3A_773, %get3A_774, %get3A_775] {strides = array<i32>} : memref<16x8x128xf32, #tpu.memory_space<vmem>>, vector<1x1x16xf32>,
      %get3A_777 = vector.shape_cast %get3A_776 : vector<1x1x16xf32> to vector<16xf32>
      %max3A_778 = arith.maximumf %max3A_771, %get3A_777 : vector<16xf32>
      %get3A_779 = arith.constant 9 : i32
      %get3A_780 = arith.index_cast %get3A_779 : i32 to index
      %get3A_781 = arith.index_cast %scan3A_23 : i32 to index
      %get3A_782 = arith.constant 96 : index
      %get3A_783 = tpu.vector_load %arg8[%get3A_780, %get3A_781, %get3A_782] {strides = array<i32>} : memref<16x8x128xf32, #tpu.memory_space<vmem>>, vector<1x1x16xf32>,
      %get3A_784 = vector.shape_cast %get3A_783 : vector<1x1x16xf32> to vector<16xf32>
      %max3A_785 = arith.maximumf %max3A_778, %get3A_784 : vector<16xf32>
      %get3A_786 = arith.constant 10 : i32
      %get3A_787 = arith.index_cast %get3A_786 : i32 to index
      %get3A_788 = arith.index_cast %scan3A_23 : i32 to index
      %get3A_789 = arith.constant 96 : index
      %get3A_790 = tpu.vector_load %arg8[%get3A_787, %get3A_788, %get3A_789] {strides = array<i32>} : memref<16x8x128xf32, #tpu.memory_space<vmem>>, vector<1x1x16xf32>,
      %get3A_791 = vector.shape_cast %get3A_790 : vector<1x1x16xf32> to vector<16xf32>
      %max3A_792 = arith.maximumf %max3A_785, %get3A_791 : vector<16xf32>
      %get3A_793 = arith.constant 11 : i32
      %get3A_794 = arith.index_cast %get3A_793 : i32 to index
      %get3A_795 = arith.index_cast %scan3A_23 : i32 to index
      %get3A_796 = arith.constant 96 : index
      %get3A_797 = tpu.vector_load %arg8[%get3A_794, %get3A_795, %get3A_796] {strides = array<i32>} : memref<16x8x128xf32, #tpu.memory_space<vmem>>, vector<1x1x16xf32>,
      %get3A_798 = vector.shape_cast %get3A_797 : vector<1x1x16xf32> to vector<16xf32>
      %max3A_799 = arith.maximumf %max3A_792, %get3A_798 : vector<16xf32>
      %get3A_800 = arith.constant 12 : i32
      %get3A_801 = arith.index_cast %get3A_800 : i32 to index
      %get3A_802 = arith.index_cast %scan3A_23 : i32 to index
      %get3A_803 = arith.constant 96 : index
      %get3A_804 = tpu.vector_load %arg8[%get3A_801, %get3A_802, %get3A_803] {strides = array<i32>} : memref<16x8x128xf32, #tpu.memory_space<vmem>>, vector<1x1x16xf32>,
      %get3A_805 = vector.shape_cast %get3A_804 : vector<1x1x16xf32> to vector<16xf32>
      %max3A_806 = arith.maximumf %max3A_799, %get3A_805 : vector<16xf32>
      %get3A_807 = arith.constant 13 : i32
      %get3A_808 = arith.index_cast %get3A_807 : i32 to index
      %get3A_809 = arith.index_cast %scan3A_23 : i32 to index
      %get3A_810 = arith.constant 96 : index
      %get3A_811 = tpu.vector_load %arg8[%get3A_808, %get3A_809, %get3A_810] {strides = array<i32>} : memref<16x8x128xf32, #tpu.memory_space<vmem>>, vector<1x1x16xf32>,
      %get3A_812 = vector.shape_cast %get3A_811 : vector<1x1x16xf32> to vector<16xf32>
      %max3A_813 = arith.maximumf %max3A_806, %get3A_812 : vector<16xf32>
      %get3A_814 = arith.constant 14 : i32
      %get3A_815 = arith.index_cast %get3A_814 : i32 to index
      %get3A_816 = arith.index_cast %scan3A_23 : i32 to index
      %get3A_817 = arith.constant 96 : index
      %get3A_818 = tpu.vector_load %arg8[%get3A_815, %get3A_816, %get3A_817] {strides = array<i32>} : memref<16x8x128xf32, #tpu.memory_space<vmem>>, vector<1x1x16xf32>,
      %get3A_819 = vector.shape_cast %get3A_818 : vector<1x1x16xf32> to vector<16xf32>
      %max3A_820 = arith.maximumf %max3A_813, %get3A_819 : vector<16xf32>
      %get3A_821 = arith.constant 15 : i32
      %get3A_822 = arith.index_cast %get3A_821 : i32 to index
      %get3A_823 = arith.index_cast %scan3A_23 : i32 to index
      %get3A_824 = arith.constant 96 : index
      %get3A_825 = tpu.vector_load %arg8[%get3A_822, %get3A_823, %get3A_824] {strides = array<i32>} : memref<16x8x128xf32, #tpu.memory_space<vmem>>, vector<1x1x16xf32>,
      %get3A_826 = vector.shape_cast %get3A_825 : vector<1x1x16xf32> to vector<16xf32>
      %max3A_827 = arith.maximumf %max3A_820, %get3A_826 : vector<16xf32>
      %swap3A_828 = arith.index_cast %scan3A_23 : i32 to index
      %swap3A_829 = arith.constant 96 : index
      %swap3A_830 = tpu.vector_load %arg7[%swap3A_828, %swap3A_829] {strides = array<i32>} : memref<128x128xf32, #tpu.memory_space<vmem>>, vector<1x16xf32>,
      %swap3A_831 = vector.shape_cast %swap3A_830 : vector<1x16xf32> to vector<16xf32>
      %swap3A_832 = vector.shape_cast %max3A_827 : vector<16xf32> to vector<1x16xf32>
      tpu.vector_store %arg7[%swap3A_828, %swap3A_829], %swap3A_832 {strides = array<i32>} : memref<128x128xf32, #tpu.memory_space<vmem>>, vector<1x16xf32>,
      %get3A_833 = arith.constant 0 : i32
      %get3A_834 = arith.index_cast %get3A_833 : i32 to index
      %get3A_835 = arith.index_cast %scan3A_23 : i32 to index
      %get3A_836 = arith.constant 112 : index
      %get3A_837 = tpu.vector_load %arg8[%get3A_834, %get3A_835, %get3A_836] {strides = array<i32>} : memref<16x8x128xf32, #tpu.memory_space<vmem>>, vector<1x1x16xf32>,
      %get3A_838 = vector.shape_cast %get3A_837 : vector<1x1x16xf32> to vector<16xf32>
      %get3A_839 = arith.constant 1 : i32
      %get3A_840 = arith.index_cast %get3A_839 : i32 to index
      %get3A_841 = arith.index_cast %scan3A_23 : i32 to index
      %get3A_842 = arith.constant 112 : index
      %get3A_843 = tpu.vector_load %arg8[%get3A_840, %get3A_841, %get3A_842] {strides = array<i32>} : memref<16x8x128xf32, #tpu.memory_space<vmem>>, vector<1x1x16xf32>,
      %get3A_844 = vector.shape_cast %get3A_843 : vector<1x1x16xf32> to vector<16xf32>
      %max3A_845 = arith.maximumf %get3A_838, %get3A_844 : vector<16xf32>
      %get3A_846 = arith.constant 2 : i32
      %get3A_847 = arith.index_cast %get3A_846 : i32 to index
      %get3A_848 = arith.index_cast %scan3A_23 : i32 to index
      %get3A_849 = arith.constant 112 : index
      %get3A_850 = tpu.vector_load %arg8[%get3A_847, %get3A_848, %get3A_849] {strides = array<i32>} : memref<16x8x128xf32, #tpu.memory_space<vmem>>, vector<1x1x16xf32>,
      %get3A_851 = vector.shape_cast %get3A_850 : vector<1x1x16xf32> to vector<16xf32>
      %max3A_852 = arith.maximumf %max3A_845, %get3A_851 : vector<16xf32>
      %get3A_853 = arith.constant 3 : i32
      %get3A_854 = arith.index_cast %get3A_853 : i32 to index
      %get3A_855 = arith.index_cast %scan3A_23 : i32 to index
      %get3A_856 = arith.constant 112 : index
      %get3A_857 = tpu.vector_load %arg8[%get3A_854, %get3A_855, %get3A_856] {strides = array<i32>} : memref<16x8x128xf32, #tpu.memory_space<vmem>>, vector<1x1x16xf32>,
      %get3A_858 = vector.shape_cast %get3A_857 : vector<1x1x16xf32> to vector<16xf32>
      %max3A_859 = arith.maximumf %max3A_852, %get3A_858 : vector<16xf32>
      %get3A_860 = arith.constant 4 : i32
      %get3A_861 = arith.index_cast %get3A_860 : i32 to index
      %get3A_862 = arith.index_cast %scan3A_23 : i32 to index
      %get3A_863 = arith.constant 112 : index
      %get3A_864 = tpu.vector_load %arg8[%get3A_861, %get3A_862, %get3A_863] {strides = array<i32>} : memref<16x8x128xf32, #tpu.memory_space<vmem>>, vector<1x1x16xf32>,
      %get3A_865 = vector.shape_cast %get3A_864 : vector<1x1x16xf32> to vector<16xf32>
      %max3A_866 = arith.maximumf %max3A_859, %get3A_865 : vector<16xf32>
      %get3A_867 = arith.constant 5 : i32
      %get3A_868 = arith.index_cast %get3A_867 : i32 to index
      %get3A_869 = arith.index_cast %scan3A_23 : i32 to index
      %get3A_870 = arith.constant 112 : index
      %get3A_871 = tpu.vector_load %arg8[%get3A_868, %get3A_869, %get3A_870] {strides = array<i32>} : memref<16x8x128xf32, #tpu.memory_space<vmem>>, vector<1x1x16xf32>,
      %get3A_872 = vector.shape_cast %get3A_871 : vector<1x1x16xf32> to vector<16xf32>
      %max3A_873 = arith.maximumf %max3A_866, %get3A_872 : vector<16xf32>
      %get3A_874 = arith.constant 6 : i32
      %get3A_875 = arith.index_cast %get3A_874 : i32 to index
      %get3A_876 = arith.index_cast %scan3A_23 : i32 to index
      %get3A_877 = arith.constant 112 : index
      %get3A_878 = tpu.vector_load %arg8[%get3A_875, %get3A_876, %get3A_877] {strides = array<i32>} : memref<16x8x128xf32, #tpu.memory_space<vmem>>, vector<1x1x16xf32>,
      %get3A_879 = vector.shape_cast %get3A_878 : vector<1x1x16xf32> to vector<16xf32>
      %max3A_880 = arith.maximumf %max3A_873, %get3A_879 : vector<16xf32>
      %get3A_881 = arith.constant 7 : i32
      %get3A_882 = arith.index_cast %get3A_881 : i32 to index
      %get3A_883 = arith.index_cast %scan3A_23 : i32 to index
      %get3A_884 = arith.constant 112 : index
      %get3A_885 = tpu.vector_load %arg8[%get3A_882, %get3A_883, %get3A_884] {strides = array<i32>} : memref<16x8x128xf32, #tpu.memory_space<vmem>>, vector<1x1x16xf32>,
      %get3A_886 = vector.shape_cast %get3A_885 : vector<1x1x16xf32> to vector<16xf32>
      %max3A_887 = arith.maximumf %max3A_880, %get3A_886 : vector<16xf32>
      %get3A_888 = arith.constant 8 : i32
      %get3A_889 = arith.index_cast %get3A_888 : i32 to index
      %get3A_890 = arith.index_cast %scan3A_23 : i32 to index
      %get3A_891 = arith.constant 112 : index
      %get3A_892 = tpu.vector_load %arg8[%get3A_889, %get3A_890, %get3A_891] {strides = array<i32>} : memref<16x8x128xf32, #tpu.memory_space<vmem>>, vector<1x1x16xf32>,
      %get3A_893 = vector.shape_cast %get3A_892 : vector<1x1x16xf32> to vector<16xf32>
      %max3A_894 = arith.maximumf %max3A_887, %get3A_893 : vector<16xf32>
      %get3A_895 = arith.constant 9 : i32
      %get3A_896 = arith.index_cast %get3A_895 : i32 to index
      %get3A_897 = arith.index_cast %scan3A_23 : i32 to index
      %get3A_898 = arith.constant 112 : index
      %get3A_899 = tpu.vector_load %arg8[%get3A_896, %get3A_897, %get3A_898] {strides = array<i32>} : memref<16x8x128xf32, #tpu.memory_space<vmem>>, vector<1x1x16xf32>,
      %get3A_900 = vector.shape_cast %get3A_899 : vector<1x1x16xf32> to vector<16xf32>
      %max3A_901 = arith.maximumf %max3A_894, %get3A_900 : vector<16xf32>
      %get3A_902 = arith.constant 10 : i32
      %get3A_903 = arith.index_cast %get3A_902 : i32 to index
      %get3A_904 = arith.index_cast %scan3A_23 : i32 to index
      %get3A_905 = arith.constant 112 : index
      %get3A_906 = tpu.vector_load %arg8[%get3A_903, %get3A_904, %get3A_905] {strides = array<i32>} : memref<16x8x128xf32, #tpu.memory_space<vmem>>, vector<1x1x16xf32>,
      %get3A_907 = vector.shape_cast %get3A_906 : vector<1x1x16xf32> to vector<16xf32>
      %max3A_908 = arith.maximumf %max3A_901, %get3A_907 : vector<16xf32>
      %get3A_909 = arith.constant 11 : i32
      %get3A_910 = arith.index_cast %get3A_909 : i32 to index
      %get3A_911 = arith.index_cast %scan3A_23 : i32 to index
      %get3A_912 = arith.constant 112 : index
      %get3A_913 = tpu.vector_load %arg8[%get3A_910, %get3A_911, %get3A_912] {strides = array<i32>} : memref<16x8x128xf32, #tpu.memory_space<vmem>>, vector<1x1x16xf32>,
      %get3A_914 = vector.shape_cast %get3A_913 : vector<1x1x16xf32> to vector<16xf32>
      %max3A_915 = arith.maximumf %max3A_908, %get3A_914 : vector<16xf32>
      %get3A_916 = arith.constant 12 : i32
      %get3A_917 = arith.index_cast %get3A_916 : i32 to index
      %get3A_918 = arith.index_cast %scan3A_23 : i32 to index
      %get3A_919 = arith.constant 112 : index
      %get3A_920 = tpu.vector_load %arg8[%get3A_917, %get3A_918, %get3A_919] {strides = array<i32>} : memref<16x8x128xf32, #tpu.memory_space<vmem>>, vector<1x1x16xf32>,
      %get3A_921 = vector.shape_cast %get3A_920 : vector<1x1x16xf32> to vector<16xf32>
      %max3A_922 = arith.maximumf %max3A_915, %get3A_921 : vector<16xf32>
      %get3A_923 = arith.constant 13 : i32
      %get3A_924 = arith.index_cast %get3A_923 : i32 to index
      %get3A_925 = arith.index_cast %scan3A_23 : i32 to index
      %get3A_926 = arith.constant 112 : index
      %get3A_927 = tpu.vector_load %arg8[%get3A_924, %get3A_925, %get3A_926] {strides = array<i32>} : memref<16x8x128xf32, #tpu.memory_space<vmem>>, vector<1x1x16xf32>,
      %get3A_928 = vector.shape_cast %get3A_927 : vector<1x1x16xf32> to vector<16xf32>
      %max3A_929 = arith.maximumf %max3A_922, %get3A_928 : vector<16xf32>
      %get3A_930 = arith.constant 14 : i32
      %get3A_931 = arith.index_cast %get3A_930 : i32 to index
      %get3A_932 = arith.index_cast %scan3A_23 : i32 to index
      %get3A_933 = arith.constant 112 : index
      %get3A_934 = tpu.vector_load %arg8[%get3A_931, %get3A_932, %get3A_933] {strides = array<i32>} : memref<16x8x128xf32, #tpu.memory_space<vmem>>, vector<1x1x16xf32>,
      %get3A_935 = vector.shape_cast %get3A_934 : vector<1x1x16xf32> to vector<16xf32>
      %max3A_936 = arith.maximumf %max3A_929, %get3A_935 : vector<16xf32>
      %get3A_937 = arith.constant 15 : i32
      %get3A_938 = arith.index_cast %get3A_937 : i32 to index
      %get3A_939 = arith.index_cast %scan3A_23 : i32 to index
      %get3A_940 = arith.constant 112 : index
      %get3A_941 = tpu.vector_load %arg8[%get3A_938, %get3A_939, %get3A_940] {strides = array<i32>} : memref<16x8x128xf32, #tpu.memory_space<vmem>>, vector<1x1x16xf32>,
      %get3A_942 = vector.shape_cast %get3A_941 : vector<1x1x16xf32> to vector<16xf32>
      %max3A_943 = arith.maximumf %max3A_936, %get3A_942 : vector<16xf32>
      %swap3A_944 = arith.index_cast %scan3A_23 : i32 to index
      %swap3A_945 = arith.constant 112 : index
      %swap3A_946 = tpu.vector_load %arg7[%swap3A_944, %swap3A_945] {strides = array<i32>} : memref<128x128xf32, #tpu.memory_space<vmem>>, vector<1x16xf32>,
      %swap3A_947 = vector.shape_cast %swap3A_946 : vector<1x16xf32> to vector<16xf32>
      %swap3A_948 = vector.shape_cast %max3A_943 : vector<16xf32> to vector<1x16xf32>
      tpu.vector_store %arg7[%swap3A_944, %swap3A_945], %swap3A_948 {strides = array<i32>} : memref<128x128xf32, #tpu.memory_space<vmem>>, vector<1x16xf32>,
    }
    %scan3A_20 = arith.constant 8 : i32
    %mul3A_21 = arith.constant 8 : i32
    %mul3A_22 = arith.muli %arg1, %mul3A_21 : i32
    "tpu.region"() ({
      %run_scoped3A = tpu.sem_alloc : memref<!tpu.dma_semaphore, #tpu.memory_space<semaphore_mem>>
      %dma_start3A = arith.constant 0 : i32
      %dma_start3A_23 = arith.constant 0 : i32
      %dma_start3A_24 = tpu.memref_slice %arg7[%dma_start3A, %dma_start3A_23] : memref<128x128xf32, #tpu.memory_space<vmem>> -> memref<8x128xf32, #tpu.memory_space<vmem>>
      %dma_start3A_25 = arith.constant 0 : i32
      %dma_start3A_26 = tpu.memref_slice %arg4[%arg0, %mul3A_22, %dma_start3A_25] : memref<2x128x128xf32, #tpu.memory_space<hbm>> -> memref<1x8x128xf32, #tpu.memory_space<hbm>>
      %dma_start3A_27 = tpu.memref_squeeze %dma_start3A_26 : memref<1x8x128xf32, #tpu.memory_space<hbm>> -> memref<8x128xf32, #tpu.memory_space<hbm>>
      %dma_start3A_28 = arith.constant 0 : i32
      %dma_start3A_29 = tpu.memref_slice %arg4[%arg0, %mul3A_22, %dma_start3A_28] : memref<2x128x128xf32, #tpu.memory_space<hbm>> -> memref<1x8x128xf32, #tpu.memory_space<hbm>>
      %dma_start3A_30 = tpu.memref_squeeze %dma_start3A_29 : memref<1x8x128xf32, #tpu.memory_space<hbm>> -> memref<8x128xf32, #tpu.memory_space<hbm>>
      %dma_start3A_31 = arith.constant 0 : i32
      %dma_start3A_32 = arith.constant 0 : i32
      %dma_start3A_33 = tpu.memref_slice %arg7[%dma_start3A_31, %dma_start3A_32] : memref<128x128xf32, #tpu.memory_space<vmem>> -> memref<8x128xf32, #tpu.memory_space<vmem>>
      tpu.enqueue_dma source(%dma_start3A_33 : memref<8x128xf32, #tpu.memory_space<vmem>>) target(%dma_start3A_30 : memref<8x128xf32, #tpu.memory_space<hbm>>) target_semaphore(%run_scoped3A : memref<!tpu.dma_semaphore, #tpu.memory_space<semaphore_mem>>)
      %dma_wait3A = arith.constant 0 : i32
      %dma_wait3A_34 = arith.constant 0 : i32
      %dma_wait3A_35 = tpu.memref_slice %arg7[%dma_wait3A, %dma_wait3A_34] : memref<128x128xf32, #tpu.memory_space<vmem>> -> memref<8x128xf32, #tpu.memory_space<vmem>>
      %dma_wait3A_36 = arith.constant 0 : i32
      %dma_wait3A_37 = tpu.memref_slice %arg4[%arg0, %mul3A_22, %dma_wait3A_36] : memref<2x128x128xf32, #tpu.memory_space<hbm>> -> memref<1x8x128xf32, #tpu.memory_space<hbm>>
      %dma_wait3A_38 = tpu.memref_squeeze %dma_wait3A_37 : memref<1x8x128xf32, #tpu.memory_space<hbm>> -> memref<8x128xf32, #tpu.memory_space<hbm>>
      %dma_wait3A_39 = arith.constant 0 : i32
      %dma_wait3A_40 = tpu.memref_slice %arg4[%arg0, %mul3A_22, %dma_wait3A_39] : memref<2x128x128xf32, #tpu.memory_space<hbm>> -> memref<1x8x128xf32, #tpu.memory_space<hbm>>
      %dma_wait3A_41 = tpu.memref_squeeze %dma_wait3A_40 : memref<1x8x128xf32, #tpu.memory_space<hbm>> -> memref<8x128xf32, #tpu.memory_space<hbm>>
      %dma_wait3A_42 = arith.constant 0 : i32
      %dma_wait3A_43 = arith.constant 0 : i32
      %dma_wait3A_44 = tpu.memref_slice %arg7[%dma_wait3A_42, %dma_wait3A_43] : memref<128x128xf32, #tpu.memory_space<vmem>> -> memref<8x128xf32, #tpu.memory_space<vmem>>
      tpu.wait_dma2 semaphore(%run_scoped3A : memref<!tpu.dma_semaphore, #tpu.memory_space<semaphore_mem>>) src(%dma_wait3A_44 : memref<8x128xf32, #tpu.memory_space<vmem>>) dst(%dma_wait3A_41 : memref<8x128xf32, #tpu.memory_space<hbm>>)
      tpu.yield
    }) : () -> ()
    return
  }
}

module attributes {stable_mosaic.version = 14 : i64} {
  func.func @_init_be_body(%arg0: i32, %arg1: memref<8000x16xf32, #tpu.memory_space<vmem>>, %arg2: memref<1x112xf32, #tpu.memory_space<vmem>>, %arg3: memref<8000x128xf32, #tpu.memory_space<vmem>>) attributes {dimension_semantics = [#tpu.dimension_semantics<arbitrary>], iteration_bounds = array<i64: 20>, scalar_prefetch = 0 : i64, scratch_operands = 0 : i64, tpu.core_type = #tpu.core_type<tc>, window_params = [{transform_indices = @transform_0, window_bounds = array<i64: 8000, 16>}, {pipeline_mode = #tpu.pipeline_mode<synchronous>, transform_indices = @transform_1, window_bounds = array<i64: 1, 112>}, {transform_indices = @transform_2, window_bounds = array<i64: 8000, 128>}]} {
    %get3A = arith.constant 0 : index
    %get3A_0 = arith.constant 0 : index
    %get3A_1 = vector.load %arg1[%get3A, %get3A_0] : memref<8000x16xf32, #tpu.memory_space<vmem>>, vector<8000x16xf32>
    %get3A_2 = arith.constant 0 : index
    %get3A_3 = arith.constant 0 : index
    %get3A_4 = vector.load %arg2[%get3A_2, %get3A_3] : memref<1x112xf32, #tpu.memory_space<vmem>>, vector<1x112xf32>
    %broadcast_in_dim3A = vector.shape_cast %get3A_4 : vector<1x112xf32> to vector<1x112xf32>
    %broadcast_in_dim3A_5 = vector.broadcast %broadcast_in_dim3A : vector<1x112xf32> to vector<8000x112xf32>
    %concatenate3A = tpu.concatenate %get3A_1, %broadcast_in_dim3A_5 in 1 : vector<8000x16xf32>, vector<8000x112xf32> -> vector<8000x128xf32>
    %swap3A = arith.constant 0 : index
    %swap3A_6 = arith.constant 0 : index
    %swap3A_7 = vector.load %arg3[%swap3A, %swap3A_6] : memref<8000x128xf32, #tpu.memory_space<vmem>>, vector<8000x128xf32>
    tpu.vector_store %arg3[%swap3A, %swap3A_6], %concatenate3A {strides = array<i32>} : memref<8000x128xf32, #tpu.memory_space<vmem>>, vector<8000x128xf32>,
    return
  }
  func.func @transform_0(%arg0: i32) -> (i32, i32) {
    %c0_i32 = arith.constant 0 : i32
    %c0_i32_0 = arith.constant 0 : i32
    return %arg0, %c0_i32 : i32, i32
  }
  func.func @transform_1(%arg0: i32) -> (i32, i32) {
    %c0_i32 = arith.constant 0 : i32
    %c0_i32_0 = arith.constant 0 : i32
    %c0_i32_1 = arith.constant 0 : i32
    return %c0_i32, %c0_i32_0 : i32, i32
  }
  func.func @transform_2(%arg0: i32) -> (i32, i32) {
    %c0_i32 = arith.constant 0 : i32
    %c0_i32_0 = arith.constant 0 : i32
    return %arg0, %c0_i32 : i32, i32
  }
}

module attributes {stable_mosaic.version = 14 : i64} {
  func.func @_attn_body(%arg0: i32, %arg1: memref<8000x128xf32, #tpu.memory_space<vmem>>, %arg2: memref<128x128xf32, #tpu.memory_space<vmem>>, %arg3: memref<1x128xf32, #tpu.memory_space<vmem>>, %arg4: memref<128x1xf32, #tpu.memory_space<vmem>>, %arg5: memref<1x1xf32, #tpu.memory_space<vmem>>, %arg6: memref<8000x128xf32, #tpu.memory_space<vmem>>, %arg7: memref<8000x8xf32, #tpu.memory_space<vmem>>) attributes {dimension_semantics = [#tpu.dimension_semantics<arbitrary>], iteration_bounds = array<i64: 20>, scalar_prefetch = 0 : i64, scratch_operands = 0 : i64, tpu.core_type = #tpu.core_type<tc>, window_params = [{transform_indices = @transform_0, window_bounds = array<i64: 8000, 128>}, {pipeline_mode = #tpu.pipeline_mode<synchronous>, transform_indices = @transform_1, window_bounds = array<i64: 128, 128>}, {pipeline_mode = #tpu.pipeline_mode<synchronous>, transform_indices = @transform_2, window_bounds = array<i64: 1, 128>}, {pipeline_mode = #tpu.pipeline_mode<synchronous>, transform_indices = @transform_3, window_bounds = array<i64: 128, 1>}, {pipeline_mode = #tpu.pipeline_mode<synchronous>, transform_indices = @transform_4, window_bounds = array<i64: 1, 1>}, {transform_indices = @transform_5, window_bounds = array<i64: 8000, 128>}, {transform_indices = @transform_6, window_bounds = array<i64: 8000, 8>}]} {
    %get3A = arith.constant 0 : index
    %get3A_0 = arith.constant 0 : index
    %get3A_1 = vector.load %arg1[%get3A, %get3A_0] : memref<8000x128xf32, #tpu.memory_space<vmem>>, vector<8000x128xf32>
    %get3A_2 = arith.constant 0 : index
    %get3A_3 = arith.constant 0 : index
    %get3A_4 = vector.load %arg2[%get3A_2, %get3A_3] : memref<128x128xf32, #tpu.memory_space<vmem>>, vector<128x128xf32>
    %dot_general3A = arith.constant dense<0.000000e+00> : vector<8000x128xf32>
    %dot_general3A_5 = tpu.matmul %get3A_1, %get3A_4, %dot_general3A {dimension_numbers = #tpu.dot_dimension_numbers<[1], [0], [0], [1], [0, 0, 1, 1], [], []>, transpose_lhs_hint = false} : vector<8000x128xf32>, vector<128x128xf32>, vector<8000x128xf32> -> vector<8000x128xf32>
    %get3A_6 = arith.constant 0 : index
    %get3A_7 = arith.constant 0 : index
    %get3A_8 = vector.load %arg3[%get3A_6, %get3A_7] : memref<1x128xf32, #tpu.memory_space<vmem>>, vector<1x128xf32>
    %add3A = vector.broadcast %get3A_8 : vector<1x128xf32> to vector<8000x128xf32>
    %add3A_9 = arith.addf %dot_general3A_5, %add3A : vector<8000x128xf32>
    %max3A = arith.constant 0.000000e+00 : f32
    %max3A_10 = vector.broadcast %max3A : f32 to vector<8000x128xf32>
    %max3A_11 = arith.maximumf %add3A_9, %max3A_10 : vector<8000x128xf32>
    %get3A_12 = arith.constant 0 : index
    %get3A_13 = arith.constant 0 : index
    %get3A_14 = vector.load %arg4[%get3A_12, %get3A_13] : memref<128x1xf32, #tpu.memory_space<vmem>>, vector<128x1xf32>
    %dot_general3A_15 = arith.constant dense<0.000000e+00> : vector<8000x1xf32>
    %dot_general3A_16 = tpu.matmul %max3A_11, %get3A_14, %dot_general3A_15 {dimension_numbers = #tpu.dot_dimension_numbers<[1], [0], [0], [1], [0, 0, 1, 1], [], []>, transpose_lhs_hint = false} : vector<8000x128xf32>, vector<128x1xf32>, vector<8000x1xf32> -> vector<8000x1xf32>
    %get3A_17 = arith.constant 0 : index
    %get3A_18 = arith.constant 0 : index
    %get3A_19 = vector.load %arg5[%get3A_17, %get3A_18] : memref<1x1xf32, #tpu.memory_space<vmem>>, vector<1x1xf32>
    %add3A_20 = vector.broadcast %get3A_19 : vector<1x1xf32> to vector<8000x1xf32>
    %add3A_21 = arith.addf %dot_general3A_16, %add3A_20 : vector<8000x1xf32>
    %logistic3A = arith.negf %add3A_21 : vector<8000x1xf32>
    %logistic3A_22 = math.exp %logistic3A : vector<8000x1xf32>
    %logistic3A_23 = arith.constant 1.000000e+00 : f32
    %logistic3A_24 = vector.broadcast %logistic3A_23 : f32 to vector<8000x1xf32>
    %logistic3A_25 = arith.addf %logistic3A_24, %logistic3A_22 : vector<8000x1xf32>
    %logistic3A_26 = arith.divf %logistic3A_24, %logistic3A_25 : vector<8000x1xf32>
    %exp3A = math.exp %logistic3A_26 : vector<8000x1xf32>
    %mul3A = vector.broadcast %exp3A : vector<8000x1xf32> to vector<8000x128xf32>
    %mul3A_27 = arith.mulf %get3A_1, %mul3A : vector<8000x128xf32>
    %swap3A = arith.constant 0 : index
    %swap3A_28 = arith.constant 0 : index
    %swap3A_29 = vector.load %arg6[%swap3A, %swap3A_28] : memref<8000x128xf32, #tpu.memory_space<vmem>>, vector<8000x128xf32>
    tpu.vector_store %arg6[%swap3A, %swap3A_28], %mul3A_27 {strides = array<i32>} : memref<8000x128xf32, #tpu.memory_space<vmem>>, vector<8000x128xf32>,
    %broadcast_in_dim3A = vector.shape_cast %exp3A : vector<8000x1xf32> to vector<8000x1xf32>
    %broadcast_in_dim3A_30 = vector.broadcast %broadcast_in_dim3A : vector<8000x1xf32> to vector<8000x8xf32>
    %swap3A_31 = arith.constant 0 : index
    %swap3A_32 = arith.constant 0 : index
    %swap3A_33 = vector.load %arg7[%swap3A_31, %swap3A_32] : memref<8000x8xf32, #tpu.memory_space<vmem>>, vector<8000x8xf32>
    tpu.vector_store %arg7[%swap3A_31, %swap3A_32], %broadcast_in_dim3A_30 {strides = array<i32>} : memref<8000x8xf32, #tpu.memory_space<vmem>>, vector<8000x8xf32>,
    return
  }
  func.func @transform_0(%arg0: i32) -> (i32, i32) {
    %c0_i32 = arith.constant 0 : i32
    %c0_i32_0 = arith.constant 0 : i32
    return %arg0, %c0_i32 : i32, i32
  }
  func.func @transform_1(%arg0: i32) -> (i32, i32) {
    %c0_i32 = arith.constant 0 : i32
    %c0_i32_0 = arith.constant 0 : i32
    %c0_i32_1 = arith.constant 0 : i32
    return %c0_i32, %c0_i32_0 : i32, i32
  }
  func.func @transform_2(%arg0: i32) -> (i32, i32) {
    %c0_i32 = arith.constant 0 : i32
    %c0_i32_0 = arith.constant 0 : i32
    %c0_i32_1 = arith.constant 0 : i32
    return %c0_i32, %c0_i32_0 : i32, i32
  }
  func.func @transform_3(%arg0: i32) -> (i32, i32) {
    %c0_i32 = arith.constant 0 : i32
    %c0_i32_0 = arith.constant 0 : i32
    %c0_i32_1 = arith.constant 0 : i32
    return %c0_i32, %c0_i32_0 : i32, i32
  }
  func.func @transform_4(%arg0: i32) -> (i32, i32) {
    %c0_i32 = arith.constant 0 : i32
    %c0_i32_0 = arith.constant 0 : i32
    %c0_i32_1 = arith.constant 0 : i32
    return %c0_i32, %c0_i32_0 : i32, i32
  }
  func.func @transform_5(%arg0: i32) -> (i32, i32) {
    %c0_i32 = arith.constant 0 : i32
    %c0_i32_0 = arith.constant 0 : i32
    return %arg0, %c0_i32 : i32, i32
  }
  func.func @transform_6(%arg0: i32) -> (i32, i32) {
    %c0_i32 = arith.constant 0 : i32
    %c0_i32_0 = arith.constant 0 : i32
    return %arg0, %c0_i32 : i32, i32
  }
}

module attributes {stable_mosaic.version = 14 : i64} {
  func.func @_node_body(%arg0: i32, %arg1: memref<2000x128xf32, #tpu.memory_space<vmem>>, %arg2: memref<2000x128xf32, #tpu.memory_space<vmem>>, %arg3: memref<2000x1xf32, #tpu.memory_space<vmem>>, %arg4: memref<2000x1xf32, #tpu.memory_space<vmem>>, %arg5: memref<1x128xi32, #tpu.memory_space<vmem>>, %arg6: memref<1x128xi32, #tpu.memory_space<vmem>>, %arg7: memref<128x128xf32, #tpu.memory_space<vmem>>, %arg8: memref<1x128xf32, #tpu.memory_space<vmem>>, %arg9: memref<1x128xf32, #tpu.memory_space<vmem>>, %arg10: memref<128x128xf32, #tpu.memory_space<vmem>>, %arg11: memref<1x128xf32, #tpu.memory_space<vmem>>, %arg12: memref<1x128xf32, #tpu.memory_space<vmem>>, %arg13: memref<2000x128xf32, #tpu.memory_space<vmem>>, %arg14: memref<2000x128xf32, #tpu.memory_space<vmem>>, %arg15: memref<2000x128xf32, #tpu.memory_space<vmem>>) attributes {dimension_semantics = [#tpu.dimension_semantics<arbitrary>], iteration_bounds = array<i64: 5>, scalar_prefetch = 0 : i64, scratch_operands = 0 : i64, tpu.core_type = #tpu.core_type<tc>, window_params = [{transform_indices = @transform_0, window_bounds = array<i64: 2000, 128>}, {transform_indices = @transform_1, window_bounds = array<i64: 2000, 128>}, {transform_indices = @transform_2, window_bounds = array<i64: 2000, 1>}, {transform_indices = @transform_3, window_bounds = array<i64: 2000, 1>}, {pipeline_mode = #tpu.pipeline_mode<synchronous>, transform_indices = @transform_4, window_bounds = array<i64: 1, 128>}, {pipeline_mode = #tpu.pipeline_mode<synchronous>, transform_indices = @transform_5, window_bounds = array<i64: 1, 128>}, {pipeline_mode = #tpu.pipeline_mode<synchronous>, transform_indices = @transform_6, window_bounds = array<i64: 128, 128>}, {pipeline_mode = #tpu.pipeline_mode<synchronous>, transform_indices = @transform_7, window_bounds = array<i64: 1, 128>}, {pipeline_mode = #tpu.pipeline_mode<synchronous>, transform_indices = @transform_8, window_bounds = array<i64: 1, 128>}, {pipeline_mode = #tpu.pipeline_mode<synchronous>, transform_indices = @transform_9, window_bounds = array<i64: 128, 128>}, {pipeline_mode = #tpu.pipeline_mode<synchronous>, transform_indices = @transform_10, window_bounds = array<i64: 1, 128>}, {pipeline_mode = #tpu.pipeline_mode<synchronous>, transform_indices = @transform_11, window_bounds = array<i64: 1, 128>}, {transform_indices = @transform_12, window_bounds = array<i64: 2000, 128>}, {transform_indices = @transform_13, window_bounds = array<i64: 2000, 128>}, {transform_indices = @transform_14, window_bounds = array<i64: 2000, 128>}]} {
    %get3A = arith.constant 0 : index
    %get3A_0 = arith.constant 0 : index
    %get3A_1 = vector.load %arg1[%get3A, %get3A_0] : memref<2000x128xf32, #tpu.memory_space<vmem>>, vector<2000x128xf32>
    %get3A_2 = arith.constant 0 : index
    %get3A_3 = arith.constant 0 : index
    %get3A_4 = vector.load %arg2[%get3A_2, %get3A_3] : memref<2000x128xf32, #tpu.memory_space<vmem>>, vector<2000x128xf32>
    %add3A = arith.addf %get3A_1, %get3A_4 : vector<2000x128xf32>
    %get3A_5 = arith.constant 0 : index
    %get3A_6 = arith.constant 0 : index
    %get3A_7 = vector.load %arg3[%get3A_5, %get3A_6] : memref<2000x1xf32, #tpu.memory_space<vmem>>, vector<2000x1xf32>
    %get3A_8 = arith.constant 0 : index
    %get3A_9 = arith.constant 0 : index
    %get3A_10 = vector.load %arg4[%get3A_8, %get3A_9] : memref<2000x1xf32, #tpu.memory_space<vmem>>, vector<2000x1xf32>
    %gt3A = arith.constant 0.000000e+00 : f32
    %gt3A_11 = vector.broadcast %gt3A : f32 to vector<2000x1xf32>
    %gt3A_12 = arith.cmpf ogt, %get3A_7, %gt3A_11 : vector<2000x1xf32>
    %gt3A_13 = arith.constant 0.000000e+00 : f32
    %gt3A_14 = vector.broadcast %gt3A_13 : f32 to vector<2000x1xf32>
    %gt3A_15 = arith.cmpf ogt, %get3A_7, %gt3A_14 : vector<2000x1xf32>
    %jit3A = arith.constant 1.000000e+00 : f32
    %broadcast_in_dim3A = vector.broadcast %jit3A : f32 to vector<2000x1xf32>
    %select_n3A = arith.select %gt3A_15, %get3A_7, %broadcast_in_dim3A : vector<2000x1xi1>, vector<2000x1xf32>
    %div3A = vector.broadcast %select_n3A : vector<2000x1xf32> to vector<2000x128xf32>
    %div3A_16 = arith.divf %add3A, %div3A : vector<2000x128xf32>
    %jit3A_17 = arith.constant 0.000000e+00 : f32
    %broadcast_in_dim3A_18 = vector.shape_cast %gt3A_12 : vector<2000x1xi1> to vector<2000x1xi1>
    %broadcast_in_dim3A_19 = vector.broadcast %broadcast_in_dim3A_18 : vector<2000x1xi1> to vector<2000x128xi1>
    %broadcast_in_dim3A_20 = vector.broadcast %jit3A_17 : f32 to vector<2000x128xf32>
    %select_n3A_21 = arith.select %broadcast_in_dim3A_19, %div3A_16, %broadcast_in_dim3A_20 : vector<2000x128xi1>, vector<2000x128xf32>
    %add3A_22 = arith.constant 1.000000e+00 : f32
    %add3A_23 = vector.broadcast %add3A_22 : f32 to vector<2000x1xf32>
    %add3A_24 = arith.addf %add3A_23, %get3A_10 : vector<2000x1xf32>
    %div3A_25 = vector.broadcast %add3A_24 : vector<2000x1xf32> to vector<2000x128xf32>
    %div3A_26 = arith.divf %select_n3A_21, %div3A_25 : vector<2000x128xf32>
    %mul3A = arith.constant 2000 : i32
    %mul3A_27 = arith.muli %arg0, %mul3A : i32
    %iota3A = tpu.iota {dimensions = array<i32: 0>} : vector<2000x1xi32>
    %add3A_28 = vector.broadcast %mul3A_27 : i32 to vector<2000x1xi32>
    %add3A_29 = arith.addi %add3A_28, %iota3A : vector<2000x1xi32>
    %get3A_30 = arith.constant 0 : index
    %get3A_31 = arith.constant 0 : index
    %get3A_32 = vector.load %arg5[%get3A_30, %get3A_31] : memref<1x128xi32, #tpu.memory_space<vmem>>, vector<1x128xi32>
    %eq3A = vector.broadcast %add3A_29 : vector<2000x1xi32> to vector<2000x128xi32>
    %eq3A_33 = vector.broadcast %get3A_32 : vector<1x128xi32> to vector<2000x128xi32>
    %eq3A_34 = arith.cmpi eq, %eq3A, %eq3A_33 : vector<2000x128xi32>
    %convert_element_type3A = arith.extui %eq3A_34 : vector<2000x128xi1> to vector<2000x128xi32>
    %convert_element_type3A_35 = arith.sitofp %convert_element_type3A : vector<2000x128xi32> to vector<2000x128xf32>
    %reduce_sum3A = arith.constant dense<0.000000e+00> : vector<2000xf32>
    %reduce_sum3A_36 = vector.multi_reduction <add>, %convert_element_type3A_35, %reduce_sum3A [1] : vector<2000x128xf32> to vector<2000xf32>
    %broadcast_in_dim3A_37 = vector.shape_cast %reduce_sum3A_36 : vector<2000xf32> to vector<2000x1xf32>
    %min3A = arith.constant 1.000000e+00 : f32
    %min3A_38 = vector.broadcast %min3A : f32 to vector<2000x1xf32>
    %min3A_39 = arith.minimumf %broadcast_in_dim3A_37, %min3A_38 : vector<2000x1xf32>
    %get3A_40 = arith.constant 0 : index
    %get3A_41 = arith.constant 0 : index
    %get3A_42 = vector.load %arg6[%get3A_40, %get3A_41] : memref<1x128xi32, #tpu.memory_space<vmem>>, vector<1x128xi32>
    %eq3A_43 = vector.broadcast %add3A_29 : vector<2000x1xi32> to vector<2000x128xi32>
    %eq3A_44 = vector.broadcast %get3A_42 : vector<1x128xi32> to vector<2000x128xi32>
    %eq3A_45 = arith.cmpi eq, %eq3A_43, %eq3A_44 : vector<2000x128xi32>
    %convert_element_type3A_46 = arith.extui %eq3A_45 : vector<2000x128xi1> to vector<2000x128xi32>
    %convert_element_type3A_47 = arith.sitofp %convert_element_type3A_46 : vector<2000x128xi32> to vector<2000x128xf32>
    %reduce_sum3A_48 = arith.constant dense<0.000000e+00> : vector<2000xf32>
    %reduce_sum3A_49 = vector.multi_reduction <add>, %convert_element_type3A_47, %reduce_sum3A_48 [1] : vector<2000x128xf32> to vector<2000xf32>
    %broadcast_in_dim3A_50 = vector.shape_cast %reduce_sum3A_49 : vector<2000xf32> to vector<2000x1xf32>
    %min3A_51 = arith.constant 1.000000e+00 : f32
    %min3A_52 = vector.broadcast %min3A_51 : f32 to vector<2000x1xf32>
    %min3A_53 = arith.minimumf %broadcast_in_dim3A_50, %min3A_52 : vector<2000x1xf32>
    %get3A_54 = arith.constant 0 : index
    %get3A_55 = arith.constant 0 : index
    %get3A_56 = vector.load %arg7[%get3A_54, %get3A_55] : memref<128x128xf32, #tpu.memory_space<vmem>>, vector<128x128xf32>
    %dot_general3A = arith.constant dense<0.000000e+00> : vector<2000x128xf32>
    %dot_general3A_57 = tpu.matmul %div3A_26, %get3A_56, %dot_general3A {dimension_numbers = #tpu.dot_dimension_numbers<[1], [0], [0], [1], [0, 0, 1, 1], [], []>, transpose_lhs_hint = false} : vector<2000x128xf32>, vector<128x128xf32>, vector<2000x128xf32> -> vector<2000x128xf32>
    %get3A_58 = arith.constant 0 : index
    %get3A_59 = arith.constant 0 : index
    %get3A_60 = vector.load %arg8[%get3A_58, %get3A_59] : memref<1x128xf32, #tpu.memory_space<vmem>>, vector<1x128xf32>
    %mul3A_61 = vector.broadcast %min3A_39 : vector<2000x1xf32> to vector<2000x128xf32>
    %mul3A_62 = vector.broadcast %get3A_60 : vector<1x128xf32> to vector<2000x128xf32>
    %mul3A_63 = arith.mulf %mul3A_61, %mul3A_62 : vector<2000x128xf32>
    %add3A_64 = arith.addf %dot_general3A_57, %mul3A_63 : vector<2000x128xf32>
    %get3A_65 = arith.constant 0 : index
    %get3A_66 = arith.constant 0 : index
    %get3A_67 = vector.load %arg9[%get3A_65, %get3A_66] : memref<1x128xf32, #tpu.memory_space<vmem>>, vector<1x128xf32>
    %mul3A_68 = vector.broadcast %min3A_53 : vector<2000x1xf32> to vector<2000x128xf32>
    %mul3A_69 = vector.broadcast %get3A_67 : vector<1x128xf32> to vector<2000x128xf32>
    %mul3A_70 = arith.mulf %mul3A_68, %mul3A_69 : vector<2000x128xf32>
    %add3A_71 = arith.addf %add3A_64, %mul3A_70 : vector<2000x128xf32>
    %swap3A = arith.constant 0 : index
    %swap3A_72 = arith.constant 0 : index
    %swap3A_73 = vector.load %arg13[%swap3A, %swap3A_72] : memref<2000x128xf32, #tpu.memory_space<vmem>>, vector<2000x128xf32>
    tpu.vector_store %arg13[%swap3A, %swap3A_72], %add3A_71 {strides = array<i32>} : memref<2000x128xf32, #tpu.memory_space<vmem>>, vector<2000x128xf32>,
    %get3A_74 = arith.constant 0 : index
    %get3A_75 = arith.constant 0 : index
    %get3A_76 = vector.load %arg10[%get3A_74, %get3A_75] : memref<128x128xf32, #tpu.memory_space<vmem>>, vector<128x128xf32>
    %dot_general3A_77 = arith.constant dense<0.000000e+00> : vector<2000x128xf32>
    %dot_general3A_78 = tpu.matmul %div3A_26, %get3A_76, %dot_general3A_77 {dimension_numbers = #tpu.dot_dimension_numbers<[1], [0], [0], [1], [0, 0, 1, 1], [], []>, transpose_lhs_hint = false} : vector<2000x128xf32>, vector<128x128xf32>, vector<2000x128xf32> -> vector<2000x128xf32>
    %get3A_79 = arith.constant 0 : index
    %get3A_80 = arith.constant 0 : index
    %get3A_81 = vector.load %arg11[%get3A_79, %get3A_80] : memref<1x128xf32, #tpu.memory_space<vmem>>, vector<1x128xf32>
    %mul3A_82 = vector.broadcast %min3A_39 : vector<2000x1xf32> to vector<2000x128xf32>
    %mul3A_83 = vector.broadcast %get3A_81 : vector<1x128xf32> to vector<2000x128xf32>
    %mul3A_84 = arith.mulf %mul3A_82, %mul3A_83 : vector<2000x128xf32>
    %add3A_85 = arith.addf %dot_general3A_78, %mul3A_84 : vector<2000x128xf32>
    %get3A_86 = arith.constant 0 : index
    %get3A_87 = arith.constant 0 : index
    %get3A_88 = vector.load %arg12[%get3A_86, %get3A_87] : memref<1x128xf32, #tpu.memory_space<vmem>>, vector<1x128xf32>
    %mul3A_89 = vector.broadcast %min3A_53 : vector<2000x1xf32> to vector<2000x128xf32>
    %mul3A_90 = vector.broadcast %get3A_88 : vector<1x128xf32> to vector<2000x128xf32>
    %mul3A_91 = arith.mulf %mul3A_89, %mul3A_90 : vector<2000x128xf32>
    %add3A_92 = arith.addf %add3A_85, %mul3A_91 : vector<2000x128xf32>
    %swap3A_93 = arith.constant 0 : index
    %swap3A_94 = arith.constant 0 : index
    %swap3A_95 = vector.load %arg14[%swap3A_93, %swap3A_94] : memref<2000x128xf32, #tpu.memory_space<vmem>>, vector<2000x128xf32>
    tpu.vector_store %arg14[%swap3A_93, %swap3A_94], %add3A_92 {strides = array<i32>} : memref<2000x128xf32, #tpu.memory_space<vmem>>, vector<2000x128xf32>,
    %swap3A_96 = arith.constant 0 : index
    %swap3A_97 = arith.constant 0 : index
    %swap3A_98 = vector.load %arg15[%swap3A_96, %swap3A_97] : memref<2000x128xf32, #tpu.memory_space<vmem>>, vector<2000x128xf32>
    tpu.vector_store %arg15[%swap3A_96, %swap3A_97], %div3A_26 {strides = array<i32>} : memref<2000x128xf32, #tpu.memory_space<vmem>>, vector<2000x128xf32>,
    return
  }
  func.func @transform_0(%arg0: i32) -> (i32, i32) {
    %c0_i32 = arith.constant 0 : i32
    %c0_i32_0 = arith.constant 0 : i32
    return %arg0, %c0_i32 : i32, i32
  }
  func.func @transform_1(%arg0: i32) -> (i32, i32) {
    %c0_i32 = arith.constant 0 : i32
    %c0_i32_0 = arith.constant 0 : i32
    return %arg0, %c0_i32 : i32, i32
  }
  func.func @transform_2(%arg0: i32) -> (i32, i32) {
    %c0_i32 = arith.constant 0 : i32
    %c0_i32_0 = arith.constant 0 : i32
    return %arg0, %c0_i32 : i32, i32
  }
  func.func @transform_3(%arg0: i32) -> (i32, i32) {
    %c0_i32 = arith.constant 0 : i32
    %c0_i32_0 = arith.constant 0 : i32
    return %arg0, %c0_i32 : i32, i32
  }
  func.func @transform_4(%arg0: i32) -> (i32, i32) {
    %c0_i32 = arith.constant 0 : i32
    %c0_i32_0 = arith.constant 0 : i32
    %c0_i32_1 = arith.constant 0 : i32
    return %c0_i32, %c0_i32_0 : i32, i32
  }
  func.func @transform_5(%arg0: i32) -> (i32, i32) {
    %c0_i32 = arith.constant 0 : i32
    %c0_i32_0 = arith.constant 0 : i32
    %c0_i32_1 = arith.constant 0 : i32
    return %c0_i32, %c0_i32_0 : i32, i32
  }
  func.func @transform_6(%arg0: i32) -> (i32, i32) {
    %c0_i32 = arith.constant 0 : i32
    %c0_i32_0 = arith.constant 0 : i32
    %c0_i32_1 = arith.constant 0 : i32
    return %c0_i32, %c0_i32_0 : i32, i32
  }
  func.func @transform_7(%arg0: i32) -> (i32, i32) {
    %c0_i32 = arith.constant 0 : i32
    %c0_i32_0 = arith.constant 0 : i32
    %c0_i32_1 = arith.constant 0 : i32
    return %c0_i32, %c0_i32_0 : i32, i32
  }
  func.func @transform_8(%arg0: i32) -> (i32, i32) {
    %c0_i32 = arith.constant 0 : i32
    %c0_i32_0 = arith.constant 0 : i32
    %c0_i32_1 = arith.constant 0 : i32
    return %c0_i32, %c0_i32_0 : i32, i32
  }
  func.func @transform_9(%arg0: i32) -> (i32, i32) {
    %c0_i32 = arith.constant 0 : i32
    %c0_i32_0 = arith.constant 0 : i32
    %c0_i32_1 = arith.constant 0 : i32
    return %c0_i32, %c0_i32_0 : i32, i32
  }
  func.func @transform_10(%arg0: i32) -> (i32, i32) {
    %c0_i32 = arith.constant 0 : i32
    %c0_i32_0 = arith.constant 0 : i32
    %c0_i32_1 = arith.constant 0 : i32
    return %c0_i32, %c0_i32_0 : i32, i32
  }
  func.func @transform_11(%arg0: i32) -> (i32, i32) {
    %c0_i32 = arith.constant 0 : i32
    %c0_i32_0 = arith.constant 0 : i32
    %c0_i32_1 = arith.constant 0 : i32
    return %c0_i32, %c0_i32_0 : i32, i32
  }
  func.func @transform_12(%arg0: i32) -> (i32, i32) {
    %c0_i32 = arith.constant 0 : i32
    %c0_i32_0 = arith.constant 0 : i32
    return %arg0, %c0_i32 : i32, i32
  }
  func.func @transform_13(%arg0: i32) -> (i32, i32) {
    %c0_i32 = arith.constant 0 : i32
    %c0_i32_0 = arith.constant 0 : i32
    return %arg0, %c0_i32 : i32, i32
  }
  func.func @transform_14(%arg0: i32) -> (i32, i32) {
    %c0_i32 = arith.constant 0 : i32
    %c0_i32_0 = arith.constant 0 : i32
    return %arg0, %c0_i32 : i32, i32
  }
}

module attributes {stable_mosaic.version = 14 : i64} {
  func.func @_update_body(%arg0: i32, %arg1: memref<8000x128xf32, #tpu.memory_space<vmem>>, %arg2: memref<8000x128xf32, #tpu.memory_space<vmem>>, %arg3: memref<128x128xf32, #tpu.memory_space<vmem>>, %arg4: memref<1x128xf32, #tpu.memory_space<vmem>>, %arg5: memref<128x128xf32, #tpu.memory_space<vmem>>, %arg6: memref<1x128xf32, #tpu.memory_space<vmem>>, %arg7: memref<8000x128xf32, #tpu.memory_space<vmem>>) attributes {dimension_semantics = [#tpu.dimension_semantics<arbitrary>], iteration_bounds = array<i64: 20>, scalar_prefetch = 0 : i64, scratch_operands = 0 : i64, tpu.core_type = #tpu.core_type<tc>, window_params = [{transform_indices = @transform_0, window_bounds = array<i64: 8000, 128>}, {transform_indices = @transform_1, window_bounds = array<i64: 8000, 128>}, {pipeline_mode = #tpu.pipeline_mode<synchronous>, transform_indices = @transform_2, window_bounds = array<i64: 128, 128>}, {pipeline_mode = #tpu.pipeline_mode<synchronous>, transform_indices = @transform_3, window_bounds = array<i64: 1, 128>}, {pipeline_mode = #tpu.pipeline_mode<synchronous>, transform_indices = @transform_4, window_bounds = array<i64: 128, 128>}, {pipeline_mode = #tpu.pipeline_mode<synchronous>, transform_indices = @transform_5, window_bounds = array<i64: 1, 128>}, {transform_indices = @transform_6, window_bounds = array<i64: 8000, 128>}]} {
    %get3A = arith.constant 0 : index
    %get3A_0 = arith.constant 0 : index
    %get3A_1 = vector.load %arg1[%get3A, %get3A_0] : memref<8000x128xf32, #tpu.memory_space<vmem>>, vector<8000x128xf32>
    %get3A_2 = arith.constant 0 : index
    %get3A_3 = arith.constant 0 : index
    %get3A_4 = vector.load %arg2[%get3A_2, %get3A_3] : memref<8000x128xf32, #tpu.memory_space<vmem>>, vector<8000x128xf32>
    %get3A_5 = arith.constant 0 : index
    %get3A_6 = arith.constant 0 : index
    %get3A_7 = vector.load %arg3[%get3A_5, %get3A_6] : memref<128x128xf32, #tpu.memory_space<vmem>>, vector<128x128xf32>
    %dot_general3A = arith.constant dense<0.000000e+00> : vector<8000x128xf32>
    %dot_general3A_8 = tpu.matmul %get3A_4, %get3A_7, %dot_general3A {dimension_numbers = #tpu.dot_dimension_numbers<[1], [0], [0], [1], [0, 0, 1, 1], [], []>, transpose_lhs_hint = false} : vector<8000x128xf32>, vector<128x128xf32>, vector<8000x128xf32> -> vector<8000x128xf32>
    %add3A = arith.addf %get3A_1, %dot_general3A_8 : vector<8000x128xf32>
    %get3A_9 = arith.constant 0 : index
    %get3A_10 = arith.constant 0 : index
    %get3A_11 = vector.load %arg4[%get3A_9, %get3A_10] : memref<1x128xf32, #tpu.memory_space<vmem>>, vector<1x128xf32>
    %add3A_12 = vector.broadcast %get3A_11 : vector<1x128xf32> to vector<8000x128xf32>
    %add3A_13 = arith.addf %add3A, %add3A_12 : vector<8000x128xf32>
    %max3A = arith.constant 0.000000e+00 : f32
    %max3A_14 = vector.broadcast %max3A : f32 to vector<8000x128xf32>
    %max3A_15 = arith.maximumf %add3A_13, %max3A_14 : vector<8000x128xf32>
    %get3A_16 = arith.constant 0 : index
    %get3A_17 = arith.constant 0 : index
    %get3A_18 = vector.load %arg5[%get3A_16, %get3A_17] : memref<128x128xf32, #tpu.memory_space<vmem>>, vector<128x128xf32>
    %dot_general3A_19 = arith.constant dense<0.000000e+00> : vector<8000x128xf32>
    %dot_general3A_20 = tpu.matmul %max3A_15, %get3A_18, %dot_general3A_19 {dimension_numbers = #tpu.dot_dimension_numbers<[1], [0], [0], [1], [0, 0, 1, 1], [], []>, transpose_lhs_hint = false} : vector<8000x128xf32>, vector<128x128xf32>, vector<8000x128xf32> -> vector<8000x128xf32>
    %get3A_21 = arith.constant 0 : index
    %get3A_22 = arith.constant 0 : index
    %get3A_23 = vector.load %arg6[%get3A_21, %get3A_22] : memref<1x128xf32, #tpu.memory_space<vmem>>, vector<1x128xf32>
    %add3A_24 = vector.broadcast %get3A_23 : vector<1x128xf32> to vector<8000x128xf32>
    %add3A_25 = arith.addf %dot_general3A_20, %add3A_24 : vector<8000x128xf32>
    %swap3A = arith.constant 0 : index
    %swap3A_26 = arith.constant 0 : index
    %swap3A_27 = vector.load %arg7[%swap3A, %swap3A_26] : memref<8000x128xf32, #tpu.memory_space<vmem>>, vector<8000x128xf32>
    tpu.vector_store %arg7[%swap3A, %swap3A_26], %add3A_25 {strides = array<i32>} : memref<8000x128xf32, #tpu.memory_space<vmem>>, vector<8000x128xf32>,
    return
  }
  func.func @transform_0(%arg0: i32) -> (i32, i32) {
    %c0_i32 = arith.constant 0 : i32
    %c0_i32_0 = arith.constant 0 : i32
    return %arg0, %c0_i32 : i32, i32
  }
  func.func @transform_1(%arg0: i32) -> (i32, i32) {
    %c0_i32 = arith.constant 0 : i32
    %c0_i32_0 = arith.constant 0 : i32
    return %arg0, %c0_i32 : i32, i32
  }
  func.func @transform_2(%arg0: i32) -> (i32, i32) {
    %c0_i32 = arith.constant 0 : i32
    %c0_i32_0 = arith.constant 0 : i32
    %c0_i32_1 = arith.constant 0 : i32
    return %c0_i32, %c0_i32_0 : i32, i32
  }
  func.func @transform_3(%arg0: i32) -> (i32, i32) {
    %c0_i32 = arith.constant 0 : i32
    %c0_i32_0 = arith.constant 0 : i32
    %c0_i32_1 = arith.constant 0 : i32
    return %c0_i32, %c0_i32_0 : i32, i32
  }
  func.func @transform_4(%arg0: i32) -> (i32, i32) {
    %c0_i32 = arith.constant 0 : i32
    %c0_i32_0 = arith.constant 0 : i32
    %c0_i32_1 = arith.constant 0 : i32
    return %c0_i32, %c0_i32_0 : i32, i32
  }
  func.func @transform_5(%arg0: i32) -> (i32, i32) {
    %c0_i32 = arith.constant 0 : i32
    %c0_i32_0 = arith.constant 0 : i32
    %c0_i32_1 = arith.constant 0 : i32
    return %c0_i32, %c0_i32_0 : i32, i32
  }
  func.func @transform_6(%arg0: i32) -> (i32, i32) {
    %c0_i32 = arith.constant 0 : i32
    %c0_i32_0 = arith.constant 0 : i32
    return %arg0, %c0_i32 : i32, i32
  }
}

module attributes {stable_mosaic.version = 14 : i64} {
  func.func @_node_body(%arg0: i32, %arg1: memref<2000x128xf32, #tpu.memory_space<vmem>>, %arg2: memref<2000x128xf32, #tpu.memory_space<vmem>>, %arg3: memref<2000x1xf32, #tpu.memory_space<vmem>>, %arg4: memref<2000x1xf32, #tpu.memory_space<vmem>>, %arg5: memref<1x128xi32, #tpu.memory_space<vmem>>, %arg6: memref<1x128xi32, #tpu.memory_space<vmem>>, %arg7: memref<128x128xf32, #tpu.memory_space<vmem>>, %arg8: memref<1x128xf32, #tpu.memory_space<vmem>>, %arg9: memref<1x128xf32, #tpu.memory_space<vmem>>, %arg10: memref<128x128xf32, #tpu.memory_space<vmem>>, %arg11: memref<1x128xf32, #tpu.memory_space<vmem>>, %arg12: memref<1x128xf32, #tpu.memory_space<vmem>>, %arg13: memref<2000x128xf32, #tpu.memory_space<vmem>>, %arg14: memref<2000x128xf32, #tpu.memory_space<vmem>>, %arg15: memref<2000x128xf32, #tpu.memory_space<vmem>>) attributes {dimension_semantics = [#tpu.dimension_semantics<arbitrary>], iteration_bounds = array<i64: 5>, scalar_prefetch = 0 : i64, scratch_operands = 0 : i64, tpu.core_type = #tpu.core_type<tc>, window_params = [{transform_indices = @transform_0, window_bounds = array<i64: 2000, 128>}, {transform_indices = @transform_1, window_bounds = array<i64: 2000, 128>}, {transform_indices = @transform_2, window_bounds = array<i64: 2000, 1>}, {transform_indices = @transform_3, window_bounds = array<i64: 2000, 1>}, {pipeline_mode = #tpu.pipeline_mode<synchronous>, transform_indices = @transform_4, window_bounds = array<i64: 1, 128>}, {pipeline_mode = #tpu.pipeline_mode<synchronous>, transform_indices = @transform_5, window_bounds = array<i64: 1, 128>}, {pipeline_mode = #tpu.pipeline_mode<synchronous>, transform_indices = @transform_6, window_bounds = array<i64: 128, 128>}, {pipeline_mode = #tpu.pipeline_mode<synchronous>, transform_indices = @transform_7, window_bounds = array<i64: 1, 128>}, {pipeline_mode = #tpu.pipeline_mode<synchronous>, transform_indices = @transform_8, window_bounds = array<i64: 1, 128>}, {pipeline_mode = #tpu.pipeline_mode<synchronous>, transform_indices = @transform_9, window_bounds = array<i64: 128, 128>}, {pipeline_mode = #tpu.pipeline_mode<synchronous>, transform_indices = @transform_10, window_bounds = array<i64: 1, 128>}, {pipeline_mode = #tpu.pipeline_mode<synchronous>, transform_indices = @transform_11, window_bounds = array<i64: 1, 128>}, {transform_indices = @transform_12, window_bounds = array<i64: 2000, 128>}, {transform_indices = @transform_13, window_bounds = array<i64: 2000, 128>}, {transform_indices = @transform_14, window_bounds = array<i64: 2000, 128>}]} {
    %get3A = arith.constant 0 : index
    %get3A_0 = arith.constant 0 : index
    %get3A_1 = vector.load %arg1[%get3A, %get3A_0] : memref<2000x128xf32, #tpu.memory_space<vmem>>, vector<2000x128xf32>
    %get3A_2 = arith.constant 0 : index
    %get3A_3 = arith.constant 0 : index
    %get3A_4 = vector.load %arg2[%get3A_2, %get3A_3] : memref<2000x128xf32, #tpu.memory_space<vmem>>, vector<2000x128xf32>
    %add3A = arith.addf %get3A_1, %get3A_4 : vector<2000x128xf32>
    %get3A_5 = arith.constant 0 : index
    %get3A_6 = arith.constant 0 : index
    %get3A_7 = vector.load %arg3[%get3A_5, %get3A_6] : memref<2000x1xf32, #tpu.memory_space<vmem>>, vector<2000x1xf32>
    %get3A_8 = arith.constant 0 : index
    %get3A_9 = arith.constant 0 : index
    %get3A_10 = vector.load %arg4[%get3A_8, %get3A_9] : memref<2000x1xf32, #tpu.memory_space<vmem>>, vector<2000x1xf32>
    %gt3A = arith.constant 0.000000e+00 : f32
    %gt3A_11 = vector.broadcast %gt3A : f32 to vector<2000x1xf32>
    %gt3A_12 = arith.cmpf ogt, %get3A_7, %gt3A_11 : vector<2000x1xf32>
    %gt3A_13 = arith.constant 0.000000e+00 : f32
    %gt3A_14 = vector.broadcast %gt3A_13 : f32 to vector<2000x1xf32>
    %gt3A_15 = arith.cmpf ogt, %get3A_7, %gt3A_14 : vector<2000x1xf32>
    %jit3A = arith.constant 1.000000e+00 : f32
    %broadcast_in_dim3A = vector.broadcast %jit3A : f32 to vector<2000x1xf32>
    %select_n3A = arith.select %gt3A_15, %get3A_7, %broadcast_in_dim3A : vector<2000x1xi1>, vector<2000x1xf32>
    %div3A = vector.broadcast %select_n3A : vector<2000x1xf32> to vector<2000x128xf32>
    %div3A_16 = arith.divf %add3A, %div3A : vector<2000x128xf32>
    %jit3A_17 = arith.constant 0.000000e+00 : f32
    %broadcast_in_dim3A_18 = vector.shape_cast %gt3A_12 : vector<2000x1xi1> to vector<2000x1xi1>
    %broadcast_in_dim3A_19 = vector.broadcast %broadcast_in_dim3A_18 : vector<2000x1xi1> to vector<2000x128xi1>
    %broadcast_in_dim3A_20 = vector.broadcast %jit3A_17 : f32 to vector<2000x128xf32>
    %select_n3A_21 = arith.select %broadcast_in_dim3A_19, %div3A_16, %broadcast_in_dim3A_20 : vector<2000x128xi1>, vector<2000x128xf32>
    %add3A_22 = arith.constant 1.000000e+00 : f32
    %add3A_23 = vector.broadcast %add3A_22 : f32 to vector<2000x1xf32>
    %add3A_24 = arith.addf %add3A_23, %get3A_10 : vector<2000x1xf32>
    %div3A_25 = vector.broadcast %add3A_24 : vector<2000x1xf32> to vector<2000x128xf32>
    %div3A_26 = arith.divf %select_n3A_21, %div3A_25 : vector<2000x128xf32>
    %mul3A = arith.constant 2000 : i32
    %mul3A_27 = arith.muli %arg0, %mul3A : i32
    %iota3A = tpu.iota {dimensions = array<i32: 0>} : vector<2000x1xi32>
    %add3A_28 = vector.broadcast %mul3A_27 : i32 to vector<2000x1xi32>
    %add3A_29 = arith.addi %add3A_28, %iota3A : vector<2000x1xi32>
    %get3A_30 = arith.constant 0 : index
    %get3A_31 = arith.constant 0 : index
    %get3A_32 = vector.load %arg5[%get3A_30, %get3A_31] : memref<1x128xi32, #tpu.memory_space<vmem>>, vector<1x128xi32>
    %eq3A = vector.broadcast %add3A_29 : vector<2000x1xi32> to vector<2000x128xi32>
    %eq3A_33 = vector.broadcast %get3A_32 : vector<1x128xi32> to vector<2000x128xi32>
    %eq3A_34 = arith.cmpi eq, %eq3A, %eq3A_33 : vector<2000x128xi32>
    %convert_element_type3A = arith.extui %eq3A_34 : vector<2000x128xi1> to vector<2000x128xi32>
    %convert_element_type3A_35 = arith.sitofp %convert_element_type3A : vector<2000x128xi32> to vector<2000x128xf32>
    %reduce_sum3A = arith.constant dense<0.000000e+00> : vector<2000xf32>
    %reduce_sum3A_36 = vector.multi_reduction <add>, %convert_element_type3A_35, %reduce_sum3A [1] : vector<2000x128xf32> to vector<2000xf32>
    %broadcast_in_dim3A_37 = vector.shape_cast %reduce_sum3A_36 : vector<2000xf32> to vector<2000x1xf32>
    %min3A = arith.constant 1.000000e+00 : f32
    %min3A_38 = vector.broadcast %min3A : f32 to vector<2000x1xf32>
    %min3A_39 = arith.minimumf %broadcast_in_dim3A_37, %min3A_38 : vector<2000x1xf32>
    %get3A_40 = arith.constant 0 : index
    %get3A_41 = arith.constant 0 : index
    %get3A_42 = vector.load %arg6[%get3A_40, %get3A_41] : memref<1x128xi32, #tpu.memory_space<vmem>>, vector<1x128xi32>
    %eq3A_43 = vector.broadcast %add3A_29 : vector<2000x1xi32> to vector<2000x128xi32>
    %eq3A_44 = vector.broadcast %get3A_42 : vector<1x128xi32> to vector<2000x128xi32>
    %eq3A_45 = arith.cmpi eq, %eq3A_43, %eq3A_44 : vector<2000x128xi32>
    %convert_element_type3A_46 = arith.extui %eq3A_45 : vector<2000x128xi1> to vector<2000x128xi32>
    %convert_element_type3A_47 = arith.sitofp %convert_element_type3A_46 : vector<2000x128xi32> to vector<2000x128xf32>
    %reduce_sum3A_48 = arith.constant dense<0.000000e+00> : vector<2000xf32>
    %reduce_sum3A_49 = vector.multi_reduction <add>, %convert_element_type3A_47, %reduce_sum3A_48 [1] : vector<2000x128xf32> to vector<2000xf32>
    %broadcast_in_dim3A_50 = vector.shape_cast %reduce_sum3A_49 : vector<2000xf32> to vector<2000x1xf32>
    %min3A_51 = arith.constant 1.000000e+00 : f32
    %min3A_52 = vector.broadcast %min3A_51 : f32 to vector<2000x1xf32>
    %min3A_53 = arith.minimumf %broadcast_in_dim3A_50, %min3A_52 : vector<2000x1xf32>
    %get3A_54 = arith.constant 0 : index
    %get3A_55 = arith.constant 0 : index
    %get3A_56 = vector.load %arg7[%get3A_54, %get3A_55] : memref<128x128xf32, #tpu.memory_space<vmem>>, vector<128x128xf32>
    %dot_general3A = arith.constant dense<0.000000e+00> : vector<2000x128xf32>
    %dot_general3A_57 = tpu.matmul %div3A_26, %get3A_56, %dot_general3A {dimension_numbers = #tpu.dot_dimension_numbers<[1], [0], [0], [1], [0, 0, 1, 1], [], []>, transpose_lhs_hint = false} : vector<2000x128xf32>, vector<128x128xf32>, vector<2000x128xf32> -> vector<2000x128xf32>
    %get3A_58 = arith.constant 0 : index
    %get3A_59 = arith.constant 0 : index
    %get3A_60 = vector.load %arg8[%get3A_58, %get3A_59] : memref<1x128xf32, #tpu.memory_space<vmem>>, vector<1x128xf32>
    %mul3A_61 = vector.broadcast %min3A_39 : vector<2000x1xf32> to vector<2000x128xf32>
    %mul3A_62 = vector.broadcast %get3A_60 : vector<1x128xf32> to vector<2000x128xf32>
    %mul3A_63 = arith.mulf %mul3A_61, %mul3A_62 : vector<2000x128xf32>
    %add3A_64 = arith.addf %dot_general3A_57, %mul3A_63 : vector<2000x128xf32>
    %get3A_65 = arith.constant 0 : index
    %get3A_66 = arith.constant 0 : index
    %get3A_67 = vector.load %arg9[%get3A_65, %get3A_66] : memref<1x128xf32, #tpu.memory_space<vmem>>, vector<1x128xf32>
    %mul3A_68 = vector.broadcast %min3A_53 : vector<2000x1xf32> to vector<2000x128xf32>
    %mul3A_69 = vector.broadcast %get3A_67 : vector<1x128xf32> to vector<2000x128xf32>
    %mul3A_70 = arith.mulf %mul3A_68, %mul3A_69 : vector<2000x128xf32>
    %add3A_71 = arith.addf %add3A_64, %mul3A_70 : vector<2000x128xf32>
    %swap3A = arith.constant 0 : index
    %swap3A_72 = arith.constant 0 : index
    %swap3A_73 = vector.load %arg13[%swap3A, %swap3A_72] : memref<2000x128xf32, #tpu.memory_space<vmem>>, vector<2000x128xf32>
    tpu.vector_store %arg13[%swap3A, %swap3A_72], %add3A_71 {strides = array<i32>} : memref<2000x128xf32, #tpu.memory_space<vmem>>, vector<2000x128xf32>,
    %get3A_74 = arith.constant 0 : index
    %get3A_75 = arith.constant 0 : index
    %get3A_76 = vector.load %arg10[%get3A_74, %get3A_75] : memref<128x128xf32, #tpu.memory_space<vmem>>, vector<128x128xf32>
    %dot_general3A_77 = arith.constant dense<0.000000e+00> : vector<2000x128xf32>
    %dot_general3A_78 = tpu.matmul %div3A_26, %get3A_76, %dot_general3A_77 {dimension_numbers = #tpu.dot_dimension_numbers<[1], [0], [0], [1], [0, 0, 1, 1], [], []>, transpose_lhs_hint = false} : vector<2000x128xf32>, vector<128x128xf32>, vector<2000x128xf32> -> vector<2000x128xf32>
    %get3A_79 = arith.constant 0 : index
    %get3A_80 = arith.constant 0 : index
    %get3A_81 = vector.load %arg11[%get3A_79, %get3A_80] : memref<1x128xf32, #tpu.memory_space<vmem>>, vector<1x128xf32>
    %mul3A_82 = vector.broadcast %min3A_39 : vector<2000x1xf32> to vector<2000x128xf32>
    %mul3A_83 = vector.broadcast %get3A_81 : vector<1x128xf32> to vector<2000x128xf32>
    %mul3A_84 = arith.mulf %mul3A_82, %mul3A_83 : vector<2000x128xf32>
    %add3A_85 = arith.addf %dot_general3A_78, %mul3A_84 : vector<2000x128xf32>
    %get3A_86 = arith.constant 0 : index
    %get3A_87 = arith.constant 0 : index
    %get3A_88 = vector.load %arg12[%get3A_86, %get3A_87] : memref<1x128xf32, #tpu.memory_space<vmem>>, vector<1x128xf32>
    %mul3A_89 = vector.broadcast %min3A_53 : vector<2000x1xf32> to vector<2000x128xf32>
    %mul3A_90 = vector.broadcast %get3A_88 : vector<1x128xf32> to vector<2000x128xf32>
    %mul3A_91 = arith.mulf %mul3A_89, %mul3A_90 : vector<2000x128xf32>
    %add3A_92 = arith.addf %add3A_85, %mul3A_91 : vector<2000x128xf32>
    %swap3A_93 = arith.constant 0 : index
    %swap3A_94 = arith.constant 0 : index
    %swap3A_95 = vector.load %arg14[%swap3A_93, %swap3A_94] : memref<2000x128xf32, #tpu.memory_space<vmem>>, vector<2000x128xf32>
    tpu.vector_store %arg14[%swap3A_93, %swap3A_94], %add3A_92 {strides = array<i32>} : memref<2000x128xf32, #tpu.memory_space<vmem>>, vector<2000x128xf32>,
    %swap3A_96 = arith.constant 0 : index
    %swap3A_97 = arith.constant 0 : index
    %swap3A_98 = vector.load %arg15[%swap3A_96, %swap3A_97] : memref<2000x128xf32, #tpu.memory_space<vmem>>, vector<2000x128xf32>
    tpu.vector_store %arg15[%swap3A_96, %swap3A_97], %div3A_26 {strides = array<i32>} : memref<2000x128xf32, #tpu.memory_space<vmem>>, vector<2000x128xf32>,
    return
  }
  func.func @transform_0(%arg0: i32) -> (i32, i32) {
    %c0_i32 = arith.constant 0 : i32
    %c0_i32_0 = arith.constant 0 : i32
    return %arg0, %c0_i32 : i32, i32
  }
  func.func @transform_1(%arg0: i32) -> (i32, i32) {
    %c0_i32 = arith.constant 0 : i32
    %c0_i32_0 = arith.constant 0 : i32
    return %arg0, %c0_i32 : i32, i32
  }
  func.func @transform_2(%arg0: i32) -> (i32, i32) {
    %c0_i32 = arith.constant 0 : i32
    %c0_i32_0 = arith.constant 0 : i32
    return %arg0, %c0_i32 : i32, i32
  }
  func.func @transform_3(%arg0: i32) -> (i32, i32) {
    %c0_i32 = arith.constant 0 : i32
    %c0_i32_0 = arith.constant 0 : i32
    return %arg0, %c0_i32 : i32, i32
  }
  func.func @transform_4(%arg0: i32) -> (i32, i32) {
    %c0_i32 = arith.constant 0 : i32
    %c0_i32_0 = arith.constant 0 : i32
    %c0_i32_1 = arith.constant 0 : i32
    return %c0_i32, %c0_i32_0 : i32, i32
  }
  func.func @transform_5(%arg0: i32) -> (i32, i32) {
    %c0_i32 = arith.constant 0 : i32
    %c0_i32_0 = arith.constant 0 : i32
    %c0_i32_1 = arith.constant 0 : i32
    return %c0_i32, %c0_i32_0 : i32, i32
  }
  func.func @transform_6(%arg0: i32) -> (i32, i32) {
    %c0_i32 = arith.constant 0 : i32
    %c0_i32_0 = arith.constant 0 : i32
    %c0_i32_1 = arith.constant 0 : i32
    return %c0_i32, %c0_i32_0 : i32, i32
  }
  func.func @transform_7(%arg0: i32) -> (i32, i32) {
    %c0_i32 = arith.constant 0 : i32
    %c0_i32_0 = arith.constant 0 : i32
    %c0_i32_1 = arith.constant 0 : i32
    return %c0_i32, %c0_i32_0 : i32, i32
  }
  func.func @transform_8(%arg0: i32) -> (i32, i32) {
    %c0_i32 = arith.constant 0 : i32
    %c0_i32_0 = arith.constant 0 : i32
    %c0_i32_1 = arith.constant 0 : i32
    return %c0_i32, %c0_i32_0 : i32, i32
  }
  func.func @transform_9(%arg0: i32) -> (i32, i32) {
    %c0_i32 = arith.constant 0 : i32
    %c0_i32_0 = arith.constant 0 : i32
    %c0_i32_1 = arith.constant 0 : i32
    return %c0_i32, %c0_i32_0 : i32, i32
  }
  func.func @transform_10(%arg0: i32) -> (i32, i32) {
    %c0_i32 = arith.constant 0 : i32
    %c0_i32_0 = arith.constant 0 : i32
    %c0_i32_1 = arith.constant 0 : i32
    return %c0_i32, %c0_i32_0 : i32, i32
  }
  func.func @transform_11(%arg0: i32) -> (i32, i32) {
    %c0_i32 = arith.constant 0 : i32
    %c0_i32_0 = arith.constant 0 : i32
    %c0_i32_1 = arith.constant 0 : i32
    return %c0_i32, %c0_i32_0 : i32, i32
  }
  func.func @transform_12(%arg0: i32) -> (i32, i32) {
    %c0_i32 = arith.constant 0 : i32
    %c0_i32_0 = arith.constant 0 : i32
    return %arg0, %c0_i32 : i32, i32
  }
  func.func @transform_13(%arg0: i32) -> (i32, i32) {
    %c0_i32 = arith.constant 0 : i32
    %c0_i32_0 = arith.constant 0 : i32
    return %arg0, %c0_i32 : i32, i32
  }
  func.func @transform_14(%arg0: i32) -> (i32, i32) {
    %c0_i32 = arith.constant 0 : i32
    %c0_i32_0 = arith.constant 0 : i32
    return %arg0, %c0_i32 : i32, i32
  }
}

module attributes {stable_mosaic.version = 14 : i64} {
  func.func @_update_we_body(%arg0: i32, %arg1: memref<8000x128xf32, #tpu.memory_space<vmem>>, %arg2: memref<8000x128xf32, #tpu.memory_space<vmem>>, %arg3: memref<128x128xf32, #tpu.memory_space<vmem>>, %arg4: memref<1x128xf32, #tpu.memory_space<vmem>>, %arg5: memref<128x128xf32, #tpu.memory_space<vmem>>, %arg6: memref<1x128xf32, #tpu.memory_space<vmem>>, %arg7: memref<128x1xf32, #tpu.memory_space<vmem>>, %arg8: memref<1x1xf32, #tpu.memory_space<vmem>>, %arg9: memref<8000x1xf32, #tpu.memory_space<vmem>>) attributes {dimension_semantics = [#tpu.dimension_semantics<arbitrary>], iteration_bounds = array<i64: 20>, scalar_prefetch = 0 : i64, scratch_operands = 0 : i64, tpu.core_type = #tpu.core_type<tc>, window_params = [{transform_indices = @transform_0, window_bounds = array<i64: 8000, 128>}, {transform_indices = @transform_1, window_bounds = array<i64: 8000, 128>}, {pipeline_mode = #tpu.pipeline_mode<synchronous>, transform_indices = @transform_2, window_bounds = array<i64: 128, 128>}, {pipeline_mode = #tpu.pipeline_mode<synchronous>, transform_indices = @transform_3, window_bounds = array<i64: 1, 128>}, {pipeline_mode = #tpu.pipeline_mode<synchronous>, transform_indices = @transform_4, window_bounds = array<i64: 128, 128>}, {pipeline_mode = #tpu.pipeline_mode<synchronous>, transform_indices = @transform_5, window_bounds = array<i64: 1, 128>}, {pipeline_mode = #tpu.pipeline_mode<synchronous>, transform_indices = @transform_6, window_bounds = array<i64: 128, 1>}, {pipeline_mode = #tpu.pipeline_mode<synchronous>, transform_indices = @transform_7, window_bounds = array<i64: 1, 1>}, {transform_indices = @transform_8, window_bounds = array<i64: 8000, 1>}]} {
    %get3A = arith.constant 0 : index
    %get3A_0 = arith.constant 0 : index
    %get3A_1 = vector.load %arg1[%get3A, %get3A_0] : memref<8000x128xf32, #tpu.memory_space<vmem>>, vector<8000x128xf32>
    %get3A_2 = arith.constant 0 : index
    %get3A_3 = arith.constant 0 : index
    %get3A_4 = vector.load %arg2[%get3A_2, %get3A_3] : memref<8000x128xf32, #tpu.memory_space<vmem>>, vector<8000x128xf32>
    %get3A_5 = arith.constant 0 : index
    %get3A_6 = arith.constant 0 : index
    %get3A_7 = vector.load %arg3[%get3A_5, %get3A_6] : memref<128x128xf32, #tpu.memory_space<vmem>>, vector<128x128xf32>
    %dot_general3A = arith.constant dense<0.000000e+00> : vector<8000x128xf32>
    %dot_general3A_8 = tpu.matmul %get3A_4, %get3A_7, %dot_general3A {dimension_numbers = #tpu.dot_dimension_numbers<[1], [0], [0], [1], [0, 0, 1, 1], [], []>, transpose_lhs_hint = false} : vector<8000x128xf32>, vector<128x128xf32>, vector<8000x128xf32> -> vector<8000x128xf32>
    %add3A = arith.addf %get3A_1, %dot_general3A_8 : vector<8000x128xf32>
    %get3A_9 = arith.constant 0 : index
    %get3A_10 = arith.constant 0 : index
    %get3A_11 = vector.load %arg4[%get3A_9, %get3A_10] : memref<1x128xf32, #tpu.memory_space<vmem>>, vector<1x128xf32>
    %add3A_12 = vector.broadcast %get3A_11 : vector<1x128xf32> to vector<8000x128xf32>
    %add3A_13 = arith.addf %add3A, %add3A_12 : vector<8000x128xf32>
    %max3A = arith.constant 0.000000e+00 : f32
    %max3A_14 = vector.broadcast %max3A : f32 to vector<8000x128xf32>
    %max3A_15 = arith.maximumf %add3A_13, %max3A_14 : vector<8000x128xf32>
    %get3A_16 = arith.constant 0 : index
    %get3A_17 = arith.constant 0 : index
    %get3A_18 = vector.load %arg5[%get3A_16, %get3A_17] : memref<128x128xf32, #tpu.memory_space<vmem>>, vector<128x128xf32>
    %dot_general3A_19 = arith.constant dense<0.000000e+00> : vector<8000x128xf32>
    %dot_general3A_20 = tpu.matmul %max3A_15, %get3A_18, %dot_general3A_19 {dimension_numbers = #tpu.dot_dimension_numbers<[1], [0], [0], [1], [0, 0, 1, 1], [], []>, transpose_lhs_hint = false} : vector<8000x128xf32>, vector<128x128xf32>, vector<8000x128xf32> -> vector<8000x128xf32>
    %get3A_21 = arith.constant 0 : index
    %get3A_22 = arith.constant 0 : index
    %get3A_23 = vector.load %arg6[%get3A_21, %get3A_22] : memref<1x128xf32, #tpu.memory_space<vmem>>, vector<1x128xf32>
    %add3A_24 = vector.broadcast %get3A_23 : vector<1x128xf32> to vector<8000x128xf32>
    %add3A_25 = arith.addf %dot_general3A_20, %add3A_24 : vector<8000x128xf32>
    %get3A_26 = arith.constant 0 : index
    %get3A_27 = arith.constant 0 : index
    %get3A_28 = vector.load %arg7[%get3A_26, %get3A_27] : memref<128x1xf32, #tpu.memory_space<vmem>>, vector<128x1xf32>
    %dot_general3A_29 = arith.constant dense<0.000000e+00> : vector<8000x1xf32>
    %dot_general3A_30 = tpu.matmul %add3A_25, %get3A_28, %dot_general3A_29 {dimension_numbers = #tpu.dot_dimension_numbers<[1], [0], [0], [1], [0, 0, 1, 1], [], []>, transpose_lhs_hint = false} : vector<8000x128xf32>, vector<128x1xf32>, vector<8000x1xf32> -> vector<8000x1xf32>
    %get3A_31 = arith.constant 0 : index
    %get3A_32 = arith.constant 0 : index
    %get3A_33 = vector.load %arg8[%get3A_31, %get3A_32] : memref<1x1xf32, #tpu.memory_space<vmem>>, vector<1x1xf32>
    %add3A_34 = vector.broadcast %get3A_33 : vector<1x1xf32> to vector<8000x1xf32>
    %add3A_35 = arith.addf %dot_general3A_30, %add3A_34 : vector<8000x1xf32>
    %logistic3A = arith.negf %add3A_35 : vector<8000x1xf32>
    %logistic3A_36 = math.exp %logistic3A : vector<8000x1xf32>
    %logistic3A_37 = arith.constant 1.000000e+00 : f32
    %logistic3A_38 = vector.broadcast %logistic3A_37 : f32 to vector<8000x1xf32>
    %logistic3A_39 = arith.addf %logistic3A_38, %logistic3A_36 : vector<8000x1xf32>
    %logistic3A_40 = arith.divf %logistic3A_38, %logistic3A_39 : vector<8000x1xf32>
    %swap3A = arith.constant 0 : index
    %swap3A_41 = arith.constant 0 : index
    %swap3A_42 = vector.load %arg9[%swap3A, %swap3A_41] : memref<8000x1xf32, #tpu.memory_space<vmem>>, vector<8000x1xf32>
    tpu.vector_store %arg9[%swap3A, %swap3A_41], %logistic3A_40 {strides = array<i32>} : memref<8000x1xf32, #tpu.memory_space<vmem>>, vector<8000x1xf32>,
    return
  }
  func.func @transform_0(%arg0: i32) -> (i32, i32) {
    %c0_i32 = arith.constant 0 : i32
    %c0_i32_0 = arith.constant 0 : i32
    return %arg0, %c0_i32 : i32, i32
  }
  func.func @transform_1(%arg0: i32) -> (i32, i32) {
    %c0_i32 = arith.constant 0 : i32
    %c0_i32_0 = arith.constant 0 : i32
    return %arg0, %c0_i32 : i32, i32
  }
  func.func @transform_2(%arg0: i32) -> (i32, i32) {
    %c0_i32 = arith.constant 0 : i32
    %c0_i32_0 = arith.constant 0 : i32
    %c0_i32_1 = arith.constant 0 : i32
    return %c0_i32, %c0_i32_0 : i32, i32
  }
  func.func @transform_3(%arg0: i32) -> (i32, i32) {
    %c0_i32 = arith.constant 0 : i32
    %c0_i32_0 = arith.constant 0 : i32
    %c0_i32_1 = arith.constant 0 : i32
    return %c0_i32, %c0_i32_0 : i32, i32
  }
  func.func @transform_4(%arg0: i32) -> (i32, i32) {
    %c0_i32 = arith.constant 0 : i32
    %c0_i32_0 = arith.constant 0 : i32
    %c0_i32_1 = arith.constant 0 : i32
    return %c0_i32, %c0_i32_0 : i32, i32
  }
  func.func @transform_5(%arg0: i32) -> (i32, i32) {
    %c0_i32 = arith.constant 0 : i32
    %c0_i32_0 = arith.constant 0 : i32
    %c0_i32_1 = arith.constant 0 : i32
    return %c0_i32, %c0_i32_0 : i32, i32
  }
  func.func @transform_6(%arg0: i32) -> (i32, i32) {
    %c0_i32 = arith.constant 0 : i32
    %c0_i32_0 = arith.constant 0 : i32
    %c0_i32_1 = arith.constant 0 : i32
    return %c0_i32, %c0_i32_0 : i32, i32
  }
  func.func @transform_7(%arg0: i32) -> (i32, i32) {
    %c0_i32 = arith.constant 0 : i32
    %c0_i32_0 = arith.constant 0 : i32
    %c0_i32_1 = arith.constant 0 : i32
    return %c0_i32, %c0_i32_0 : i32, i32
  }
  func.func @transform_8(%arg0: i32) -> (i32, i32) {
    %c0_i32 = arith.constant 0 : i32
    %c0_i32_0 = arith.constant 0 : i32
    return %arg0, %c0_i32 : i32, i32
  }
}

module attributes {stable_mosaic.version = 14 : i64} {
  func.func @_final_body(%arg0: memref<256x128xf32, #tpu.memory_space<vmem>>, %arg1: memref<10000x128xf32, #tpu.memory_space<vmem>>, %arg2: memref<128x1xi32, #tpu.memory_space<vmem>>, %arg3: memref<128x1xi32, #tpu.memory_space<vmem>>, %arg4: memref<384x128xf32, #tpu.memory_space<vmem>>, %arg5: memref<1x128xf32, #tpu.memory_space<vmem>>, %arg6: memref<128x1xf32, #tpu.memory_space<vmem>>, %arg7: memref<1x1xf32, #tpu.memory_space<vmem>>, %arg8: memref<1x384xf32, #tpu.memory_space<vmem>>) attributes {dimension_semantics = [], scalar_prefetch = 0 : i64, scratch_operands = 0 : i64, tpu.core_type = #tpu.core_type<tc>} {
    %get3A = arith.constant 0 : index
    %get3A_0 = arith.constant 0 : index
    %get3A_1 = vector.load %arg1[%get3A, %get3A_0] : memref<10000x128xf32, #tpu.memory_space<vmem>>, vector<10000x128xf32>
    %get3A_2 = arith.constant 0 : index
    %get3A_3 = arith.constant 0 : index
    %get3A_4 = vector.load %arg0[%get3A_2, %get3A_3] : memref<256x128xf32, #tpu.memory_space<vmem>>, vector<256x128xf32>
    %slice3A = vector.extract_strided_slice %get3A_4 {offsets = [0, 0], sizes = [128, 128], strides = [1, 1]} : vector<256x128xf32> to vector<128x128xf32>
    %slice3A_5 = vector.extract_strided_slice %get3A_4 {offsets = [128, 0], sizes = [128, 128], strides = [1, 1]} : vector<256x128xf32> to vector<128x128xf32>
    %max3A = arith.maximumf %slice3A, %slice3A_5 : vector<128x128xf32>
    %is_finite3A = tpu.weird %max3A : vector<128x128xf32> -> vector<128x128xi1>
    %is_finite3A_6 = arith.constant dense<true> : vector<128x128xi1>
    %is_finite3A_7 = arith.xori %is_finite3A, %is_finite3A_6 : vector<128x128xi1>
    %jit3A = arith.constant 0.000000e+00 : f32
    %broadcast_in_dim3A = vector.broadcast %jit3A : f32 to vector<128x128xf32>
    %select_n3A = arith.select %is_finite3A_7, %max3A, %broadcast_in_dim3A : vector<128x128xi1>, vector<128x128xf32>
    %iota3A = tpu.iota {dimensions = array<i32: 1>} : vector<128x10000xi32>
    %get3A_8 = arith.constant 0 : index
    %get3A_9 = arith.constant 0 : index
    %get3A_10 = vector.load %arg2[%get3A_8, %get3A_9] : memref<128x1xi32, #tpu.memory_space<vmem>>, vector<128x1xi32>
    %eq3A = vector.broadcast %get3A_10 : vector<128x1xi32> to vector<128x10000xi32>
    %eq3A_11 = arith.cmpi eq, %iota3A, %eq3A : vector<128x10000xi32>
    %convert_element_type3A = arith.extui %eq3A_11 : vector<128x10000xi1> to vector<128x10000xi32>
    %convert_element_type3A_12 = arith.sitofp %convert_element_type3A : vector<128x10000xi32> to vector<128x10000xf32>
    %get3A_13 = arith.constant 0 : index
    %get3A_14 = arith.constant 0 : index
    %get3A_15 = vector.load %arg3[%get3A_13, %get3A_14] : memref<128x1xi32, #tpu.memory_space<vmem>>, vector<128x1xi32>
    %eq3A_16 = vector.broadcast %get3A_15 : vector<128x1xi32> to vector<128x10000xi32>
    %eq3A_17 = arith.cmpi eq, %iota3A, %eq3A_16 : vector<128x10000xi32>
    %convert_element_type3A_18 = arith.extui %eq3A_17 : vector<128x10000xi1> to vector<128x10000xi32>
    %convert_element_type3A_19 = arith.sitofp %convert_element_type3A_18 : vector<128x10000xi32> to vector<128x10000xf32>
    %dot_general3A = arith.constant dense<0.000000e+00> : vector<128x128xf32>
    %dot_general3A_20 = tpu.matmul %convert_element_type3A_12, %get3A_1, %dot_general3A {dimension_numbers = #tpu.dot_dimension_numbers<[1], [0], [0], [1], [0, 0, 1, 1], [], []>, transpose_lhs_hint = false} : vector<128x10000xf32>, vector<10000x128xf32>, vector<128x128xf32> -> vector<128x128xf32>
    %dot_general3A_21 = arith.constant dense<0.000000e+00> : vector<128x128xf32>
    %dot_general3A_22 = tpu.matmul %convert_element_type3A_19, %get3A_1, %dot_general3A_21 {dimension_numbers = #tpu.dot_dimension_numbers<[1], [0], [0], [1], [0, 0, 1, 1], [], []>, transpose_lhs_hint = false} : vector<128x10000xf32>, vector<10000x128xf32>, vector<128x128xf32> -> vector<128x128xf32>
    %concatenate3A = tpu.concatenate %select_n3A, %dot_general3A_20, %dot_general3A_22 in 1 : vector<128x128xf32>, vector<128x128xf32>, vector<128x128xf32> -> vector<128x384xf32>
    %get3A_23 = arith.constant 0 : index
    %get3A_24 = arith.constant 0 : index
    %get3A_25 = vector.load %arg4[%get3A_23, %get3A_24] : memref<384x128xf32, #tpu.memory_space<vmem>>, vector<384x128xf32>
    %dot_general3A_26 = arith.constant dense<0.000000e+00> : vector<128x128xf32>
    %dot_general3A_27 = tpu.matmul %concatenate3A, %get3A_25, %dot_general3A_26 {dimension_numbers = #tpu.dot_dimension_numbers<[1], [0], [0], [1], [0, 0, 1, 1], [], []>, transpose_lhs_hint = false} : vector<128x384xf32>, vector<384x128xf32>, vector<128x128xf32> -> vector<128x128xf32>
    %get3A_28 = arith.constant 0 : index
    %get3A_29 = arith.constant 0 : index
    %get3A_30 = vector.load %arg5[%get3A_28, %get3A_29] : memref<1x128xf32, #tpu.memory_space<vmem>>, vector<1x128xf32>
    %add3A = vector.broadcast %get3A_30 : vector<1x128xf32> to vector<128x128xf32>
    %add3A_31 = arith.addf %dot_general3A_27, %add3A : vector<128x128xf32>
    %max3A_32 = arith.constant 0.000000e+00 : f32
    %max3A_33 = vector.broadcast %max3A_32 : f32 to vector<128x128xf32>
    %max3A_34 = arith.maximumf %add3A_31, %max3A_33 : vector<128x128xf32>
    %get3A_35 = arith.constant 0 : index
    %get3A_36 = arith.constant 0 : index
    %get3A_37 = vector.load %arg6[%get3A_35, %get3A_36] : memref<128x1xf32, #tpu.memory_space<vmem>>, vector<128x1xf32>
    %dot_general3A_38 = arith.constant dense<0.000000e+00> : vector<128x1xf32>
    %dot_general3A_39 = tpu.matmul %max3A_34, %get3A_37, %dot_general3A_38 {dimension_numbers = #tpu.dot_dimension_numbers<[1], [0], [0], [1], [0, 0, 1, 1], [], []>, transpose_lhs_hint = false} : vector<128x128xf32>, vector<128x1xf32>, vector<128x1xf32> -> vector<128x1xf32>
    %get3A_40 = arith.constant 0 : index
    %get3A_41 = arith.constant 0 : index
    %get3A_42 = vector.load %arg7[%get3A_40, %get3A_41] : memref<1x1xf32, #tpu.memory_space<vmem>>, vector<1x1xf32>
    %add3A_43 = vector.broadcast %get3A_42 : vector<1x1xf32> to vector<128x1xf32>
    %add3A_44 = arith.addf %dot_general3A_39, %add3A_43 : vector<128x1xf32>
    %reduce_max3A = arith.constant dense<0xFF800000> : vector<1xf32>
    %reduce_max3A_45 = vector.multi_reduction <maximumf>, %add3A_44, %reduce_max3A [0] : vector<128x1xf32> to vector<1xf32>
    %max3A_46 = arith.constant 0xFF800000 : f32
    %max3A_47 = vector.broadcast %max3A_46 : f32 to vector<1xf32>
    %max3A_48 = arith.maximumf %max3A_47, %reduce_max3A_45 : vector<1xf32>
    %broadcast_in_dim3A_49 = vector.shape_cast %max3A_48 : vector<1xf32> to vector<1x1xf32>
    %sub3A = vector.broadcast %broadcast_in_dim3A_49 : vector<1x1xf32> to vector<128x1xf32>
    %sub3A_50 = arith.subf %add3A_44, %sub3A : vector<128x1xf32>
    %exp3A = math.exp %sub3A_50 : vector<128x1xf32>
    %reduce_sum3A = arith.constant dense<0.000000e+00> : vector<1xf32>
    %reduce_sum3A_51 = vector.multi_reduction <add>, %exp3A, %reduce_sum3A [0] : vector<128x1xf32> to vector<1xf32>
    %broadcast_in_dim3A_52 = vector.shape_cast %reduce_sum3A_51 : vector<1xf32> to vector<1x1xf32>
    %div3A = vector.broadcast %broadcast_in_dim3A_52 : vector<1x1xf32> to vector<128x1xf32>
    %div3A_53 = arith.divf %exp3A, %div3A : vector<128x1xf32>
    %mul3A = vector.broadcast %div3A_53 : vector<128x1xf32> to vector<128x384xf32>
    %mul3A_54 = arith.mulf %mul3A, %concatenate3A : vector<128x384xf32>
    %reduce_sum3A_55 = arith.constant dense<0.000000e+00> : vector<384xf32>
    %reduce_sum3A_56 = vector.multi_reduction <add>, %mul3A_54, %reduce_sum3A_55 [0] : vector<128x384xf32> to vector<384xf32>
    %broadcast_in_dim3A_57 = vector.shape_cast %reduce_sum3A_56 : vector<384xf32> to vector<1x384xf32>
    %swap3A = arith.constant 0 : index
    %swap3A_58 = arith.constant 0 : index
    %swap3A_59 = vector.load %arg8[%swap3A, %swap3A_58] : memref<1x384xf32, #tpu.memory_space<vmem>>, vector<1x384xf32>
    tpu.vector_store %arg8[%swap3A, %swap3A_58], %broadcast_in_dim3A_57 {strides = array<i32>} : memref<1x384xf32, #tpu.memory_space<vmem>>, vector<1x384xf32>,
    return
  }
}

</mosaic_0001>

<sc_bundles>
// kernel: kernel.15.cloned.1.call-start
scs
__scs_entry_jumppad:
0x0: {  	(pc) =	sbr.rel $0x88, $3  }
0x1: {  	(tag) =	ssettag $0x0;
	lr =	simm.s32 $0x1  }
0x2: {  	[smem:$0x3F8C] =	sst lr;
	_ =	strace $0xD0000000  }
0x3: {  	_ = 	snop  }
0x4: {  	_ = 	snop  }
0x5: {  	_ = 	snop  }
0x6: {  	_ = 	snop  }
0x7: {  	_ = 	snop  }
__scs_overlays_trampoline_lowered:
0x8: {  	[smem:$0x3F9B] =	sst s0  }
0x9: {  	[smem:$0x3F9C] =	sst s1  }
0xa: {  	[smem:$0x3F9D] =	sst s2  }
0xb: {  	[smem:$0x3F9E] =	sst s3  }
0xc: {  	[smem:$0x3F9F] =	sst s4  }
0xd: {  	[smem:$0x3FA0] =	sst s5  }
0xe: {  	[smem:$0x3FA1] =	sst s6  }
0xf: {  	[smem:$0x3FA2] =	sst s7  }
0x10: {  	[smem:$0x3FA3] =	sst s8  }
0x11: {  	[smem:$0x3FA4] =	sst s9;
	s0 =	simm.s32 @!p0 $0x0  }
0x12: {  	s1 =	sld [smem:$0x3F8A];
	s0 =	simm.s32 @p0 $0x1  }
0x13: {  	[smem:$0x3FA5] =	sst s0;
	s0 =	simm.s32 @!p1 $0x0  }
0x14: {  	s2 =	sld [smem:$0x3F89];
	s0 =	simm.s32 @p1 $0x1  }
0x15: {  	[smem:$0x3FA6] =	sst s0;
	s0 =	simm.s32 @!p2 $0x0  }
0x16: {  	s3 =	sld [smem:$0x3FDB];
	s0 =	simm.s32 @p2 $0x1  }
0x17: {  	s4 =	simm.s32 $0x1BF5;
	[smem:$0x3FA8] =	sst s0  }
0x18: {  	s0 =	sld [smem:$0x3F8B];
	_ =	swait.ge [sflag:s4], $0x0  }
0x19: {  	s7 =	sld [smem:$0x3F8C]  }
0x1a: {  	s8 =	sadd.s32 $0xFFFFE003, lr  }
0x1b: {  	s9 =	sadd.s32 $0xFFFFFEF7, lr;
	s5 =	simm.s32 $0xFFFFFFFF;
	p2 =	slt.u32 s8, $0xFFFFF086  }
0x1c: {  	p1 =	slt.u32 s9, $0xF7A;
	s5 =	simm.s32 @!p2 $0x0  }
0x1d: {  	s5 =	simm.s32 @p1 $0x1;
	p0 =	seq.s32 s7, s2  }
0x1e: {  	s7 =	smul.u32 @!p0 $0xF7A, s2;
	p2 =	seq.s32 @!p0 s5, $0x0  }
0x1f: {  	s9 =	smul.u32 $0xF7A, s1;
	s8 =	simm.s32 @!p0 $0x1BF5;
	p2 =	por !p2, p0  }
0x20: {  	[sflag:s8] =	ssyncset.s32 @!p0 $0xFFFFF086;
	s6 =	sadd.s32 @!p0 s3, s7;
	s7 =	simm.s32 @!p0 $0x108  }
0x21: {  	s3 =	sadd.s32 s3, s9;
	s6 =	sadd.s32 @!p0 $0x88, s6;
	s7 =	simm.s32 @p2 $0x1082  }
0x22: {  	[simem:s7], [sflag:s8] =	dma.local @!p0 [hbm:s6], $0xF7A  }
0x23: {  	s9 =	sor.u32 $0xD0000000, s2;
	s6 =	simm.s32 $0x108;
	_ =	swait.ge @!p0 [sflag:s8], $0x0  }
0x24: {  	s3 =	sadd.s32 $0x88, s3;
	s6 =	simm.s32 @!p1 $0x1082;
	[sflag:s4] =	ssyncset.s32 $0xFFFFF086  }
0x25: {  	[simem:s6], [sflag:s4] =	dma.local [hbm:s3], $0xF7A  }
0x26: {  	[smem:$0x3F8C] =	sst s1;
	(tag) =	ssettag s2;
	_ =	strace s9  }
0x27: {  	s1 =	sld [smem:$0x3F9C]  }
0x28: {  	s2 =	sld [smem:$0x3F9D]  }
0x29: {  	s4 =	sld [smem:$0x3F9F]  }
0x2a: {  	p0 =	seq.s32 s5, $0x0;
	s5 =	sld [smem:$0x3FA0]  }
0x2b: {  	s6 =	sld [smem:$0x3FA1]  }
0x2c: {  	s7 =	sld [smem:$0x3FA2]  }
0x2d: {  	s3 =	simm.s32 $0x108;
	s8 =	sld [smem:$0x3FA3]  }
0x2e: {  	s3 =	simm.s32 @!p0 $0x1082;
	s9 =	sld [smem:$0x3FA4]  }
0x2f: {  	lr =	sadd.s32 s0, s3;
	s0 =	sld [smem:$0x3F9B]  }
0x30: {  	s3 =	sld [smem:$0x3F9E]  }
0x31: {  	[smem:$0x3FA7] =	sst s10  }
0x32: {  	s10 =	sld [smem:$0x3FA5];
	_ =	sdelay $0x3  }
0x33: {  	p0 =	seq.s32 s10, $0x1;
	s10 =	sld [smem:$0x3FA7];
	_ =	sdelay $0x3  }
0x34: {  	[smem:$0x3FA7] =	sst s10  }
0x35: {  	s10 =	sld [smem:$0x3FA6];
	_ =	sdelay $0x3  }
0x36: {  	p1 =	seq.s32 s10, $0x1;
	s10 =	sld [smem:$0x3FA7];
	_ =	sdelay $0x3  }
0x37: {  	[smem:$0x3FA7] =	sst s10  }
0x38: {  	s10 =	sld [smem:$0x3FA8]  }
0x39: {  	_ = 	snop;
	(pc) =	sbr.ind lr, $3  }
0x3a: {  	_ = 	snop  }
0x3b: {  	_ = 	snop  }
0x3c: {  	p2 =	seq.s32 s10, $0x1;
	s10 =	sld [smem:$0x3FA7]  }
0x3d: {  	_ =	shalt  }
0x3e: {  	_ =	shalt  }
0x3f: {  	_ =	shalt  }
0x40: {  	_ =	shalt  }
0x41: {  	_ =	shalt  }
0x42: {  	_ =	shalt  }
0x43: {  	_ =	shalt  }
0x44: {  	_ =	shalt  }
0x45: {  	_ =	shalt  }
0x46: {  	_ =	shalt  }
0x47: {  	_ =	shalt  }
0x48: {  	_ =	shalt  }
0x49: {  	_ =	shalt  }
0x4a: {  	_ =	shalt  }
0x4b: {  	_ =	shalt  }
0x4c: {  	_ =	shalt  }
0x4d: {  	_ =	shalt  }
0x4e: {  	_ =	shalt  }
0x4f: {  	_ =	shalt  }
0x50: {  	_ =	shalt  }
0x51: {  	_ =	shalt  }
0x52: {  	_ =	shalt  }
0x53: {  	_ =	shalt  }
0x54: {  	_ =	shalt  }
0x55: {  	_ =	shalt  }
0x56: {  	_ =	shalt  }
0x57: {  	_ =	shalt  }
0x58: {  	_ =	shalt  }
0x59: {  	_ =	shalt  }
0x5a: {  	_ =	shalt  }
0x5b: {  	_ =	shalt  }
0x5c: {  	_ =	shalt  }
0x5d: {  	_ =	shalt  }
0x5e: {  	_ =	shalt  }
0x5f: {  	_ =	shalt  }
0x60: {  	_ =	shalt  }
0x61: {  	_ =	shalt  }
0x62: {  	_ =	shalt  }
0x63: {  	_ =	shalt  }
0x64: {  	_ =	shalt  }
0x65: {  	_ =	shalt  }
0x66: {  	_ =	shalt  }
0x67: {  	_ =	shalt  }
0x68: {  	_ =	shalt  }
0x69: {  	_ =	shalt  }
0x6a: {  	_ =	shalt  }
0x6b: {  	_ =	shalt  }
0x6c: {  	_ =	shalt  }
0x6d: {  	_ =	shalt  }
0x6e: {  	_ =	shalt  }
0x6f: {  	_ =	shalt  }
0x70: {  	_ =	shalt  }
0x71: {  	_ =	shalt  }
0x72: {  	_ =	shalt  }
0x73: {  	_ =	shalt  }
0x74: {  	_ =	shalt  }
0x75: {  	_ =	shalt  }
0x76: {  	_ =	shalt  }
0x77: {  	_ =	shalt  }
0x78: {  	_ =	shalt  }
0x79: {  	_ =	shalt  }
0x7a: {  	_ =	shalt  }
0x7b: {  	_ =	shalt  }
0x7c: {  	_ =	shalt  }
0x7d: {  	_ =	shalt  }
0x7e: {  	_ =	shalt  }
0x7f: {  	_ =	shalt  }
0x80: {  	_ =	shalt  }
0x81: {  	_ =	shalt  }
0x82: {  	_ =	shalt  }
0x83: {  	_ =	shalt  }
0x84: {  	_ =	shalt  }
0x85: {  	_ =	shalt  }
0x86: {  	_ =	shalt  }
0x87: {  	_ =	shalt  }
.Lfunc_end0:
.L_simem_size_0:
called_computation_lowered:
.L_overlay_start_0:
0x88: {  	s2 =	sld [smem:$0x3FD9]  }
0x89: {  	s3 =	sld [smem:$0x3FFE];
	_ =	sdelay $0x1  }
0x8a: {  	s1 =	srdreg.scid  }
0x8b: {  	s0 =	sand.u32 $0x1, s1  }
0x8c: {  	s14 =	sshll.u32 s0, $0xA;
	s2 =	sadd.s32 s3, s2  }
0x8d: {  	s2 =	sadd.s32 s2, s14  }
0x8e: {  	[smem:$0x3FB3] =	sst s2  }
0x8f: {  	_ = 	snop  }
0x90: {  	s2 =	sld [smem:$0x3FD0];
	_ =	sdelay $0x2  }
0x91: {  	s15 =	simm.s32 $0xB;
	s4 =	simm.s32 $0x10  }
0x92: {  	[smem:s4], [sflag:s15] =	dma.local [hbm:s2], $0x1  }
0x93: {  	_ =	swait.eq [sflag:s15], $0x1  }
0x94: {  	[sflag:s15] =	ssyncset.done $0x0  }
0x95: {  	[sflag:s15] =	ssyncadd.s32 $0xFFFFFFFF  }
0x96: {  	s16 =	sld [smem:$0x10];
	(tm) =	ssettm $0x1  }
0x97: {  	s17 =	sld [smem:$0x3FFB];
	_ =	sdelay $0x3  }
0x98: {  	_ =	strace s17  }
0x99: {  	s3 =	sld [smem:$0x3FFC];
	_ =	sdelay $0x3  }
0x9a: {  	_ =	strace s3  }
0x9b: {  	s3 =	sld [smem:$0x3FFD];
	_ =	sdelay $0x3  }
0x9c: {  	_ =	strace s3  }
0x9d: {  	_ =	strace $0x8FFFFFFF  }
0x9e: {  	s18 =	sld [smem:$0x3FDB];
	_ =	sdelay $0x1  }
0x9f: {  	s19 =	simm.s32 $_scs_section_size  }
0xa0: {  	s5 =	simm.s32 $_size__tile_overlayer_lowered;
	s6 =	simm.s32 $_tile_overlayer_lowered  }
0xa1: {  	s22 =	simm.s32 $0x1BFF;
	s21 =	sshll.u32 s6, $0x1;
	s3 =	sadd.s32 s19, s18  }
0xa2: {  	s7 =	simm.s32 $0x0;
	s20 =	sshll.u32 s5, $0x1;
	s5 =	sadd.s32 s21, s3  }
0xa3: {  	[timem:s7], [sflag:s22] =	dma.local [hbm:s5], s20  }
0xa4: {  	_ =	swait.ge [sflag:s22], s20  }
0xa5: {  	s4 =	ssub.s32 $0x0, s20;
	[sflag:s22] =	ssyncset.done $0x0  }
0xa6: {  	[sflag:s22] =	ssyncadd.s32 s4;
	_ =	sdelay $0x1  }
0xa7: {  	s23 =	simm.s32 $0x1B8B  }
0xa8: {  	_ =	swait.ge [sflag:s23], $0x1  }
0xa9: {  	[sflag:s23] =	ssyncset.done $0x0  }
0xaa: {  	s25 =	simm.s32 $0x1B8E;
	s24 =	sld [smem:$0x3FFE];
	[sflag:s23] =	ssyncadd.s32 $0xFFFFFFFF  }
0xab: {  	s26 =	simm.s32 $execute0_lowered;
	[smem:$0x3FD2] =	sst s25  }
0xac: {  	s5 =	sshll.u32 s26, $0x1;
	_ =	strace $0x80000046;
	[dreg:$0x1] =	wrdreg $0xFFFFFFFF  }
0xad: {  	s28 =	simm.s32 $_size_execute0_lowered;
	s3 =	sadd.s32 s3, s5;
	[dreg:$0x0] =	wrdreg $0x0  }
0xae: {  	s5 =	sshll.u32 s28, $0x1;
	[dreg:$0x2] =	wrdreg s3  }
0xaf: {  	[dreg:$0x3] =	wrdreg s5  }
0xb0: {  	[dreg:$0x4] =	wrdreg $0xC0  }
0xb1: {  	_ =	task [dreg:s7], $0x5FFFF  }
0xb2: {  	[dreg:$0x1] =	wrdreg $0xFFFFFFFF  }
0xb3: {  	[dreg:$0x0] =	wrdreg $0x60  }
0xb4: {  	[dreg:$0x2] =	wrdreg s24  }
0xb5: {  	[dreg:$0x3] =	wrdreg s16  }
0xb6: {  	[dreg:$0x4] =	wrdreg $0x71800  }
0xb7: {  	[dreg:$0x5] =	wrdreg $0x9  }
0xb8: {  	_ =	task.clear_ibuf [dreg:s7], $0x6FFFF;
	_ =	strace $0x90000046  }
0xb9: {  	s29 =	simm.s32 $0x9;
	_ =	strace $0x80000048  }
0xba: {  	_ =	swait.ge [sflag:s29], $0x1  }
0xbb: {  	[sflag:s29] =	ssyncadd.s32 $0xFFFFFFFF  }
0xbc: {  	_ =	strace $0x90000048  }
0xbd: {  	_ =	sfence  }
0xbe: {  	s30 =	sld [smem:$0x0];
	_ =	sdelay $0x2  }
0xbf: {  	s31 =	sshll.u32 s1, $0xD;
	s1 =	sshrl.u32 s1, $0x2  }
0xc0: {  	s3 =	sand.u32 $0x4000, s31;
	s1 =	sadd.s32 s1, s30  }
0xc1: {  	s0 =	sor.u32 s3, s0;
	s1 =	sshll.u32 s1, $0x11  }
0xc2: {  	s0 =	sor.u32 s1, s0  }
0xc3: {  	s0 =	sadd.s32 $0x8F2B, s0  }
0xc4: {  	[sflag:s0] =	ssyncadd.remote.s32 $0x1  }
0xc5: {  	_ =	sfence.sel $0xFFFF  }
0xc6: {  	[dreg:$0x0] =	wrdreg $0xFFFFFFFF;
	(pc) =	sbr.abs _section_cstart, $3  }
0xc7: {  	[dreg:$0x1] =	wrdreg $0xFFFFFFFF  }
0xc8: {  	_ =	task.clear_ibuf [dreg:s7], $0x2FFFF;
	_ =	strace $0x9FFFFFFF  }
0xc9: {  	(tm) =	ssettm $0x7FFFFFFF  }
tec
execute0_lowered:
.L_overlay_start_1:
0x0: {  	(tag) =	ssettag $0x1  }
0x1: {  	s5 =	rddreg [dreg:$0x0]  }
0x2: {  	s13 =	rddreg [dreg:$0x1];
	s0 =	srdreg.scid  }
0x3: {  	s2 =	rddreg [dreg:$0x2];
	s1 =	stileid.u32  }
0x4: {  	s3 =	simm.s32 $0x0;
	s28 =	simm.s32 $0x400;
	s6 =	smul.u32 $0x14000, s1  }
0x5: {  	s29 =	simm.s32 $0x0;
	s10 =	sand.u32 $0x1, s0;
	s31 =	smul.u32 $0x50000, s1  }
0x6: {  	[smem:$0x7FF] =	sst s3;
	s8 =	sshrl.u32 s1, $0x3;
	s21 =	smul.u32 $0x2710, s1  }
0x7: {  	s11 =	sadd.s32 $0x4EAC00, s5;
	s14 =	sadd.s32 $0xCC00, s5;
	s4 =	smul.u32 $0x140000, s10  }
0x8: {  	s9 =	sshll.u32 s1, $0x7;
	s23 =	sshll.u32 s1, $0x1;
	s7 =	smul.u32 $0x28000, s10  }
0x9: {  	s25 =	sshll.u32 s1, $0x6;
	s8 =	smul.u32 $0x14000, s8;
	s22 =	ssub.s32 $0x2, s10  }
0xa: {  	_ =	strace $0x80000047;
	s26 =	sand.u32 $0x380, s9;
	s24 =	sshrl.u32 s22, $0x1  }
0xb: {  	s6 =	sadd.s32 s6, s4;
	s7 =	sadd.s32 s7, s8;
	s4 =	sadd.s32 $0x11C00, s5  }
0xc: {  	s16 =	ssub.s32 s22, s24;
	s22 =	smul.u32 $0x1388, s10;
	s6 =	sshrl.u32 s6, $0x3  }
0xd: {  	s24 =	smul.u32 $0x13880, s10;
	s7 =	sor.u32 s26, s7;
	s12 =	sadd.s32 s6, s5  }
0xe: {  	s30 =	sshrl.u32 s7, $0x3;
	s6 =	sor.u32 s10, s23;
	s7 =	sshrl.u32 s31, $0x2  }
0xf: {  	s23 =	smul.u32 $0x27100, s1;
	s21 =	sadd.s32 s22, s21;
	s22 =	simm.s32 $0x4900  }
0x10: {  	s0 =	sadd.s32 s30, s5;
	s6 =	smul.u32 $0x1388, s6;
	s15 =	sadd.s32 s7, s2  }
0x11: {  	s5 =	sor.u32 $0x1C01, s25;
	s10 =	sadd.s32 $0x12400, s12;
	s21 =	sshrl.u32 s21, $0x3  }
0x12: {  	s25 =	simm.s32 $0x4100;
	s17 =	sadd.s32 $0x4000, s15;
	s18 =	sadd.s32 $0x8000, s15  }
0x13: {  	s19 =	sadd.s32 $0xC000, s15;
	s20 =	sadd.s32 $0x10000, s15;
	s9 =	sadd.s32 $0x62400, s0  }
0x14: {  	s31 =	sadd.s32 s23, s11;
	s15 =	sshrl.u32 s15, $0x3;
	s23 =	simm.s32 $0x80  }
0x15: {  	s26 =	sadd.s32 $0x1380, s6;
	s12 =	sadd.s32 s24, s31;
	s17 =	sshrl.u32 s17, $0x3  }
0x16: {  	s18 =	sshrl.u32 s18, $0x3;
	s19 =	sshrl.u32 s19, $0x3;
	s20 =	sshrl.u32 s20, $0x3  }
0x17: {  	s24 =	simm.s32 $0x4980;
	s30 =	sshrl.u32 s26, $0x3;
	s7 =	sshll.u32 s26, $0x4  }
0x18: {  	s26 =	simm.s32 $0x10;
	s6 =	sadd.s32 s14, s30;
	s7 =	sadd.s32 s11, s7  }
0x19: {  	s8 =	sadd.s32 s13, s30;
	s11 =	smax.u32 s16, $0x1;
	s13 =	sadd.s32 s21, s13  }
0x1a: {  	v0 =	vimm.f32 $0.0e+00;
	vm0 =	vmmov $0xff;
	s14 =	sadd.s32 s21, s14;
	s16 =	simm.s32 $0x1;
	s21 =	simm.s32 $0x100  }
.LBB2_1:
0x1b: {  	[spmem:s15], [sflag:s5] =	dma.local [hbm:s4], $0x800  }
0x1c: {  	_ =	swait.ge [sflag:s16], $0x800  }
0x1d: {  	[sflag:s16] =	ssyncset.done $0x0  }
0x1e: {  	[sflag:s16] =	ssyncadd.s32 $0xFFFFF800  }
0x1f: {  	[spmem:s17], [sflag:s5] =	dma.local [hbm:s4], $0x800  }
0x20: {  	_ =	swait.ge [sflag:s16], $0x800  }
0x21: {  	[sflag:s16] =	ssyncset.done $0x0  }
0x22: {  	[sflag:s16] =	ssyncadd.s32 $0xFFFFF800  }
0x23: {  	[spmem:s18], [sflag:s5] =	dma.local [hbm:s4], $0x800  }
0x24: {  	_ =	swait.ge [sflag:s16], $0x800  }
0x25: {  	[sflag:s16] =	ssyncset.done $0x0  }
0x26: {  	[sflag:s16] =	ssyncadd.s32 $0xFFFFF800  }
0x27: {  	[spmem:s19], [sflag:s5] =	dma.local [hbm:s4], $0x800  }
0x28: {  	_ =	swait.ge [sflag:s16], $0x800  }
0x29: {  	[sflag:s16] =	ssyncset.done $0x0  }
0x2a: {  	[sflag:s16] =	ssyncadd.s32 $0xFFFFF800  }
0x2b: {  	[spmem:s20], [sflag:s5] =	dma.local [hbm:s4], $0x800  }
0x2c: {  	_ =	swait.ge [sflag:s16], $0x800  }
0x2d: {  	[sflag:s16] =	ssyncset.done $0x0  }
0x2e: {  	s30 =	simm.s32 $0x40;
	s31 =	simm.s32 $0x0;
	[sflag:s16] =	ssyncadd.s32 $0xFFFFF800  }
.LBB2_2:
0x2f: {  	p0 =	sne.s32 s30, $0x9FC0;
	[tilespmem:s31+$0x4980] =	vst v0;
	s31 =	smov.u32 s30;
	s30 =	sadd.s32 $0x40, s30  }
.Ltmp0:
0x30: {  	(pc) =	sbr.rel @p0 .LBB2_2-.Ltmp0, $2  }
0x31: {  	_ =	sdelay $0x2  }
0x32: {  	s31 =	sshra.s32 s31, $0x2  }
0x33: {  	[tilespmem:s31+$0x4980] =	vst v0  }
0x34: {  	s30 =	simm.s32 $0x0;
	s31 =	smov.u32 s12;
	[bflag:$0x0] =	sbarrier.arrive $0xFFFF  }
.LBB2_4:
0x35: {  	s0 =	sadd.s32 s30, s14  }
0x36: {  	[tilespmem:s3], [sflag:$0x1] =	stream.linear.gather [hbm4b:s0+s3], $0x80, $0x38;
	[tilespmem:$0x1B180] =	vst v63  }
0x37: {  	_ =	swait.ge [sflag:s16], $0x80  }
0x38: {  	[sflag:s16] =	ssyncset.done $0x0  }
0x39: {  	[sflag:s16] =	ssyncadd.s32 $0xFFFFFF80  }
0x3a: {  	[tilespmem:s21], [sflag:$0x1] =	stream.linear.gather [hbm4b:s31+s3], $0x4000, $0x38;
	[tilespmem:$0x1B180] =	vst v63  }
0x3b: {  	_ =	swait.ge [sflag:s16], $0x4000  }
0x3c: {  	[sflag:s16] =	ssyncset.done $0x0  }
0x3d: {  	s0 =	sadd.s32 s30, s13;
	[sflag:s16] =	ssyncadd.s32 $0xFFFFC000  }
0x3e: {  	[tilespmem:s22], [sflag:$0x1] =	stream.linear.gather [hbm4b:s0+s3], $0x80, $0x38;
	[tilespmem:$0x1B180] =	vst v63  }
0x3f: {  	_ =	swait.ge [sflag:s16], $0x80  }
0x40: {  	[sflag:s16] =	ssyncset.done $0x0  }
0x41: {  	[sflag:s16] =	ssyncadd.s32 $0xFFFFFF80  }
0x42: {  	[spmem:s2] =	stream.indirect.scatter.add.f32 [tilespmem:s21], [sflag:$0x1], $0x80, s3, s23, $0xb8;
	[tilespmem:$0x1B180] =	vst v63  }
0x43: {  	_ =	swait.ge [sflag:s16], $0x4000  }
0x44: {  	[sflag:s16] =	ssyncset.done $0x0  }
0x45: {  	[sflag:s16] =	ssyncadd.s32 $0xFFFFC000  }
0x46: {  	v1 =	vld [tilespmem:$0x0];
	_ =	sdelay $0x2  }
0x47: {  	v2 =	vld [tilespmem:$0x4900];
	_ =	sdelay $0x4  }
0x48: {  	[tilespmem:v1+s24+$0x0] =	vst.idx.add.f32.msk $0xffff, v2  }
0x49: {  	v1 =	vld [tilespmem:$0x10];
	_ =	sdelay $0x2  }
0x4a: {  	v2 =	vld [tilespmem:$0x4910];
	_ =	sdelay $0x4  }
0x4b: {  	[tilespmem:v1+s24+$0x0] =	vst.idx.add.f32.msk $0xffff, v2  }
0x4c: {  	v1 =	vld [tilespmem:$0x20];
	_ =	sdelay $0x2  }
0x4d: {  	v2 =	vld [tilespmem:$0x4920];
	_ =	sdelay $0x4  }
0x4e: {  	[tilespmem:v1+s24+$0x0] =	vst.idx.add.f32.msk $0xffff, v2  }
0x4f: {  	v1 =	vld [tilespmem:$0x30];
	_ =	sdelay $0x2  }
0x50: {  	v2 =	vld [tilespmem:$0x4930];
	_ =	sdelay $0x4  }
0x51: {  	[tilespmem:v1+s24+$0x0] =	vst.idx.add.f32.msk $0xffff, v2  }
0x52: {  	v1 =	vld [tilespmem:$0x40];
	_ =	sdelay $0x2  }
0x53: {  	v2 =	vld [tilespmem:$0x4940];
	_ =	sdelay $0x4  }
0x54: {  	[tilespmem:v1+s24+$0x0] =	vst.idx.add.f32.msk $0xffff, v2  }
0x55: {  	v1 =	vld [tilespmem:$0x50];
	_ =	sdelay $0x2  }
0x56: {  	v2 =	vld [tilespmem:$0x4950];
	_ =	sdelay $0x4  }
0x57: {  	[tilespmem:v1+s24+$0x0] =	vst.idx.add.f32.msk $0xffff, v2  }
0x58: {  	v1 =	vld [tilespmem:$0x60];
	_ =	sdelay $0x2  }
0x59: {  	v2 =	vld [tilespmem:$0x4960];
	_ =	sdelay $0x4  }
0x5a: {  	[tilespmem:v1+s24+$0x0] =	vst.idx.add.f32.msk $0xffff, v2  }
0x5b: {  	v1 =	vld [tilespmem:$0x70];
	_ =	sdelay $0x2  }
0x5c: {  	p0 =	sne.s32 s30, $0x260;
	v2 =	vld [tilespmem:$0x4970]  }
.Ltmp1:
0x5d: {  	_ = 	snop;
	(pc) =	sbr.rel @p0 .LBB2_4-.Ltmp1, $2  }
0x5e: {  	_ =	sdelay $0x2  }
0x5f: {  	s30 =	sadd.s32 $0x10, s30;
	s31 =	sadd.s32 $0x800, s31;
	[tilespmem:v1+s24+$0x0] =	vst.idx.add.f32.msk $0xffff, v2  }
0x60: {  	[tilespmem:s23], [sflag:$0x1] =	stream.linear.gather [hbm4b:s6+s3], $0x8, $0x38;
	[tilespmem:$0x1B180] =	vst v63  }
0x61: {  	_ =	swait.ge [sflag:s16], $0x8  }
0x62: {  	[sflag:s16] =	ssyncset.done $0x0  }
0x63: {  	[sflag:s16] =	ssyncadd.s32 $0xFFFFFFF8  }
0x64: {  	v1 =	vld [tilespmem:$0x80];
	_ =	sdelay $0x4  }
0x65: {  	v1 =	vnsel vm0, $0x2710, v1  }
0x66: {  	[tilespmem:$0x80] =	vst v1  }
0x67: {  	[tilespmem:s25], [sflag:$0x1] =	stream.linear.gather [hbm4b:s7+s3], $0x400, $0x38;
	[tilespmem:$0x1B180] =	vst v63  }
0x68: {  	_ =	swait.ge [sflag:s16], $0x400  }
0x69: {  	[sflag:s16] =	ssyncset.done $0x0  }
0x6a: {  	[sflag:s16] =	ssyncadd.s32 $0xFFFFFC00  }
0x6b: {  	[tilespmem:s22], [sflag:$0x1] =	stream.linear.gather [hbm4b:s8+s3], $0x8, $0x38;
	[tilespmem:$0x1B180] =	vst v63  }
0x6c: {  	_ =	swait.ge [sflag:s16], $0x8  }
0x6d: {  	[sflag:s16] =	ssyncset.done $0x0  }
0x6e: {  	[sflag:s16] =	ssyncadd.s32 $0xFFFFFFF8  }
0x6f: {  	[spmem:s2] =	stream.indirect.scatter.add.f32 [tilespmem:s25], [sflag:$0x1], $0x80, s23, s26, $0xb8;
	[tilespmem:$0x1B180] =	vst v63  }
0x70: {  	_ =	swait.ge [sflag:s16], $0x800  }
0x71: {  	[sflag:s16] =	ssyncset.done $0x0  }
0x72: {  	[sflag:s16] =	ssyncadd.s32 $0xFFFFF800  }
0x73: {  	v1 =	vld [tilespmem:$0x80];
	_ =	sdelay $0x2  }
0x74: {  	v2 =	vld [tilespmem:$0x4900];
	_ =	sdelay $0x4  }
0x75: {  	[tilespmem:v1+s24+$0x0] =	vst.idx.add.f32.msk $0xffff, v2  }
0x76: {  	[hbm4b:s9+s23] =	stream.strided.scatter [tilespmem:s24], [sflag:$0x1], $0x2800, s28, s23, $0x38;
	[tilespmem:$0x1B180] =	vst v63  }
0x77: {  	_ =	swait.ge [sflag:s16], $0x2800  }
0x78: {  	s29 =	sadd.s32 $0x1, s29;
	[sflag:s16] =	ssyncset.done $0x0  }
0x79: {  	p0 =	sne.s32 s29, s11;
	[sflag:s16] =	ssyncadd.s32 $0xFFFFD800  }
.Ltmp2:
0x7a: {  	[bflag:$0x0] =	sbarrier.arrive $0xFFFF;
	(pc) =	sbr.rel @p0 .LBB2_1-.Ltmp2, $4  }
0x7b: {  	[hbm:s10], [sflag:s5] =	dma.local [spmem:s15], $0x2800  }
0x7c: {  	_ =	swait.ge [sflag:s16], $0x2800  }
0x7d: {  	[sflag:s16] =	ssyncset.done $0x0  }
0x7e: {  	[sflag:s16] =	ssyncadd.s32 $0xFFFFD800  }
0x7f: {  	_ =	sfence.sel $0x180000  }
0x80: {  	[bflag:$0x0] =	sbarrier.arrive $0xFFFF  }
0x81: {  	_ =	strace $0x90000047  }
0x82: {  	[bflag:$0x2] =	sbarrier.arrive $0xFFFF  }
0x83: {  	p0 =	sne.s32 s1, $0x0;
	s0 =	rddreg [dreg:$0x3]  }
0x84: {  	s0 =	sadd.s32 @!p0 $0x100000, s0  }
0x85: {  	[sflag:s0] =	ssyncadd.tile.s32 @!p0 $0x1;
	_ =	shalt  }
.Lfunc_end2:
_tile_overlayer_lowered:
.L_overlay_start_2:
0x86: {  	(tag) =	ssettag $0x2  }
0x87: {  	s0 =	rddreg [dreg:$0x0];
	s2 =	stileid.u32  }
0x88: {  	s1 =	rddreg [dreg:$0x1];
	p0 =	sne.s32 s2, $0x0  }
0x89: {  	s3 =	rddreg [dreg:$0x2];
	[bflag:$0x3] =	sbarrier.arrive $0xFFFF;
	s2 =	simm.s32 @!p0 $0x1C01  }
0x8a: {  	[timem:s3], [sflag:s2] =	dma.local @!p0 [hbm:s0], s1  }
0x8b: {  	s0 =	simm.s32 @!p0 $0x1  }
0x8c: {  	_ =	swait.ge @!p0 [sflag:s0], s1  }
0x8d: {  	s1 =	ssub.s32 @!p0 $0x0, s1;
	[sflag:s0] =	ssyncset.done @!p0 $0x0  }
0x8e: {  	[sflag:s0] =	ssyncadd.s32 @!p0 s1  }
0x8f: {  	[bflag:$0x3] =	sbarrier.arrive $0xFFFF  }
0x90: {  	_ =	shalt  }

// kernel: kernel.18.cloned.1.call-start
scs
__scs_entry_jumppad:
0x0: {  	(pc) =	sbr.rel $0x88, $3  }
0x1: {  	(tag) =	ssettag $0x0;
	lr =	simm.s32 $0x1  }
0x2: {  	[smem:$0x3F8C] =	sst lr;
	_ =	strace $0xD0000000  }
0x3: {  	_ = 	snop  }
0x4: {  	_ = 	snop  }
0x5: {  	_ = 	snop  }
0x6: {  	_ = 	snop  }
0x7: {  	_ = 	snop  }
__scs_overlays_trampoline_lowered:
0x8: {  	[smem:$0x3F9B] =	sst s0  }
0x9: {  	[smem:$0x3F9C] =	sst s1  }
0xa: {  	[smem:$0x3F9D] =	sst s2  }
0xb: {  	[smem:$0x3F9E] =	sst s3  }
0xc: {  	[smem:$0x3F9F] =	sst s4  }
0xd: {  	[smem:$0x3FA0] =	sst s5  }
0xe: {  	[smem:$0x3FA1] =	sst s6  }
0xf: {  	[smem:$0x3FA2] =	sst s7  }
0x10: {  	[smem:$0x3FA3] =	sst s8  }
0x11: {  	[smem:$0x3FA4] =	sst s9;
	s0 =	simm.s32 @!p0 $0x0  }
0x12: {  	s1 =	sld [smem:$0x3F8A];
	s0 =	simm.s32 @p0 $0x1  }
0x13: {  	[smem:$0x3FA5] =	sst s0;
	s0 =	simm.s32 @!p1 $0x0  }
0x14: {  	s2 =	sld [smem:$0x3F89];
	s0 =	simm.s32 @p1 $0x1  }
0x15: {  	[smem:$0x3FA6] =	sst s0;
	s0 =	simm.s32 @!p2 $0x0  }
0x16: {  	s3 =	sld [smem:$0x3FDB];
	s0 =	simm.s32 @p2 $0x1  }
0x17: {  	s4 =	simm.s32 $0x1BF5;
	[smem:$0x3FA8] =	sst s0  }
0x18: {  	s0 =	sld [smem:$0x3F8B];
	_ =	swait.ge [sflag:s4], $0x0  }
0x19: {  	s7 =	sld [smem:$0x3F8C]  }
0x1a: {  	s8 =	sadd.s32 $0xFFFFE003, lr  }
0x1b: {  	s9 =	sadd.s32 $0xFFFFFEF7, lr;
	s5 =	simm.s32 $0xFFFFFFFF;
	p2 =	slt.u32 s8, $0xFFFFF086  }
0x1c: {  	p1 =	slt.u32 s9, $0xF7A;
	s5 =	simm.s32 @!p2 $0x0  }
0x1d: {  	s5 =	simm.s32 @p1 $0x1;
	p0 =	seq.s32 s7, s2  }
0x1e: {  	s7 =	smul.u32 @!p0 $0xF7A, s2;
	p2 =	seq.s32 @!p0 s5, $0x0  }
0x1f: {  	s9 =	smul.u32 $0xF7A, s1;
	s8 =	simm.s32 @!p0 $0x1BF5;
	p2 =	por !p2, p0  }
0x20: {  	[sflag:s8] =	ssyncset.s32 @!p0 $0xFFFFF086;
	s6 =	sadd.s32 @!p0 s3, s7;
	s7 =	simm.s32 @!p0 $0x108  }
0x21: {  	s3 =	sadd.s32 s3, s9;
	s6 =	sadd.s32 @!p0 $0x88, s6;
	s7 =	simm.s32 @p2 $0x1082  }
0x22: {  	[simem:s7], [sflag:s8] =	dma.local @!p0 [hbm:s6], $0xF7A  }
0x23: {  	s9 =	sor.u32 $0xD0000000, s2;
	s6 =	simm.s32 $0x108;
	_ =	swait.ge @!p0 [sflag:s8], $0x0  }
0x24: {  	s3 =	sadd.s32 $0x88, s3;
	s6 =	simm.s32 @!p1 $0x1082;
	[sflag:s4] =	ssyncset.s32 $0xFFFFF086  }
0x25: {  	[simem:s6], [sflag:s4] =	dma.local [hbm:s3], $0xF7A  }
0x26: {  	[smem:$0x3F8C] =	sst s1;
	(tag) =	ssettag s2;
	_ =	strace s9  }
0x27: {  	s1 =	sld [smem:$0x3F9C]  }
0x28: {  	s2 =	sld [smem:$0x3F9D]  }
0x29: {  	s4 =	sld [smem:$0x3F9F]  }
0x2a: {  	p0 =	seq.s32 s5, $0x0;
	s5 =	sld [smem:$0x3FA0]  }
0x2b: {  	s6 =	sld [smem:$0x3FA1]  }
0x2c: {  	s7 =	sld [smem:$0x3FA2]  }
0x2d: {  	s3 =	simm.s32 $0x108;
	s8 =	sld [smem:$0x3FA3]  }
0x2e: {  	s3 =	simm.s32 @!p0 $0x1082;
	s9 =	sld [smem:$0x3FA4]  }
0x2f: {  	lr =	sadd.s32 s0, s3;
	s0 =	sld [smem:$0x3F9B]  }
0x30: {  	s3 =	sld [smem:$0x3F9E]  }
0x31: {  	[smem:$0x3FA7] =	sst s10  }
0x32: {  	s10 =	sld [smem:$0x3FA5];
	_ =	sdelay $0x3  }
0x33: {  	p0 =	seq.s32 s10, $0x1;
	s10 =	sld [smem:$0x3FA7];
	_ =	sdelay $0x3  }
0x34: {  	[smem:$0x3FA7] =	sst s10  }
0x35: {  	s10 =	sld [smem:$0x3FA6];
	_ =	sdelay $0x3  }
0x36: {  	p1 =	seq.s32 s10, $0x1;
	s10 =	sld [smem:$0x3FA7];
	_ =	sdelay $0x3  }
0x37: {  	[smem:$0x3FA7] =	sst s10  }
0x38: {  	s10 =	sld [smem:$0x3FA8]  }
0x39: {  	_ = 	snop;
	(pc) =	sbr.ind lr, $3  }
0x3a: {  	_ = 	snop  }
0x3b: {  	_ = 	snop  }
0x3c: {  	p2 =	seq.s32 s10, $0x1;
	s10 =	sld [smem:$0x3FA7]  }
0x3d: {  	_ =	shalt  }
0x3e: {  	_ =	shalt  }
0x3f: {  	_ =	shalt  }
0x40: {  	_ =	shalt  }
0x41: {  	_ =	shalt  }
0x42: {  	_ =	shalt  }
0x43: {  	_ =	shalt  }
0x44: {  	_ =	shalt  }
0x45: {  	_ =	shalt  }
0x46: {  	_ =	shalt  }
0x47: {  	_ =	shalt  }
0x48: {  	_ =	shalt  }
0x49: {  	_ =	shalt  }
0x4a: {  	_ =	shalt  }
0x4b: {  	_ =	shalt  }
0x4c: {  	_ =	shalt  }
0x4d: {  	_ =	shalt  }
0x4e: {  	_ =	shalt  }
0x4f: {  	_ =	shalt  }
0x50: {  	_ =	shalt  }
0x51: {  	_ =	shalt  }
0x52: {  	_ =	shalt  }
0x53: {  	_ =	shalt  }
0x54: {  	_ =	shalt  }
0x55: {  	_ =	shalt  }
0x56: {  	_ =	shalt  }
0x57: {  	_ =	shalt  }
0x58: {  	_ =	shalt  }
0x59: {  	_ =	shalt  }
0x5a: {  	_ =	shalt  }
0x5b: {  	_ =	shalt  }
0x5c: {  	_ =	shalt  }
0x5d: {  	_ =	shalt  }
0x5e: {  	_ =	shalt  }
0x5f: {  	_ =	shalt  }
0x60: {  	_ =	shalt  }
0x61: {  	_ =	shalt  }
0x62: {  	_ =	shalt  }
0x63: {  	_ =	shalt  }
0x64: {  	_ =	shalt  }
0x65: {  	_ =	shalt  }
0x66: {  	_ =	shalt  }
0x67: {  	_ =	shalt  }
0x68: {  	_ =	shalt  }
0x69: {  	_ =	shalt  }
0x6a: {  	_ =	shalt  }
0x6b: {  	_ =	shalt  }
0x6c: {  	_ =	shalt  }
0x6d: {  	_ =	shalt  }
0x6e: {  	_ =	shalt  }
0x6f: {  	_ =	shalt  }
0x70: {  	_ =	shalt  }
0x71: {  	_ =	shalt  }
0x72: {  	_ =	shalt  }
0x73: {  	_ =	shalt  }
0x74: {  	_ =	shalt  }
0x75: {  	_ =	shalt  }
0x76: {  	_ =	shalt  }
0x77: {  	_ =	shalt  }
0x78: {  	_ =	shalt  }
0x79: {  	_ =	shalt  }
0x7a: {  	_ =	shalt  }
0x7b: {  	_ =	shalt  }
0x7c: {  	_ =	shalt  }
0x7d: {  	_ =	shalt  }
0x7e: {  	_ =	shalt  }
0x7f: {  	_ =	shalt  }
0x80: {  	_ =	shalt  }
0x81: {  	_ =	shalt  }
0x82: {  	_ =	shalt  }
0x83: {  	_ =	shalt  }
0x84: {  	_ =	shalt  }
0x85: {  	_ =	shalt  }
0x86: {  	_ =	shalt  }
0x87: {  	_ =	shalt  }
.Lfunc_end0:
.L_simem_size_0:
called_computation.1_lowered:
.L_overlay_start_0:
0x88: {  	s2 =	sld [smem:$0x3FD9]  }
0x89: {  	s3 =	sld [smem:$0x3FFE];
	_ =	sdelay $0x1  }
0x8a: {  	s1 =	srdreg.scid  }
0x8b: {  	s0 =	sand.u32 $0x1, s1  }
0x8c: {  	s16 =	sshll.u32 s0, $0xA;
	s2 =	sadd.s32 s3, s2  }
0x8d: {  	s2 =	sadd.s32 s2, s16  }
0x8e: {  	[smem:$0x3FB3] =	sst s2  }
0x8f: {  	_ = 	snop  }
0x90: {  	(tm) =	ssettm $0x1  }
0x91: {  	s17 =	sld [smem:$0x3FFB];
	_ =	sdelay $0x3  }
0x92: {  	_ =	strace s17  }
0x93: {  	s2 =	sld [smem:$0x3FFC];
	_ =	sdelay $0x3  }
0x94: {  	_ =	strace s2  }
0x95: {  	s2 =	sld [smem:$0x3FFD];
	_ =	sdelay $0x3  }
0x96: {  	_ =	strace s2  }
0x97: {  	_ =	strace $0x8FFFFFFF  }
0x98: {  	s18 =	sld [smem:$0x3FDB];
	_ =	sdelay $0x1  }
0x99: {  	s19 =	simm.s32 $_scs_section_size  }
0x9a: {  	s4 =	simm.s32 $_size__tile_overlayer_lowered;
	s5 =	simm.s32 $_tile_overlayer_lowered  }
0x9b: {  	s22 =	simm.s32 $0x1BFF;
	s21 =	sshll.u32 s5, $0x1;
	s2 =	sadd.s32 s19, s18  }
0x9c: {  	s6 =	simm.s32 $0x0;
	s20 =	sshll.u32 s4, $0x1;
	s4 =	sadd.s32 s21, s2  }
0x9d: {  	[timem:s6], [sflag:s22] =	dma.local [hbm:s4], s20  }
0x9e: {  	_ =	swait.ge [sflag:s22], s20  }
0x9f: {  	s3 =	ssub.s32 $0x0, s20;
	[sflag:s22] =	ssyncset.done $0x0  }
0xa0: {  	[sflag:s22] =	ssyncadd.s32 s3;
	_ =	sdelay $0x1  }
0xa1: {  	s23 =	simm.s32 $0x1B8B  }
0xa2: {  	_ =	swait.ge [sflag:s23], $0x1  }
0xa3: {  	[sflag:s23] =	ssyncset.done $0x0  }
0xa4: {  	s25 =	simm.s32 $0x1B8E;
	s24 =	sld [smem:$0x3FFE];
	[sflag:s23] =	ssyncadd.s32 $0xFFFFFFFF  }
0xa5: {  	s26 =	simm.s32 $execute0_lowered;
	[smem:$0x3FD2] =	sst s25  }
0xa6: {  	s4 =	sshll.u32 s26, $0x1;
	_ =	strace $0x80000049;
	[dreg:$0x1] =	wrdreg $0xFFFFFFFF  }
0xa7: {  	s28 =	simm.s32 $_size_execute0_lowered;
	s2 =	sadd.s32 s2, s4;
	[dreg:$0x0] =	wrdreg $0x0  }
0xa8: {  	s4 =	sshll.u32 s28, $0x1;
	[dreg:$0x2] =	wrdreg s2  }
0xa9: {  	[dreg:$0x3] =	wrdreg s4  }
0xaa: {  	[dreg:$0x4] =	wrdreg $0xC0  }
0xab: {  	_ =	task [dreg:s6], $0x5FFFF  }
0xac: {  	[dreg:$0x1] =	wrdreg $0xFFFFFFFF  }
0xad: {  	[dreg:$0x0] =	wrdreg $0x60  }
0xae: {  	[dreg:$0x2] =	wrdreg s24  }
0xaf: {  	[dreg:$0x3] =	wrdreg $0x9  }
0xb0: {  	_ =	task.clear_ibuf [dreg:s6], $0x4FFFF;
	_ =	strace $0x90000049  }
0xb1: {  	s29 =	simm.s32 $0x9;
	_ =	strace $0x8000004B  }
0xb2: {  	_ =	swait.ge [sflag:s29], $0x1  }
0xb3: {  	[sflag:s29] =	ssyncadd.s32 $0xFFFFFFFF  }
0xb4: {  	_ =	strace $0x9000004B  }
0xb5: {  	_ =	sfence  }
0xb6: {  	s30 =	sld [smem:$0x0];
	_ =	sdelay $0x2  }
0xb7: {  	s31 =	sshll.u32 s1, $0xD;
	s1 =	sshrl.u32 s1, $0x2  }
0xb8: {  	s3 =	sand.u32 $0x4000, s31;
	s1 =	sadd.s32 s1, s30  }
0xb9: {  	s0 =	sor.u32 s3, s0;
	s1 =	sshll.u32 s1, $0x11  }
0xba: {  	s0 =	sor.u32 s1, s0  }
0xbb: {  	s0 =	sadd.s32 $0x8F2B, s0  }
0xbc: {  	[sflag:s0] =	ssyncadd.remote.s32 $0x1  }
0xbd: {  	_ =	sfence.sel $0xFFFF  }
0xbe: {  	[dreg:$0x0] =	wrdreg $0xFFFFFFFF;
	(pc) =	sbr.abs _section_cstart, $3  }
0xbf: {  	[dreg:$0x1] =	wrdreg $0xFFFFFFFF  }
0xc0: {  	_ =	task.clear_ibuf [dreg:s6], $0x2FFFF;
	_ =	strace $0x9FFFFFFF  }
0xc1: {  	(tm) =	ssettm $0x7FFFFFFF  }
tec
execute0_lowered:
.L_overlay_start_1:
0x0: {  	(tag) =	ssettag $0x1  }
0x1: {  	s8 =	rddreg [dreg:$0x0]  }
0x2: {  	s0 =	rddreg [dreg:$0x1];
	s2 =	simm.s32 $0x0;
	s3 =	srdreg.scid  }
0x3: {  	s1 =	stileid.u32;
	s13 =	simm.s32 $0x3;
	s14 =	simm.s32 $0x80  }
0x4: {  	s15 =	simm.s32 $0x100;
	s16 =	simm.s32 $0x4100;
	s17 =	simm.s32 $0x1  }
0x5: {  	s18 =	simm.s32 $0x2;
	s19 =	simm.s32 $0x8;
	s20 =	simm.s32 $0x0  }
0x6: {  	[smem:$0x7FF] =	sst s2;
	s9 =	sand.u32 $0x1, s3;
	s30 =	sshll.u32 s1, $0x1  }
0x7: {  	s3 =	sadd.s32 $0x12400, s8;
	s4 =	sadd.s32 $0x39600, s8;
	s5 =	sor.u32 s9, s30  }
0x8: {  	s6 =	sadd.s32 $0x7C00, s8;
	s9 =	ssub.s32 $0x2, s9;
	s5 =	smul.u32 $0x1388, s5  }
0x9: {  	s7 =	sadd.s32 $0xCC00, s8;
	s8 =	sadd.s32 $0x4EAC00, s8;
	s10 =	sshrl.u32 s9, $0x1  }
0xa: {  	_ =	strace $0x8000004A;
	s12 =	ssub.s32 s9, s10;
	s11 =	sadd.s32 $0x1380, s5  }
0xb: {  	s12 =	smax.u32 s12, $0x1;
	s31 =	sshrl.u32 s11, $0x3;
	s11 =	sshll.u32 s11, $0x4  }
0xc: {  	s9 =	sadd.s32 s6, s31;
	s10 =	sadd.s32 s7, s31;
	s11 =	sadd.s32 s8, s11  }
.LBB2_1:
0xd: {  	s21 =	simm.s32 $0x0  }
.LBB2_2:
0xe: {  	s22 =	sshll.u32 s21, $0x7  }
0xf: {  	s22 =	sadd.s32 s5, s22  }
0x10: {  	s23 =	sshrl.u32 s22, $0x3  }
0x11: {  	s25 =	simm.s32 $0x0;
	s24 =	sadd.s32 s6, s23  }
0x12: {  	[tilespmem:s25], [sflag:$0x3] =	stream.linear.gather [hbm4b:s24+s25], $0x80, $0x38;
	[tilespmem:$0x8100] =	vst v63  }
0x13: {  	_ =	swait.ge [sflag:s13], $0x80  }
0x14: {  	[sflag:s13] =	ssyncset.done $0x0  }
0x15: {  	s23 =	sadd.s32 s7, s23;
	[sflag:s13] =	ssyncadd.s32 $0xFFFFFF80  }
0x16: {  	[tilespmem:s14], [sflag:$0x3] =	stream.linear.gather [hbm4b:s23+s25], $0x80, $0x38;
	[tilespmem:$0x8100] =	vst v63  }
0x17: {  	_ =	swait.ge [sflag:s13], $0x80  }
0x18: {  	[sflag:s13] =	ssyncset.done $0x0  }
0x19: {  	[sflag:s13] =	ssyncadd.s32 $0xFFFFFF80  }
0x1a: {  	[tilespmem:s15], [sflag:$0x1] =	stream.indirect.gather [hbm4b:s3+s14], $0x80, s25, s14, $0xb8;
	[tilespmem:$0x8100] =	vst v63  }
0x1b: {  	_ = 	snop  }
0x1c: {  	[tilespmem:s16], [sflag:$0x2] =	stream.indirect.gather [hbm4b:s4+s14], $0x80, s14, s14, $0xb8;
	[tilespmem:$0x8100] =	vst v63  }
0x1d: {  	_ =	swait.ge [sflag:s17], $0x4000  }
0x1e: {  	[sflag:s17] =	ssyncset.done $0x0  }
0x1f: {  	[sflag:s17] =	ssyncadd.s32 $0xFFFFC000  }
0x20: {  	_ =	swait.ge [sflag:s18], $0x4000  }
0x21: {  	[sflag:s18] =	ssyncset.done $0x0  }
0x22: {  	s23 =	simm.s32 $0x0;
	[sflag:s18] =	ssyncadd.s32 $0xFFFFC000  }
0x23: {  	v7 =	vld [tilespmem:s23+$0x4100]  }
0x24: {  	v11 =	vld [tilespmem:s23+$0x4110]  }
0x25: {  	v5 =	vld [tilespmem:s23+$0x4120]  }
0x26: {  	v4 =	vld [tilespmem:s23+$0x4130]  }
0x27: {  	v3 =	vld [tilespmem:s23+$0x4140]  }
0x28: {  	v2 =	vld [tilespmem:s23+$0x4150]  }
0x29: {  	v1 =	vld [tilespmem:s23+$0x4160]  }
0x2a: {  	v0 =	vld [tilespmem:s23+$0x4170]  }
0x2b: {  	v12 =	vld [tilespmem:s23+$0x100]  }
0x2c: {  	v13 =	vld [tilespmem:s23+$0x110]  }
0x2d: {  	v10 =	vld [tilespmem:s23+$0x120]  }
0x2e: {  	v9 =	vld [tilespmem:s23+$0x130]  }
0x2f: {  	v8 =	vld [tilespmem:s23+$0x140]  }
0x30: {  	v6 =	vld [tilespmem:s23+$0x150];
	v12 =	vadd.f32 v7, v12  }
0x31: {  	s24 =	simm.s32 $0x200;
	v11 =	vadd.f32 v11, v13;
	v7 =	vld [tilespmem:s23+$0x160]  }
.LBB2_3:
0x32: {  	s25 =	sshra.s32 s24, $0x2;
	p0 =	sne.s32 s24, $0xFE00;
	[tilespmem:s23+$0x100] =	vst v12;
	v5 =	vadd.f32 v5, v10;
	v10 =	vld [tilespmem:s23+$0x170]  }
0x33: {  	v12 =	vld [tilespmem:s25+$0x4100];
	[tilespmem:s23+$0x110] =	vst v11;
	v4 =	vadd.f32 v4, v9  }
0x34: {  	v11 =	vld [tilespmem:s25+$0x4110];
	[tilespmem:s23+$0x120] =	vst v5;
	v3 =	vadd.f32 v3, v8  }
0x35: {  	v5 =	vld [tilespmem:s25+$0x4120];
	[tilespmem:s23+$0x130] =	vst v4;
	v2 =	vadd.f32 v2, v6  }
0x36: {  	v4 =	vld [tilespmem:s25+$0x4130];
	[tilespmem:s23+$0x140] =	vst v3;
	v1 =	vadd.f32 v1, v7  }
0x37: {  	v3 =	vld [tilespmem:s25+$0x4140];
	[tilespmem:s23+$0x150] =	vst v2;
	v0 =	vadd.f32 v0, v10  }
0x38: {  	v2 =	vld [tilespmem:s25+$0x4150];
	[tilespmem:s23+$0x160] =	vst v1  }
0x39: {  	v1 =	vld [tilespmem:s25+$0x4160];
	[tilespmem:s23+$0x170] =	vst v0;
	s23 =	smov.u32 s25  }
0x3a: {  	v0 =	vld [tilespmem:s23+$0x4170]  }
0x3b: {  	v6 =	vld [tilespmem:s23+$0x100]  }
0x3c: {  	v7 =	vld [tilespmem:s23+$0x110]  }
.Ltmp0:
0x3d: {  	v10 =	vld [tilespmem:s23+$0x120];
	(pc) =	sbr.rel @p0 .LBB2_3-.Ltmp0, $4  }
0x3e: {  	v9 =	vld [tilespmem:s23+$0x130]  }
0x3f: {  	v8 =	vld [tilespmem:s23+$0x140]  }
0x40: {  	v12 =	vadd.f32 v12, v6;
	v6 =	vld [tilespmem:s23+$0x150]  }
0x41: {  	s24 =	sadd.s32 $0x200, s24;
	v11 =	vadd.f32 v11, v7;
	v7 =	vld [tilespmem:s23+$0x160]  }
0x42: {  	[tilespmem:s23+$0x100] =	vst v12;
	v5 =	vadd.f32 v5, v10;
	v63 =	vld [tilespmem:s23+$0x170]  }
0x43: {  	[tilespmem:s23+$0x110] =	vst v11;
	v4 =	vadd.f32 v4, v9  }
0x44: {  	[tilespmem:s23+$0x120] =	vst v5;
	v3 =	vadd.f32 v3, v8  }
0x45: {  	[tilespmem:s23+$0x130] =	vst v4;
	v2 =	vadd.f32 v2, v6  }
0x46: {  	[tilespmem:s23+$0x140] =	vst v3;
	v1 =	vadd.f32 v1, v7  }
0x47: {  	s21 =	sadd.s32 $0x1, s21;
	[tilespmem:s23+$0x150] =	vst v2;
	v0 =	vadd.f32 v0, v63  }
0x48: {  	s22 =	sshll.u32 s22, $0x4;
	p0 =	sne.s32 s21, $0x27;
	[tilespmem:s23+$0x160] =	vst v1  }
.Ltmp1:
0x49: {  	s22 =	sadd.s32 s8, s22;
	[tilespmem:s23+$0x170] =	vst v0;
	(pc) =	sbr.rel @p0 .LBB2_2-.Ltmp1, $4  }
0x4a: {  	[hbm4b:s22+s2] =	stream.linear.scatter [tilespmem:s15], [sflag:$0x3], $0x4000, $0x38;
	[tilespmem:$0x8100] =	vst v63  }
0x4b: {  	_ =	swait.ge [sflag:s13], $0x4000  }
0x4c: {  	[sflag:s13] =	ssyncset.done $0x0  }
0x4d: {  	[sflag:s13] =	ssyncadd.s32 $0xFFFFC000  }
0x4e: {  	[tilespmem:s2], [sflag:$0x3] =	stream.linear.gather [hbm4b:s9+s2], $0x8, $0x38;
	[tilespmem:$0x8100] =	vst v63  }
0x4f: {  	_ =	swait.ge [sflag:s13], $0x8  }
0x50: {  	[sflag:s13] =	ssyncset.done $0x0  }
0x51: {  	[sflag:s13] =	ssyncadd.s32 $0xFFFFFFF8  }
0x52: {  	[tilespmem:s14], [sflag:$0x3] =	stream.linear.gather [hbm4b:s10+s2], $0x8, $0x38;
	[tilespmem:$0x8100] =	vst v63  }
0x53: {  	_ =	swait.ge [sflag:s13], $0x8  }
0x54: {  	[sflag:s13] =	ssyncset.done $0x0  }
0x55: {  	[sflag:s13] =	ssyncadd.s32 $0xFFFFFFF8  }
0x56: {  	[tilespmem:s15], [sflag:$0x1] =	stream.indirect.gather [hbm4b:s3+s19], $0x80, s2, s19, $0xb8;
	[tilespmem:$0x8100] =	vst v63  }
0x57: {  	_ = 	snop  }
0x58: {  	[tilespmem:s16], [sflag:$0x2] =	stream.indirect.gather [hbm4b:s4+s19], $0x80, s14, s19, $0xb8;
	[tilespmem:$0x8100] =	vst v63  }
0x59: {  	_ =	swait.ge [sflag:s17], $0x400  }
0x5a: {  	[sflag:s17] =	ssyncset.done $0x0  }
0x5b: {  	[sflag:s17] =	ssyncadd.s32 $0xFFFFFC00  }
0x5c: {  	_ =	swait.ge [sflag:s18], $0x400  }
0x5d: {  	[sflag:s18] =	ssyncset.done $0x0  }
0x5e: {  	[sflag:s18] =	ssyncadd.s32 $0xFFFFFC00  }
0x5f: {  	v0 =	vld [tilespmem:$0x100]  }
0x60: {  	v1 =	vld [tilespmem:$0x4100]  }
0x61: {  	v2 =	vld [tilespmem:$0x110]  }
0x62: {  	v3 =	vld [tilespmem:$0x4110]  }
0x63: {  	v4 =	vld [tilespmem:$0x120]  }
0x64: {  	v5 =	vld [tilespmem:$0x4120]  }
0x65: {  	v6 =	vld [tilespmem:$0x130]  }
0x66: {  	v7 =	vld [tilespmem:$0x4130]  }
0x67: {  	v8 =	vld [tilespmem:$0x140]  }
0x68: {  	v9 =	vld [tilespmem:$0x4140]  }
0x69: {  	v10 =	vld [tilespmem:$0x150]  }
0x6a: {  	v11 =	vld [tilespmem:$0x4150]  }
0x6b: {  	v12 =	vld [tilespmem:$0x160]  }
0x6c: {  	v13 =	vld [tilespmem:$0x4160]  }
0x6d: {  	v14 =	vld [tilespmem:$0x170]  }
0x6e: {  	v15 =	vld [tilespmem:$0x4170]  }
0x6f: {  	v16 =	vld [tilespmem:$0x180]  }
0x70: {  	v17 =	vld [tilespmem:$0x4180]  }
0x71: {  	v18 =	vld [tilespmem:$0x190]  }
0x72: {  	v19 =	vld [tilespmem:$0x4190]  }
0x73: {  	v20 =	vld [tilespmem:$0x1A0]  }
0x74: {  	v21 =	vld [tilespmem:$0x41A0]  }
0x75: {  	v22 =	vld [tilespmem:$0x1B0]  }
0x76: {  	v23 =	vld [tilespmem:$0x41B0]  }
0x77: {  	v24 =	vld [tilespmem:$0x1C0]  }
0x78: {  	v25 =	vld [tilespmem:$0x41C0]  }
0x79: {  	v26 =	vld [tilespmem:$0x1D0]  }
0x7a: {  	v27 =	vld [tilespmem:$0x41D0]  }
0x7b: {  	v28 =	vld [tilespmem:$0x1E0]  }
0x7c: {  	v29 =	vld [tilespmem:$0x41E0]  }
0x7d: {  	v30 =	vld [tilespmem:$0x1F0]  }
0x7e: {  	v31 =	vld [tilespmem:$0x41F0]  }
0x7f: {  	v32 =	vld [tilespmem:$0x200]  }
0x80: {  	v33 =	vld [tilespmem:$0x4200]  }
0x81: {  	v34 =	vld [tilespmem:$0x210]  }
0x82: {  	v35 =	vld [tilespmem:$0x4210]  }
0x83: {  	v36 =	vld [tilespmem:$0x220]  }
0x84: {  	v37 =	vld [tilespmem:$0x4220]  }
0x85: {  	v38 =	vld [tilespmem:$0x230]  }
0x86: {  	v39 =	vld [tilespmem:$0x4230]  }
0x87: {  	v40 =	vld [tilespmem:$0x240]  }
0x88: {  	v41 =	vld [tilespmem:$0x4240]  }
0x89: {  	v42 =	vld [tilespmem:$0x250]  }
0x8a: {  	v43 =	vld [tilespmem:$0x4250]  }
0x8b: {  	v44 =	vld [tilespmem:$0x260]  }
0x8c: {  	v45 =	vld [tilespmem:$0x4260]  }
0x8d: {  	v46 =	vld [tilespmem:$0x270]  }
0x8e: {  	v47 =	vld [tilespmem:$0x4270]  }
0x8f: {  	v48 =	vld [tilespmem:$0x280]  }
0x90: {  	v49 =	vld [tilespmem:$0x4280]  }
0x91: {  	v50 =	vld [tilespmem:$0x290]  }
0x92: {  	v51 =	vld [tilespmem:$0x4290]  }
0x93: {  	v52 =	vld [tilespmem:$0x2A0]  }
0x94: {  	v53 =	vld [tilespmem:$0x42A0]  }
0x95: {  	v54 =	vld [tilespmem:$0x2B0]  }
0x96: {  	v55 =	vld [tilespmem:$0x42B0]  }
0x97: {  	v56 =	vld [tilespmem:$0x2C0]  }
0x98: {  	v57 =	vld [tilespmem:$0x42C0]  }
0x99: {  	v58 =	vld [tilespmem:$0x2D0]  }
0x9a: {  	v62 =	vld [tilespmem:$0x2F0]  }
0x9b: {  	v59 =	vld [tilespmem:$0x42D0]  }
0x9c: {  	v60 =	vld [tilespmem:$0x2E0]  }
0x9d: {  	v61 =	vld [tilespmem:$0x42E0]  }
0x9e: {  	v63 =	vld [tilespmem:$0x42F0]  }
0x9f: {  	[tilespmem:$0x1FFA0] =	vst v62;
	v62 =	vld [tilespmem:$0x300]  }
0xa0: {  	v0 =	vadd.f32 v1, v0;
	v1 =	vld [tilespmem:$0x4320]  }
0xa1: {  	v2 =	vadd.f32 v3, v2;
	v3 =	vld [tilespmem:$0x330]  }
0xa2: {  	v9 =	vadd.f32 v9, v8;
	v8 =	vld [tilespmem:$0x4350]  }
0xa3: {  	v13 =	vadd.f32 v13, v12;
	v12 =	vld [tilespmem:$0x4370]  }
0xa4: {  	v15 =	vadd.f32 v15, v14;
	v14 =	vld [tilespmem:$0x4380]  }
0xa5: {  	v17 =	vadd.f32 v17, v16;
	v16 =	vld [tilespmem:$0x4390]  }
0xa6: {  	v19 =	vadd.f32 v19, v18;
	v18 =	vld [tilespmem:$0x43A0]  }
0xa7: {  	v23 =	vadd.f32 v23, v22;
	v22 =	vld [tilespmem:$0x43C0];
	[tilespmem:$0x100] =	vst v0  }
0xa8: {  	v25 =	vadd.f32 v25, v24;
	v24 =	vld [tilespmem:$0x43D0];
	[tilespmem:$0x110] =	vst v2  }
0xa9: {  	v21 =	vadd.f32 v21, v20;
	v27 =	vadd.f32 v27, v26;
	v26 =	vld [tilespmem:$0x43E0];
	[tilespmem:$0x140] =	vst v9  }
0xaa: {  	v31 =	vadd.f32 v31, v30;
	v30 =	vadd.f32 v45, v44;
	v45 =	vld [tilespmem:$0x4430];
	[tilespmem:$0x160] =	vst v13  }
0xab: {  	v33 =	vadd.f32 v33, v32;
	v32 =	vadd.f32 v49, v48;
	v49 =	vld [tilespmem:$0x4440];
	[tilespmem:$0x170] =	vst v15  }
0xac: {  	v35 =	vadd.f32 v35, v34;
	v34 =	vadd.f32 v53, v52;
	v53 =	vld [tilespmem:$0x4450];
	[tilespmem:$0x180] =	vst v17  }
0xad: {  	v37 =	vadd.f32 v37, v36;
	v36 =	vadd.f32 v57, v56;
	v57 =	vld [tilespmem:$0x4460];
	[tilespmem:$0x190] =	vst v19  }
0xae: {  	v0 =	vadd.f32 v5, v4;
	v4 =	vld [tilespmem:$0x4330];
	[tilespmem:$0x1A0] =	vst v21  }
0xaf: {  	v5 =	vld [tilespmem:$0x340];
	[tilespmem:$0x1B0] =	vst v23  }
0xb0: {  	v29 =	vadd.f32 v29, v28;
	v9 =	vld [tilespmem:$0x360];
	[tilespmem:$0x1C0] =	vst v25  }
0xb1: {  	v13 =	vld [tilespmem:$0x380];
	[tilespmem:$0x1D0] =	vst v27  }
0xb2: {  	v15 =	vld [tilespmem:$0x390];
	[tilespmem:$0x1E0] =	vst v29  }
0xb3: {  	v17 =	vld [tilespmem:$0x3A0];
	[tilespmem:$0x1F0] =	vst v31  }
0xb4: {  	v19 =	vld [tilespmem:$0x3B0];
	[tilespmem:$0x200] =	vst v33  }
0xb5: {  	v28 =	vadd.f32 v41, v40;
	[tilespmem:$0x210] =	vst v35;
	v21 =	vld [tilespmem:$0x3C0]  }
0xb6: {  	[tilespmem:$0x220] =	vst v37;
	v23 =	vld [tilespmem:$0x3D0]  }
0xb7: {  	[tilespmem:$0x240] =	vst v28;
	v25 =	vld [tilespmem:$0x3E0]  }
0xb8: {  	[tilespmem:$0x260] =	vst v30;
	v28 =	vld [tilespmem:$0x43F0]  }
0xb9: {  	[tilespmem:$0x280] =	vst v32;
	v30 =	vld [tilespmem:$0x4400]  }
0xba: {  	[tilespmem:$0x2A0] =	vst v34;
	v32 =	vld [tilespmem:$0x4410]  }
0xbb: {  	v27 =	vadd.f32 v39, v38;
	[tilespmem:$0x2C0] =	vst v36;
	v39 =	vld [tilespmem:$0x1FFA0]  }
0xbc: {  	v34 =	vld [tilespmem:$0x4420];
	[tilespmem:$0x120] =	vst v0  }
0xbd: {  	v29 =	vadd.f32 v43, v42;
	v31 =	vadd.f32 v47, v46;
	v47 =	vld [tilespmem:$0x440];
	[tilespmem:$0x230] =	vst v27  }
0xbe: {  	[tilespmem:$0x1FFB0] =	vst v62;
	v62 =	vld [tilespmem:$0x4300]  }
0xbf: {  	v33 =	vadd.f32 v51, v50;
	v51 =	vld [tilespmem:$0x450];
	[tilespmem:$0x250] =	vst v29  }
0xc0: {  	v35 =	vadd.f32 v55, v54;
	v55 =	vld [tilespmem:$0x460];
	[tilespmem:$0x270] =	vst v31  }
0xc1: {  	v37 =	vadd.f32 v59, v58;
	v59 =	vld [tilespmem:$0x470];
	[tilespmem:$0x290] =	vst v33  }
0xc2: {  	v38 =	vadd.f32 v61, v60;
	v61 =	vld [tilespmem:$0x4470];
	[tilespmem:$0x2B0] =	vst v35  }
0xc3: {  	[tilespmem:$0x1FFC0] =	vst v62;
	v62 =	vld [tilespmem:$0x310]  }
0xc4: {  	v27 =	vld [tilespmem:$0x3F0];
	[tilespmem:$0x2D0] =	vst v37;
	v2 =	vadd.f32 v63, v39  }
0xc5: {  	v29 =	vld [tilespmem:$0x400];
	[tilespmem:$0x2E0] =	vst v38;
	v46 =	vadd.f32 v4, v3  }
0xc6: {  	v31 =	vld [tilespmem:$0x410];
	[tilespmem:$0x2F0] =	vst v2  }
0xc7: {  	v33 =	vld [tilespmem:$0x420];
	v56 =	vadd.f32 v14, v13;
	[tilespmem:$0x330] =	vst v46  }
0xc8: {  	v58 =	vadd.f32 v16, v15;
	[tilespmem:$0x1FFD0] =	vst v62;
	v62 =	vld [tilespmem:$0x4310]  }
0xc9: {  	v35 =	vld [tilespmem:$0x430];
	v60 =	vadd.f32 v18, v17;
	[tilespmem:$0x380] =	vst v56  }
0xca: {  	v37 =	vld [tilespmem:$0x4A0];
	v21 =	vadd.f32 v22, v21;
	[tilespmem:$0x390] =	vst v58  }
0xcb: {  	v40 =	vld [tilespmem:$0x1FFB0];
	[tilespmem:$0x3A0] =	vst v60  }
0xcc: {  	v23 =	vadd.f32 v24, v23;
	[tilespmem:$0x3C0] =	vst v21;
	v41 =	vld [tilespmem:$0x1FFC0]  }
0xcd: {  	v25 =	vadd.f32 v26, v25;
	[tilespmem:$0x1FFE0] =	vst v62;
	v62 =	vld [tilespmem:$0x320]  }
0xce: {  	[tilespmem:$0x3D0] =	vst v23;
	v36 =	vadd.f32 v28, v27;
	v42 =	vld [tilespmem:$0x1FFD0]  }
0xcf: {  	[tilespmem:$0x3E0] =	vst v25;
	v38 =	vadd.f32 v30, v29;
	v43 =	vld [tilespmem:$0x1FFE0]  }
0xd0: {  	v63 =	vld [tilespmem:$0x480];
	[tilespmem:$0x3F0] =	vst v36  }
0xd1: {  	v22 =	vld [tilespmem:$0x4480];
	[tilespmem:$0x400] =	vst v38;
	v0 =	vadd.f32 v41, v40  }
0xd2: {  	v40 =	vadd.f32 v32, v31;
	[tilespmem:$0x1FFF0] =	vst v62;
	v62 =	vadd.f32 v7, v6;
	v6 =	vld [tilespmem:$0x4340]  }
0xd3: {  	[tilespmem:$0x300] =	vst v0;
	v7 =	vld [tilespmem:$0x350]  }
0xd4: {  	[tilespmem:$0x410] =	vst v40;
	v2 =	vadd.f32 v43, v42;
	v44 =	vld [tilespmem:$0x1FFF0]  }
0xd5: {  	v24 =	vld [tilespmem:$0x490];
	v42 =	vadd.f32 v34, v33;
	[tilespmem:$0x130] =	vst v62  }
0xd6: {  	v26 =	vld [tilespmem:$0x4490];
	v62 =	vadd.f32 v11, v10;
	[tilespmem:$0x310] =	vst v2  }
0xd7: {  	v39 =	vld [tilespmem:$0x44A0];
	[tilespmem:$0x420] =	vst v42;
	v48 =	vadd.f32 v6, v5  }
0xd8: {  	v46 =	vld [tilespmem:$0x44C0];
	[tilespmem:$0x150] =	vst v62;
	v50 =	vadd.f32 v8, v7  }
0xd9: {  	v56 =	vld [tilespmem:$0x4F0];
	v0 =	vadd.f32 v1, v44;
	[tilespmem:$0x340] =	vst v48  }
0xda: {  	v58 =	vld [tilespmem:$0x44F0];
	v1 =	vadd.f32 v45, v35;
	[tilespmem:$0x350] =	vst v50  }
0xdb: {  	v41 =	vld [tilespmem:$0x4B0];
	v45 =	vadd.f32 v49, v47;
	[tilespmem:$0x320] =	vst v0  }
0xdc: {  	v10 =	vld [tilespmem:$0x4360];
	v47 =	vadd.f32 v53, v51;
	[tilespmem:$0x430] =	vst v1  }
0xdd: {  	v11 =	vld [tilespmem:$0x370];
	v49 =	vadd.f32 v57, v55;
	[tilespmem:$0x440] =	vst v45  }
0xde: {  	v43 =	vld [tilespmem:$0x44B0];
	v51 =	vadd.f32 v61, v59;
	[tilespmem:$0x450] =	vst v47  }
0xdf: {  	v62 =	vld [tilespmem:$0x43B0];
	v53 =	vadd.f32 v22, v63;
	[tilespmem:$0x460] =	vst v49  }
0xe0: {  	v44 =	vld [tilespmem:$0x4C0];
	v55 =	vadd.f32 v26, v24;
	[tilespmem:$0x470] =	vst v51  }
0xe1: {  	v52 =	vadd.f32 v10, v9;
	v48 =	vld [tilespmem:$0x4D0];
	[tilespmem:$0x480] =	vst v53  }
0xe2: {  	v54 =	vadd.f32 v12, v11;
	v50 =	vld [tilespmem:$0x44D0];
	[tilespmem:$0x490] =	vst v55  }
0xe3: {  	v57 =	vadd.f32 v39, v37;
	[tilespmem:$0x360] =	vst v52;
	v52 =	vld [tilespmem:$0x4E0]  }
0xe4: {  	v59 =	vadd.f32 v43, v41;
	[tilespmem:$0x370] =	vst v54;
	v54 =	vld [tilespmem:$0x44E0]  }
0xe5: {  	v63 =	vadd.f32 v58, v56;
	[tilespmem:$0x4A0] =	vst v57  }
0xe6: {  	[tilespmem:$0x4B0] =	vst v59;
	v62 =	vadd.f32 v62, v19  }
0xe7: {  	[tilespmem:$0x4F0] =	vst v63;
	v60 =	vadd.f32 v46, v44  }
0xe8: {  	[tilespmem:$0x3B0] =	vst v62;
	v61 =	vadd.f32 v50, v48  }
0xe9: {  	s20 =	sadd.s32 $0x1, s20;
	[tilespmem:$0x4C0] =	vst v60;
	v62 =	vadd.f32 v54, v52  }
0xea: {  	p0 =	sne.s32 s20, s12;
	[tilespmem:$0x4D0] =	vst v61  }
.Ltmp2:
0xeb: {  	[tilespmem:$0x4E0] =	vst v62;
	(pc) =	sbr.rel @p0 .LBB2_1-.Ltmp2, $4  }
0xec: {  	[hbm4b:s11+s2] =	stream.linear.scatter [tilespmem:s15], [sflag:$0x3], $0x400, $0x38;
	[tilespmem:$0x8100] =	vst v63  }
0xed: {  	_ =	swait.ge [sflag:s13], $0x400  }
0xee: {  	[sflag:s13] =	ssyncset.done $0x0  }
0xef: {  	[sflag:s13] =	ssyncadd.s32 $0xFFFFFC00  }
0xf0: {  	_ =	sfence.sel $0x180000  }
0xf1: {  	[bflag:$0x0] =	sbarrier.arrive $0xFFFF  }
0xf2: {  	p0 =	sne.s32 s1, $0x0;
	_ =	strace $0x9000004A  }
0xf3: {  	s0 =	sadd.s32 @!p0 $0x100000, s0;
	[bflag:$0x2] =	sbarrier.arrive $0xFFFF  }
0xf4: {  	[sflag:s0] =	ssyncadd.tile.s32 @!p0 $0x1;
	_ =	shalt  }
.Lfunc_end2:
_tile_overlayer_lowered:
.L_overlay_start_2:
0xf5: {  	(tag) =	ssettag $0x2  }
0xf6: {  	s0 =	rddreg [dreg:$0x0];
	s2 =	stileid.u32  }
0xf7: {  	s1 =	rddreg [dreg:$0x1];
	p0 =	sne.s32 s2, $0x0  }
0xf8: {  	s3 =	rddreg [dreg:$0x2];
	[bflag:$0x3] =	sbarrier.arrive $0xFFFF;
	s2 =	simm.s32 @!p0 $0x1C03  }
0xf9: {  	[timem:s3], [sflag:s2] =	dma.local @!p0 [hbm:s0], s1  }
0xfa: {  	s0 =	simm.s32 @!p0 $0x3  }
0xfb: {  	_ =	swait.ge @!p0 [sflag:s0], s1  }
0xfc: {  	s1 =	ssub.s32 @!p0 $0x0, s1;
	[sflag:s0] =	ssyncset.done @!p0 $0x0  }
0xfd: {  	[sflag:s0] =	ssyncadd.s32 @!p0 s1  }
0xfe: {  	[bflag:$0x3] =	sbarrier.arrive $0xFFFF  }
0xff: {  	_ =	shalt  }

// kernel: kernel.21.cloned.1.call-start
scs
__scs_entry_jumppad:
0x0: {  	(pc) =	sbr.rel $0x88, $3  }
0x1: {  	(tag) =	ssettag $0x0;
	lr =	simm.s32 $0x1  }
0x2: {  	[smem:$0x3F8C] =	sst lr;
	_ =	strace $0xD0000000  }
0x3: {  	_ = 	snop  }
0x4: {  	_ = 	snop  }
0x5: {  	_ = 	snop  }
0x6: {  	_ = 	snop  }
0x7: {  	_ = 	snop  }
__scs_overlays_trampoline_lowered:
0x8: {  	[smem:$0x3F9B] =	sst s0  }
0x9: {  	[smem:$0x3F9C] =	sst s1  }
0xa: {  	[smem:$0x3F9D] =	sst s2  }
0xb: {  	[smem:$0x3F9E] =	sst s3  }
0xc: {  	[smem:$0x3F9F] =	sst s4  }
0xd: {  	[smem:$0x3FA0] =	sst s5  }
0xe: {  	[smem:$0x3FA1] =	sst s6  }
0xf: {  	[smem:$0x3FA2] =	sst s7  }
0x10: {  	[smem:$0x3FA3] =	sst s8  }
0x11: {  	[smem:$0x3FA4] =	sst s9;
	s0 =	simm.s32 @!p0 $0x0  }
0x12: {  	s1 =	sld [smem:$0x3F8A];
	s0 =	simm.s32 @p0 $0x1  }
0x13: {  	[smem:$0x3FA5] =	sst s0;
	s0 =	simm.s32 @!p1 $0x0  }
0x14: {  	s2 =	sld [smem:$0x3F89];
	s0 =	simm.s32 @p1 $0x1  }
0x15: {  	[smem:$0x3FA6] =	sst s0;
	s0 =	simm.s32 @!p2 $0x0  }
0x16: {  	s3 =	sld [smem:$0x3FDB];
	s0 =	simm.s32 @p2 $0x1  }
0x17: {  	s4 =	simm.s32 $0x1BF5;
	[smem:$0x3FA8] =	sst s0  }
0x18: {  	s0 =	sld [smem:$0x3F8B];
	_ =	swait.ge [sflag:s4], $0x0  }
0x19: {  	s7 =	sld [smem:$0x3F8C]  }
0x1a: {  	s8 =	sadd.s32 $0xFFFFE003, lr  }
0x1b: {  	s9 =	sadd.s32 $0xFFFFFEF7, lr;
	s5 =	simm.s32 $0xFFFFFFFF;
	p2 =	slt.u32 s8, $0xFFFFF086  }
0x1c: {  	p1 =	slt.u32 s9, $0xF7A;
	s5 =	simm.s32 @!p2 $0x0  }
0x1d: {  	s5 =	simm.s32 @p1 $0x1;
	p0 =	seq.s32 s7, s2  }
0x1e: {  	s7 =	smul.u32 @!p0 $0xF7A, s2;
	p2 =	seq.s32 @!p0 s5, $0x0  }
0x1f: {  	s9 =	smul.u32 $0xF7A, s1;
	s8 =	simm.s32 @!p0 $0x1BF5;
	p2 =	por !p2, p0  }
0x20: {  	[sflag:s8] =	ssyncset.s32 @!p0 $0xFFFFF086;
	s6 =	sadd.s32 @!p0 s3, s7;
	s7 =	simm.s32 @!p0 $0x108  }
0x21: {  	s3 =	sadd.s32 s3, s9;
	s6 =	sadd.s32 @!p0 $0x88, s6;
	s7 =	simm.s32 @p2 $0x1082  }
0x22: {  	[simem:s7], [sflag:s8] =	dma.local @!p0 [hbm:s6], $0xF7A  }
0x23: {  	s9 =	sor.u32 $0xD0000000, s2;
	s6 =	simm.s32 $0x108;
	_ =	swait.ge @!p0 [sflag:s8], $0x0  }
0x24: {  	s3 =	sadd.s32 $0x88, s3;
	s6 =	simm.s32 @!p1 $0x1082;
	[sflag:s4] =	ssyncset.s32 $0xFFFFF086  }
0x25: {  	[simem:s6], [sflag:s4] =	dma.local [hbm:s3], $0xF7A  }
0x26: {  	[smem:$0x3F8C] =	sst s1;
	(tag) =	ssettag s2;
	_ =	strace s9  }
0x27: {  	s1 =	sld [smem:$0x3F9C]  }
0x28: {  	s2 =	sld [smem:$0x3F9D]  }
0x29: {  	s4 =	sld [smem:$0x3F9F]  }
0x2a: {  	p0 =	seq.s32 s5, $0x0;
	s5 =	sld [smem:$0x3FA0]  }
0x2b: {  	s6 =	sld [smem:$0x3FA1]  }
0x2c: {  	s7 =	sld [smem:$0x3FA2]  }
0x2d: {  	s3 =	simm.s32 $0x108;
	s8 =	sld [smem:$0x3FA3]  }
0x2e: {  	s3 =	simm.s32 @!p0 $0x1082;
	s9 =	sld [smem:$0x3FA4]  }
0x2f: {  	lr =	sadd.s32 s0, s3;
	s0 =	sld [smem:$0x3F9B]  }
0x30: {  	s3 =	sld [smem:$0x3F9E]  }
0x31: {  	[smem:$0x3FA7] =	sst s10  }
0x32: {  	s10 =	sld [smem:$0x3FA5];
	_ =	sdelay $0x3  }
0x33: {  	p0 =	seq.s32 s10, $0x1;
	s10 =	sld [smem:$0x3FA7];
	_ =	sdelay $0x3  }
0x34: {  	[smem:$0x3FA7] =	sst s10  }
0x35: {  	s10 =	sld [smem:$0x3FA6];
	_ =	sdelay $0x3  }
0x36: {  	p1 =	seq.s32 s10, $0x1;
	s10 =	sld [smem:$0x3FA7];
	_ =	sdelay $0x3  }
0x37: {  	[smem:$0x3FA7] =	sst s10  }
0x38: {  	s10 =	sld [smem:$0x3FA8]  }
0x39: {  	_ = 	snop;
	(pc) =	sbr.ind lr, $3  }
0x3a: {  	_ = 	snop  }
0x3b: {  	_ = 	snop  }
0x3c: {  	p2 =	seq.s32 s10, $0x1;
	s10 =	sld [smem:$0x3FA7]  }
0x3d: {  	_ =	shalt  }
0x3e: {  	_ =	shalt  }
0x3f: {  	_ =	shalt  }
0x40: {  	_ =	shalt  }
0x41: {  	_ =	shalt  }
0x42: {  	_ =	shalt  }
0x43: {  	_ =	shalt  }
0x44: {  	_ =	shalt  }
0x45: {  	_ =	shalt  }
0x46: {  	_ =	shalt  }
0x47: {  	_ =	shalt  }
0x48: {  	_ =	shalt  }
0x49: {  	_ =	shalt  }
0x4a: {  	_ =	shalt  }
0x4b: {  	_ =	shalt  }
0x4c: {  	_ =	shalt  }
0x4d: {  	_ =	shalt  }
0x4e: {  	_ =	shalt  }
0x4f: {  	_ =	shalt  }
0x50: {  	_ =	shalt  }
0x51: {  	_ =	shalt  }
0x52: {  	_ =	shalt  }
0x53: {  	_ =	shalt  }
0x54: {  	_ =	shalt  }
0x55: {  	_ =	shalt  }
0x56: {  	_ =	shalt  }
0x57: {  	_ =	shalt  }
0x58: {  	_ =	shalt  }
0x59: {  	_ =	shalt  }
0x5a: {  	_ =	shalt  }
0x5b: {  	_ =	shalt  }
0x5c: {  	_ =	shalt  }
0x5d: {  	_ =	shalt  }
0x5e: {  	_ =	shalt  }
0x5f: {  	_ =	shalt  }
0x60: {  	_ =	shalt  }
0x61: {  	_ =	shalt  }
0x62: {  	_ =	shalt  }
0x63: {  	_ =	shalt  }
0x64: {  	_ =	shalt  }
0x65: {  	_ =	shalt  }
0x66: {  	_ =	shalt  }
0x67: {  	_ =	shalt  }
0x68: {  	_ =	shalt  }
0x69: {  	_ =	shalt  }
0x6a: {  	_ =	shalt  }
0x6b: {  	_ =	shalt  }
0x6c: {  	_ =	shalt  }
0x6d: {  	_ =	shalt  }
0x6e: {  	_ =	shalt  }
0x6f: {  	_ =	shalt  }
0x70: {  	_ =	shalt  }
0x71: {  	_ =	shalt  }
0x72: {  	_ =	shalt  }
0x73: {  	_ =	shalt  }
0x74: {  	_ =	shalt  }
0x75: {  	_ =	shalt  }
0x76: {  	_ =	shalt  }
0x77: {  	_ =	shalt  }
0x78: {  	_ =	shalt  }
0x79: {  	_ =	shalt  }
0x7a: {  	_ =	shalt  }
0x7b: {  	_ =	shalt  }
0x7c: {  	_ =	shalt  }
0x7d: {  	_ =	shalt  }
0x7e: {  	_ =	shalt  }
0x7f: {  	_ =	shalt  }
0x80: {  	_ =	shalt  }
0x81: {  	_ =	shalt  }
0x82: {  	_ =	shalt  }
0x83: {  	_ =	shalt  }
0x84: {  	_ =	shalt  }
0x85: {  	_ =	shalt  }
0x86: {  	_ =	shalt  }
0x87: {  	_ =	shalt  }
.Lfunc_end0:
.L_simem_size_0:
called_computation.2_lowered:
.L_overlay_start_0:
0x88: {  	s2 =	sld [smem:$0x3FD9]  }
0x89: {  	s3 =	sld [smem:$0x3FFE];
	_ =	sdelay $0x1  }
0x8a: {  	s1 =	srdreg.scid  }
0x8b: {  	s0 =	sand.u32 $0x1, s1  }
0x8c: {  	s14 =	sshll.u32 s0, $0xA;
	s2 =	sadd.s32 s3, s2  }
0x8d: {  	s2 =	sadd.s32 s2, s14  }
0x8e: {  	[smem:$0x3FB3] =	sst s2  }
0x8f: {  	_ = 	snop  }
0x90: {  	s2 =	sld [smem:$0x3FD0];
	_ =	sdelay $0x2  }
0x91: {  	s15 =	simm.s32 $0xB;
	s4 =	simm.s32 $0x10  }
0x92: {  	[smem:s4], [sflag:s15] =	dma.local [hbm:s2], $0x1  }
0x93: {  	_ =	swait.eq [sflag:s15], $0x1  }
0x94: {  	[sflag:s15] =	ssyncset.done $0x0  }
0x95: {  	[sflag:s15] =	ssyncadd.s32 $0xFFFFFFFF  }
0x96: {  	s16 =	sld [smem:$0x10];
	(tm) =	ssettm $0x1  }
0x97: {  	s17 =	sld [smem:$0x3FFB];
	_ =	sdelay $0x3  }
0x98: {  	_ =	strace s17  }
0x99: {  	s3 =	sld [smem:$0x3FFC];
	_ =	sdelay $0x3  }
0x9a: {  	_ =	strace s3  }
0x9b: {  	s3 =	sld [smem:$0x3FFD];
	_ =	sdelay $0x3  }
0x9c: {  	_ =	strace s3  }
0x9d: {  	_ =	strace $0x8FFFFFFF  }
0x9e: {  	s18 =	sld [smem:$0x3FDB];
	_ =	sdelay $0x1  }
0x9f: {  	s19 =	simm.s32 $_scs_section_size  }
0xa0: {  	s5 =	simm.s32 $_size__tile_overlayer_lowered;
	s6 =	simm.s32 $_tile_overlayer_lowered  }
0xa1: {  	s22 =	simm.s32 $0x1BFF;
	s21 =	sshll.u32 s6, $0x1;
	s3 =	sadd.s32 s19, s18  }
0xa2: {  	s7 =	simm.s32 $0x0;
	s20 =	sshll.u32 s5, $0x1;
	s5 =	sadd.s32 s21, s3  }
0xa3: {  	[timem:s7], [sflag:s22] =	dma.local [hbm:s5], s20  }
0xa4: {  	_ =	swait.ge [sflag:s22], s20  }
0xa5: {  	s4 =	ssub.s32 $0x0, s20;
	[sflag:s22] =	ssyncset.done $0x0  }
0xa6: {  	[sflag:s22] =	ssyncadd.s32 s4;
	_ =	sdelay $0x1  }
0xa7: {  	s23 =	simm.s32 $0x1B8B  }
0xa8: {  	_ =	swait.ge [sflag:s23], $0x1  }
0xa9: {  	[sflag:s23] =	ssyncset.done $0x0  }
0xaa: {  	s25 =	simm.s32 $0x1B8E;
	s24 =	sld [smem:$0x3FFE];
	[sflag:s23] =	ssyncadd.s32 $0xFFFFFFFF  }
0xab: {  	s26 =	simm.s32 $execute0_lowered;
	[smem:$0x3FD2] =	sst s25  }
0xac: {  	s5 =	sshll.u32 s26, $0x1;
	_ =	strace $0x8000004C;
	[dreg:$0x1] =	wrdreg $0xFFFFFFFF  }
0xad: {  	s28 =	simm.s32 $_size_execute0_lowered;
	s3 =	sadd.s32 s3, s5;
	[dreg:$0x0] =	wrdreg $0x0  }
0xae: {  	s5 =	sshll.u32 s28, $0x1;
	[dreg:$0x2] =	wrdreg s3  }
0xaf: {  	[dreg:$0x3] =	wrdreg s5  }
0xb0: {  	[dreg:$0x4] =	wrdreg $0xC0  }
0xb1: {  	_ =	task [dreg:s7], $0x5FFFF  }
0xb2: {  	[dreg:$0x1] =	wrdreg $0xFFFFFFFF  }
0xb3: {  	[dreg:$0x0] =	wrdreg $0x60  }
0xb4: {  	[dreg:$0x2] =	wrdreg s24  }
0xb5: {  	[dreg:$0x3] =	wrdreg s16  }
0xb6: {  	[dreg:$0x4] =	wrdreg $0x71800  }
0xb7: {  	[dreg:$0x5] =	wrdreg $0x9  }
0xb8: {  	_ =	task.clear_ibuf [dreg:s7], $0x6FFFF;
	_ =	strace $0x9000004C  }
0xb9: {  	s29 =	simm.s32 $0x9;
	_ =	strace $0x8000004E  }
0xba: {  	_ =	swait.ge [sflag:s29], $0x1  }
0xbb: {  	[sflag:s29] =	ssyncadd.s32 $0xFFFFFFFF  }
0xbc: {  	_ =	strace $0x9000004E  }
0xbd: {  	_ =	sfence  }
0xbe: {  	s30 =	sld [smem:$0x0];
	_ =	sdelay $0x2  }
0xbf: {  	s31 =	sshll.u32 s1, $0xD;
	s1 =	sshrl.u32 s1, $0x2  }
0xc0: {  	s3 =	sand.u32 $0x4000, s31;
	s1 =	sadd.s32 s1, s30  }
0xc1: {  	s0 =	sor.u32 s3, s0;
	s1 =	sshll.u32 s1, $0x11  }
0xc2: {  	s0 =	sor.u32 s1, s0  }
0xc3: {  	s0 =	sadd.s32 $0x8F2B, s0  }
0xc4: {  	[sflag:s0] =	ssyncadd.remote.s32 $0x1  }
0xc5: {  	_ =	sfence.sel $0xFFFF  }
0xc6: {  	[dreg:$0x0] =	wrdreg $0xFFFFFFFF;
	(pc) =	sbr.abs _section_cstart, $3  }
0xc7: {  	[dreg:$0x1] =	wrdreg $0xFFFFFFFF  }
0xc8: {  	_ =	task.clear_ibuf [dreg:s7], $0x2FFFF;
	_ =	strace $0x9FFFFFFF  }
0xc9: {  	(tm) =	ssettm $0x7FFFFFFF  }
tec
execute0_lowered:
.L_overlay_start_1:
0x0: {  	(tag) =	ssettag $0x1  }
0x1: {  	s5 =	rddreg [dreg:$0x0]  }
0x2: {  	s13 =	rddreg [dreg:$0x1];
	s0 =	srdreg.scid  }
0x3: {  	s2 =	rddreg [dreg:$0x2];
	s1 =	stileid.u32  }
0x4: {  	s3 =	simm.s32 $0x0;
	s28 =	simm.s32 $0x400;
	s6 =	smul.u32 $0x14000, s1  }
0x5: {  	s29 =	simm.s32 $0x0;
	s10 =	sand.u32 $0x1, s0;
	s31 =	smul.u32 $0x50000, s1  }
0x6: {  	[smem:$0x7FF] =	sst s3;
	s8 =	sshrl.u32 s1, $0x3;
	s21 =	smul.u32 $0x2710, s1  }
0x7: {  	s11 =	sadd.s32 $0x306E00, s5;
	s14 =	sadd.s32 $0xCC00, s5;
	s4 =	smul.u32 $0x140000, s10  }
0x8: {  	s9 =	sshll.u32 s1, $0x7;
	s23 =	sshll.u32 s1, $0x1;
	s7 =	smul.u32 $0x28000, s10  }
0x9: {  	s25 =	sshll.u32 s1, $0x6;
	s8 =	smul.u32 $0x14000, s8;
	s22 =	ssub.s32 $0x2, s10  }
0xa: {  	_ =	strace $0x8000004D;
	s26 =	sand.u32 $0x380, s9;
	s24 =	sshrl.u32 s22, $0x1  }
0xb: {  	s6 =	sadd.s32 s6, s4;
	s7 =	sadd.s32 s7, s8;
	s4 =	sadd.s32 $0x11C00, s5  }
0xc: {  	s16 =	ssub.s32 s22, s24;
	s22 =	smul.u32 $0x1388, s10;
	s6 =	sshrl.u32 s6, $0x3  }
0xd: {  	s24 =	smul.u32 $0x13880, s10;
	s7 =	sor.u32 s26, s7;
	s12 =	sadd.s32 s6, s5  }
0xe: {  	s30 =	sshrl.u32 s7, $0x3;
	s6 =	sor.u32 s10, s23;
	s7 =	sshrl.u32 s31, $0x2  }
0xf: {  	s23 =	smul.u32 $0x27100, s1;
	s21 =	sadd.s32 s22, s21;
	s22 =	simm.s32 $0x4900  }
0x10: {  	s0 =	sadd.s32 s30, s5;
	s6 =	smul.u32 $0x1388, s6;
	s15 =	sadd.s32 s7, s2  }
0x11: {  	s5 =	sor.u32 $0x1C01, s25;
	s10 =	sadd.s32 $0x577E00, s12;
	s21 =	sshrl.u32 s21, $0x3  }
0x12: {  	s25 =	simm.s32 $0x4100;
	s17 =	sadd.s32 $0x4000, s15;
	s18 =	sadd.s32 $0x8000, s15  }
0x13: {  	s19 =	sadd.s32 $0xC000, s15;
	s20 =	sadd.s32 $0x10000, s15;
	s9 =	sadd.s32 $0x61000, s0  }
0x14: {  	s31 =	sadd.s32 s23, s11;
	s15 =	sshrl.u32 s15, $0x3;
	s23 =	simm.s32 $0x80  }
0x15: {  	s26 =	sadd.s32 $0x1380, s6;
	s12 =	sadd.s32 s24, s31;
	s17 =	sshrl.u32 s17, $0x3  }
0x16: {  	s18 =	sshrl.u32 s18, $0x3;
	s19 =	sshrl.u32 s19, $0x3;
	s20 =	sshrl.u32 s20, $0x3  }
0x17: {  	s24 =	simm.s32 $0x4980;
	s30 =	sshrl.u32 s26, $0x3;
	s7 =	sshll.u32 s26, $0x4  }
0x18: {  	s26 =	simm.s32 $0x10;
	s6 =	sadd.s32 s14, s30;
	s7 =	sadd.s32 s11, s7  }
0x19: {  	s8 =	sadd.s32 s13, s30;
	s11 =	smax.u32 s16, $0x1;
	s13 =	sadd.s32 s21, s13  }
0x1a: {  	v0 =	vimm.f32 $0.0e+00;
	vm0 =	vmmov $0xff;
	s14 =	sadd.s32 s21, s14;
	s16 =	simm.s32 $0x1;
	s21 =	simm.s32 $0x100  }
.LBB2_1:
0x1b: {  	[spmem:s15], [sflag:s5] =	dma.local [hbm:s4], $0x800  }
0x1c: {  	_ =	swait.ge [sflag:s16], $0x800  }
0x1d: {  	[sflag:s16] =	ssyncset.done $0x0  }
0x1e: {  	[sflag:s16] =	ssyncadd.s32 $0xFFFFF800  }
0x1f: {  	[spmem:s17], [sflag:s5] =	dma.local [hbm:s4], $0x800  }
0x20: {  	_ =	swait.ge [sflag:s16], $0x800  }
0x21: {  	[sflag:s16] =	ssyncset.done $0x0  }
0x22: {  	[sflag:s16] =	ssyncadd.s32 $0xFFFFF800  }
0x23: {  	[spmem:s18], [sflag:s5] =	dma.local [hbm:s4], $0x800  }
0x24: {  	_ =	swait.ge [sflag:s16], $0x800  }
0x25: {  	[sflag:s16] =	ssyncset.done $0x0  }
0x26: {  	[sflag:s16] =	ssyncadd.s32 $0xFFFFF800  }
0x27: {  	[spmem:s19], [sflag:s5] =	dma.local [hbm:s4], $0x800  }
0x28: {  	_ =	swait.ge [sflag:s16], $0x800  }
0x29: {  	[sflag:s16] =	ssyncset.done $0x0  }
0x2a: {  	[sflag:s16] =	ssyncadd.s32 $0xFFFFF800  }
0x2b: {  	[spmem:s20], [sflag:s5] =	dma.local [hbm:s4], $0x800  }
0x2c: {  	_ =	swait.ge [sflag:s16], $0x800  }
0x2d: {  	[sflag:s16] =	ssyncset.done $0x0  }
0x2e: {  	s30 =	simm.s32 $0x40;
	s31 =	simm.s32 $0x0;
	[sflag:s16] =	ssyncadd.s32 $0xFFFFF800  }
.LBB2_2:
0x2f: {  	p0 =	sne.s32 s30, $0x9FC0;
	[tilespmem:s31+$0x4980] =	vst v0;
	s31 =	smov.u32 s30;
	s30 =	sadd.s32 $0x40, s30  }
.Ltmp0:
0x30: {  	(pc) =	sbr.rel @p0 .LBB2_2-.Ltmp0, $2  }
0x31: {  	_ =	sdelay $0x2  }
0x32: {  	s31 =	sshra.s32 s31, $0x2  }
0x33: {  	[tilespmem:s31+$0x4980] =	vst v0  }
0x34: {  	s30 =	simm.s32 $0x0;
	s31 =	smov.u32 s12;
	[bflag:$0x0] =	sbarrier.arrive $0xFFFF  }
.LBB2_4:
0x35: {  	s0 =	sadd.s32 s30, s14  }
0x36: {  	[tilespmem:s3], [sflag:$0x1] =	stream.linear.gather [hbm4b:s0+s3], $0x80, $0x38;
	[tilespmem:$0x1B180] =	vst v63  }
0x37: {  	_ =	swait.ge [sflag:s16], $0x80  }
0x38: {  	[sflag:s16] =	ssyncset.done $0x0  }
0x39: {  	[sflag:s16] =	ssyncadd.s32 $0xFFFFFF80  }
0x3a: {  	[tilespmem:s21], [sflag:$0x1] =	stream.linear.gather [hbm4b:s31+s3], $0x4000, $0x38;
	[tilespmem:$0x1B180] =	vst v63  }
0x3b: {  	_ =	swait.ge [sflag:s16], $0x4000  }
0x3c: {  	[sflag:s16] =	ssyncset.done $0x0  }
0x3d: {  	s0 =	sadd.s32 s30, s13;
	[sflag:s16] =	ssyncadd.s32 $0xFFFFC000  }
0x3e: {  	[tilespmem:s22], [sflag:$0x1] =	stream.linear.gather [hbm4b:s0+s3], $0x80, $0x38;
	[tilespmem:$0x1B180] =	vst v63  }
0x3f: {  	_ =	swait.ge [sflag:s16], $0x80  }
0x40: {  	[sflag:s16] =	ssyncset.done $0x0  }
0x41: {  	[sflag:s16] =	ssyncadd.s32 $0xFFFFFF80  }
0x42: {  	[spmem:s2] =	stream.indirect.scatter.add.f32 [tilespmem:s21], [sflag:$0x1], $0x80, s3, s23, $0xb8;
	[tilespmem:$0x1B180] =	vst v63  }
0x43: {  	_ =	swait.ge [sflag:s16], $0x4000  }
0x44: {  	[sflag:s16] =	ssyncset.done $0x0  }
0x45: {  	[sflag:s16] =	ssyncadd.s32 $0xFFFFC000  }
0x46: {  	v1 =	vld [tilespmem:$0x0];
	_ =	sdelay $0x2  }
0x47: {  	v2 =	vld [tilespmem:$0x4900];
	_ =	sdelay $0x4  }
0x48: {  	[tilespmem:v1+s24+$0x0] =	vst.idx.add.f32.msk $0xffff, v2  }
0x49: {  	v1 =	vld [tilespmem:$0x10];
	_ =	sdelay $0x2  }
0x4a: {  	v2 =	vld [tilespmem:$0x4910];
	_ =	sdelay $0x4  }
0x4b: {  	[tilespmem:v1+s24+$0x0] =	vst.idx.add.f32.msk $0xffff, v2  }
0x4c: {  	v1 =	vld [tilespmem:$0x20];
	_ =	sdelay $0x2  }
0x4d: {  	v2 =	vld [tilespmem:$0x4920];
	_ =	sdelay $0x4  }
0x4e: {  	[tilespmem:v1+s24+$0x0] =	vst.idx.add.f32.msk $0xffff, v2  }
0x4f: {  	v1 =	vld [tilespmem:$0x30];
	_ =	sdelay $0x2  }
0x50: {  	v2 =	vld [tilespmem:$0x4930];
	_ =	sdelay $0x4  }
0x51: {  	[tilespmem:v1+s24+$0x0] =	vst.idx.add.f32.msk $0xffff, v2  }
0x52: {  	v1 =	vld [tilespmem:$0x40];
	_ =	sdelay $0x2  }
0x53: {  	v2 =	vld [tilespmem:$0x4940];
	_ =	sdelay $0x4  }
0x54: {  	[tilespmem:v1+s24+$0x0] =	vst.idx.add.f32.msk $0xffff, v2  }
0x55: {  	v1 =	vld [tilespmem:$0x50];
	_ =	sdelay $0x2  }
0x56: {  	v2 =	vld [tilespmem:$0x4950];
	_ =	sdelay $0x4  }
0x57: {  	[tilespmem:v1+s24+$0x0] =	vst.idx.add.f32.msk $0xffff, v2  }
0x58: {  	v1 =	vld [tilespmem:$0x60];
	_ =	sdelay $0x2  }
0x59: {  	v2 =	vld [tilespmem:$0x4960];
	_ =	sdelay $0x4  }
0x5a: {  	[tilespmem:v1+s24+$0x0] =	vst.idx.add.f32.msk $0xffff, v2  }
0x5b: {  	v1 =	vld [tilespmem:$0x70];
	_ =	sdelay $0x2  }
0x5c: {  	p0 =	sne.s32 s30, $0x260;
	v2 =	vld [tilespmem:$0x4970]  }
.Ltmp1:
0x5d: {  	_ = 	snop;
	(pc) =	sbr.rel @p0 .LBB2_4-.Ltmp1, $2  }
0x5e: {  	_ =	sdelay $0x2  }
0x5f: {  	s30 =	sadd.s32 $0x10, s30;
	s31 =	sadd.s32 $0x800, s31;
	[tilespmem:v1+s24+$0x0] =	vst.idx.add.f32.msk $0xffff, v2  }
0x60: {  	[tilespmem:s23], [sflag:$0x1] =	stream.linear.gather [hbm4b:s6+s3], $0x8, $0x38;
	[tilespmem:$0x1B180] =	vst v63  }
0x61: {  	_ =	swait.ge [sflag:s16], $0x8  }
0x62: {  	[sflag:s16] =	ssyncset.done $0x0  }
0x63: {  	[sflag:s16] =	ssyncadd.s32 $0xFFFFFFF8  }
0x64: {  	v1 =	vld [tilespmem:$0x80];
	_ =	sdelay $0x4  }
0x65: {  	v1 =	vnsel vm0, $0x2710, v1  }
0x66: {  	[tilespmem:$0x80] =	vst v1  }
0x67: {  	[tilespmem:s25], [sflag:$0x1] =	stream.linear.gather [hbm4b:s7+s3], $0x400, $0x38;
	[tilespmem:$0x1B180] =	vst v63  }
0x68: {  	_ =	swait.ge [sflag:s16], $0x400  }
0x69: {  	[sflag:s16] =	ssyncset.done $0x0  }
0x6a: {  	[sflag:s16] =	ssyncadd.s32 $0xFFFFFC00  }
0x6b: {  	[tilespmem:s22], [sflag:$0x1] =	stream.linear.gather [hbm4b:s8+s3], $0x8, $0x38;
	[tilespmem:$0x1B180] =	vst v63  }
0x6c: {  	_ =	swait.ge [sflag:s16], $0x8  }
0x6d: {  	[sflag:s16] =	ssyncset.done $0x0  }
0x6e: {  	[sflag:s16] =	ssyncadd.s32 $0xFFFFFFF8  }
0x6f: {  	[spmem:s2] =	stream.indirect.scatter.add.f32 [tilespmem:s25], [sflag:$0x1], $0x80, s23, s26, $0xb8;
	[tilespmem:$0x1B180] =	vst v63  }
0x70: {  	_ =	swait.ge [sflag:s16], $0x800  }
0x71: {  	[sflag:s16] =	ssyncset.done $0x0  }
0x72: {  	[sflag:s16] =	ssyncadd.s32 $0xFFFFF800  }
0x73: {  	v1 =	vld [tilespmem:$0x80];
	_ =	sdelay $0x2  }
0x74: {  	v2 =	vld [tilespmem:$0x4900];
	_ =	sdelay $0x4  }
0x75: {  	[tilespmem:v1+s24+$0x0] =	vst.idx.add.f32.msk $0xffff, v2  }
0x76: {  	[hbm4b:s9+s23] =	stream.strided.scatter [tilespmem:s24], [sflag:$0x1], $0x2800, s28, s23, $0x38;
	[tilespmem:$0x1B180] =	vst v63  }
0x77: {  	_ =	swait.ge [sflag:s16], $0x2800  }
0x78: {  	s29 =	sadd.s32 $0x1, s29;
	[sflag:s16] =	ssyncset.done $0x0  }
0x79: {  	p0 =	sne.s32 s29, s11;
	[sflag:s16] =	ssyncadd.s32 $0xFFFFD800  }
.Ltmp2:
0x7a: {  	[bflag:$0x0] =	sbarrier.arrive $0xFFFF;
	(pc) =	sbr.rel @p0 .LBB2_1-.Ltmp2, $4  }
0x7b: {  	[hbm:s10], [sflag:s5] =	dma.local [spmem:s15], $0x2800  }
0x7c: {  	_ =	swait.ge [sflag:s16], $0x2800  }
0x7d: {  	[sflag:s16] =	ssyncset.done $0x0  }
0x7e: {  	[sflag:s16] =	ssyncadd.s32 $0xFFFFD800  }
0x7f: {  	_ =	sfence.sel $0x180000  }
0x80: {  	[bflag:$0x0] =	sbarrier.arrive $0xFFFF  }
0x81: {  	_ =	strace $0x9000004D  }
0x82: {  	[bflag:$0x2] =	sbarrier.arrive $0xFFFF  }
0x83: {  	p0 =	sne.s32 s1, $0x0;
	s0 =	rddreg [dreg:$0x3]  }
0x84: {  	s0 =	sadd.s32 @!p0 $0x100000, s0  }
0x85: {  	[sflag:s0] =	ssyncadd.tile.s32 @!p0 $0x1;
	_ =	shalt  }
.Lfunc_end2:
_tile_overlayer_lowered:
.L_overlay_start_2:
0x86: {  	(tag) =	ssettag $0x2  }
0x87: {  	s0 =	rddreg [dreg:$0x0];
	s2 =	stileid.u32  }
0x88: {  	s1 =	rddreg [dreg:$0x1];
	p0 =	sne.s32 s2, $0x0  }
0x89: {  	s3 =	rddreg [dreg:$0x2];
	[bflag:$0x3] =	sbarrier.arrive $0xFFFF;
	s2 =	simm.s32 @!p0 $0x1C01  }
0x8a: {  	[timem:s3], [sflag:s2] =	dma.local @!p0 [hbm:s0], s1  }
0x8b: {  	s0 =	simm.s32 @!p0 $0x1  }
0x8c: {  	_ =	swait.ge @!p0 [sflag:s0], s1  }
0x8d: {  	s1 =	ssub.s32 @!p0 $0x0, s1;
	[sflag:s0] =	ssyncset.done @!p0 $0x0  }
0x8e: {  	[sflag:s0] =	ssyncadd.s32 @!p0 s1  }
0x8f: {  	[bflag:$0x3] =	sbarrier.arrive $0xFFFF  }
0x90: {  	_ =	shalt  }

// kernel: kernel.24.cloned.1.call-start
scs
__scs_entry_jumppad:
0x0: {  	(pc) =	sbr.rel $0x88, $3  }
0x1: {  	(tag) =	ssettag $0x0;
	lr =	simm.s32 $0x1  }
0x2: {  	[smem:$0x3F8C] =	sst lr;
	_ =	strace $0xD0000000  }
0x3: {  	_ = 	snop  }
0x4: {  	_ = 	snop  }
0x5: {  	_ = 	snop  }
0x6: {  	_ = 	snop  }
0x7: {  	_ = 	snop  }
__scs_overlays_trampoline_lowered:
0x8: {  	[smem:$0x3F9B] =	sst s0  }
0x9: {  	[smem:$0x3F9C] =	sst s1  }
0xa: {  	[smem:$0x3F9D] =	sst s2  }
0xb: {  	[smem:$0x3F9E] =	sst s3  }
0xc: {  	[smem:$0x3F9F] =	sst s4  }
0xd: {  	[smem:$0x3FA0] =	sst s5  }
0xe: {  	[smem:$0x3FA1] =	sst s6  }
0xf: {  	[smem:$0x3FA2] =	sst s7  }
0x10: {  	[smem:$0x3FA3] =	sst s8  }
0x11: {  	[smem:$0x3FA4] =	sst s9;
	s0 =	simm.s32 @!p0 $0x0  }
0x12: {  	s1 =	sld [smem:$0x3F8A];
	s0 =	simm.s32 @p0 $0x1  }
0x13: {  	[smem:$0x3FA5] =	sst s0;
	s0 =	simm.s32 @!p1 $0x0  }
0x14: {  	s2 =	sld [smem:$0x3F89];
	s0 =	simm.s32 @p1 $0x1  }
0x15: {  	[smem:$0x3FA6] =	sst s0;
	s0 =	simm.s32 @!p2 $0x0  }
0x16: {  	s3 =	sld [smem:$0x3FDB];
	s0 =	simm.s32 @p2 $0x1  }
0x17: {  	s4 =	simm.s32 $0x1BF5;
	[smem:$0x3FA8] =	sst s0  }
0x18: {  	s0 =	sld [smem:$0x3F8B];
	_ =	swait.ge [sflag:s4], $0x0  }
0x19: {  	s7 =	sld [smem:$0x3F8C]  }
0x1a: {  	s8 =	sadd.s32 $0xFFFFE003, lr  }
0x1b: {  	s9 =	sadd.s32 $0xFFFFFEF7, lr;
	s5 =	simm.s32 $0xFFFFFFFF;
	p2 =	slt.u32 s8, $0xFFFFF086  }
0x1c: {  	p1 =	slt.u32 s9, $0xF7A;
	s5 =	simm.s32 @!p2 $0x0  }
0x1d: {  	s5 =	simm.s32 @p1 $0x1;
	p0 =	seq.s32 s7, s2  }
0x1e: {  	s7 =	smul.u32 @!p0 $0xF7A, s2;
	p2 =	seq.s32 @!p0 s5, $0x0  }
0x1f: {  	s9 =	smul.u32 $0xF7A, s1;
	s8 =	simm.s32 @!p0 $0x1BF5;
	p2 =	por !p2, p0  }
0x20: {  	[sflag:s8] =	ssyncset.s32 @!p0 $0xFFFFF086;
	s6 =	sadd.s32 @!p0 s3, s7;
	s7 =	simm.s32 @!p0 $0x108  }
0x21: {  	s3 =	sadd.s32 s3, s9;
	s6 =	sadd.s32 @!p0 $0x88, s6;
	s7 =	simm.s32 @p2 $0x1082  }
0x22: {  	[simem:s7], [sflag:s8] =	dma.local @!p0 [hbm:s6], $0xF7A  }
0x23: {  	s9 =	sor.u32 $0xD0000000, s2;
	s6 =	simm.s32 $0x108;
	_ =	swait.ge @!p0 [sflag:s8], $0x0  }
0x24: {  	s3 =	sadd.s32 $0x88, s3;
	s6 =	simm.s32 @!p1 $0x1082;
	[sflag:s4] =	ssyncset.s32 $0xFFFFF086  }
0x25: {  	[simem:s6], [sflag:s4] =	dma.local [hbm:s3], $0xF7A  }
0x26: {  	[smem:$0x3F8C] =	sst s1;
	(tag) =	ssettag s2;
	_ =	strace s9  }
0x27: {  	s1 =	sld [smem:$0x3F9C]  }
0x28: {  	s2 =	sld [smem:$0x3F9D]  }
0x29: {  	s4 =	sld [smem:$0x3F9F]  }
0x2a: {  	p0 =	seq.s32 s5, $0x0;
	s5 =	sld [smem:$0x3FA0]  }
0x2b: {  	s6 =	sld [smem:$0x3FA1]  }
0x2c: {  	s7 =	sld [smem:$0x3FA2]  }
0x2d: {  	s3 =	simm.s32 $0x108;
	s8 =	sld [smem:$0x3FA3]  }
0x2e: {  	s3 =	simm.s32 @!p0 $0x1082;
	s9 =	sld [smem:$0x3FA4]  }
0x2f: {  	lr =	sadd.s32 s0, s3;
	s0 =	sld [smem:$0x3F9B]  }
0x30: {  	s3 =	sld [smem:$0x3F9E]  }
0x31: {  	[smem:$0x3FA7] =	sst s10  }
0x32: {  	s10 =	sld [smem:$0x3FA5];
	_ =	sdelay $0x3  }
0x33: {  	p0 =	seq.s32 s10, $0x1;
	s10 =	sld [smem:$0x3FA7];
	_ =	sdelay $0x3  }
0x34: {  	[smem:$0x3FA7] =	sst s10  }
0x35: {  	s10 =	sld [smem:$0x3FA6];
	_ =	sdelay $0x3  }
0x36: {  	p1 =	seq.s32 s10, $0x1;
	s10 =	sld [smem:$0x3FA7];
	_ =	sdelay $0x3  }
0x37: {  	[smem:$0x3FA7] =	sst s10  }
0x38: {  	s10 =	sld [smem:$0x3FA8]  }
0x39: {  	_ = 	snop;
	(pc) =	sbr.ind lr, $3  }
0x3a: {  	_ = 	snop  }
0x3b: {  	_ = 	snop  }
0x3c: {  	p2 =	seq.s32 s10, $0x1;
	s10 =	sld [smem:$0x3FA7]  }
0x3d: {  	_ =	shalt  }
0x3e: {  	_ =	shalt  }
0x3f: {  	_ =	shalt  }
0x40: {  	_ =	shalt  }
0x41: {  	_ =	shalt  }
0x42: {  	_ =	shalt  }
0x43: {  	_ =	shalt  }
0x44: {  	_ =	shalt  }
0x45: {  	_ =	shalt  }
0x46: {  	_ =	shalt  }
0x47: {  	_ =	shalt  }
0x48: {  	_ =	shalt  }
0x49: {  	_ =	shalt  }
0x4a: {  	_ =	shalt  }
0x4b: {  	_ =	shalt  }
0x4c: {  	_ =	shalt  }
0x4d: {  	_ =	shalt  }
0x4e: {  	_ =	shalt  }
0x4f: {  	_ =	shalt  }
0x50: {  	_ =	shalt  }
0x51: {  	_ =	shalt  }
0x52: {  	_ =	shalt  }
0x53: {  	_ =	shalt  }
0x54: {  	_ =	shalt  }
0x55: {  	_ =	shalt  }
0x56: {  	_ =	shalt  }
0x57: {  	_ =	shalt  }
0x58: {  	_ =	shalt  }
0x59: {  	_ =	shalt  }
0x5a: {  	_ =	shalt  }
0x5b: {  	_ =	shalt  }
0x5c: {  	_ =	shalt  }
0x5d: {  	_ =	shalt  }
0x5e: {  	_ =	shalt  }
0x5f: {  	_ =	shalt  }
0x60: {  	_ =	shalt  }
0x61: {  	_ =	shalt  }
0x62: {  	_ =	shalt  }
0x63: {  	_ =	shalt  }
0x64: {  	_ =	shalt  }
0x65: {  	_ =	shalt  }
0x66: {  	_ =	shalt  }
0x67: {  	_ =	shalt  }
0x68: {  	_ =	shalt  }
0x69: {  	_ =	shalt  }
0x6a: {  	_ =	shalt  }
0x6b: {  	_ =	shalt  }
0x6c: {  	_ =	shalt  }
0x6d: {  	_ =	shalt  }
0x6e: {  	_ =	shalt  }
0x6f: {  	_ =	shalt  }
0x70: {  	_ =	shalt  }
0x71: {  	_ =	shalt  }
0x72: {  	_ =	shalt  }
0x73: {  	_ =	shalt  }
0x74: {  	_ =	shalt  }
0x75: {  	_ =	shalt  }
0x76: {  	_ =	shalt  }
0x77: {  	_ =	shalt  }
0x78: {  	_ =	shalt  }
0x79: {  	_ =	shalt  }
0x7a: {  	_ =	shalt  }
0x7b: {  	_ =	shalt  }
0x7c: {  	_ =	shalt  }
0x7d: {  	_ =	shalt  }
0x7e: {  	_ =	shalt  }
0x7f: {  	_ =	shalt  }
0x80: {  	_ =	shalt  }
0x81: {  	_ =	shalt  }
0x82: {  	_ =	shalt  }
0x83: {  	_ =	shalt  }
0x84: {  	_ =	shalt  }
0x85: {  	_ =	shalt  }
0x86: {  	_ =	shalt  }
0x87: {  	_ =	shalt  }
.Lfunc_end0:
.L_simem_size_0:
called_computation.3_lowered:
.L_overlay_start_0:
0x88: {  	s2 =	sld [smem:$0x3FD9]  }
0x89: {  	s3 =	sld [smem:$0x3FFE];
	_ =	sdelay $0x1  }
0x8a: {  	s1 =	srdreg.scid  }
0x8b: {  	s0 =	sand.u32 $0x1, s1  }
0x8c: {  	s16 =	sshll.u32 s0, $0xA;
	s2 =	sadd.s32 s3, s2  }
0x8d: {  	s2 =	sadd.s32 s2, s16  }
0x8e: {  	[smem:$0x3FB3] =	sst s2  }
0x8f: {  	_ = 	snop  }
0x90: {  	(tm) =	ssettm $0x1  }
0x91: {  	s17 =	sld [smem:$0x3FFB];
	_ =	sdelay $0x3  }
0x92: {  	_ =	strace s17  }
0x93: {  	s2 =	sld [smem:$0x3FFC];
	_ =	sdelay $0x3  }
0x94: {  	_ =	strace s2  }
0x95: {  	s2 =	sld [smem:$0x3FFD];
	_ =	sdelay $0x3  }
0x96: {  	_ =	strace s2  }
0x97: {  	_ =	strace $0x8FFFFFFF  }
0x98: {  	s18 =	sld [smem:$0x3FDB];
	_ =	sdelay $0x1  }
0x99: {  	s19 =	simm.s32 $_scs_section_size  }
0x9a: {  	s4 =	simm.s32 $_size__tile_overlayer_lowered;
	s5 =	simm.s32 $_tile_overlayer_lowered  }
0x9b: {  	s22 =	simm.s32 $0x1BFF;
	s21 =	sshll.u32 s5, $0x1;
	s2 =	sadd.s32 s19, s18  }
0x9c: {  	s6 =	simm.s32 $0x0;
	s20 =	sshll.u32 s4, $0x1;
	s4 =	sadd.s32 s21, s2  }
0x9d: {  	[timem:s6], [sflag:s22] =	dma.local [hbm:s4], s20  }
0x9e: {  	_ =	swait.ge [sflag:s22], s20  }
0x9f: {  	s3 =	ssub.s32 $0x0, s20;
	[sflag:s22] =	ssyncset.done $0x0  }
0xa0: {  	[sflag:s22] =	ssyncadd.s32 s3;
	_ =	sdelay $0x1  }
0xa1: {  	s23 =	simm.s32 $0x1B8B  }
0xa2: {  	_ =	swait.ge [sflag:s23], $0x1  }
0xa3: {  	[sflag:s23] =	ssyncset.done $0x0  }
0xa4: {  	s25 =	simm.s32 $0x1B8E;
	s24 =	sld [smem:$0x3FFE];
	[sflag:s23] =	ssyncadd.s32 $0xFFFFFFFF  }
0xa5: {  	s26 =	simm.s32 $execute0_lowered;
	[smem:$0x3FD2] =	sst s25  }
0xa6: {  	s4 =	sshll.u32 s26, $0x1;
	_ =	strace $0x8000004F;
	[dreg:$0x1] =	wrdreg $0xFFFFFFFF  }
0xa7: {  	s28 =	simm.s32 $_size_execute0_lowered;
	s2 =	sadd.s32 s2, s4;
	[dreg:$0x0] =	wrdreg $0x0  }
0xa8: {  	s4 =	sshll.u32 s28, $0x1;
	[dreg:$0x2] =	wrdreg s2  }
0xa9: {  	[dreg:$0x3] =	wrdreg s4  }
0xaa: {  	[dreg:$0x4] =	wrdreg $0xC0  }
0xab: {  	_ =	task [dreg:s6], $0x5FFFF  }
0xac: {  	[dreg:$0x1] =	wrdreg $0xFFFFFFFF  }
0xad: {  	[dreg:$0x0] =	wrdreg $0x60  }
0xae: {  	[dreg:$0x2] =	wrdreg s24  }
0xaf: {  	[dreg:$0x3] =	wrdreg $0x9  }
0xb0: {  	_ =	task.clear_ibuf [dreg:s6], $0x4FFFF;
	_ =	strace $0x9000004F  }
0xb1: {  	s29 =	simm.s32 $0x9;
	_ =	strace $0x80000051  }
0xb2: {  	_ =	swait.ge [sflag:s29], $0x1  }
0xb3: {  	[sflag:s29] =	ssyncadd.s32 $0xFFFFFFFF  }
0xb4: {  	_ =	strace $0x90000051  }
0xb5: {  	_ =	sfence  }
0xb6: {  	s30 =	sld [smem:$0x0];
	_ =	sdelay $0x2  }
0xb7: {  	s31 =	sshll.u32 s1, $0xD;
	s1 =	sshrl.u32 s1, $0x2  }
0xb8: {  	s3 =	sand.u32 $0x4000, s31;
	s1 =	sadd.s32 s1, s30  }
0xb9: {  	s0 =	sor.u32 s3, s0;
	s1 =	sshll.u32 s1, $0x11  }
0xba: {  	s0 =	sor.u32 s1, s0  }
0xbb: {  	s0 =	sadd.s32 $0x8F2B, s0  }
0xbc: {  	[sflag:s0] =	ssyncadd.remote.s32 $0x1  }
0xbd: {  	_ =	sfence.sel $0xFFFF  }
0xbe: {  	[dreg:$0x0] =	wrdreg $0xFFFFFFFF;
	(pc) =	sbr.abs _section_cstart, $3  }
0xbf: {  	[dreg:$0x1] =	wrdreg $0xFFFFFFFF  }
0xc0: {  	_ =	task.clear_ibuf [dreg:s6], $0x2FFFF;
	_ =	strace $0x9FFFFFFF  }
0xc1: {  	(tm) =	ssettm $0x7FFFFFFF  }
tec
execute0_lowered:
.L_overlay_start_1:
0x0: {  	(tag) =	ssettag $0x1  }
0x1: {  	s8 =	rddreg [dreg:$0x0]  }
0x2: {  	s0 =	rddreg [dreg:$0x1];
	s2 =	simm.s32 $0x0;
	s3 =	srdreg.scid  }
0x3: {  	s1 =	stileid.u32;
	s13 =	simm.s32 $0x3;
	s14 =	simm.s32 $0x80  }
0x4: {  	s15 =	simm.s32 $0x100;
	s16 =	simm.s32 $0x4100;
	s17 =	simm.s32 $0x1  }
0x5: {  	s18 =	simm.s32 $0x2;
	s19 =	simm.s32 $0x8;
	s20 =	simm.s32 $0x0  }
0x6: {  	[smem:$0x7FF] =	sst s2;
	s9 =	sand.u32 $0x1, s3;
	s30 =	sshll.u32 s1, $0x1  }
0x7: {  	s3 =	sadd.s32 $0x61000, s8;
	s4 =	sadd.s32 $0x11C00, s8;
	s5 =	sor.u32 s9, s30  }
0x8: {  	s6 =	sadd.s32 $0x7C00, s8;
	s9 =	ssub.s32 $0x2, s9;
	s5 =	smul.u32 $0x1388, s5  }
0x9: {  	s7 =	sadd.s32 $0xCC00, s8;
	s8 =	sadd.s32 $0x95E00, s8;
	s10 =	sshrl.u32 s9, $0x1  }
0xa: {  	_ =	strace $0x80000050;
	s12 =	ssub.s32 s9, s10;
	s11 =	sadd.s32 $0x1380, s5  }
0xb: {  	s12 =	smax.u32 s12, $0x1;
	s31 =	sshrl.u32 s11, $0x3;
	s11 =	sshll.u32 s11, $0x4  }
0xc: {  	s9 =	sadd.s32 s6, s31;
	s10 =	sadd.s32 s7, s31;
	s11 =	sadd.s32 s8, s11  }
.LBB2_1:
0xd: {  	s21 =	simm.s32 $0x0  }
.LBB2_2:
0xe: {  	s22 =	sshll.u32 s21, $0x7  }
0xf: {  	s22 =	sadd.s32 s5, s22  }
0x10: {  	s23 =	sshrl.u32 s22, $0x3  }
0x11: {  	s25 =	simm.s32 $0x0;
	s24 =	sadd.s32 s6, s23  }
0x12: {  	[tilespmem:s25], [sflag:$0x3] =	stream.linear.gather [hbm4b:s24+s25], $0x80, $0x38;
	[tilespmem:$0x8100] =	vst v63  }
0x13: {  	_ =	swait.ge [sflag:s13], $0x80  }
0x14: {  	[sflag:s13] =	ssyncset.done $0x0  }
0x15: {  	s23 =	sadd.s32 s7, s23;
	[sflag:s13] =	ssyncadd.s32 $0xFFFFFF80  }
0x16: {  	[tilespmem:s14], [sflag:$0x3] =	stream.linear.gather [hbm4b:s23+s25], $0x80, $0x38;
	[tilespmem:$0x8100] =	vst v63  }
0x17: {  	_ =	swait.ge [sflag:s13], $0x80  }
0x18: {  	[sflag:s13] =	ssyncset.done $0x0  }
0x19: {  	[sflag:s13] =	ssyncadd.s32 $0xFFFFFF80  }
0x1a: {  	[tilespmem:s15], [sflag:$0x1] =	stream.indirect.gather [hbm4b:s3+s14], $0x80, s25, s14, $0xb8;
	[tilespmem:$0x8100] =	vst v63  }
0x1b: {  	_ = 	snop  }
0x1c: {  	[tilespmem:s16], [sflag:$0x2] =	stream.indirect.gather [hbm4b:s4+s14], $0x80, s14, s14, $0xb8;
	[tilespmem:$0x8100] =	vst v63  }
0x1d: {  	_ =	swait.ge [sflag:s17], $0x4000  }
0x1e: {  	[sflag:s17] =	ssyncset.done $0x0  }
0x1f: {  	[sflag:s17] =	ssyncadd.s32 $0xFFFFC000  }
0x20: {  	_ =	swait.ge [sflag:s18], $0x4000  }
0x21: {  	[sflag:s18] =	ssyncset.done $0x0  }
0x22: {  	s23 =	simm.s32 $0x0;
	[sflag:s18] =	ssyncadd.s32 $0xFFFFC000  }
0x23: {  	v7 =	vld [tilespmem:s23+$0x4100]  }
0x24: {  	v11 =	vld [tilespmem:s23+$0x4110]  }
0x25: {  	v5 =	vld [tilespmem:s23+$0x4120]  }
0x26: {  	v4 =	vld [tilespmem:s23+$0x4130]  }
0x27: {  	v3 =	vld [tilespmem:s23+$0x4140]  }
0x28: {  	v2 =	vld [tilespmem:s23+$0x4150]  }
0x29: {  	v1 =	vld [tilespmem:s23+$0x4160]  }
0x2a: {  	v0 =	vld [tilespmem:s23+$0x4170]  }
0x2b: {  	v12 =	vld [tilespmem:s23+$0x100]  }
0x2c: {  	v13 =	vld [tilespmem:s23+$0x110]  }
0x2d: {  	v10 =	vld [tilespmem:s23+$0x120]  }
0x2e: {  	v9 =	vld [tilespmem:s23+$0x130]  }
0x2f: {  	v8 =	vld [tilespmem:s23+$0x140]  }
0x30: {  	v6 =	vld [tilespmem:s23+$0x150];
	v12 =	vadd.f32 v7, v12  }
0x31: {  	s24 =	simm.s32 $0x200;
	v11 =	vadd.f32 v11, v13;
	v7 =	vld [tilespmem:s23+$0x160]  }
.LBB2_3:
0x32: {  	s25 =	sshra.s32 s24, $0x2;
	p0 =	sne.s32 s24, $0xFE00;
	[tilespmem:s23+$0x100] =	vst v12;
	v5 =	vadd.f32 v5, v10;
	v10 =	vld [tilespmem:s23+$0x170]  }
0x33: {  	v12 =	vld [tilespmem:s25+$0x4100];
	[tilespmem:s23+$0x110] =	vst v11;
	v4 =	vadd.f32 v4, v9  }
0x34: {  	v11 =	vld [tilespmem:s25+$0x4110];
	[tilespmem:s23+$0x120] =	vst v5;
	v3 =	vadd.f32 v3, v8  }
0x35: {  	v5 =	vld [tilespmem:s25+$0x4120];
	[tilespmem:s23+$0x130] =	vst v4;
	v2 =	vadd.f32 v2, v6  }
0x36: {  	v4 =	vld [tilespmem:s25+$0x4130];
	[tilespmem:s23+$0x140] =	vst v3;
	v1 =	vadd.f32 v1, v7  }
0x37: {  	v3 =	vld [tilespmem:s25+$0x4140];
	[tilespmem:s23+$0x150] =	vst v2;
	v0 =	vadd.f32 v0, v10  }
0x38: {  	v2 =	vld [tilespmem:s25+$0x4150];
	[tilespmem:s23+$0x160] =	vst v1  }
0x39: {  	v1 =	vld [tilespmem:s25+$0x4160];
	[tilespmem:s23+$0x170] =	vst v0;
	s23 =	smov.u32 s25  }
0x3a: {  	v0 =	vld [tilespmem:s23+$0x4170]  }
0x3b: {  	v6 =	vld [tilespmem:s23+$0x100]  }
0x3c: {  	v7 =	vld [tilespmem:s23+$0x110]  }
.Ltmp0:
0x3d: {  	v10 =	vld [tilespmem:s23+$0x120];
	(pc) =	sbr.rel @p0 .LBB2_3-.Ltmp0, $4  }
0x3e: {  	v9 =	vld [tilespmem:s23+$0x130]  }
0x3f: {  	v8 =	vld [tilespmem:s23+$0x140]  }
0x40: {  	v12 =	vadd.f32 v12, v6;
	v6 =	vld [tilespmem:s23+$0x150]  }
0x41: {  	s24 =	sadd.s32 $0x200, s24;
	v11 =	vadd.f32 v11, v7;
	v7 =	vld [tilespmem:s23+$0x160]  }
0x42: {  	[tilespmem:s23+$0x100] =	vst v12;
	v5 =	vadd.f32 v5, v10;
	v63 =	vld [tilespmem:s23+$0x170]  }
0x43: {  	[tilespmem:s23+$0x110] =	vst v11;
	v4 =	vadd.f32 v4, v9  }
0x44: {  	[tilespmem:s23+$0x120] =	vst v5;
	v3 =	vadd.f32 v3, v8  }
0x45: {  	[tilespmem:s23+$0x130] =	vst v4;
	v2 =	vadd.f32 v2, v6  }
0x46: {  	[tilespmem:s23+$0x140] =	vst v3;
	v1 =	vadd.f32 v1, v7  }
0x47: {  	s21 =	sadd.s32 $0x1, s21;
	[tilespmem:s23+$0x150] =	vst v2;
	v0 =	vadd.f32 v0, v63  }
0x48: {  	s22 =	sshll.u32 s22, $0x4;
	p0 =	sne.s32 s21, $0x27;
	[tilespmem:s23+$0x160] =	vst v1  }
.Ltmp1:
0x49: {  	s22 =	sadd.s32 s8, s22;
	[tilespmem:s23+$0x170] =	vst v0;
	(pc) =	sbr.rel @p0 .LBB2_2-.Ltmp1, $4  }
0x4a: {  	[hbm4b:s22+s2] =	stream.linear.scatter [tilespmem:s15], [sflag:$0x3], $0x4000, $0x38;
	[tilespmem:$0x8100] =	vst v63  }
0x4b: {  	_ =	swait.ge [sflag:s13], $0x4000  }
0x4c: {  	[sflag:s13] =	ssyncset.done $0x0  }
0x4d: {  	[sflag:s13] =	ssyncadd.s32 $0xFFFFC000  }
0x4e: {  	[tilespmem:s2], [sflag:$0x3] =	stream.linear.gather [hbm4b:s9+s2], $0x8, $0x38;
	[tilespmem:$0x8100] =	vst v63  }
0x4f: {  	_ =	swait.ge [sflag:s13], $0x8  }
0x50: {  	[sflag:s13] =	ssyncset.done $0x0  }
0x51: {  	[sflag:s13] =	ssyncadd.s32 $0xFFFFFFF8  }
0x52: {  	[tilespmem:s14], [sflag:$0x3] =	stream.linear.gather [hbm4b:s10+s2], $0x8, $0x38;
	[tilespmem:$0x8100] =	vst v63  }
0x53: {  	_ =	swait.ge [sflag:s13], $0x8  }
0x54: {  	[sflag:s13] =	ssyncset.done $0x0  }
0x55: {  	[sflag:s13] =	ssyncadd.s32 $0xFFFFFFF8  }
0x56: {  	[tilespmem:s15], [sflag:$0x1] =	stream.indirect.gather [hbm4b:s3+s19], $0x80, s2, s19, $0xb8;
	[tilespmem:$0x8100] =	vst v63  }
0x57: {  	_ = 	snop  }
0x58: {  	[tilespmem:s16], [sflag:$0x2] =	stream.indirect.gather [hbm4b:s4+s19], $0x80, s14, s19, $0xb8;
	[tilespmem:$0x8100] =	vst v63  }
0x59: {  	_ =	swait.ge [sflag:s17], $0x400  }
0x5a: {  	[sflag:s17] =	ssyncset.done $0x0  }
0x5b: {  	[sflag:s17] =	ssyncadd.s32 $0xFFFFFC00  }
0x5c: {  	_ =	swait.ge [sflag:s18], $0x400  }
0x5d: {  	[sflag:s18] =	ssyncset.done $0x0  }
0x5e: {  	[sflag:s18] =	ssyncadd.s32 $0xFFFFFC00  }
0x5f: {  	v0 =	vld [tilespmem:$0x100]  }
0x60: {  	v1 =	vld [tilespmem:$0x4100]  }
0x61: {  	v2 =	vld [tilespmem:$0x110]  }
0x62: {  	v3 =	vld [tilespmem:$0x4110]  }
0x63: {  	v4 =	vld [tilespmem:$0x120]  }
0x64: {  	v5 =	vld [tilespmem:$0x4120]  }
0x65: {  	v6 =	vld [tilespmem:$0x130]  }
0x66: {  	v7 =	vld [tilespmem:$0x4130]  }
0x67: {  	v8 =	vld [tilespmem:$0x140]  }
0x68: {  	v9 =	vld [tilespmem:$0x4140]  }
0x69: {  	v10 =	vld [tilespmem:$0x150]  }
0x6a: {  	v11 =	vld [tilespmem:$0x4150]  }
0x6b: {  	v12 =	vld [tilespmem:$0x160]  }
0x6c: {  	v13 =	vld [tilespmem:$0x4160]  }
0x6d: {  	v14 =	vld [tilespmem:$0x170]  }
0x6e: {  	v15 =	vld [tilespmem:$0x4170]  }
0x6f: {  	v16 =	vld [tilespmem:$0x180]  }
0x70: {  	v17 =	vld [tilespmem:$0x4180]  }
0x71: {  	v18 =	vld [tilespmem:$0x190]  }
0x72: {  	v19 =	vld [tilespmem:$0x4190]  }
0x73: {  	v20 =	vld [tilespmem:$0x1A0]  }
0x74: {  	v21 =	vld [tilespmem:$0x41A0]  }
0x75: {  	v22 =	vld [tilespmem:$0x1B0]  }
0x76: {  	v23 =	vld [tilespmem:$0x41B0]  }
0x77: {  	v24 =	vld [tilespmem:$0x1C0]  }
0x78: {  	v25 =	vld [tilespmem:$0x41C0]  }
0x79: {  	v26 =	vld [tilespmem:$0x1D0]  }
0x7a: {  	v27 =	vld [tilespmem:$0x41D0]  }
0x7b: {  	v28 =	vld [tilespmem:$0x1E0]  }
0x7c: {  	v29 =	vld [tilespmem:$0x41E0]  }
0x7d: {  	v30 =	vld [tilespmem:$0x1F0]  }
0x7e: {  	v31 =	vld [tilespmem:$0x41F0]  }
0x7f: {  	v32 =	vld [tilespmem:$0x200]  }
0x80: {  	v33 =	vld [tilespmem:$0x4200]  }
0x81: {  	v34 =	vld [tilespmem:$0x210]  }
0x82: {  	v35 =	vld [tilespmem:$0x4210]  }
0x83: {  	v36 =	vld [tilespmem:$0x220]  }
0x84: {  	v37 =	vld [tilespmem:$0x4220]  }
0x85: {  	v38 =	vld [tilespmem:$0x230]  }
0x86: {  	v39 =	vld [tilespmem:$0x4230]  }
0x87: {  	v40 =	vld [tilespmem:$0x240]  }
0x88: {  	v41 =	vld [tilespmem:$0x4240]  }
0x89: {  	v42 =	vld [tilespmem:$0x250]  }
0x8a: {  	v43 =	vld [tilespmem:$0x4250]  }
0x8b: {  	v44 =	vld [tilespmem:$0x260]  }
0x8c: {  	v45 =	vld [tilespmem:$0x4260]  }
0x8d: {  	v46 =	vld [tilespmem:$0x270]  }
0x8e: {  	v47 =	vld [tilespmem:$0x4270]  }
0x8f: {  	v48 =	vld [tilespmem:$0x280]  }
0x90: {  	v49 =	vld [tilespmem:$0x4280]  }
0x91: {  	v50 =	vld [tilespmem:$0x290]  }
0x92: {  	v51 =	vld [tilespmem:$0x4290]  }
0x93: {  	v52 =	vld [tilespmem:$0x2A0]  }
0x94: {  	v53 =	vld [tilespmem:$0x42A0]  }
0x95: {  	v54 =	vld [tilespmem:$0x2B0]  }
0x96: {  	v55 =	vld [tilespmem:$0x42B0]  }
0x97: {  	v56 =	vld [tilespmem:$0x2C0]  }
0x98: {  	v57 =	vld [tilespmem:$0x42C0]  }
0x99: {  	v58 =	vld [tilespmem:$0x2D0]  }
0x9a: {  	v62 =	vld [tilespmem:$0x2F0]  }
0x9b: {  	v59 =	vld [tilespmem:$0x42D0]  }
0x9c: {  	v60 =	vld [tilespmem:$0x2E0]  }
0x9d: {  	v61 =	vld [tilespmem:$0x42E0]  }
0x9e: {  	v63 =	vld [tilespmem:$0x42F0]  }
0x9f: {  	[tilespmem:$0x1FFA0] =	vst v62;
	v62 =	vld [tilespmem:$0x300]  }
0xa0: {  	v0 =	vadd.f32 v1, v0;
	v1 =	vld [tilespmem:$0x4320]  }
0xa1: {  	v2 =	vadd.f32 v3, v2;
	v3 =	vld [tilespmem:$0x330]  }
0xa2: {  	v9 =	vadd.f32 v9, v8;
	v8 =	vld [tilespmem:$0x4350]  }
0xa3: {  	v13 =	vadd.f32 v13, v12;
	v12 =	vld [tilespmem:$0x4370]  }
0xa4: {  	v15 =	vadd.f32 v15, v14;
	v14 =	vld [tilespmem:$0x4380]  }
0xa5: {  	v17 =	vadd.f32 v17, v16;
	v16 =	vld [tilespmem:$0x4390]  }
0xa6: {  	v19 =	vadd.f32 v19, v18;
	v18 =	vld [tilespmem:$0x43A0]  }
0xa7: {  	v23 =	vadd.f32 v23, v22;
	v22 =	vld [tilespmem:$0x43C0];
	[tilespmem:$0x100] =	vst v0  }
0xa8: {  	v25 =	vadd.f32 v25, v24;
	v24 =	vld [tilespmem:$0x43D0];
	[tilespmem:$0x110] =	vst v2  }
0xa9: {  	v21 =	vadd.f32 v21, v20;
	v27 =	vadd.f32 v27, v26;
	v26 =	vld [tilespmem:$0x43E0];
	[tilespmem:$0x140] =	vst v9  }
0xaa: {  	v31 =	vadd.f32 v31, v30;
	v30 =	vadd.f32 v45, v44;
	v45 =	vld [tilespmem:$0x4430];
	[tilespmem:$0x160] =	vst v13  }
0xab: {  	v33 =	vadd.f32 v33, v32;
	v32 =	vadd.f32 v49, v48;
	v49 =	vld [tilespmem:$0x4440];
	[tilespmem:$0x170] =	vst v15  }
0xac: {  	v35 =	vadd.f32 v35, v34;
	v34 =	vadd.f32 v53, v52;
	v53 =	vld [tilespmem:$0x4450];
	[tilespmem:$0x180] =	vst v17  }
0xad: {  	v37 =	vadd.f32 v37, v36;
	v36 =	vadd.f32 v57, v56;
	v57 =	vld [tilespmem:$0x4460];
	[tilespmem:$0x190] =	vst v19  }
0xae: {  	v0 =	vadd.f32 v5, v4;
	v4 =	vld [tilespmem:$0x4330];
	[tilespmem:$0x1A0] =	vst v21  }
0xaf: {  	v5 =	vld [tilespmem:$0x340];
	[tilespmem:$0x1B0] =	vst v23  }
0xb0: {  	v29 =	vadd.f32 v29, v28;
	v9 =	vld [tilespmem:$0x360];
	[tilespmem:$0x1C0] =	vst v25  }
0xb1: {  	v13 =	vld [tilespmem:$0x380];
	[tilespmem:$0x1D0] =	vst v27  }
0xb2: {  	v15 =	vld [tilespmem:$0x390];
	[tilespmem:$0x1E0] =	vst v29  }
0xb3: {  	v17 =	vld [tilespmem:$0x3A0];
	[tilespmem:$0x1F0] =	vst v31  }
0xb4: {  	v19 =	vld [tilespmem:$0x3B0];
	[tilespmem:$0x200] =	vst v33  }
0xb5: {  	v28 =	vadd.f32 v41, v40;
	[tilespmem:$0x210] =	vst v35;
	v21 =	vld [tilespmem:$0x3C0]  }
0xb6: {  	[tilespmem:$0x220] =	vst v37;
	v23 =	vld [tilespmem:$0x3D0]  }
0xb7: {  	[tilespmem:$0x240] =	vst v28;
	v25 =	vld [tilespmem:$0x3E0]  }
0xb8: {  	[tilespmem:$0x260] =	vst v30;
	v28 =	vld [tilespmem:$0x43F0]  }
0xb9: {  	[tilespmem:$0x280] =	vst v32;
	v30 =	vld [tilespmem:$0x4400]  }
0xba: {  	[tilespmem:$0x2A0] =	vst v34;
	v32 =	vld [tilespmem:$0x4410]  }
0xbb: {  	v27 =	vadd.f32 v39, v38;
	[tilespmem:$0x2C0] =	vst v36;
	v39 =	vld [tilespmem:$0x1FFA0]  }
0xbc: {  	v34 =	vld [tilespmem:$0x4420];
	[tilespmem:$0x120] =	vst v0  }
0xbd: {  	v29 =	vadd.f32 v43, v42;
	v31 =	vadd.f32 v47, v46;
	v47 =	vld [tilespmem:$0x440];
	[tilespmem:$0x230] =	vst v27  }
0xbe: {  	[tilespmem:$0x1FFB0] =	vst v62;
	v62 =	vld [tilespmem:$0x4300]  }
0xbf: {  	v33 =	vadd.f32 v51, v50;
	v51 =	vld [tilespmem:$0x450];
	[tilespmem:$0x250] =	vst v29  }
0xc0: {  	v35 =	vadd.f32 v55, v54;
	v55 =	vld [tilespmem:$0x460];
	[tilespmem:$0x270] =	vst v31  }
0xc1: {  	v37 =	vadd.f32 v59, v58;
	v59 =	vld [tilespmem:$0x470];
	[tilespmem:$0x290] =	vst v33  }
0xc2: {  	v38 =	vadd.f32 v61, v60;
	v61 =	vld [tilespmem:$0x4470];
	[tilespmem:$0x2B0] =	vst v35  }
0xc3: {  	[tilespmem:$0x1FFC0] =	vst v62;
	v62 =	vld [tilespmem:$0x310]  }
0xc4: {  	v27 =	vld [tilespmem:$0x3F0];
	[tilespmem:$0x2D0] =	vst v37;
	v2 =	vadd.f32 v63, v39  }
0xc5: {  	v29 =	vld [tilespmem:$0x400];
	[tilespmem:$0x2E0] =	vst v38;
	v46 =	vadd.f32 v4, v3  }
0xc6: {  	v31 =	vld [tilespmem:$0x410];
	[tilespmem:$0x2F0] =	vst v2  }
0xc7: {  	v33 =	vld [tilespmem:$0x420];
	v56 =	vadd.f32 v14, v13;
	[tilespmem:$0x330] =	vst v46  }
0xc8: {  	v58 =	vadd.f32 v16, v15;
	[tilespmem:$0x1FFD0] =	vst v62;
	v62 =	vld [tilespmem:$0x4310]  }
0xc9: {  	v35 =	vld [tilespmem:$0x430];
	v60 =	vadd.f32 v18, v17;
	[tilespmem:$0x380] =	vst v56  }
0xca: {  	v37 =	vld [tilespmem:$0x4A0];
	v21 =	vadd.f32 v22, v21;
	[tilespmem:$0x390] =	vst v58  }
0xcb: {  	v40 =	vld [tilespmem:$0x1FFB0];
	[tilespmem:$0x3A0] =	vst v60  }
0xcc: {  	v23 =	vadd.f32 v24, v23;
	[tilespmem:$0x3C0] =	vst v21;
	v41 =	vld [tilespmem:$0x1FFC0]  }
0xcd: {  	v25 =	vadd.f32 v26, v25;
	[tilespmem:$0x1FFE0] =	vst v62;
	v62 =	vld [tilespmem:$0x320]  }
0xce: {  	[tilespmem:$0x3D0] =	vst v23;
	v36 =	vadd.f32 v28, v27;
	v42 =	vld [tilespmem:$0x1FFD0]  }
0xcf: {  	[tilespmem:$0x3E0] =	vst v25;
	v38 =	vadd.f32 v30, v29;
	v43 =	vld [tilespmem:$0x1FFE0]  }
0xd0: {  	v63 =	vld [tilespmem:$0x480];
	[tilespmem:$0x3F0] =	vst v36  }
0xd1: {  	v22 =	vld [tilespmem:$0x4480];
	[tilespmem:$0x400] =	vst v38;
	v0 =	vadd.f32 v41, v40  }
0xd2: {  	v40 =	vadd.f32 v32, v31;
	[tilespmem:$0x1FFF0] =	vst v62;
	v62 =	vadd.f32 v7, v6;
	v6 =	vld [tilespmem:$0x4340]  }
0xd3: {  	[tilespmem:$0x300] =	vst v0;
	v7 =	vld [tilespmem:$0x350]  }
0xd4: {  	[tilespmem:$0x410] =	vst v40;
	v2 =	vadd.f32 v43, v42;
	v44 =	vld [tilespmem:$0x1FFF0]  }
0xd5: {  	v24 =	vld [tilespmem:$0x490];
	v42 =	vadd.f32 v34, v33;
	[tilespmem:$0x130] =	vst v62  }
0xd6: {  	v26 =	vld [tilespmem:$0x4490];
	v62 =	vadd.f32 v11, v10;
	[tilespmem:$0x310] =	vst v2  }
0xd7: {  	v39 =	vld [tilespmem:$0x44A0];
	[tilespmem:$0x420] =	vst v42;
	v48 =	vadd.f32 v6, v5  }
0xd8: {  	v46 =	vld [tilespmem:$0x44C0];
	[tilespmem:$0x150] =	vst v62;
	v50 =	vadd.f32 v8, v7  }
0xd9: {  	v56 =	vld [tilespmem:$0x4F0];
	v0 =	vadd.f32 v1, v44;
	[tilespmem:$0x340] =	vst v48  }
0xda: {  	v58 =	vld [tilespmem:$0x44F0];
	v1 =	vadd.f32 v45, v35;
	[tilespmem:$0x350] =	vst v50  }
0xdb: {  	v41 =	vld [tilespmem:$0x4B0];
	v45 =	vadd.f32 v49, v47;
	[tilespmem:$0x320] =	vst v0  }
0xdc: {  	v10 =	vld [tilespmem:$0x4360];
	v47 =	vadd.f32 v53, v51;
	[tilespmem:$0x430] =	vst v1  }
0xdd: {  	v11 =	vld [tilespmem:$0x370];
	v49 =	vadd.f32 v57, v55;
	[tilespmem:$0x440] =	vst v45  }
0xde: {  	v43 =	vld [tilespmem:$0x44B0];
	v51 =	vadd.f32 v61, v59;
	[tilespmem:$0x450] =	vst v47  }
0xdf: {  	v62 =	vld [tilespmem:$0x43B0];
	v53 =	vadd.f32 v22, v63;
	[tilespmem:$0x460] =	vst v49  }
0xe0: {  	v44 =	vld [tilespmem:$0x4C0];
	v55 =	vadd.f32 v26, v24;
	[tilespmem:$0x470] =	vst v51  }
0xe1: {  	v52 =	vadd.f32 v10, v9;
	v48 =	vld [tilespmem:$0x4D0];
	[tilespmem:$0x480] =	vst v53  }
0xe2: {  	v54 =	vadd.f32 v12, v11;
	v50 =	vld [tilespmem:$0x44D0];
	[tilespmem:$0x490] =	vst v55  }
0xe3: {  	v57 =	vadd.f32 v39, v37;
	[tilespmem:$0x360] =	vst v52;
	v52 =	vld [tilespmem:$0x4E0]  }
0xe4: {  	v59 =	vadd.f32 v43, v41;
	[tilespmem:$0x370] =	vst v54;
	v54 =	vld [tilespmem:$0x44E0]  }
0xe5: {  	v63 =	vadd.f32 v58, v56;
	[tilespmem:$0x4A0] =	vst v57  }
0xe6: {  	[tilespmem:$0x4B0] =	vst v59;
	v62 =	vadd.f32 v62, v19  }
0xe7: {  	[tilespmem:$0x4F0] =	vst v63;
	v60 =	vadd.f32 v46, v44  }
0xe8: {  	[tilespmem:$0x3B0] =	vst v62;
	v61 =	vadd.f32 v50, v48  }
0xe9: {  	s20 =	sadd.s32 $0x1, s20;
	[tilespmem:$0x4C0] =	vst v60;
	v62 =	vadd.f32 v54, v52  }
0xea: {  	p0 =	sne.s32 s20, s12;
	[tilespmem:$0x4D0] =	vst v61  }
.Ltmp2:
0xeb: {  	[tilespmem:$0x4E0] =	vst v62;
	(pc) =	sbr.rel @p0 .LBB2_1-.Ltmp2, $4  }
0xec: {  	[hbm4b:s11+s2] =	stream.linear.scatter [tilespmem:s15], [sflag:$0x3], $0x400, $0x38;
	[tilespmem:$0x8100] =	vst v63  }
0xed: {  	_ =	swait.ge [sflag:s13], $0x400  }
0xee: {  	[sflag:s13] =	ssyncset.done $0x0  }
0xef: {  	[sflag:s13] =	ssyncadd.s32 $0xFFFFFC00  }
0xf0: {  	_ =	sfence.sel $0x180000  }
0xf1: {  	[bflag:$0x0] =	sbarrier.arrive $0xFFFF  }
0xf2: {  	p0 =	sne.s32 s1, $0x0;
	_ =	strace $0x90000050  }
0xf3: {  	s0 =	sadd.s32 @!p0 $0x100000, s0;
	[bflag:$0x2] =	sbarrier.arrive $0xFFFF  }
0xf4: {  	[sflag:s0] =	ssyncadd.tile.s32 @!p0 $0x1;
	_ =	shalt  }
.Lfunc_end2:
_tile_overlayer_lowered:
.L_overlay_start_2:
0xf5: {  	(tag) =	ssettag $0x2  }
0xf6: {  	s0 =	rddreg [dreg:$0x0];
	s2 =	stileid.u32  }
0xf7: {  	s1 =	rddreg [dreg:$0x1];
	p0 =	sne.s32 s2, $0x0  }
0xf8: {  	s3 =	rddreg [dreg:$0x2];
	[bflag:$0x3] =	sbarrier.arrive $0xFFFF;
	s2 =	simm.s32 @!p0 $0x1C03  }
0xf9: {  	[timem:s3], [sflag:s2] =	dma.local @!p0 [hbm:s0], s1  }
0xfa: {  	s0 =	simm.s32 @!p0 $0x3  }
0xfb: {  	_ =	swait.ge @!p0 [sflag:s0], s1  }
0xfc: {  	s1 =	ssub.s32 @!p0 $0x0, s1;
	[sflag:s0] =	ssyncset.done @!p0 $0x0  }
0xfd: {  	[sflag:s0] =	ssyncadd.s32 @!p0 s1  }
0xfe: {  	[bflag:$0x3] =	sbarrier.arrive $0xFFFF  }
0xff: {  	_ =	shalt  }

// kernel: kernel.27.cloned.1.call-start
scs
__scs_entry_jumppad:
0x0: {  	(pc) =	sbr.rel $0x88, $3  }
0x1: {  	(tag) =	ssettag $0x0;
	lr =	simm.s32 $0x1  }
0x2: {  	[smem:$0x3F8C] =	sst lr;
	_ =	strace $0xD0000000  }
0x3: {  	_ = 	snop  }
0x4: {  	_ = 	snop  }
0x5: {  	_ = 	snop  }
0x6: {  	_ = 	snop  }
0x7: {  	_ = 	snop  }
__scs_overlays_trampoline_lowered:
0x8: {  	[smem:$0x3F9B] =	sst s0  }
0x9: {  	[smem:$0x3F9C] =	sst s1  }
0xa: {  	[smem:$0x3F9D] =	sst s2  }
0xb: {  	[smem:$0x3F9E] =	sst s3  }
0xc: {  	[smem:$0x3F9F] =	sst s4  }
0xd: {  	[smem:$0x3FA0] =	sst s5  }
0xe: {  	[smem:$0x3FA1] =	sst s6  }
0xf: {  	[smem:$0x3FA2] =	sst s7  }
0x10: {  	[smem:$0x3FA3] =	sst s8  }
0x11: {  	[smem:$0x3FA4] =	sst s9;
	s0 =	simm.s32 @!p0 $0x0  }
0x12: {  	s1 =	sld [smem:$0x3F8A];
	s0 =	simm.s32 @p0 $0x1  }
0x13: {  	[smem:$0x3FA5] =	sst s0;
	s0 =	simm.s32 @!p1 $0x0  }
0x14: {  	s2 =	sld [smem:$0x3F89];
	s0 =	simm.s32 @p1 $0x1  }
0x15: {  	[smem:$0x3FA6] =	sst s0;
	s0 =	simm.s32 @!p2 $0x0  }
0x16: {  	s3 =	sld [smem:$0x3FDB];
	s0 =	simm.s32 @p2 $0x1  }
0x17: {  	s4 =	simm.s32 $0x1BF5;
	[smem:$0x3FA8] =	sst s0  }
0x18: {  	s0 =	sld [smem:$0x3F8B];
	_ =	swait.ge [sflag:s4], $0x0  }
0x19: {  	s7 =	sld [smem:$0x3F8C]  }
0x1a: {  	s8 =	sadd.s32 $0xFFFFE003, lr  }
0x1b: {  	s9 =	sadd.s32 $0xFFFFFEF7, lr;
	s5 =	simm.s32 $0xFFFFFFFF;
	p2 =	slt.u32 s8, $0xFFFFF086  }
0x1c: {  	p1 =	slt.u32 s9, $0xF7A;
	s5 =	simm.s32 @!p2 $0x0  }
0x1d: {  	s5 =	simm.s32 @p1 $0x1;
	p0 =	seq.s32 s7, s2  }
0x1e: {  	s7 =	smul.u32 @!p0 $0xF7A, s2;
	p2 =	seq.s32 @!p0 s5, $0x0  }
0x1f: {  	s9 =	smul.u32 $0xF7A, s1;
	s8 =	simm.s32 @!p0 $0x1BF5;
	p2 =	por !p2, p0  }
0x20: {  	[sflag:s8] =	ssyncset.s32 @!p0 $0xFFFFF086;
	s6 =	sadd.s32 @!p0 s3, s7;
	s7 =	simm.s32 @!p0 $0x108  }
0x21: {  	s3 =	sadd.s32 s3, s9;
	s6 =	sadd.s32 @!p0 $0x88, s6;
	s7 =	simm.s32 @p2 $0x1082  }
0x22: {  	[simem:s7], [sflag:s8] =	dma.local @!p0 [hbm:s6], $0xF7A  }
0x23: {  	s9 =	sor.u32 $0xD0000000, s2;
	s6 =	simm.s32 $0x108;
	_ =	swait.ge @!p0 [sflag:s8], $0x0  }
0x24: {  	s3 =	sadd.s32 $0x88, s3;
	s6 =	simm.s32 @!p1 $0x1082;
	[sflag:s4] =	ssyncset.s32 $0xFFFFF086  }
0x25: {  	[simem:s6], [sflag:s4] =	dma.local [hbm:s3], $0xF7A  }
0x26: {  	[smem:$0x3F8C] =	sst s1;
	(tag) =	ssettag s2;
	_ =	strace s9  }
0x27: {  	s1 =	sld [smem:$0x3F9C]  }
0x28: {  	s2 =	sld [smem:$0x3F9D]  }
0x29: {  	s4 =	sld [smem:$0x3F9F]  }
0x2a: {  	p0 =	seq.s32 s5, $0x0;
	s5 =	sld [smem:$0x3FA0]  }
0x2b: {  	s6 =	sld [smem:$0x3FA1]  }
0x2c: {  	s7 =	sld [smem:$0x3FA2]  }
0x2d: {  	s3 =	simm.s32 $0x108;
	s8 =	sld [smem:$0x3FA3]  }
0x2e: {  	s3 =	simm.s32 @!p0 $0x1082;
	s9 =	sld [smem:$0x3FA4]  }
0x2f: {  	lr =	sadd.s32 s0, s3;
	s0 =	sld [smem:$0x3F9B]  }
0x30: {  	s3 =	sld [smem:$0x3F9E]  }
0x31: {  	[smem:$0x3FA7] =	sst s10  }
0x32: {  	s10 =	sld [smem:$0x3FA5];
	_ =	sdelay $0x3  }
0x33: {  	p0 =	seq.s32 s10, $0x1;
	s10 =	sld [smem:$0x3FA7];
	_ =	sdelay $0x3  }
0x34: {  	[smem:$0x3FA7] =	sst s10  }
0x35: {  	s10 =	sld [smem:$0x3FA6];
	_ =	sdelay $0x3  }
0x36: {  	p1 =	seq.s32 s10, $0x1;
	s10 =	sld [smem:$0x3FA7];
	_ =	sdelay $0x3  }
0x37: {  	[smem:$0x3FA7] =	sst s10  }
0x38: {  	s10 =	sld [smem:$0x3FA8]  }
0x39: {  	_ = 	snop;
	(pc) =	sbr.ind lr, $3  }
0x3a: {  	_ = 	snop  }
0x3b: {  	_ = 	snop  }
0x3c: {  	p2 =	seq.s32 s10, $0x1;
	s10 =	sld [smem:$0x3FA7]  }
0x3d: {  	_ =	shalt  }
0x3e: {  	_ =	shalt  }
0x3f: {  	_ =	shalt  }
0x40: {  	_ =	shalt  }
0x41: {  	_ =	shalt  }
0x42: {  	_ =	shalt  }
0x43: {  	_ =	shalt  }
0x44: {  	_ =	shalt  }
0x45: {  	_ =	shalt  }
0x46: {  	_ =	shalt  }
0x47: {  	_ =	shalt  }
0x48: {  	_ =	shalt  }
0x49: {  	_ =	shalt  }
0x4a: {  	_ =	shalt  }
0x4b: {  	_ =	shalt  }
0x4c: {  	_ =	shalt  }
0x4d: {  	_ =	shalt  }
0x4e: {  	_ =	shalt  }
0x4f: {  	_ =	shalt  }
0x50: {  	_ =	shalt  }
0x51: {  	_ =	shalt  }
0x52: {  	_ =	shalt  }
0x53: {  	_ =	shalt  }
0x54: {  	_ =	shalt  }
0x55: {  	_ =	shalt  }
0x56: {  	_ =	shalt  }
0x57: {  	_ =	shalt  }
0x58: {  	_ =	shalt  }
0x59: {  	_ =	shalt  }
0x5a: {  	_ =	shalt  }
0x5b: {  	_ =	shalt  }
0x5c: {  	_ =	shalt  }
0x5d: {  	_ =	shalt  }
0x5e: {  	_ =	shalt  }
0x5f: {  	_ =	shalt  }
0x60: {  	_ =	shalt  }
0x61: {  	_ =	shalt  }
0x62: {  	_ =	shalt  }
0x63: {  	_ =	shalt  }
0x64: {  	_ =	shalt  }
0x65: {  	_ =	shalt  }
0x66: {  	_ =	shalt  }
0x67: {  	_ =	shalt  }
0x68: {  	_ =	shalt  }
0x69: {  	_ =	shalt  }
0x6a: {  	_ =	shalt  }
0x6b: {  	_ =	shalt  }
0x6c: {  	_ =	shalt  }
0x6d: {  	_ =	shalt  }
0x6e: {  	_ =	shalt  }
0x6f: {  	_ =	shalt  }
0x70: {  	_ =	shalt  }
0x71: {  	_ =	shalt  }
0x72: {  	_ =	shalt  }
0x73: {  	_ =	shalt  }
0x74: {  	_ =	shalt  }
0x75: {  	_ =	shalt  }
0x76: {  	_ =	shalt  }
0x77: {  	_ =	shalt  }
0x78: {  	_ =	shalt  }
0x79: {  	_ =	shalt  }
0x7a: {  	_ =	shalt  }
0x7b: {  	_ =	shalt  }
0x7c: {  	_ =	shalt  }
0x7d: {  	_ =	shalt  }
0x7e: {  	_ =	shalt  }
0x7f: {  	_ =	shalt  }
0x80: {  	_ =	shalt  }
0x81: {  	_ =	shalt  }
0x82: {  	_ =	shalt  }
0x83: {  	_ =	shalt  }
0x84: {  	_ =	shalt  }
0x85: {  	_ =	shalt  }
0x86: {  	_ =	shalt  }
0x87: {  	_ =	shalt  }
.Lfunc_end0:
.L_simem_size_0:
called_computation.4_lowered:
.L_overlay_start_0:
0x88: {  	s2 =	sld [smem:$0x3FD9]  }
0x89: {  	s3 =	sld [smem:$0x3FFE];
	_ =	sdelay $0x1  }
0x8a: {  	s1 =	srdreg.scid  }
0x8b: {  	s0 =	sand.u32 $0x1, s1  }
0x8c: {  	s17 =	sshll.u32 s0, $0xA;
	s2 =	sadd.s32 s3, s2  }
0x8d: {  	s2 =	sadd.s32 s2, s17  }
0x8e: {  	[smem:$0x3FB3] =	sst s2  }
0x8f: {  	_ = 	snop  }
0x90: {  	(tm) =	ssettm $0x1  }
0x91: {  	s18 =	sld [smem:$0x3FFB];
	_ =	sdelay $0x3  }
0x92: {  	_ =	strace s18  }
0x93: {  	s2 =	sld [smem:$0x3FFC];
	_ =	sdelay $0x3  }
0x94: {  	_ =	strace s2  }
0x95: {  	s2 =	sld [smem:$0x3FFD];
	_ =	sdelay $0x3  }
0x96: {  	_ =	strace s2  }
0x97: {  	_ =	strace $0x8FFFFFFF  }
0x98: {  	s19 =	sld [smem:$0x3FDB];
	_ =	sdelay $0x1  }
0x99: {  	s20 =	simm.s32 $_scs_section_size  }
0x9a: {  	s4 =	simm.s32 $_size__tile_overlayer_lowered;
	s5 =	simm.s32 $_tile_overlayer_lowered  }
0x9b: {  	s6 =	simm.s32 $0x1BFF;
	s21 =	sshll.u32 s5, $0x1;
	s3 =	sadd.s32 s20, s19  }
0x9c: {  	s22 =	simm.s32 $0x0;
	s4 =	sshll.u32 s4, $0x1;
	s5 =	sadd.s32 s21, s3  }
0x9d: {  	[timem:s22], [sflag:s6] =	dma.local [hbm:s5], s4  }
0x9e: {  	_ =	swait.ge [sflag:s6], s4  }
0x9f: {  	s4 =	ssub.s32 $0x0, s4;
	[sflag:s6] =	ssyncset.done $0x0  }
0xa0: {  	[sflag:s6] =	ssyncadd.s32 s4;
	_ =	sdelay $0x1  }
0xa1: {  	s23 =	simm.s32 $0x1B8B  }
0xa2: {  	_ =	swait.ge [sflag:s23], $0x1  }
0xa3: {  	[sflag:s23] =	ssyncset.done $0x0  }
0xa4: {  	[sflag:s23] =	ssyncadd.s32 $0xFFFFFFFF  }
0xa5: {  	s4 =	sld [smem:$0x0]  }
0xa6: {  	s5 =	sand.u32 $0xFFFFFFFE, s1  }
0xa7: {  	p0 =	sne.s32 s1, s5  }
0xa8: {  	s5 =	sshll.u32 @p0 s5, $0xE  }
0xa9: {  	s5 =	sadd.s32 @p0 $0x11B8D, s5;
	s6 =	sshll.u32 @p0 s4, $0x11  }
0xaa: {  	s5 =	sor.u32 @p0 s6, s5  }
0xab: {  	[sflag:s5] =	ssyncadd.remote.s32 @p0 $0x1;
	_ =	sdelay $0x1  }
0xac: {  	s5 =	simm.s32 @p0 $0x1B8D  }
0xad: {  	_ =	swait.eq @p0 [sflag:s5], $0x1  }
0xae: {  	[sflag:s5] =	ssyncadd.s32 @p0 $0xFFFFFFFF  }
0xaf: {  	s6 =	sshll.u32 @!p0 s1, $0xE  }
0xb0: {  	s6 =	sor.u32 @!p0 $0x4000, s6;
	s5 =	simm.s32 @!p0 $0x1B8D  }
0xb1: {  	s4 =	sshll.u32 @!p0 s4, $0x11;
	s6 =	sadd.s32 @!p0 $0x11B8D, s6;
	_ =	swait.eq @!p0 [sflag:s5], $0x1  }
0xb2: {  	s4 =	sor.u32 @!p0 s4, s6;
	[sflag:s5] =	ssyncadd.s32 @!p0 $0xFFFFFFFF  }
0xb3: {  	s25 =	simm.s32 $0x1B8E;
	s24 =	sld [smem:$0x3FFE];
	[sflag:s4] =	ssyncadd.remote.s32 @!p0 $0x1  }
0xb4: {  	s26 =	simm.s32 $execute0_lowered;
	[smem:$0x3FD2] =	sst s25  }
0xb5: {  	s5 =	sshll.u32 s26, $0x1;
	_ =	strace $0x80000052;
	[dreg:$0x1] =	wrdreg $0xFFFFFFFF  }
0xb6: {  	s28 =	simm.s32 $_size_execute0_lowered;
	s3 =	sadd.s32 s3, s5;
	[dreg:$0x0] =	wrdreg $0x0  }
0xb7: {  	s5 =	sshll.u32 s28, $0x1;
	[dreg:$0x2] =	wrdreg s3  }
0xb8: {  	[dreg:$0x3] =	wrdreg s5  }
0xb9: {  	[dreg:$0x4] =	wrdreg $0xC0  }
0xba: {  	_ =	task [dreg:s22], $0x5FFFF  }
0xbb: {  	[dreg:$0x1] =	wrdreg $0xFFFFFFFF  }
0xbc: {  	[dreg:$0x0] =	wrdreg $0x60  }
0xbd: {  	[dreg:$0x2] =	wrdreg s24  }
0xbe: {  	[dreg:$0x3] =	wrdreg $0xA8600  }
0xbf: {  	[dreg:$0x4] =	wrdreg $0xA  }
0xc0: {  	_ =	task.clear_ibuf [dreg:s22], $0x5FFFF;
	_ =	strace $0x90000052  }
0xc1: {  	s29 =	simm.s32 $0xA;
	_ =	strace $0x80000054  }
0xc2: {  	_ =	swait.ge [sflag:s29], $0x1  }
0xc3: {  	[sflag:s29] =	ssyncadd.s32 $0xFFFFFFFF  }
0xc4: {  	_ =	strace $0x90000054  }
0xc5: {  	_ =	sfence  }
0xc6: {  	s30 =	sld [smem:$0x0];
	_ =	sdelay $0x2  }
0xc7: {  	s31 =	sshll.u32 s1, $0xD;
	s1 =	sshrl.u32 s1, $0x2  }
0xc8: {  	s4 =	sand.u32 $0x4000, s31;
	s1 =	sadd.s32 s1, s30  }
0xc9: {  	s0 =	sor.u32 s4, s0;
	s1 =	sshll.u32 s1, $0x11  }
0xca: {  	s0 =	sor.u32 s1, s0  }
0xcb: {  	s0 =	sadd.s32 $0x8F2B, s0  }
0xcc: {  	[sflag:s0] =	ssyncadd.remote.s32 $0x1  }
0xcd: {  	_ =	sfence.sel $0xFFFF  }
0xce: {  	[dreg:$0x0] =	wrdreg $0xFFFFFFFF;
	(pc) =	sbr.abs _section_cstart, $3  }
0xcf: {  	[dreg:$0x1] =	wrdreg $0xFFFFFFFF  }
0xd0: {  	_ =	task.clear_ibuf [dreg:s22], $0x2FFFF;
	_ =	strace $0x9FFFFFFF  }
0xd1: {  	(tm) =	ssettm $0x7FFFFFFF  }
tec
execute0_lowered:
.L_overlay_start_1:
0x0: {  	(tag) =	ssettag $0x1  }
0x1: {  	s6 =	rddreg [dreg:$0x0]  }
0x2: {  	s8 =	rddreg [dreg:$0x1]  }
0x3: {  	s0 =	rddreg [dreg:$0x2];
	s2 =	simm.s32 $0x0;
	s1 =	srdreg.scid  }
0x4: {  	s13 =	simm.s32 $0x2860;
	s14 =	simm.s32 $0x400;
	s15 =	simm.s32 $0x4000  }
0x5: {  	s16 =	simm.s32 $0x6860;
	s17 =	simm.s32 $0x0;
	[smem:$0x7FF] =	sst s2  }
0x6: {  	s3 =	sand.u32 $0x1, s1;
	s1 =	stileid.u32;
	s4 =	sadd.s32 $0x38E00, s6  }
0x7: {  	_ =	strace $0x80000053;
	s9 =	sshll.u32 s1, $0xA;
	s5 =	sshll.u32 s3, $0xE  }
0x8: {  	s10 =	ssub.s32 $0x2, s3;
	s31 =	sshll.u32 s1, $0xE;
	s7 =	sor.u32 s9, s5  }
0x9: {  	s5 =	sadd.s32 $0x60000, s6;
	s11 =	sshrl.u32 s10, $0x1;
	s7 =	sshrl.u32 s7, $0x3  }
0xa: {  	s10 =	ssub.s32 s10, s11;
	s11 =	simm.s32 $0x1;
	s12 =	sadd.s32 s7, s6  }
0xb: {  	s6 =	sshll.u32 s1, $0x1;
	s7 =	sadd.s32 s31, s8;
	s8 =	sadd.s32 s9, s8  }
0xc: {  	v0 =	vimm.f32 $-Inf;
	s10 =	smax.u32 s10, $0x1;
	s9 =	sadd.s32 $0x93A00, s12;
	s12 =	simm.s32 $0x60  }
.LBB2_1:
0xd: {  	s18 =	simm.s32 $0x0;
	s19 =	simm.s32 $0x200  }
.LBB2_2:
0xe: {  	p0 =	sne.s32 s19, $0xFE00;
	[tilespmem:s18+$0x28D0] =	vst v0  }
0xf: {  	[tilespmem:s18+$0x2860] =	vst v0  }
0x10: {  	[tilespmem:s18+$0x2870] =	vst v0  }
.Ltmp0:
0x11: {  	[tilespmem:s18+$0x2880] =	vst v0;
	(pc) =	sbr.rel @p0 .LBB2_2-.Ltmp0, $4  }
0x12: {  	[tilespmem:s18+$0x2890] =	vst v0  }
0x13: {  	[tilespmem:s18+$0x28A0] =	vst v0  }
0x14: {  	[tilespmem:s18+$0x28B0] =	vst v0  }
0x15: {  	[tilespmem:s18+$0x28C0] =	vst v0;
	s18 =	sshra.s32 s19, $0x2;
	s19 =	sadd.s32 $0x200, s19  }
0x16: {  	[tilespmem:s18+$0x28D0] =	vst v0  }
0x17: {  	[tilespmem:s18+$0x2860] =	vst v0  }
0x18: {  	[tilespmem:s18+$0x2870] =	vst v0  }
.Ltmp1:
0x19: {  	[tilespmem:s18+$0x2880] =	vst v0;
	(pc) =	sbr.rel .LBB2_4-.Ltmp1, $4  }
0x1a: {  	[tilespmem:s18+$0x2890] =	vst v0  }
0x1b: {  	[tilespmem:s18+$0x28A0] =	vst v0  }
0x1c: {  	[tilespmem:s18+$0x28B0] =	vst v0  }
0x1d: {  	[tilespmem:s18+$0x28C0] =	vst v0;
	s18 =	simm.s32 $0x0  }
.LBB2_8:
0x1e: {  	s18 =	sadd.s32 $0x1, s18  }
0x1f: {  	p0 =	sne.s32 s18, $0x4  }
.Ltmp2:
0x20: {  	_ = 	snop;
	(pc) =	sbr.rel @!p0 .LBB2_9-.Ltmp2, $1  }
0x21: {  	_ =	sdelay $0x3  }
.LBB2_4:
0x22: {  	s19 =	sshll.u32 s18, $0x5  }
0x23: {  	s19 =	sor.u32 s19, s6  }
0x24: {  	s19 =	sor.u32 s3, s19  }
0x25: {  	p0 =	sgt.u32 s19, $0x7C  }
.Ltmp3:
0x26: {  	_ = 	snop;
	(pc) =	sbr.rel @p0 .LBB2_8-.Ltmp3, $1  }
0x27: {  	_ =	sdelay $0x3  }
0x28: {  	s20 =	smul.u32 $0xA, s19;
	_ =	sdelay $0x1  }
0x29: {  	s21 =	simm.s32 $0x0;
	s20 =	sadd.s32 s5, s20  }
0x2a: {  	[tilespmem:s21], [sflag:$0x1] =	stream.linear.gather [hbm4b:s20+s21], $0x50, $0x38;
	[tilespmem:$0xE860] =	vst v63  }
0x2b: {  	s29 =	smul.u32 $0x500, s19;
	_ =	swait.ge [sflag:s11], $0x50  }
0x2c: {  	[sflag:s11] =	ssyncset.done $0x0  }
0x2d: {  	s19 =	sadd.s32 s4, s29;
	[sflag:s11] =	ssyncadd.s32 $0xFFFFFFB0  }
0x2e: {  	[tilespmem:s12], [sflag:$0x1] =	stream.linear.gather [hbm4b:s19+s21], $0x2800, $0x38;
	[tilespmem:$0xE860] =	vst v63  }
0x2f: {  	_ =	swait.ge [sflag:s11], $0x2800  }
0x30: {  	[sflag:s11] =	ssyncset.done $0x0  }
0x31: {  	s30 =	simm.s32 $0x0;
	[sflag:s11] =	ssyncadd.s32 $0xFFFFD800  }
0x32: {  	v1 =	vld [tilespmem:s30+$0x0];
	_ =	sdelay $0x4  }
0x33: {  	(v2sf) =	vpush v1, $0x0;
	_ =	sdelay $0xe  }
0x34: {  	s31 =	spop (v2sf)  }
0x35: {  	s19 =	simm.s32 $0xA0;
	s20 =	sshll.u32 s31, $0x9  }
0x36: {  	v1 =	vld [tilespmem:s19+$0xFFFFFFC0];
	s20 =	sshra.s32 s20, $0x2  }
0x37: {  	v2 =	vld [tilespmem:s20+$0x2860];
	_ =	sdelay $0x4  }
0x38: {  	v1 =	vmax.f32 v2, v1  }
0x39: {  	[tilespmem:s20+$0x2860] =	vst v1;
	v1 =	vld [tilespmem:s20+$0x2870]  }
0x3a: {  	v2 =	vld [tilespmem:s19+$0xFFFFFFD0];
	_ =	sdelay $0x4  }
0x3b: {  	v1 =	vmax.f32 v1, v2  }
0x3c: {  	[tilespmem:s20+$0x2870] =	vst v1;
	v1 =	vld [tilespmem:s20+$0x2880]  }
0x3d: {  	v2 =	vld [tilespmem:s19+$0xFFFFFFE0];
	_ =	sdelay $0x4  }
0x3e: {  	v1 =	vmax.f32 v1, v2  }
0x3f: {  	[tilespmem:s20+$0x2880] =	vst v1;
	v1 =	vld [tilespmem:s20+$0x2890]  }
0x40: {  	v2 =	vld [tilespmem:s19+$0xFFFFFFF0];
	_ =	sdelay $0x4  }
0x41: {  	v1 =	vmax.f32 v1, v2  }
0x42: {  	[tilespmem:s20+$0x2890] =	vst v1;
	v1 =	vld [tilespmem:s20+$0x28A0]  }
0x43: {  	v2 =	vld [tilespmem:s19+$0x0];
	_ =	sdelay $0x4  }
0x44: {  	v1 =	vmax.f32 v1, v2  }
0x45: {  	[tilespmem:s20+$0x28A0] =	vst v1;
	v1 =	vld [tilespmem:s20+$0x28B0]  }
0x46: {  	v2 =	vld [tilespmem:s19+$0x10];
	_ =	sdelay $0x4  }
0x47: {  	v1 =	vmax.f32 v1, v2  }
0x48: {  	[tilespmem:s20+$0x28B0] =	vst v1;
	v1 =	vld [tilespmem:s20+$0x28C0]  }
0x49: {  	v2 =	vld [tilespmem:s19+$0x20];
	_ =	sdelay $0x4  }
0x4a: {  	v1 =	vmax.f32 v1, v2  }
0x4b: {  	[tilespmem:s20+$0x28C0] =	vst v1;
	v1 =	vld [tilespmem:s20+$0x28D0]  }
0x4c: {  	v2 =	vld [tilespmem:s19+$0x30];
	_ =	sdelay $0x4  }
0x4d: {  	s23 =	simm.s32 $0x8;
	s21 =	simm.s32 $0x4;
	v1 =	vmax.f32 v1, v2  }
.LBB2_6:
0x4e: {  	s24 =	sshra.s32 s21, $0x2  }
0x4f: {  	[tilespmem:s20+$0x28D0] =	vst v1;
	s19 =	sadd.s32 $0x80, s19;
	s21 =	smov.u32 s23;
	s22 =	sadd.s32 $0x4, s23  }
0x50: {  	p0 =	sne.s32 s23, $0x13C;
	v1 =	vld [tilespmem:s24+$0x0];
	_ =	sdelay $0x4  }
0x51: {  	(v2sf) =	vpush v1, $0x0;
	_ =	sdelay $0xe  }
0x52: {  	s20 =	spop (v2sf)  }
0x53: {  	s20 =	sshll.u32 s20, $0x9  }
0x54: {  	s20 =	sshra.s32 s20, $0x2;
	v1 =	vld [tilespmem:s19+$0xFFFFFFC0]  }
0x55: {  	v2 =	vld [tilespmem:s20+$0x2860];
	_ =	sdelay $0x4  }
0x56: {  	v1 =	vmax.f32 v2, v1  }
0x57: {  	[tilespmem:s20+$0x2860] =	vst v1;
	v1 =	vld [tilespmem:s20+$0x2870]  }
0x58: {  	v2 =	vld [tilespmem:s19+$0xFFFFFFD0];
	_ =	sdelay $0x4  }
0x59: {  	v1 =	vmax.f32 v1, v2  }
0x5a: {  	[tilespmem:s20+$0x2870] =	vst v1;
	v1 =	vld [tilespmem:s20+$0x2880]  }
0x5b: {  	v2 =	vld [tilespmem:s19+$0xFFFFFFE0];
	_ =	sdelay $0x4  }
0x5c: {  	v1 =	vmax.f32 v1, v2  }
0x5d: {  	[tilespmem:s20+$0x2880] =	vst v1;
	v1 =	vld [tilespmem:s20+$0x2890]  }
0x5e: {  	v2 =	vld [tilespmem:s19+$0xFFFFFFF0];
	_ =	sdelay $0x4  }
0x5f: {  	v1 =	vmax.f32 v1, v2  }
0x60: {  	[tilespmem:s20+$0x2890] =	vst v1;
	v1 =	vld [tilespmem:s20+$0x28A0]  }
0x61: {  	v2 =	vld [tilespmem:s19+$0x0];
	_ =	sdelay $0x4  }
0x62: {  	v1 =	vmax.f32 v1, v2  }
0x63: {  	[tilespmem:s20+$0x28A0] =	vst v1;
	v1 =	vld [tilespmem:s20+$0x28B0]  }
0x64: {  	v2 =	vld [tilespmem:s19+$0x10];
	_ =	sdelay $0x4  }
0x65: {  	v1 =	vmax.f32 v1, v2  }
0x66: {  	[tilespmem:s20+$0x28B0] =	vst v1;
	v1 =	vld [tilespmem:s20+$0x28C0]  }
0x67: {  	v2 =	vld [tilespmem:s19+$0x20];
	_ =	sdelay $0x4  }
0x68: {  	v1 =	vmax.f32 v1, v2  }
0x69: {  	[tilespmem:s20+$0x28C0] =	vst v1;
	v1 =	vld [tilespmem:s20+$0x28D0]  }
0x6a: {  	v2 =	vld [tilespmem:s19+$0x30]  }
.Ltmp4:
0x6b: {  	(pc) =	sbr.rel @p0 .LBB2_6-.Ltmp4, $2  }
0x6c: {  	_ =	sdelay $0x2  }
0x6d: {  	s23 =	smov.u32 s22;
	v1 =	vmax.f32 v1, v2  }
0x6e: {  	s21 =	sshra.s32 s21, $0x2;
	[tilespmem:s20+$0x28D0] =	vst v1  }
0x6f: {  	v1 =	vld [tilespmem:s21+$0x0];
	_ =	sdelay $0x4  }
0x70: {  	(v2sf) =	vpush v1, $0x0;
	_ =	sdelay $0xe  }
0x71: {  	s31 =	spop (v2sf)  }
0x72: {  	s19 =	sadd.s32 $0x80, s19;
	s20 =	sshll.u32 s31, $0x9  }
0x73: {  	v1 =	vld [tilespmem:s19+$0xFFFFFFC0];
	s20 =	sshra.s32 s20, $0x2  }
0x74: {  	v2 =	vld [tilespmem:s20+$0x2860];
	_ =	sdelay $0x4  }
0x75: {  	v1 =	vmax.f32 v2, v1  }
0x76: {  	[tilespmem:s20+$0x2860] =	vst v1;
	v1 =	vld [tilespmem:s20+$0x2870]  }
0x77: {  	v2 =	vld [tilespmem:s19+$0xFFFFFFD0];
	_ =	sdelay $0x4  }
0x78: {  	v1 =	vmax.f32 v1, v2  }
0x79: {  	[tilespmem:s20+$0x2870] =	vst v1;
	v1 =	vld [tilespmem:s20+$0x2880]  }
0x7a: {  	v2 =	vld [tilespmem:s19+$0xFFFFFFE0];
	_ =	sdelay $0x4  }
0x7b: {  	v1 =	vmax.f32 v1, v2  }
0x7c: {  	[tilespmem:s20+$0x2880] =	vst v1;
	v1 =	vld [tilespmem:s20+$0x2890]  }
0x7d: {  	v2 =	vld [tilespmem:s19+$0xFFFFFFF0];
	_ =	sdelay $0x4  }
0x7e: {  	v1 =	vmax.f32 v1, v2  }
0x7f: {  	[tilespmem:s20+$0x2890] =	vst v1;
	v1 =	vld [tilespmem:s20+$0x28A0]  }
0x80: {  	v2 =	vld [tilespmem:s19+$0x0];
	_ =	sdelay $0x4  }
0x81: {  	v1 =	vmax.f32 v1, v2  }
0x82: {  	[tilespmem:s20+$0x28A0] =	vst v1;
	v1 =	vld [tilespmem:s20+$0x28B0]  }
0x83: {  	v2 =	vld [tilespmem:s19+$0x10];
	_ =	sdelay $0x4  }
0x84: {  	v1 =	vmax.f32 v1, v2  }
0x85: {  	[tilespmem:s20+$0x28B0] =	vst v1;
	v1 =	vld [tilespmem:s20+$0x28C0]  }
0x86: {  	v2 =	vld [tilespmem:s19+$0x20];
	_ =	sdelay $0x4  }
0x87: {  	v1 =	vmax.f32 v1, v2  }
0x88: {  	[tilespmem:s20+$0x28C0] =	vst v1;
	v1 =	vld [tilespmem:s20+$0x28D0]  }
0x89: {  	v2 =	vld [tilespmem:s19+$0x30];
	_ =	sdelay $0x1  }
.Ltmp5:
0x8a: {  	_ = 	snop;
	(pc) =	sbr.rel .LBB2_8-.Ltmp5, $3  }
0x8b: {  	_ =	sdelay $0x1  }
0x8c: {  	v1 =	vmax.f32 v1, v2  }
0x8d: {  	[tilespmem:s20+$0x28D0] =	vst v1  }
.LBB2_9:
0x8e: {  	[spmem:s7] =	stream.linear.scatter [tilespmem:s13], [sflag:$0x1], $0x4000, $0x38;
	[tilespmem:$0xE860] =	vst v63  }
0x8f: {  	_ =	swait.ge [sflag:s11], $0x4000  }
0x90: {  	[sflag:s11] =	ssyncset.done $0x0  }
0x91: {  	[sflag:s11] =	ssyncadd.s32 $0xFFFFC000  }
0x92: {  	[bflag:$0x0] =	sbarrier.arrive $0xFFFF  }
0x93: {  	[tilespmem:s16], [sflag:$0x1] =	stream.strided.gather [spmem:s8], $0x4000, s15, s14, $0x38;
	[tilespmem:$0xE860] =	vst v63  }
0x94: {  	_ =	swait.ge [sflag:s11], $0x4000  }
0x95: {  	[sflag:s11] =	ssyncset.done $0x0  }
0x96: {  	s18 =	simm.s32 $0x0;
	[sflag:s11] =	ssyncadd.s32 $0xFFFFC000  }
0x97: {  	v1 =	vld [tilespmem:s18+$0x68D0]  }
0x98: {  	v2 =	vld [tilespmem:s18+$0x6CD0]  }
0x99: {  	v3 =	vld [tilespmem:s18+$0x70D0]  }
0x9a: {  	v4 =	vld [tilespmem:s18+$0x74D0]  }
0x9b: {  	v5 =	vld [tilespmem:s18+$0x78D0]  }
0x9c: {  	v6 =	vld [tilespmem:s18+$0x7CD0]  }
0x9d: {  	v7 =	vld [tilespmem:s18+$0x80D0]  }
0x9e: {  	v8 =	vld [tilespmem:s18+$0x6C90]  }
0x9f: {  	v9 =	vld [tilespmem:s18+$0x68A0]  }
0xa0: {  	v10 =	vld [tilespmem:s18+$0x6CA0]  }
0xa1: {  	v11 =	vld [tilespmem:s18+$0x68B0]  }
0xa2: {  	v12 =	vld [tilespmem:s18+$0x6CB0]  }
0xa3: {  	v13 =	vld [tilespmem:s18+$0x68C0]  }
0xa4: {  	v14 =	vld [tilespmem:s18+$0x6CC0]  }
0xa5: {  	v15 =	vld [tilespmem:s18+$0x7060]  }
0xa6: {  	v16 =	vld [tilespmem:s18+$0x7070]  }
0xa7: {  	v17 =	vld [tilespmem:s18+$0x7080]  }
0xa8: {  	v18 =	vld [tilespmem:s18+$0x7090]  }
0xa9: {  	v19 =	vld [tilespmem:s18+$0x70A0]  }
0xaa: {  	v20 =	vld [tilespmem:s18+$0x70B0]  }
0xab: {  	v21 =	vld [tilespmem:s18+$0x70C0]  }
0xac: {  	v22 =	vld [tilespmem:s18+$0x7460]  }
0xad: {  	v23 =	vld [tilespmem:s18+$0x7470]  }
0xae: {  	v24 =	vld [tilespmem:s18+$0x7480]  }
0xaf: {  	v25 =	vld [tilespmem:s18+$0x7490]  }
0xb0: {  	v26 =	vld [tilespmem:s18+$0x74A0]  }
0xb1: {  	v27 =	vld [tilespmem:s18+$0x74B0]  }
0xb2: {  	v28 =	vld [tilespmem:s18+$0x74C0]  }
0xb3: {  	v29 =	vld [tilespmem:s18+$0x7860]  }
0xb4: {  	v30 =	vld [tilespmem:s18+$0x7870]  }
0xb5: {  	v31 =	vld [tilespmem:s18+$0x7880]  }
0xb6: {  	v32 =	vld [tilespmem:s18+$0x7890]  }
0xb7: {  	v33 =	vld [tilespmem:s18+$0x78A0]  }
0xb8: {  	v34 =	vld [tilespmem:s18+$0x78B0]  }
0xb9: {  	v35 =	vld [tilespmem:s18+$0x78C0]  }
0xba: {  	v36 =	vld [tilespmem:s18+$0x7C60]  }
0xbb: {  	v37 =	vld [tilespmem:s18+$0x7C70]  }
0xbc: {  	v38 =	vld [tilespmem:s18+$0x7C80]  }
0xbd: {  	v39 =	vld [tilespmem:s18+$0x7C90]  }
0xbe: {  	v40 =	vld [tilespmem:s18+$0x7CA0]  }
0xbf: {  	v41 =	vld [tilespmem:s18+$0x7CB0]  }
0xc0: {  	v61 =	vld [tilespmem:s18+$0x88A0]  }
0xc1: {  	v42 =	vld [tilespmem:s18+$0x7CC0]  }
0xc2: {  	v43 =	vld [tilespmem:s18+$0x8060]  }
0xc3: {  	v44 =	vld [tilespmem:s18+$0x8070]  }
0xc4: {  	v45 =	vld [tilespmem:s18+$0x8080]  }
0xc5: {  	[tilespmem:$0x1FED0] =	vst v61;
	v61 =	vld [tilespmem:s18+$0x8C60]  }
0xc6: {  	v46 =	vld [tilespmem:s18+$0x8090]  }
0xc7: {  	v47 =	vld [tilespmem:s18+$0x80A0]  }
0xc8: {  	v48 =	vld [tilespmem:s18+$0x80B0]  }
0xc9: {  	v49 =	vld [tilespmem:s18+$0x80C0]  }
0xca: {  	[tilespmem:$0x1FEE0] =	vst v61;
	v61 =	vld [tilespmem:s18+$0x8C70]  }
0xcb: {  	v50 =	vld [tilespmem:s18+$0x8460]  }
0xcc: {  	v51 =	vld [tilespmem:s18+$0x8470]  }
0xcd: {  	v52 =	vld [tilespmem:s18+$0x8480]  }
0xce: {  	v53 =	vld [tilespmem:s18+$0x8490]  }
0xcf: {  	[tilespmem:$0x1FEF0] =	vst v61;
	v61 =	vld [tilespmem:s18+$0x8C80]  }
0xd0: {  	v54 =	vld [tilespmem:s18+$0x84A0]  }
0xd1: {  	v55 =	vld [tilespmem:s18+$0x84B0]  }
0xd2: {  	v56 =	vld [tilespmem:s18+$0x84C0]  }
0xd3: {  	v57 =	vld [tilespmem:s18+$0x8860]  }
0xd4: {  	[tilespmem:$0x1FF00] =	vst v61;
	v61 =	vld [tilespmem:s18+$0x8C90]  }
0xd5: {  	v58 =	vld [tilespmem:s18+$0x8870]  }
0xd6: {  	v59 =	vld [tilespmem:s18+$0x8880]  }
0xd7: {  	v60 =	vld [tilespmem:s18+$0x8890]  }
0xd8: {  	v62 =	vld [tilespmem:s18+$0x88B0]  }
0xd9: {  	[tilespmem:$0x1FF10] =	vst v61;
	v61 =	vld [tilespmem:s18+$0x8CA0]  }
0xda: {  	v63 =	vld [tilespmem:s18+$0x88C0]  }
0xdb: {  	v1 =	vmax.f32 v1, v2;
	v2 =	vld [tilespmem:s18+$0x84D0]  }
0xdc: {  	v1 =	vmax.f32 v1, v3;
	v3 =	vld [tilespmem:s18+$0x88D0]  }
0xdd: {  	v1 =	vmax.f32 v1, v4;
	v4 =	vld [tilespmem:s18+$0x8CD0]  }
0xde: {  	[tilespmem:$0x1FF20] =	vst v61;
	v61 =	vld [tilespmem:s18+$0x8CB0]  }
0xdf: {  	v1 =	vmax.f32 v1, v5;
	v5 =	vld [tilespmem:s18+$0x90D0]  }
0xe0: {  	v1 =	vmax.f32 v1, v6;
	v6 =	vld [tilespmem:s18+$0x94D0]  }
0xe1: {  	v1 =	vmax.f32 v1, v7;
	v7 =	vld [tilespmem:s18+$0x98D0]  }
0xe2: {  	v1 =	vmax.f32 v1, v2;
	v2 =	vld [tilespmem:s18+$0x9CD0]  }
0xe3: {  	[tilespmem:$0x1FF30] =	vst v61;
	v61 =	vld [tilespmem:s18+$0x8CC0]  }
0xe4: {  	v1 =	vmax.f32 v1, v3;
	v3 =	vld [tilespmem:s18+$0xA0D0]  }
0xe5: {  	v1 =	vmax.f32 v1, v4;
	v4 =	vld [tilespmem:s18+$0xA4D0]  }
0xe6: {  	v1 =	vmax.f32 v1, v5;
	v5 =	vld [tilespmem:s18+$0x6860]  }
0xe7: {  	v1 =	vmax.f32 v1, v6;
	v6 =	vld [tilespmem:s18+$0x6C60]  }
0xe8: {  	[tilespmem:$0x1FF40] =	vst v61;
	v61 =	vld [tilespmem:s18+$0x9060]  }
0xe9: {  	v1 =	vmax.f32 v1, v7;
	v7 =	vld [tilespmem:s18+$0x6870]  }
0xea: {  	v1 =	vmax.f32 v1, v2;
	v2 =	vld [tilespmem:s18+$0x6C70]  }
0xeb: {  	v1 =	vmax.f32 v1, v3;
	v3 =	vld [tilespmem:s18+$0x6880]  }
0xec: {  	v1 =	vmax.f32 v1, v4;
	v4 =	vld [tilespmem:s18+$0x6C80]  }
0xed: {  	[tilespmem:$0x1FF50] =	vst v61;
	v61 =	vld [tilespmem:s18+$0x9070]  }
0xee: {  	[tilespmem:s18+$0x28D0] =	vst v1;
	v1 =	vld [tilespmem:s18+$0x6890]  }
0xef: {  	v5 =	vmax.f32 v5, v6;
	v6 =	vld [tilespmem:s18+$0x94A0]  }
0xf0: {  	v5 =	vmax.f32 v5, v15;
	v15 =	vld [tilespmem:s18+$0x98A0]  }
0xf1: {  	v2 =	vmax.f32 v7, v2;
	v7 =	vld [tilespmem:s18+$0x94B0]  }
0xf2: {  	[tilespmem:$0x1FF60] =	vst v61;
	v61 =	vld [tilespmem:s18+$0x9080]  }
0xf3: {  	v5 =	vmax.f32 v5, v22;
	v22 =	vld [tilespmem:s18+$0x9CA0]  }
0xf4: {  	v2 =	vmax.f32 v2, v16;
	v16 =	vld [tilespmem:s18+$0x98B0]  }
0xf5: {  	v3 =	vmax.f32 v3, v4;
	v4 =	vmax.f32 v9, v10;
	v10 =	vld [tilespmem:s18+$0x94C0]  }
0xf6: {  	v9 =	vmax.f32 v13, v14;
	v13 =	vld [tilespmem:s18+$0x9880]  }
0xf7: {  	[tilespmem:$0x1FF70] =	vst v61;
	v61 =	vld [tilespmem:s18+$0x9090]  }
0xf8: {  	v14 =	vld [tilespmem:s18+$0x9890]  }
0xf9: {  	v5 =	vmax.f32 v5, v29;
	v2 =	vmax.f32 v2, v23;
	v23 =	vld [tilespmem:s18+$0x9CB0]  }
0xfa: {  	v5 =	vmax.f32 v5, v36;
	v36 =	vld [tilespmem:$0x1FED0]  }
0xfb: {  	v1 =	vmax.f32 v1, v8;
	v8 =	vmax.f32 v11, v12;
	v11 =	vld [tilespmem:s18+$0x9860]  }
0xfc: {  	[tilespmem:$0x1FF80] =	vst v61;
	v61 =	vld [tilespmem:s18+$0x90A0]  }
0xfd: {  	v12 =	vld [tilespmem:s18+$0x9870]  }
0xfe: {  	v3 =	vmax.f32 v3, v17;
	v17 =	vld [tilespmem:s18+$0x98C0]  }
0xff: {  	v4 =	vmax.f32 v4, v19;
	v19 =	vld [tilespmem:s18+$0x9C70]  }
0x100: {  	v9 =	vmax.f32 v9, v21;
	v21 =	vld [tilespmem:s18+$0x9C90]  }
0x101: {  	[tilespmem:$0x1FF90] =	vst v61;
	v61 =	vld [tilespmem:s18+$0x90B0]  }
0x102: {  	v1 =	vmax.f32 v1, v18;
	v18 =	vld [tilespmem:s18+$0x9C60]  }
0x103: {  	v8 =	vmax.f32 v8, v20;
	v20 =	vld [tilespmem:s18+$0x9C80]  }
0x104: {  	v2 =	vmax.f32 v2, v30;
	v3 =	vmax.f32 v3, v24;
	v24 =	vld [tilespmem:s18+$0x9CC0]  }
0x105: {  	v2 =	vmax.f32 v2, v37;
	v37 =	vld [tilespmem:s18+$0xA070]  }
0x106: {  	v5 =	vmax.f32 v5, v43;
	[tilespmem:$0x1FFA0] =	vst v61;
	v61 =	vld [tilespmem:s18+$0x90C0]  }
0x107: {  	v5 =	vmax.f32 v5, v50;
	v1 =	vmax.f32 v1, v25;
	v25 =	vld [tilespmem:s18+$0xA060]  }
0x108: {  	v4 =	vmax.f32 v4, v26;
	v3 =	vmax.f32 v3, v31;
	v5 =	vmax.f32 v5, v57;
	v57 =	vld [tilespmem:s18+$0xA0C0]  }
0x109: {  	v4 =	vmax.f32 v4, v33;
	v3 =	vmax.f32 v3, v38;
	v38 =	vld [tilespmem:$0x1FEE0]  }
0x10a: {  	v9 =	vmax.f32 v9, v28;
	v4 =	vmax.f32 v4, v40;
	v40 =	vld [tilespmem:$0x1FF00]  }
0x10b: {  	v9 =	vmax.f32 v9, v35;
	[tilespmem:$0x1FFB0] =	vst v61;
	v61 =	vld [tilespmem:s18+$0x9460]  }
0x10c: {  	v8 =	vmax.f32 v8, v27;
	v1 =	vmax.f32 v1, v32;
	v9 =	vmax.f32 v9, v42;
	v42 =	vld [tilespmem:$0x1FF10]  }
0x10d: {  	v8 =	vmax.f32 v8, v34;
	v1 =	vmax.f32 v1, v39;
	v39 =	vld [tilespmem:$0x1FEF0]  }
0x10e: {  	v8 =	vmax.f32 v8, v41;
	v41 =	vld [tilespmem:s18+$0xA080]  }
0x10f: {  	v43 =	vld [tilespmem:$0x1FF20]  }
0x110: {  	[tilespmem:$0x1FFC0] =	vst v61;
	v61 =	vld [tilespmem:s18+$0x9470]  }
0x111: {  	v2 =	vmax.f32 v2, v44;
	v44 =	vld [tilespmem:$0x1FF30]  }
0x112: {  	v1 =	vmax.f32 v1, v46;
	v46 =	vld [tilespmem:$0x1FF40]  }
0x113: {  	v4 =	vmax.f32 v4, v47;
	v47 =	vld [tilespmem:$0x1FF50]  }
0x114: {  	v8 =	vmax.f32 v8, v48;
	v48 =	vld [tilespmem:$0x1FF60]  }
0x115: {  	[tilespmem:$0x1FFD0] =	vst v61;
	v61 =	vld [tilespmem:s18+$0x9480]  }
0x116: {  	v50 =	vld [tilespmem:$0x1FF70]  }
0x117: {  	v2 =	vmax.f32 v2, v51;
	v3 =	vmax.f32 v3, v45;
	v51 =	vld [tilespmem:$0x1FF80]  }
0x118: {  	v9 =	vmax.f32 v9, v49;
	v2 =	vmax.f32 v2, v58;
	v3 =	vmax.f32 v3, v52;
	v52 =	vld [tilespmem:$0x1FF90]  }
0x119: {  	v4 =	vmax.f32 v4, v54;
	v9 =	vmax.f32 v9, v56;
	v1 =	vmax.f32 v1, v53;
	v54 =	vld [tilespmem:$0x1FFA0]  }
0x11a: {  	v8 =	vmax.f32 v8, v55;
	v3 =	vmax.f32 v3, v59;
	v4 =	vmax.f32 v4, v36;
	[tilespmem:$0x1FFE0] =	vst v61;
	v61 =	vld [tilespmem:s18+$0x9490]  }
0x11b: {  	v9 =	vmax.f32 v9, v63;
	v1 =	vmax.f32 v1, v60;
	v8 =	vmax.f32 v8, v62;
	v55 =	vld [tilespmem:$0x1FFB0]  }
0x11c: {  	v5 =	vmax.f32 v5, v38;
	v3 =	vmax.f32 v3, v40;
	v1 =	vmax.f32 v1, v42;
	v56 =	vld [tilespmem:$0x1FFC0]  }
0x11d: {  	v2 =	vmax.f32 v2, v39;
	v4 =	vmax.f32 v4, v43;
	v8 =	vmax.f32 v8, v44;
	v58 =	vld [tilespmem:$0x1FFD0]  }
0x11e: {  	v45 =	vld [tilespmem:s18+$0xA090];
	v9 =	vmax.f32 v9, v46;
	v5 =	vmax.f32 v5, v47;
	v4 =	vmax.f32 v4, v52  }
0x11f: {  	v2 =	vmax.f32 v2, v48;
	v3 =	vmax.f32 v3, v50;
	v4 =	vmax.f32 v4, v6;
	v59 =	vld [tilespmem:$0x1FFE0];
	[tilespmem:$0x1FFF0] =	vst v61  }
0x120: {  	v1 =	vmax.f32 v1, v51;
	v4 =	vmax.f32 v4, v15;
	v8 =	vmax.f32 v8, v54;
	v60 =	vld [tilespmem:$0x1FFF0]  }
0x121: {  	v49 =	vld [tilespmem:s18+$0xA0A0];
	v4 =	vmax.f32 v4, v22;
	v6 =	vmax.f32 v8, v7;
	v5 =	vmax.f32 v5, v56  }
0x122: {  	v9 =	vmax.f32 v9, v55;
	v5 =	vmax.f32 v5, v11;
	v2 =	vmax.f32 v2, v58;
	v61 =	vld [tilespmem:s18+$0xA460]  }
0x123: {  	v53 =	vld [tilespmem:s18+$0xA0B0];
	v7 =	vmax.f32 v9, v10;
	v8 =	vmax.f32 v2, v12;
	v2 =	vmax.f32 v5, v18  }
0x124: {  	v10 =	vld [tilespmem:s18+$0xA470];
	v5 =	vmax.f32 v6, v16;
	v6 =	vmax.f32 v7, v17;
	v7 =	vmax.f32 v2, v25  }
0x125: {  	v11 =	vld [tilespmem:s18+$0xA480];
	v8 =	vmax.f32 v8, v19;
	v3 =	vmax.f32 v3, v59;
	v1 =	vmax.f32 v1, v60  }
0x126: {  	v5 =	vmax.f32 v5, v23;
	v3 =	vmax.f32 v3, v13;
	v9 =	vmax.f32 v1, v14;
	v1 =	vld [tilespmem:s18+$0xA490]  }
0x127: {  	v2 =	vld [tilespmem:s18+$0xA4A0];
	v63 =	vmax.f32 v6, v24;
	v62 =	vmax.f32 v3, v20;
	v7 =	vmax.f32 v7, v61  }
0x128: {  	v3 =	vld [tilespmem:s18+$0xA4B0];
	v12 =	vmax.f32 v62, v41;
	[tilespmem:s18+$0x2860] =	vst v7;
	v7 =	vmax.f32 v8, v37;
	v8 =	vmax.f32 v4, v49  }
0x129: {  	s20 =	simm.s32 $0x80;
	v6 =	vld [tilespmem:s18+$0xA4C0];
	v10 =	vmax.f32 v7, v10;
	v7 =	vmax.f32 v5, v53;
	v9 =	vmax.f32 v9, v21  }
0x12a: {  	s19 =	simm.s32 $0x400;
	v4 =	vld [tilespmem:s20+$0x68D0];
	v5 =	vmax.f32 v63, v57;
	[tilespmem:s18+$0x2870] =	vst v10;
	v10 =	vmax.f32 v12, v11;
	v9 =	vmax.f32 v9, v45  }
.LBB2_10:
0x12b: {  	p0 =	sne.s32 s19, $0xE00;
	v11 =	vld [tilespmem:s20+$0x6CD0];
	[tilespmem:s18+$0x2880] =	vst v10;
	v1 =	vmax.f32 v9, v1  }
0x12c: {  	v9 =	vld [tilespmem:s20+$0x70D0];
	[tilespmem:s18+$0x2890] =	vst v1;
	v1 =	vmax.f32 v8, v2  }
0x12d: {  	v2 =	vld [tilespmem:s20+$0x74D0];
	[tilespmem:s18+$0x28A0] =	vst v1;
	v1 =	vmax.f32 v7, v3  }
0x12e: {  	v3 =	vld [tilespmem:s20+$0x78D0];
	[tilespmem:s18+$0x28B0] =	vst v1;
	v1 =	vmax.f32 v5, v6  }
0x12f: {  	v5 =	vld [tilespmem:s20+$0x7CD0];
	[tilespmem:s18+$0x28C0] =	vst v1;
	s18 =	smov.u32 s20  }
0x130: {  	v1 =	vmax.f32 v4, v11;
	v4 =	vld [tilespmem:s18+$0x80D0]  }
0x131: {  	v1 =	vmax.f32 v1, v9;
	v6 =	vld [tilespmem:s18+$0x84D0]  }
0x132: {  	v1 =	vmax.f32 v1, v2;
	v2 =	vld [tilespmem:s18+$0x88D0]  }
0x133: {  	v1 =	vmax.f32 v1, v3;
	v3 =	vld [tilespmem:s18+$0x8CD0]  }
0x134: {  	v1 =	vmax.f32 v1, v5;
	v5 =	vld [tilespmem:s18+$0x90D0]  }
0x135: {  	v1 =	vmax.f32 v1, v4;
	v4 =	vld [tilespmem:s18+$0x94D0]  }
0x136: {  	v1 =	vmax.f32 v1, v6;
	v6 =	vld [tilespmem:s18+$0x98D0]  }
0x137: {  	v1 =	vmax.f32 v1, v2;
	v2 =	vld [tilespmem:s18+$0x9CD0]  }
0x138: {  	v1 =	vmax.f32 v1, v3;
	v3 =	vld [tilespmem:s18+$0xA0D0]  }
0x139: {  	v1 =	vmax.f32 v1, v5;
	v5 =	vld [tilespmem:s18+$0xA4D0]  }
0x13a: {  	v7 =	vld [tilespmem:s18+$0x6860];
	v1 =	vmax.f32 v1, v4  }
0x13b: {  	v4 =	vld [tilespmem:s18+$0x6C60];
	v1 =	vmax.f32 v1, v6  }
0x13c: {  	v6 =	vld [tilespmem:s18+$0x6870];
	v1 =	vmax.f32 v1, v2  }
0x13d: {  	v2 =	vld [tilespmem:s18+$0x6C70];
	v1 =	vmax.f32 v1, v3  }
0x13e: {  	v3 =	vld [tilespmem:s18+$0x6880];
	v1 =	vmax.f32 v1, v5  }
0x13f: {  	v5 =	vld [tilespmem:s18+$0x6C80];
	[tilespmem:s18+$0x28D0] =	vst v1  }
0x140: {  	v1 =	vmax.f32 v7, v4;
	v4 =	vld [tilespmem:s18+$0x6890]  }
0x141: {  	v7 =	vld [tilespmem:s18+$0x6C90]  }
0x142: {  	v2 =	vmax.f32 v6, v2;
	v6 =	vld [tilespmem:s18+$0x68A0]  }
0x143: {  	v8 =	vld [tilespmem:s18+$0x6CA0]  }
0x144: {  	v3 =	vmax.f32 v3, v5;
	v5 =	vld [tilespmem:s18+$0x68B0]  }
0x145: {  	v9 =	vld [tilespmem:s18+$0x6CB0]  }
0x146: {  	v4 =	vmax.f32 v4, v7;
	v7 =	vld [tilespmem:s18+$0x68C0]  }
0x147: {  	v10 =	vld [tilespmem:s18+$0x6CC0]  }
0x148: {  	v11 =	vld [tilespmem:s18+$0x7060];
	v6 =	vmax.f32 v6, v8  }
0x149: {  	v8 =	vld [tilespmem:s18+$0x7070]  }
0x14a: {  	v12 =	vld [tilespmem:s18+$0x7080];
	v5 =	vmax.f32 v5, v9  }
0x14b: {  	v9 =	vld [tilespmem:s18+$0x7090]  }
0x14c: {  	v13 =	vld [tilespmem:s18+$0x70A0];
	v7 =	vmax.f32 v7, v10  }
0x14d: {  	v1 =	vmax.f32 v1, v11;
	v10 =	vld [tilespmem:s18+$0x70B0]  }
0x14e: {  	v2 =	vmax.f32 v2, v8;
	v8 =	vld [tilespmem:s18+$0x70C0]  }
0x14f: {  	v11 =	vld [tilespmem:s18+$0x7460];
	v3 =	vmax.f32 v3, v12  }
0x150: {  	v12 =	vld [tilespmem:s18+$0x7470];
	v4 =	vmax.f32 v4, v9  }
0x151: {  	v9 =	vld [tilespmem:s18+$0x7480];
	v6 =	vmax.f32 v6, v13  }
0x152: {  	v13 =	vld [tilespmem:s18+$0x7490];
	v5 =	vmax.f32 v5, v10  }
0x153: {  	v10 =	vld [tilespmem:s18+$0x74A0];
	v7 =	vmax.f32 v7, v8  }
0x154: {  	v1 =	vmax.f32 v1, v11;
	v8 =	vld [tilespmem:s18+$0x74B0]  }
0x155: {  	v2 =	vmax.f32 v2, v12;
	v11 =	vld [tilespmem:s18+$0x74C0]  }
0x156: {  	v12 =	vld [tilespmem:s18+$0x7860];
	v3 =	vmax.f32 v3, v9  }
0x157: {  	v9 =	vld [tilespmem:s18+$0x7870];
	v4 =	vmax.f32 v4, v13  }
0x158: {  	v13 =	vld [tilespmem:s18+$0x7880];
	v6 =	vmax.f32 v6, v10  }
0x159: {  	v10 =	vld [tilespmem:s18+$0x7890];
	v5 =	vmax.f32 v5, v8  }
0x15a: {  	v8 =	vld [tilespmem:s18+$0x78A0];
	v7 =	vmax.f32 v7, v11  }
0x15b: {  	v1 =	vmax.f32 v1, v12;
	v11 =	vld [tilespmem:s18+$0x78B0]  }
0x15c: {  	v2 =	vmax.f32 v2, v9;
	v9 =	vld [tilespmem:s18+$0x78C0]  }
0x15d: {  	v12 =	vld [tilespmem:s18+$0x7C60];
	v3 =	vmax.f32 v3, v13  }
0x15e: {  	v13 =	vld [tilespmem:s18+$0x7C70];
	v4 =	vmax.f32 v4, v10  }
0x15f: {  	v10 =	vld [tilespmem:s18+$0x7C80];
	v6 =	vmax.f32 v6, v8  }
0x160: {  	v8 =	vld [tilespmem:s18+$0x7C90];
	v5 =	vmax.f32 v5, v11  }
0x161: {  	v11 =	vld [tilespmem:s18+$0x7CA0];
	v7 =	vmax.f32 v7, v9  }
0x162: {  	v1 =	vmax.f32 v1, v12;
	v9 =	vld [tilespmem:s18+$0x7CB0]  }
0x163: {  	v2 =	vmax.f32 v2, v13;
	v12 =	vld [tilespmem:s18+$0x7CC0]  }
0x164: {  	v13 =	vld [tilespmem:s18+$0x8060];
	v3 =	vmax.f32 v3, v10  }
0x165: {  	v10 =	vld [tilespmem:s18+$0x8070];
	v4 =	vmax.f32 v4, v8  }
0x166: {  	v8 =	vld [tilespmem:s18+$0x8080];
	v6 =	vmax.f32 v6, v11  }
0x167: {  	v11 =	vld [tilespmem:s18+$0x8090];
	v5 =	vmax.f32 v5, v9  }
0x168: {  	v9 =	vld [tilespmem:s18+$0x80A0];
	v7 =	vmax.f32 v7, v12  }
0x169: {  	v1 =	vmax.f32 v1, v13;
	v12 =	vld [tilespmem:s18+$0x80B0]  }
0x16a: {  	v2 =	vmax.f32 v2, v10;
	v10 =	vld [tilespmem:s18+$0x80C0]  }
0x16b: {  	v13 =	vld [tilespmem:s18+$0x8460];
	v3 =	vmax.f32 v3, v8  }
0x16c: {  	v8 =	vld [tilespmem:s18+$0x8470];
	v4 =	vmax.f32 v4, v11  }
0x16d: {  	v11 =	vld [tilespmem:s18+$0x8480];
	v6 =	vmax.f32 v6, v9  }
0x16e: {  	v9 =	vld [tilespmem:s18+$0x8490];
	v5 =	vmax.f32 v5, v12  }
0x16f: {  	v12 =	vld [tilespmem:s18+$0x84A0];
	v7 =	vmax.f32 v7, v10  }
0x170: {  	v1 =	vmax.f32 v1, v13;
	v10 =	vld [tilespmem:s18+$0x84B0]  }
0x171: {  	v2 =	vmax.f32 v2, v8;
	v8 =	vld [tilespmem:s18+$0x84C0]  }
0x172: {  	v13 =	vld [tilespmem:s18+$0x8860];
	v3 =	vmax.f32 v3, v11  }
0x173: {  	v11 =	vld [tilespmem:s18+$0x8870];
	v4 =	vmax.f32 v4, v9  }
0x174: {  	v9 =	vld [tilespmem:s18+$0x8880];
	v6 =	vmax.f32 v6, v12  }
0x175: {  	v12 =	vld [tilespmem:s18+$0x8890];
	v5 =	vmax.f32 v5, v10  }
0x176: {  	v10 =	vld [tilespmem:s18+$0x88A0];
	v7 =	vmax.f32 v7, v8  }
0x177: {  	v1 =	vmax.f32 v1, v13;
	v8 =	vld [tilespmem:s18+$0x88B0]  }
0x178: {  	v2 =	vmax.f32 v2, v11;
	v11 =	vld [tilespmem:s18+$0x88C0]  }
0x179: {  	v13 =	vld [tilespmem:s18+$0x8C60];
	v3 =	vmax.f32 v3, v9  }
0x17a: {  	v9 =	vld [tilespmem:s18+$0x8C70];
	v4 =	vmax.f32 v4, v12  }
0x17b: {  	v12 =	vld [tilespmem:s18+$0x8C80];
	v6 =	vmax.f32 v6, v10  }
0x17c: {  	v10 =	vld [tilespmem:s18+$0x8C90];
	v5 =	vmax.f32 v5, v8  }
0x17d: {  	v8 =	vld [tilespmem:s18+$0x8CA0];
	v7 =	vmax.f32 v7, v11  }
0x17e: {  	v1 =	vmax.f32 v1, v13;
	v11 =	vld [tilespmem:s18+$0x8CB0]  }
0x17f: {  	v2 =	vmax.f32 v2, v9;
	v9 =	vld [tilespmem:s18+$0x8CC0]  }
0x180: {  	v13 =	vld [tilespmem:s18+$0x9060];
	v3 =	vmax.f32 v3, v12  }
0x181: {  	v12 =	vld [tilespmem:s18+$0x9070];
	v4 =	vmax.f32 v4, v10  }
0x182: {  	v10 =	vld [tilespmem:s18+$0x9080];
	v6 =	vmax.f32 v6, v8  }
0x183: {  	v8 =	vld [tilespmem:s18+$0x9090];
	v5 =	vmax.f32 v5, v11  }
0x184: {  	v11 =	vld [tilespmem:s18+$0x90A0];
	v7 =	vmax.f32 v7, v9  }
0x185: {  	v1 =	vmax.f32 v1, v13;
	v9 =	vld [tilespmem:s18+$0x90B0]  }
0x186: {  	v2 =	vmax.f32 v2, v12;
	v12 =	vld [tilespmem:s18+$0x90C0]  }
0x187: {  	v13 =	vld [tilespmem:s18+$0x9460];
	v3 =	vmax.f32 v3, v10  }
0x188: {  	v10 =	vld [tilespmem:s18+$0x9470];
	v4 =	vmax.f32 v4, v8  }
0x189: {  	v8 =	vld [tilespmem:s18+$0x9480];
	v6 =	vmax.f32 v6, v11  }
0x18a: {  	v11 =	vld [tilespmem:s18+$0x9490];
	v5 =	vmax.f32 v5, v9  }
0x18b: {  	v9 =	vld [tilespmem:s18+$0x94A0];
	v7 =	vmax.f32 v7, v12  }
0x18c: {  	v1 =	vmax.f32 v1, v13;
	v12 =	vld [tilespmem:s18+$0x94B0]  }
0x18d: {  	v2 =	vmax.f32 v2, v10;
	v10 =	vld [tilespmem:s18+$0x94C0]  }
0x18e: {  	v13 =	vld [tilespmem:s18+$0x9860];
	v3 =	vmax.f32 v3, v8  }
0x18f: {  	v8 =	vld [tilespmem:s18+$0x9870];
	v4 =	vmax.f32 v4, v11  }
0x190: {  	v11 =	vld [tilespmem:s18+$0x9880];
	v6 =	vmax.f32 v6, v9  }
0x191: {  	v9 =	vld [tilespmem:s18+$0x9890];
	v5 =	vmax.f32 v5, v12  }
0x192: {  	v12 =	vld [tilespmem:s18+$0x98A0];
	v7 =	vmax.f32 v7, v10  }
0x193: {  	v1 =	vmax.f32 v1, v13;
	v10 =	vld [tilespmem:s18+$0x98B0]  }
0x194: {  	v2 =	vmax.f32 v2, v8;
	v8 =	vld [tilespmem:s18+$0x98C0]  }
0x195: {  	v13 =	vld [tilespmem:s18+$0x9C60];
	v3 =	vmax.f32 v3, v11  }
0x196: {  	v11 =	vld [tilespmem:s18+$0x9C70];
	v4 =	vmax.f32 v4, v9  }
0x197: {  	v9 =	vld [tilespmem:s18+$0x9C80];
	v6 =	vmax.f32 v6, v12  }
0x198: {  	v12 =	vld [tilespmem:s18+$0x9C90];
	v5 =	vmax.f32 v5, v10  }
0x199: {  	v10 =	vld [tilespmem:s18+$0x9CA0];
	v7 =	vmax.f32 v7, v8  }
0x19a: {  	v1 =	vmax.f32 v1, v13;
	v8 =	vld [tilespmem:s18+$0x9CB0]  }
0x19b: {  	v2 =	vmax.f32 v2, v11;
	v11 =	vld [tilespmem:s18+$0x9CC0]  }
0x19c: {  	v13 =	vld [tilespmem:s18+$0xA060];
	v3 =	vmax.f32 v3, v9  }
0x19d: {  	v9 =	vld [tilespmem:s18+$0xA070];
	v4 =	vmax.f32 v4, v12  }
0x19e: {  	v12 =	vld [tilespmem:s18+$0xA080];
	v6 =	vmax.f32 v6, v10  }
0x19f: {  	v10 =	vld [tilespmem:s18+$0xA090];
	v5 =	vmax.f32 v5, v8  }
0x1a0: {  	v8 =	vld [tilespmem:s18+$0xA0A0];
	v11 =	vmax.f32 v7, v11  }
0x1a1: {  	v13 =	vmax.f32 v1, v13;
	v7 =	vld [tilespmem:s18+$0xA0B0]  }
0x1a2: {  	v14 =	vmax.f32 v2, v9;
	v15 =	vld [tilespmem:s18+$0xA0C0]  }
0x1a3: {  	v16 =	vld [tilespmem:s18+$0xA460];
	v12 =	vmax.f32 v3, v12  }
0x1a4: {  	v17 =	vld [tilespmem:s18+$0xA470];
	v9 =	vmax.f32 v4, v10  }
0x1a5: {  	v10 =	vld [tilespmem:s18+$0xA480];
	v8 =	vmax.f32 v6, v8  }
.Ltmp6:
0x1a6: {  	v1 =	vld [tilespmem:s18+$0xA490];
	v7 =	vmax.f32 v5, v7;
	(pc) =	sbr.rel @p0 .LBB2_10-.Ltmp6, $4  }
0x1a7: {  	v2 =	vld [tilespmem:s18+$0xA4A0];
	v5 =	vmax.f32 v11, v15  }
0x1a8: {  	v4 =	vmax.f32 v13, v16;
	v3 =	vld [tilespmem:s18+$0xA4B0]  }
0x1a9: {  	s20 =	sshra.s32 s19, $0x2;
	[tilespmem:s18+$0x2860] =	vst v4;
	v11 =	vmax.f32 v14, v17;
	v6 =	vld [tilespmem:s18+$0xA4C0]  }
0x1aa: {  	s19 =	sadd.s32 $0x200, s19;
	v4 =	vld [tilespmem:s20+$0x68D0];
	[tilespmem:s18+$0x2870] =	vst v11;
	v10 =	vmax.f32 v12, v10  }
0x1ab: {  	v11 =	vld [tilespmem:s20+$0x6CD0];
	[tilespmem:s18+$0x2880] =	vst v10;
	v1 =	vmax.f32 v9, v1  }
0x1ac: {  	v53 =	vld [tilespmem:s20+$0x70D0];
	[tilespmem:s18+$0x2890] =	vst v1;
	v1 =	vmax.f32 v8, v2  }
0x1ad: {  	v2 =	vld [tilespmem:s20+$0x74D0];
	[tilespmem:s18+$0x28A0] =	vst v1;
	v1 =	vmax.f32 v7, v3  }
0x1ae: {  	v3 =	vld [tilespmem:s20+$0x78D0];
	[tilespmem:s18+$0x28B0] =	vst v1;
	v1 =	vmax.f32 v5, v6  }
0x1af: {  	v54 =	vld [tilespmem:s20+$0x7CD0];
	[tilespmem:s18+$0x28C0] =	vst v1  }
0x1b0: {  	v1 =	vld [tilespmem:s20+$0x80D0]  }
0x1b1: {  	v55 =	vld [tilespmem:s20+$0x84D0]  }
0x1b2: {  	v56 =	vld [tilespmem:s20+$0x88D0]  }
0x1b3: {  	v57 =	vld [tilespmem:s20+$0x8CD0]  }
0x1b4: {  	v58 =	vld [tilespmem:s20+$0x94D0]  }
0x1b5: {  	v59 =	vld [tilespmem:s20+$0x9CD0]  }
0x1b6: {  	v60 =	vld [tilespmem:s20+$0xA0D0]  }
0x1b7: {  	v61 =	vld [tilespmem:s20+$0xA4D0]  }
0x1b8: {  	v5 =	vld [tilespmem:s20+$0x6C60]  }
0x1b9: {  	v6 =	vld [tilespmem:s20+$0x6C70]  }
0x1ba: {  	v7 =	vld [tilespmem:s20+$0x6880]  }
0x1bb: {  	v8 =	vld [tilespmem:s20+$0x6C90]  }
0x1bc: {  	v9 =	vld [tilespmem:s20+$0x68A0]  }
0x1bd: {  	v10 =	vld [tilespmem:s20+$0x6CA0]  }
0x1be: {  	v4 =	vmax.f32 v4, v11;
	v11 =	vld [tilespmem:s20+$0x68B0]  }
0x1bf: {  	v12 =	vld [tilespmem:s20+$0x6CB0]  }
0x1c0: {  	v13 =	vld [tilespmem:s20+$0x68C0]  }
0x1c1: {  	v14 =	vld [tilespmem:s20+$0x6CC0]  }
0x1c2: {  	v15 =	vld [tilespmem:s20+$0x7060]  }
0x1c3: {  	v16 =	vld [tilespmem:s20+$0x7070]  }
0x1c4: {  	v17 =	vld [tilespmem:s20+$0x7080]  }
0x1c5: {  	v62 =	vld [tilespmem:s20+$0x88B0]  }
0x1c6: {  	v18 =	vld [tilespmem:s20+$0x7090]  }
0x1c7: {  	v19 =	vld [tilespmem:s20+$0x70A0]  }
0x1c8: {  	v20 =	vld [tilespmem:s20+$0x70B0]  }
0x1c9: {  	v21 =	vld [tilespmem:s20+$0x70C0]  }
0x1ca: {  	[tilespmem:$0x1FD90] =	vst v62;
	v62 =	vld [tilespmem:s20+$0x8C60]  }
0x1cb: {  	v22 =	vld [tilespmem:s20+$0x7460]  }
0x1cc: {  	v23 =	vld [tilespmem:s20+$0x7470]  }
0x1cd: {  	v24 =	vld [tilespmem:s20+$0x7480]  }
0x1ce: {  	v25 =	vld [tilespmem:s20+$0x7490]  }
0x1cf: {  	[tilespmem:$0x1FDA0] =	vst v62;
	v62 =	vld [tilespmem:s20+$0x8C70]  }
0x1d0: {  	v26 =	vld [tilespmem:s20+$0x74A0]  }
0x1d1: {  	v27 =	vld [tilespmem:s20+$0x74B0]  }
0x1d2: {  	v28 =	vld [tilespmem:s20+$0x74C0]  }
0x1d3: {  	v29 =	vld [tilespmem:s20+$0x7860]  }
0x1d4: {  	[tilespmem:$0x1FDB0] =	vst v62;
	v62 =	vld [tilespmem:s20+$0x8C80]  }
0x1d5: {  	v30 =	vld [tilespmem:s20+$0x7870]  }
0x1d6: {  	v31 =	vld [tilespmem:s20+$0x7880]  }
0x1d7: {  	v32 =	vld [tilespmem:s20+$0x7890]  }
0x1d8: {  	v33 =	vld [tilespmem:s20+$0x78A0]  }
0x1d9: {  	[tilespmem:$0x1FDC0] =	vst v62;
	v62 =	vld [tilespmem:s20+$0x8C90]  }
0x1da: {  	v34 =	vld [tilespmem:s20+$0x78B0]  }
0x1db: {  	v35 =	vld [tilespmem:s20+$0x78C0]  }
0x1dc: {  	v36 =	vld [tilespmem:s20+$0x7C60]  }
0x1dd: {  	v37 =	vld [tilespmem:s20+$0x7C70]  }
0x1de: {  	[tilespmem:$0x1FDD0] =	vst v62;
	v62 =	vld [tilespmem:s20+$0x8CA0]  }
0x1df: {  	v38 =	vld [tilespmem:s20+$0x7C80]  }
0x1e0: {  	v39 =	vld [tilespmem:s20+$0x7C90]  }
0x1e1: {  	v40 =	vld [tilespmem:s20+$0x7CA0]  }
0x1e2: {  	v41 =	vld [tilespmem:s20+$0x7CB0]  }
0x1e3: {  	[tilespmem:$0x1FDE0] =	vst v62;
	v62 =	vld [tilespmem:s20+$0x8CB0]  }
0x1e4: {  	v42 =	vld [tilespmem:s20+$0x7CC0]  }
0x1e5: {  	v43 =	vld [tilespmem:s20+$0x8060]  }
0x1e6: {  	v44 =	vld [tilespmem:s20+$0x8070]  }
0x1e7: {  	v45 =	vld [tilespmem:s20+$0x8080]  }
0x1e8: {  	[tilespmem:$0x1FDF0] =	vst v62;
	v62 =	vld [tilespmem:s20+$0x8CC0]  }
0x1e9: {  	v46 =	vld [tilespmem:s20+$0x8090]  }
0x1ea: {  	v47 =	vld [tilespmem:s20+$0x80A0]  }
0x1eb: {  	v48 =	vld [tilespmem:s20+$0x80B0]  }
0x1ec: {  	v49 =	vld [tilespmem:s20+$0x80C0]  }
0x1ed: {  	[tilespmem:$0x1FE00] =	vst v62;
	v62 =	vld [tilespmem:s20+$0x9060]  }
0x1ee: {  	v50 =	vld [tilespmem:s20+$0x8460]  }
0x1ef: {  	v51 =	vld [tilespmem:s20+$0x8470]  }
0x1f0: {  	v52 =	vld [tilespmem:s20+$0x8480]  }
0x1f1: {  	v63 =	vld [tilespmem:s20+$0x88C0]  }
0x1f2: {  	[tilespmem:$0x1FE10] =	vst v62;
	v62 =	vld [tilespmem:s20+$0x9070]  }
0x1f3: {  	v4 =	vmax.f32 v4, v53;
	v53 =	vld [tilespmem:s20+$0x8490]  }
0x1f4: {  	v2 =	vmax.f32 v4, v2;
	v4 =	vld [tilespmem:s20+$0x6C80]  }
0x1f5: {  	v2 =	vmax.f32 v2, v3;
	v3 =	vld [tilespmem:s20+$0x90D0]  }
0x1f6: {  	v2 =	vmax.f32 v2, v54;
	v54 =	vld [tilespmem:s20+$0x84A0]  }
0x1f7: {  	[tilespmem:$0x1FE20] =	vst v62;
	v62 =	vld [tilespmem:s20+$0x9080]  }
0x1f8: {  	v1 =	vmax.f32 v2, v1;
	v2 =	vld [tilespmem:s20+$0x98D0]  }
0x1f9: {  	v12 =	vmax.f32 v11, v12;
	v11 =	vld [tilespmem:s20+$0x9870]  }
0x1fa: {  	v14 =	vmax.f32 v13, v14;
	v13 =	vld [tilespmem:s20+$0x9890]  }
0x1fb: {  	v1 =	vmax.f32 v1, v55;
	v55 =	vld [tilespmem:s20+$0x84B0]  }
0x1fc: {  	[tilespmem:$0x1FE30] =	vst v62;
	v62 =	vld [tilespmem:s20+$0x9090]  }
0x1fd: {  	v1 =	vmax.f32 v1, v56;
	v56 =	vld [tilespmem:s20+$0x84C0]  }
0x1fe: {  	v4 =	vmax.f32 v7, v4;
	v7 =	vmax.f32 v12, v20;
	v12 =	vld [tilespmem:s20+$0x9880]  }
0x1ff: {  	v20 =	vld [tilespmem:s20+$0x9C90]  }
0x200: {  	v1 =	vmax.f32 v1, v57;
	v57 =	vld [tilespmem:s20+$0x8860]  }
0x201: {  	[tilespmem:$0x1FE40] =	vst v62;
	v62 =	vld [tilespmem:s20+$0x90A0]  }
0x202: {  	v4 =	vmax.f32 v4, v17;
	v17 =	vld [tilespmem:s20+$0x9C60]  }
0x203: {  	v1 =	vmax.f32 v1, v3;
	v3 =	vld [tilespmem:s20+$0x6860]  }
0x204: {  	v4 =	vmax.f32 v4, v24;
	v24 =	vld [tilespmem:s20+$0xA060]  }
0x205: {  	v7 =	vmax.f32 v7, v27;
	v1 =	vmax.f32 v1, v58;
	v58 =	vld [tilespmem:s20+$0x8870]  }
0x206: {  	v7 =	vmax.f32 v7, v34;
	[tilespmem:$0x1FE50] =	vst v62;
	v62 =	vld [tilespmem:s20+$0x90B0]  }
0x207: {  	v7 =	vmax.f32 v7, v41;
	v1 =	vmax.f32 v1, v2;
	v2 =	vld [tilespmem:s20+$0x6870]  }
0x208: {  	v7 =	vmax.f32 v7, v48;
	v48 =	vld [tilespmem:s20+$0xA0C0]  }
0x209: {  	v4 =	vmax.f32 v4, v31;
	v1 =	vmax.f32 v1, v59;
	v59 =	vld [tilespmem:s20+$0x8880]  }
0x20a: {  	v4 =	vmax.f32 v4, v38;
	v1 =	vmax.f32 v1, v60;
	v60 =	vld [tilespmem:s20+$0x8890]  }
0x20b: {  	v4 =	vmax.f32 v4, v45;
	[tilespmem:$0x1FE60] =	vst v62;
	v62 =	vld [tilespmem:s20+$0x90C0]  }
0x20c: {  	v4 =	vmax.f32 v4, v52;
	v52 =	vld [tilespmem:s20+$0xA460]  }
0x20d: {  	v1 =	vmax.f32 v1, v61;
	v61 =	vld [tilespmem:s20+$0x88A0]  }
0x20e: {  	v3 =	vmax.f32 v3, v5;
	v5 =	vld [tilespmem:s20+$0x94B0]  }
0x20f: {  	[tilespmem:s20+$0x28D0] =	vst v1;
	v1 =	vld [tilespmem:s20+$0x6890]  }
0x210: {  	[tilespmem:$0x1FE70] =	vst v62;
	v62 =	vld [tilespmem:s20+$0x9460]  }
0x211: {  	v3 =	vmax.f32 v3, v15;
	v15 =	vld [tilespmem:s20+$0x98B0]  }
0x212: {  	v2 =	vmax.f32 v2, v6;
	v3 =	vmax.f32 v3, v22;
	v22 =	vld [tilespmem:s20+$0x9CB0]  }
0x213: {  	v2 =	vmax.f32 v2, v16;
	v16 =	vld [tilespmem:s20+$0x98C0]  }
0x214: {  	v4 =	vmax.f32 v4, v59;
	v59 =	vld [tilespmem:s20+$0xA490]  }
0x215: {  	[tilespmem:$0x1FE80] =	vst v62;
	v62 =	vld [tilespmem:s20+$0x9470]  }
0x216: {  	v3 =	vmax.f32 v3, v29;
	v2 =	vmax.f32 v2, v23;
	v23 =	vld [tilespmem:s20+$0x9CC0]  }
0x217: {  	v3 =	vmax.f32 v3, v36;
	v36 =	vld [tilespmem:s20+$0xA090]  }
0x218: {  	v1 =	vmax.f32 v1, v8;
	v8 =	vld [tilespmem:s20+$0x94C0]  }
0x219: {  	v1 =	vmax.f32 v1, v18;
	v18 =	vld [tilespmem:s20+$0x9C70]  }
0x21a: {  	[tilespmem:$0x1FE90] =	vst v62;
	v62 =	vld [tilespmem:s20+$0x9480]  }
0x21b: {  	v34 =	vld [tilespmem:$0x1FDC0]  }
0x21c: {  	v2 =	vmax.f32 v2, v30;
	v1 =	vmax.f32 v1, v25;
	v25 =	vld [tilespmem:s20+$0xA070]  }
0x21d: {  	v2 =	vmax.f32 v2, v37;
	v37 =	vld [tilespmem:$0x1FDE0]  }
0x21e: {  	v38 =	vld [tilespmem:$0x1FDF0]  }
0x21f: {  	v1 =	vmax.f32 v1, v32;
	[tilespmem:$0x1FEA0] =	vst v62;
	v62 =	vld [tilespmem:s20+$0x9490]  }
0x220: {  	v1 =	vmax.f32 v1, v39;
	v39 =	vld [tilespmem:$0x1FE00]  }
0x221: {  	v41 =	vld [tilespmem:$0x1FE10]  }
0x222: {  	v3 =	vmax.f32 v3, v43;
	v43 =	vld [tilespmem:$0x1FE30]  }
0x223: {  	v45 =	vld [tilespmem:$0x1FE40]  }
0x224: {  	[tilespmem:$0x1FEB0] =	vst v62;
	v62 =	vld [tilespmem:s20+$0x94A0]  }
0x225: {  	v1 =	vmax.f32 v1, v46;
	v46 =	vld [tilespmem:$0x1FE50]  }
0x226: {  	v3 =	vmax.f32 v3, v50;
	v2 =	vmax.f32 v2, v44;
	v50 =	vld [tilespmem:$0x1FE80]  }
0x227: {  	v2 =	vmax.f32 v2, v51;
	v51 =	vld [tilespmem:$0x1FE90]  }
0x228: {  	v1 =	vmax.f32 v1, v53;
	v53 =	vld [tilespmem:$0x1FEA0]  }
0x229: {  	[tilespmem:$0x1FEC0] =	vst v62;
	v62 =	vmax.f32 v9, v10;
	v10 =	vld [tilespmem:s20+$0x9860]  }
0x22a: {  	v9 =	vmax.f32 v14, v21;
	v14 =	vld [tilespmem:s20+$0x98A0]  }
0x22b: {  	v7 =	vmax.f32 v7, v55;
	v21 =	vld [tilespmem:s20+$0x9CA0]  }
0x22c: {  	v3 =	vmax.f32 v3, v57;
	v2 =	vmax.f32 v2, v58;
	v6 =	vmax.f32 v62, v19;
	v19 =	vld [tilespmem:s20+$0x9C80]  }
0x22d: {  	v4 =	vmax.f32 v4, v34;
	v9 =	vmax.f32 v9, v28;
	v62 =	vld [tilespmem:$0x1FDA0];
	v6 =	vmax.f32 v6, v26  }
0x22e: {  	v1 =	vmax.f32 v1, v60;
	v9 =	vmax.f32 v9, v35;
	v35 =	vld [tilespmem:$0x1FDD0];
	v6 =	vmax.f32 v6, v33  }
0x22f: {  	v4 =	vmax.f32 v4, v43;
	v9 =	vmax.f32 v9, v42;
	v33 =	vld [tilespmem:$0x1FDB0];
	v6 =	vmax.f32 v6, v40  }
0x230: {  	v4 =	vmax.f32 v4, v53;
	v42 =	vld [tilespmem:$0x1FE20];
	v9 =	vmax.f32 v9, v49;
	v6 =	vmax.f32 v6, v47  }
0x231: {  	v4 =	vmax.f32 v4, v12;
	v49 =	vld [tilespmem:$0x1FE70];
	v9 =	vmax.f32 v9, v56;
	v6 =	vmax.f32 v6, v54  }
0x232: {  	v55 =	vld [tilespmem:$0x1FEC0];
	v9 =	vmax.f32 v9, v63;
	v3 =	vmax.f32 v3, v62;
	v4 =	vmax.f32 v4, v19  }
0x233: {  	v54 =	vld [tilespmem:$0x1FEB0];
	v6 =	vmax.f32 v6, v61;
	v1 =	vmax.f32 v1, v35;
	v9 =	vmax.f32 v9, v39  }
0x234: {  	v61 =	vld [tilespmem:$0x1FD90];
	v3 =	vmax.f32 v3, v41;
	v2 =	vmax.f32 v2, v33;
	v6 =	vmax.f32 v6, v37  }
0x235: {  	v40 =	vld [tilespmem:s20+$0xA0A0];
	v1 =	vmax.f32 v1, v45;
	v3 =	vmax.f32 v3, v50;
	v2 =	vmax.f32 v2, v42  }
0x236: {  	v47 =	vld [tilespmem:$0x1FE60];
	v6 =	vmax.f32 v6, v46;
	v9 =	vmax.f32 v9, v49;
	v3 =	vmax.f32 v3, v10  }
0x237: {  	v63 =	vld [tilespmem:s20+$0xA080];
	v2 =	vmax.f32 v2, v51;
	v6 =	vmax.f32 v6, v55;
	v57 =	vmax.f32 v9, v8  }
0x238: {  	v56 =	vld [tilespmem:s20+$0xA470];
	v3 =	vmax.f32 v3, v17;
	v1 =	vmax.f32 v1, v54;
	v2 =	vmax.f32 v2, v11  }
0x239: {  	v58 =	vld [tilespmem:s20+$0xA480];
	v6 =	vmax.f32 v6, v14;
	v3 =	vmax.f32 v3, v24;
	v7 =	vmax.f32 v7, v61  }
0x23a: {  	v44 =	vld [tilespmem:s20+$0xA0B0];
	v1 =	vmax.f32 v1, v13;
	v2 =	vmax.f32 v2, v18;
	v3 =	vmax.f32 v3, v52  }
0x23b: {  	v60 =	vld [tilespmem:s20+$0xA4A0];
	v6 =	vmax.f32 v6, v21;
	v7 =	vmax.f32 v7, v38;
	v2 =	vmax.f32 v2, v25  }
0x23c: {  	v61 =	vld [tilespmem:s20+$0xA4B0];
	[tilespmem:s20+$0x2860] =	vst v3;
	v1 =	vmax.f32 v1, v20;
	v3 =	vmax.f32 v4, v63;
	v7 =	vmax.f32 v7, v47  }
0x23d: {  	v62 =	vld [tilespmem:s20+$0xA4C0];
	v63 =	vmax.f32 v6, v40;
	v2 =	vmax.f32 v2, v56;
	v5 =	vmax.f32 v7, v5  }
0x23e: {  	v1 =	vmax.f32 v1, v36;
	[tilespmem:s20+$0x2870] =	vst v2;
	v2 =	vmax.f32 v3, v58;
	v5 =	vmax.f32 v5, v15  }
0x23f: {  	v7 =	vmax.f32 v57, v16;
	v1 =	vmax.f32 v1, v59;
	[tilespmem:s20+$0x2880] =	vst v2;
	v3 =	vmax.f32 v5, v22  }
0x240: {  	v2 =	vmax.f32 v7, v23;
	[tilespmem:s20+$0x2890] =	vst v1;
	v1 =	vmax.f32 v63, v60;
	v3 =	vmax.f32 v3, v44  }
0x241: {  	s17 =	sadd.s32 $0x1, s17;
	v2 =	vmax.f32 v2, v48;
	[tilespmem:s20+$0x28A0] =	vst v1;
	v1 =	vmax.f32 v3, v61  }
0x242: {  	p0 =	sne.s32 s17, s10;
	[tilespmem:s20+$0x28B0] =	vst v1;
	v1 =	vmax.f32 v2, v62  }
.Ltmp7:
0x243: {  	[tilespmem:s20+$0x28C0] =	vst v1;
	(pc) =	sbr.rel @p0 .LBB2_1-.Ltmp7, $4  }
0x244: {  	[hbm4b:s9+s2] =	stream.linear.scatter [tilespmem:s13], [sflag:$0x1], $0x400, $0x38;
	[tilespmem:$0xE860] =	vst v63  }
0x245: {  	_ =	swait.ge [sflag:s11], $0x400  }
0x246: {  	[sflag:s11] =	ssyncset.done $0x0  }
0x247: {  	[sflag:s11] =	ssyncadd.s32 $0xFFFFFC00  }
0x248: {  	_ =	sfence.sel $0x180000  }
0x249: {  	[bflag:$0x0] =	sbarrier.arrive $0xFFFF  }
0x24a: {  	p0 =	sne.s32 s1, $0x0;
	_ =	strace $0x90000053  }
0x24b: {  	s0 =	sadd.s32 @!p0 $0x100000, s0;
	[bflag:$0x2] =	sbarrier.arrive $0xFFFF  }
0x24c: {  	[sflag:s0] =	ssyncadd.tile.s32 @!p0 $0x1;
	_ =	shalt  }
.Lfunc_end2:
_tile_overlayer_lowered:
.L_overlay_start_2:
0x24d: {  	(tag) =	ssettag $0x2  }
0x24e: {  	s0 =	rddreg [dreg:$0x0];
	s2 =	stileid.u32  }
0x24f: {  	s1 =	rddreg [dreg:$0x1];
	p0 =	sne.s32 s2, $0x0  }
0x250: {  	s3 =	rddreg [dreg:$0x2];
	[bflag:$0x3] =	sbarrier.arrive $0xFFFF;
	s2 =	simm.s32 @!p0 $0x1C01  }
0x251: {  	[timem:s3], [sflag:s2] =	dma.local @!p0 [hbm:s0], s1  }
0x252: {  	s0 =	simm.s32 @!p0 $0x1  }
0x253: {  	_ =	swait.ge @!p0 [sflag:s0], s1  }
0x254: {  	s1 =	ssub.s32 @!p0 $0x0, s1;
	[sflag:s0] =	ssyncset.done @!p0 $0x0  }
0x255: {  	[sflag:s0] =	ssyncadd.s32 @!p0 s1  }
0x256: {  	[bflag:$0x3] =	sbarrier.arrive $0xFFFF  }
0x257: {  	_ =	shalt  }

</sc_bundles>
